<compile_context>
chip_gen: v7x
topology: tpu7x:2x2x1
jax: 0.10.2.dev20260603
libtpu: 0.0.44.dev20260713+nightly
codegen_flags: <defaults>
</compile_context>

<pallas_src>
import functools

import jax
import jax.numpy as jnp
from jax import lax
from jax.experimental import pallas as pl
from jax.experimental.pallas import tpu as pltpu
from jax.experimental.pallas import tpu_sc as plsc

F32 = jnp.float32
I32 = jnp.int32

D0, H0, W0 = 41, 128, 128
DP, HP, WP = 43, 130, 130
NPAD0 = DP * HP * WP
NSITES = 20000
NS = 20480
ZPOOL = 8192
NG2 = 43 * 4 * 65 * 65

_NW = 32
_SPW = NS // _NW


@functools.lru_cache(maxsize=None)
def _sc_mesh():
    return plsc.VectorSubcoreMesh(core_axis_name="c", subcore_axis_name="s")


_CHS = 128


@functools.lru_cache(maxsize=None)
def _make_sc_gather(cw, name):

    def body(table, idx, out, idx_v, rows_v, sem):
        wid = lax.axis_index("s") * 2 + lax.axis_index("c")
        base = wid * _SPW

        def step(c, carry):
            s = (base + c * _CHS) * 27
            pltpu.sync_copy(idx.at[pl.ds(s, _CHS * 27)], idx_v)
            pltpu.async_copy(table.at[idx_v], rows_v, sem).wait()
            pltpu.sync_copy(rows_v, out.at[pl.ds(s, _CHS * 27)])
            return carry

        lax.fori_loop(0, _SPW // _CHS, step, 0)

    return pl.kernel(
        body,
        out_type=jax.ShapeDtypeStruct((NS * 27, cw), F32),
        mesh=_sc_mesh(),
        scratch_types=[
            pltpu.VMEM((_CHS * 27,), I32),
            pltpu.VMEM((_CHS * 27, cw), F32),
            pltpu.SemaphoreType.DMA,
        ],
        compiler_params=pltpu.CompilerParams(use_tc_tiling_on_sc=False),
        name=name,
    )


def _sc_scatter_body(rows_hbm, idx_hbm, grid_ref, idx_v, rows_v, sem):
    wid = lax.axis_index("s") * 2 + lax.axis_index("c")
    base = wid * _SPW
    pltpu.sync_copy(idx_hbm.at[pl.ds(base, _SPW)], idx_v)
    pltpu.sync_copy(rows_hbm.at[pl.ds(base, _SPW)], rows_v)
    pltpu.async_copy(rows_v, grid_ref.at[idx_v], sem).wait()


@functools.lru_cache(maxsize=None)
def _sc_scatter(cw):
    return pl.kernel(
        _sc_scatter_body,
        out_type=(),
        mesh=_sc_mesh(),
        scratch_types=[
            pltpu.VMEM((_SPW,), I32),
            pltpu.VMEM((_SPW, cw), F32),
            pltpu.SemaphoreType.DMA,
        ],
        compiler_params=pltpu.CompilerParams(use_tc_tiling_on_sc=False),
        name="sc_scatter%d" % cw,
    )


_DBG_JNP_GATHER = False
_DBG_JNP_SCATTER = False


def _gather27(table, idx27, cw, name):
    if _DBG_JNP_GATHER:
        return table[idx27.reshape(-1)].reshape(NS, 27 * cw)
    g = _make_sc_gather(cw, name)(table, idx27.reshape(NS * 27))
    return g.reshape(NS, 27 * cw)


def _scatter16(rows, idx, grid_rows):
    if _DBG_JNP_SCATTER:
        return jnp.zeros((grid_rows, 16), F32).at[idx].set(rows)
    gref = jax.new_ref(jnp.zeros((grid_rows, 16), F32))
    _sc_scatter(16)(rows, idx, gref)
    return gref[...]



_BS1 = 2048


def _tc_l0_body(g_ref, w_ref, b_ref, y_ref):
    acc = jnp.dot(g_ref[...], w_ref[...], preferred_element_type=F32,
                  precision=lax.Precision.HIGHEST)
    y_ref[...] = jnp.maximum(acc + b_ref[...], 0.0)


def _tc_l0(g0, w0aug, b0):
    nblk = NS // _BS1
    return pl.pallas_call(
        _tc_l0_body,
        grid=(nblk,),
        in_specs=[
            pl.BlockSpec((_BS1, 216), lambda j: (j, 0)),
            pl.BlockSpec((216, 16), lambda j: (0, 0)),
            pl.BlockSpec((1, 16), lambda j: (0, 0)),
        ],
        out_specs=pl.BlockSpec((_BS1, 16), lambda j: (j, 0)),
        out_shape=jax.ShapeDtypeStruct((NS, 16), F32),
        name="tc_stage1_l0",
    )(g0, w0aug, b0)


def _tc_l1_body(g_ref, w_ref, b_ref, y_ref):
    acc = jnp.dot(g_ref[...], w_ref[...], preferred_element_type=F32,
                  precision=lax.Precision.HIGHEST)
    y_ref[...] = jnp.maximum(acc + b_ref[...], 0.0)


def _tc_l1(g1, w1, b1):
    nblk = NS // _BS1
    return pl.pallas_call(
        _tc_l1_body,
        grid=(nblk,),
        in_specs=[
            pl.BlockSpec((_BS1, 432), lambda j: (j, 0)),
            pl.BlockSpec((432, 16), lambda j: (0, 0)),
            pl.BlockSpec((1, 16), lambda j: (0, 0)),
        ],
        out_specs=pl.BlockSpec((_BS1, 16), lambda j: (j, 0)),
        out_shape=jax.ShapeDtypeStruct((NS, 16), F32),
        name="tc_stage1_l1",
    )(g1, w1, b1)



def _make_down(Do, Ho, Wo, HQ, WQ, C, Co, name):
    HW = Ho * Wo
    CL = 4 * C + 4

    def body(x0, x1, x2, w_ref, b_ref, y_ref, nm_ref, col_ref):
        xs = (x0, x1, x2)
        msum = jnp.zeros((Ho, Wo, 1), F32)
        for dz in range(3):
            for dy in range(3):
                for dx in range(3):
                    k = (dz * 3 + dy) * 3 + dx
                    p = (dy & 1) * 2 + (dx & 1)
                    hs, ws = dy >> 1, dx >> 1
                    col_ref[:, :, k * C:(k + 1) * C] = (
                        xs[dz][0, hs:hs + Ho, ws:ws + Wo, p * C:(p + 1) * C])
                    msum = msum + xs[dz][0, hs:hs + Ho, ws:ws + Wo,
                                         4 * C + p:4 * C + p + 1]
        colr = col_ref[...].reshape(HW, 27 * C)
        nm = (msum > 0).astype(F32).reshape(HW, 1)
        ch = min(HW, 512)
        for i in range(HW // ch):
            lo, hi = i * ch, (i + 1) * ch
            acc = jnp.dot(colr[lo:hi], w_ref[...], preferred_element_type=F32,
                          precision=lax.Precision.HIGHEST)
            y_ref[0, lo:hi] = jnp.maximum(acc + b_ref[...], 0.0) * nm[lo:hi]
        nm_ref[0] = nm

    x_specs = [pl.BlockSpec((1, HQ, WQ, CL),
                            (lambda d, dz=dz: (2 * d + dz, 0, 0, 0)))
               for dz in range(3)]
    return pl.pallas_call(
        body,
        grid=(Do,),
        in_specs=x_specs + [
            pl.BlockSpec((27 * C, Co), lambda d: (0, 0)),
            pl.BlockSpec((1, Co), lambda d: (0, 0)),
        ],
        out_specs=[
            pl.BlockSpec((1, HW, Co), lambda d: (d, 0, 0)),
            pl.BlockSpec((1, HW, 1), lambda d: (d, 0, 0)),
        ],
        out_shape=[
            jax.ShapeDtypeStruct((Do, HW, Co), F32),
            jax.ShapeDtypeStruct((Do, HW, 1), F32),
        ],
        scratch_shapes=[pltpu.VMEM((Ho, Wo, 27 * C), F32)],
        compiler_params=pltpu.CompilerParams(
            vmem_limit_bytes=100 * 1024 * 1024),
        name=name,
    )


def _make_subm(Do, Ho, Wo, C, Co, name):
    HW = Ho * Wo

    def body(x0, x1, x2, m_ref, w_ref, b_ref, y_ref, col_ref):
        xs = (x0, x1, x2)
        for dz in range(3):
            for dy in range(3):
                for dx in range(3):
                    k = (dz * 3 + dy) * 3 + dx
                    col_ref[:, :, k * C:(k + 1) * C] = (
                        xs[dz][0, dy:dy + Ho, dx:dx + Wo, :])
        colr = col_ref[...].reshape(HW, 27 * C)
        ch = min(HW, 512)
        for i in range(HW // ch):
            lo, hi = i * ch, (i + 1) * ch
            acc = jnp.dot(colr[lo:hi], w_ref[...], preferred_element_type=F32,
                          precision=lax.Precision.HIGHEST)
            y_ref[0, lo:hi] = (jnp.maximum(acc + b_ref[...], 0.0)
                               * m_ref[0, lo:hi])

    x_specs = [pl.BlockSpec((1, Ho + 2, Wo + 2, C),
                            (lambda d, dz=dz: (d + dz, 0, 0, 0)))
               for dz in range(3)]
    return pl.pallas_call(
        body,
        grid=(Do,),
        in_specs=x_specs + [
            pl.BlockSpec((1, HW, 1), lambda d: (d, 0, 0)),
            pl.BlockSpec((27 * C, Co), lambda d: (0, 0)),
            pl.BlockSpec((1, Co), lambda d: (0, 0)),
        ],
        out_specs=pl.BlockSpec((1, HW, Co), lambda d: (d, 0, 0)),
        out_shape=jax.ShapeDtypeStruct((Do, HW, Co), F32),
        scratch_shapes=[pltpu.VMEM((Ho, Wo, 27 * C), F32)],
        compiler_params=pltpu.CompilerParams(
            vmem_limit_bytes=100 * 1024 * 1024),
        name=name,
    )


def _co_body(x0, x1, x2, m0, m1, m2, w_ref, b_ref, o_ref, col_ref):
    xs = (x0, x1, x2)
    ms = (m0, m1, m2)
    msum = jnp.zeros((256, 1), F32)
    for dz in range(3):
        col_ref[:, dz * 64:(dz + 1) * 64] = xs[dz][0]
        msum = msum + ms[dz][0]
    acc = jnp.dot(col_ref[...], w_ref[...], preferred_element_type=F32,
                  precision=lax.Precision.HIGHEST)
    nm = (msum > 0).astype(F32)
    o_ref[0] = jnp.maximum(acc + b_ref[...], 0.0) * nm


def _conv_out(x, m, w, b):
    x_specs = [pl.BlockSpec((1, 256, 64), (lambda d, dz=dz: (2 * d + dz, 0, 0)))
               for dz in range(3)]
    m_specs = [pl.BlockSpec((1, 256, 1), (lambda d, dz=dz: (2 * d + dz, 0, 0)))
               for dz in range(3)]
    return pl.pallas_call(
        _co_body,
        grid=(2,),
        in_specs=x_specs + m_specs + [
            pl.BlockSpec((192, 128), lambda d: (0, 0)),
            pl.BlockSpec((1, 128), lambda d: (0, 0)),
        ],
        out_specs=pl.BlockSpec((1, 256, 128), lambda d: (d, 0, 0)),
        out_shape=jax.ShapeDtypeStruct((2, 256, 128), F32),
        scratch_shapes=[pltpu.VMEM((256, 192), F32)],
        name="tc_conv_out",
    )(x, x, x, m, m, m, w, b)



def _fold_w(params, i):
    w = params['w%d' % i]
    scale = params['g%d' % i] / jnp.sqrt(1.0 + 1e-3)
    co, ci = w.shape[0], w.shape[1]
    wr = jnp.transpose(w, (2, 3, 4, 1, 0)).reshape(-1, co) * scale[None, :]
    return wr.astype(F32), params['b%d' % i].reshape(1, co).astype(F32)


def _parity(xp):
    d, h2, w2, c = xp.shape
    return (xp.reshape(d, h2 // 2, 2, w2 // 2, 2, c)
            .transpose(0, 1, 3, 2, 4, 5)
            .reshape(d, h2 // 2, w2 // 2, 4 * c))


def _pad3(x):
    return jnp.pad(x, ((1, 1), (1, 1), (1, 1), (0, 0)))



def kernel(voxel_features, voxel_coords, params):
    z = voxel_coords[:, 1] + 1
    y = voxel_coords[:, 2] + 1
    x = voxel_coords[:, 3] + 1

    ids = jnp.arange(NSITES, dtype=F32)[:, None]
    val8 = jnp.concatenate(
        [voxel_features.astype(F32), ids, jnp.zeros((NSITES, 3), F32)], axis=1)
    f0 = ((z * HP + y) * WP + x).astype(I32)
    order = jnp.argsort(f0, stable=True)
    f0s = f0[order]
    val8s = val8[order]
    keep = jnp.concatenate([f0s[:-1] != f0s[1:], jnp.ones((1,), bool)])
    idx_sc = jnp.where(keep, f0s, NPAD0)
    idx_scp = jnp.concatenate([idx_sc, jnp.full((NS - NSITES,), NPAD0, I32)])
    val8sp = jnp.concatenate([val8s, jnp.zeros((NS - NSITES, 8), F32)])
    zid = (NS + jnp.arange(NPAD0 + 8, dtype=I32) % ZPOOL).astype(F32)
    tref = jax.new_ref(jnp.zeros((NPAD0 + 8, 8), F32).at[:, 4].set(zid))
    _sc_scatter(8)(val8sp, idx_scp, tref)
    tab = tref[...]
    safe = jnp.full((NS - NSITES,), (1 * HP + 1) * WP + 1, I32)
    f0p = jnp.concatenate([f0, safe])
    offs = jnp.array([dz * HP * WP + dy * WP + dx
                      for dz in (-1, 0, 1) for dy in (-1, 0, 1)
                      for dx in (-1, 0, 1)], I32)
    idx27 = f0p[:, None] + offs[None, :]

    w0, b0 = _fold_w(params, 0)
    w0aug = jnp.zeros((27, 8, 16), F32).at[:, :4, :].set(
        w0.reshape(27, 4, 16)).reshape(216, 16)

    g0 = _gather27(tab, idx27, 8, "sc_gather_l0")
    y0 = _tc_l0(g0, w0aug, b0)
    nbr = lax.slice(g0, (0, 4), (NS, 216), (1, 8)).astype(I32)
    y0t = jnp.concatenate([y0, jnp.zeros((ZPOOL, 16), F32)], axis=0)

    w1, b1 = _fold_w(params, 1)
    g1 = _gather27(y0t, nbr, 16, "sc_gather_l1")
    y1 = _tc_l1(g1, w1, b1)

    p = (y & 1) * 2 + (x & 1)
    f2 = ((((z * 65 + (y >> 1)) * 65 + (x >> 1)) * 4) + p).astype(I32)
    f2p = jnp.concatenate([f2, jnp.full((NS - NSITES,), NG2, I32)])
    grid2 = _scatter16(y1, f2p, NG2 + 8)[:NG2].reshape(43, 65, 65, 64)

    md = (tab[:NPAD0, 4:5] < float(NS)).astype(F32).reshape(DP, HP, WP, 1)
    xm2 = jnp.concatenate([grid2, _parity(md)], axis=-1)

    w2, b2 = _fold_w(params, 2)
    y2, nm2 = _make_down(21, 64, 64, 65, 65, 16, 32, "tc_conv2")(
        xm2, xm2, xm2, w2, b2)

    w3, b3 = _fold_w(params, 3)
    x3 = _pad3(y2.reshape(21, 64, 64, 32))
    y3 = _make_subm(21, 64, 64, 32, 32, "tc_subm3")(x3, x3, x3, nm2, w3, b3)

    w4, b4 = _fold_w(params, 4)
    x4 = _pad3(y3.reshape(21, 64, 64, 32))
    y4 = _make_subm(21, 64, 64, 32, 32, "tc_subm4")(x4, x4, x4, nm2, w4, b4)

    w5, b5 = _fold_w(params, 5)
    xm3 = jnp.concatenate([_parity(_pad3(y4.reshape(21, 64, 64, 32))),
                           _parity(_pad3(nm2.reshape(21, 64, 64, 1)))],
                          axis=-1)
    y5, nm3 = _make_down(11, 32, 32, 33, 33, 32, 64, "tc_conv3")(
        xm3, xm3, xm3, w5, b5)

    w6, b6 = _fold_w(params, 6)
    x6 = _pad3(y5.reshape(11, 32, 32, 64))
    y6 = _make_subm(11, 32, 32, 64, 64, "tc_subm6")(x6, x6, x6, nm3, w6, b6)

    w7, b7 = _fold_w(params, 7)
    x7 = _pad3(y6.reshape(11, 32, 32, 64))
    y7 = _make_subm(11, 32, 32, 64, 64, "tc_subm7")(x7, x7, x7, nm3, w7, b7)

    w8, b8 = _fold_w(params, 8)
    padhw = ((0, 0), (1, 1), (1, 1), (0, 0))
    xm4 = jnp.concatenate(
        [_parity(jnp.pad(y7.reshape(11, 32, 32, 64), padhw)),
         _parity(jnp.pad(nm3.reshape(11, 32, 32, 1), padhw))],
        axis=-1)
    y8, nm4 = _make_down(5, 16, 16, 17, 17, 64, 64, "tc_conv4")(
        xm4, xm4, xm4, w8, b8)

    w9, b9 = _fold_w(params, 9)
    x9 = _pad3(y8.reshape(5, 16, 16, 64))
    y9 = _make_subm(5, 16, 16, 64, 64, "tc_subm9")(x9, x9, x9, nm4, w9, b9)

    w10, b10 = _fold_w(params, 10)
    x10 = _pad3(y9.reshape(5, 16, 16, 64))
    y10 = _make_subm(5, 16, 16, 64, 64, "tc_subm10")(x10, x10, x10, nm4,
                                                     w10, b10)

    w11, b11 = _fold_w(params, 11)
    out = _conv_out(y10, nm4, w11, b11)

    return out.reshape(2, 16, 16, 128).transpose(3, 0, 1, 2)[None]

# --- scband reference (transcript-rebuilt; emitter-appended) ---
"""Pipeline reference for scband-voxel-pruning-back-bone8x-73693048865258 (READ-ONLY COPY).

The authoritative reference and input builder live on the scoring server;
editing this copy changes nothing except your own understanding.
"""

import jax, jax.numpy as jnp
import numpy as np

SPARSE_SHAPE = (41, 128, 128)  # (D=z, H=y, W=x) = grid_size[::-1] + [1,0,0]
N_VOX = 20000
C_IN = 4
# (cin, cout, (kd,kh,kw)) for the 12 conv layers in order:
# conv_input, conv1, conv2(spconv,s2)+2subm, conv3(spconv,s2)+2subm, conv4(spconv,s2,pad(0,1,1))+2subm, conv_out
_SPECS = [(4,16,(3,3,3)),(16,16,(3,3,3)),(16,32,(3,3,3)),(32,32,(3,3,3)),(32,32,(3,3,3)),(32,64,(3,3,3)),(64,64,(3,3,3)),(64,64,(3,3,3)),(64,64,(3,3,3)),(64,64,(3,3,3)),(64,64,(3,3,3)),(64,128,(3,1,1))]


def conv3d(x, w, stride, padding):
    return jax.lax.conv_general_dilated(x, w, window_strides=stride, padding=padding,
                                        dimension_numbers=('NCDHW', 'OIDHW', 'NCDHW'))


def bn_relu(x, g, b, eps=1e-3):
    # BatchNorm1d(eps=1e-3) in eval mode with running_mean=0, running_var=1
    y = x * (g / jnp.sqrt(1.0 + eps)).reshape(1, -1, 1, 1, 1) + b.reshape(1, -1, 1, 1, 1)
    return jax.nn.relu(y)


def setup_inputs(seed: int = 0):
    key = jax.random.key(seed)
    ks = jax.random.split(key, 4 + len(_SPECS))
    voxel_features = jax.random.normal(ks[0], (N_VOX, C_IN), dtype=jnp.float32)
    D, H, W = SPARSE_SHAPE
    z = jax.random.randint(ks[1], (N_VOX,), 0, D)
    y = jax.random.randint(ks[2], (N_VOX,), 0, H)
    x = jax.random.randint(ks[3], (N_VOX,), 0, W)
    b = jnp.zeros((N_VOX,), dtype=jnp.int32)
    voxel_coords = jnp.stack([b, z, y, x], axis=1).astype(jnp.int32)
    params = {}
    for i, (ci, co, k) in enumerate(_SPECS):
        fan_in = ci * int(np.prod(k))
        params['w%d' % i] = jax.random.normal(ks[4 + i], (co, ci) + k, dtype=jnp.float32) * np.sqrt(2.0 / fan_in)
        params['g%d' % i] = jnp.ones((co,), dtype=jnp.float32)
        params['b%d' % i] = jnp.zeros((co,), dtype=jnp.float32)
    return {'voxel_features': voxel_features, 'voxel_coords': voxel_coords, 'params': params}


def _forward(voxel_features, params, voxel_coords):
    D, H, W = SPARSE_SHAPE
    bi, zi, yi, xi = voxel_coords[:, 0], voxel_coords[:, 1], voxel_coords[:, 2], voxel_coords[:, 3]
    dense = jnp.zeros((1, C_IN, D, H, W), jnp.float32).at[bi, :, zi, yi, xi].set(voxel_features)
    mask = jnp.zeros((1, 1, D, H, W), jnp.float32).at[bi, :, zi, yi, xi].set(1.0)
    mask = jax.lax.stop_gradient(mask)
    pad1 = ((1, 1), (1, 1), (1, 1))

    def subm(x, m, i):
        y = conv3d(x, params['w%d' % i], (1, 1, 1), pad1)
        return bn_relu(y, params['g%d' % i], params['b%d' % i]) * m

    def down(x, m, i, stride, pad):
        kd, kh, kw = params['w%d' % i].shape[2:]
        ones = jnp.ones((1, 1, kd, kh, kw), jnp.float32)
        nm = (conv3d(m, ones, stride, pad) > 0).astype(jnp.float32)
        nm = jax.lax.stop_gradient(nm)
        y = conv3d(x, params['w%d' % i], stride, pad)
        return bn_relu(y, params['g%d' % i], params['b%d' % i]) * nm, nm

    x = subm(dense, mask, 0)                                     # conv_input (subm)
    x = subm(x, mask, 1)                                         # conv1 block (subm)
    x, m2 = down(x, mask, 2, (2, 2, 2), pad1)                    # conv2 spconv s2
    x = subm(x, m2, 3)
    x = subm(x, m2, 4)
    x, m3 = down(x, m2, 5, (2, 2, 2), pad1)                      # conv3 spconv s2
    x = subm(x, m3, 6)
    x = subm(x, m3, 7)
    x, m4 = down(x, m3, 8, (2, 2, 2), ((0, 0), (1, 1), (1, 1)))  # conv4 spconv s2, pad (0,1,1)
    x = subm(x, m4, 9)
    x = subm(x, m4, 10)
    x, m5 = down(x, m4, 11, (2, 1, 1), ((0, 0), (0, 0), (0, 0)))  # conv_out (3,1,1) s(2,1,1)
    return x


def reference(voxel_features, voxel_coords, params):
    return _forward(voxel_features, params, voxel_coords)

if __name__ == "__main__":
    import jax
    _d = setup_inputs()
    print(jax.jit(kernel)(*tuple(_d.values())))

</pallas_src>

<mosaic_0001>
#map = affine_map<(d0, d1) -> (0, 0)>
#map1 = affine_map<(d0, d1) -> (0)>
module attributes {stable_mosaic.version = 14 : i64} {
  func.func @sc_gather_l0(%arg0: i32, %arg1: i32, %arg2: memref<726708x8xf32, #tpu.memory_space<hbm>>, %arg3: memref<552960xi32, #tpu.memory_space<hbm>>, %arg4: memref<552960x8xf32, #tpu.memory_space<hbm>>, %arg5: memref<3456xi32, #tpu.memory_space<vmem>>, %arg6: memref<3456x8xf32, #tpu.memory_space<vmem>>, %arg7: memref<!tpu.dma_semaphore, #tpu.memory_space<semaphore_mem>>) attributes {dimension_semantics = [#tpu.dimension_semantics<core_parallel>, #tpu.dimension_semantics<subcore_parallel>], iteration_bounds = array<i64: 2, 16>, scalar_prefetch = 0 : i64, scratch_operands = 3 : i64, tpu.core_type = #tpu.core_type<sc_vector_subcore>, window_params = [{transform_indices = #map}, {transform_indices = #map1}, {transform_indices = #map}]} {
    %mul3A = arith.constant 2 : i32
    %mul3A_0 = arith.muli %arg1, %mul3A : i32
    %add3A = arith.addi %mul3A_0, %arg0 : i32
    %mul3A_1 = arith.constant 640 : i32
    %mul3A_2 = arith.muli %add3A, %mul3A_1 : i32
    %scan3A = arith.constant 0 : i32
    %scan3A_3 = arith.constant 0 : i32
    %scan3A_4 = arith.constant 5 : i32
    %scan3A_5 = arith.addi %scan3A_3, %scan3A_4 : i32
    %scan3A_6 = arith.constant 1 : i32
    scf.for %scan3A_8 = %scan3A_3 to %scan3A_5 step %scan3A_6  : i32 {
      %mul3A_9 = arith.constant 128 : i32
      %mul3A_10 = arith.muli %scan3A_8, %mul3A_9 : i32
      %add3A_11 = arith.addi %mul3A_2, %mul3A_10 : i32
      %mul3A_12 = arith.constant 27 : i32
      %mul3A_13 = arith.muli %add3A_11, %mul3A_12 : i32
      "tpu.region"() ({
        %run_scoped3A = tpu.sem_alloc : memref<!tpu.dma_semaphore, #tpu.memory_space<semaphore_mem>>
        %dma_start3A_18 = tpu.memref_slice %arg3[%mul3A_13] : memref<552960xi32, #tpu.memory_space<hbm>> -> memref<3456xi32, #tpu.memory_space<hbm>>
        %dma_start3A_19 = tpu.memref_slice %arg3[%mul3A_13] : memref<552960xi32, #tpu.memory_space<hbm>> -> memref<3456xi32, #tpu.memory_space<hbm>>
        tpu.enqueue_dma source(%dma_start3A_19 : memref<3456xi32, #tpu.memory_space<hbm>>) target(%arg5 : memref<3456xi32, #tpu.memory_space<vmem>>) target_semaphore(%run_scoped3A : memref<!tpu.dma_semaphore, #tpu.memory_space<semaphore_mem>>)
        %dma_wait3A_20 = tpu.memref_slice %arg3[%mul3A_13] : memref<552960xi32, #tpu.memory_space<hbm>> -> memref<3456xi32, #tpu.memory_space<hbm>>
        %dma_wait3A_21 = tpu.memref_slice %arg3[%mul3A_13] : memref<552960xi32, #tpu.memory_space<hbm>> -> memref<3456xi32, #tpu.memory_space<hbm>>
        tpu.wait_dma2 semaphore(%run_scoped3A : memref<!tpu.dma_semaphore, #tpu.memory_space<semaphore_mem>>) src(%dma_wait3A_21 : memref<3456xi32, #tpu.memory_space<hbm>>) dst(%arg5 : memref<3456xi32, #tpu.memory_space<vmem>>)
        tpu.yield
      }) : () -> ()
      %dma_start3A = arith.constant 0 : i32
      %dma_start3A_14 = arith.constant 0 : i32
      %dma_start3A_15 = tpu.memref_slice %arg2[%dma_start3A, %dma_start3A_14] : memref<726708x8xf32, #tpu.memory_space<hbm>> -> memref<726708x8xf32, #tpu.memory_space<hbm>>
      tpu.enqueue_indirect_dma source(%dma_start3A_15 : memref<726708x8xf32, #tpu.memory_space<hbm>>) target(%arg6 : memref<3456x8xf32, #tpu.memory_space<vmem>>) offsets(%arg5 : memref<3456xi32, #tpu.memory_space<vmem>>) semaphore(%arg7 : memref<!tpu.dma_semaphore, #tpu.memory_space<semaphore_mem>>)
      %dma_wait3A = arith.constant 0 : i32
      %dma_wait3A_16 = arith.constant 0 : i32
      %dma_wait3A_17 = tpu.memref_slice %arg2[%dma_wait3A, %dma_wait3A_16] : memref<726708x8xf32, #tpu.memory_space<hbm>> -> memref<726708x8xf32, #tpu.memory_space<hbm>>
      tpu.wait_indirect_dma semaphore(%arg7 : memref<!tpu.dma_semaphore, #tpu.memory_space<semaphore_mem>>) src(%dma_wait3A_17 : memref<726708x8xf32, #tpu.memory_space<hbm>>) dst(%arg6 : memref<3456x8xf32, #tpu.memory_space<vmem>>)
      "tpu.region"() ({
        %run_scoped3A = tpu.sem_alloc : memref<!tpu.dma_semaphore, #tpu.memory_space<semaphore_mem>>
        %dma_start3A_18 = arith.constant 0 : i32
        %dma_start3A_19 = tpu.memref_slice %arg4[%mul3A_13, %dma_start3A_18] : memref<552960x8xf32, #tpu.memory_space<hbm>> -> memref<3456x8xf32, #tpu.memory_space<hbm>>
        %dma_start3A_20 = arith.constant 0 : i32
        %dma_start3A_21 = tpu.memref_slice %arg4[%mul3A_13, %dma_start3A_20] : memref<552960x8xf32, #tpu.memory_space<hbm>> -> memref<3456x8xf32, #tpu.memory_space<hbm>>
        tpu.enqueue_dma source(%arg6 : memref<3456x8xf32, #tpu.memory_space<vmem>>) target(%dma_start3A_21 : memref<3456x8xf32, #tpu.memory_space<hbm>>) target_semaphore(%run_scoped3A : memref<!tpu.dma_semaphore, #tpu.memory_space<semaphore_mem>>)
        %dma_wait3A_22 = arith.constant 0 : i32
        %dma_wait3A_23 = tpu.memref_slice %arg4[%mul3A_13, %dma_wait3A_22] : memref<552960x8xf32, #tpu.memory_space<hbm>> -> memref<3456x8xf32, #tpu.memory_space<hbm>>
        %dma_wait3A_24 = arith.constant 0 : i32
        %dma_wait3A_25 = tpu.memref_slice %arg4[%mul3A_13, %dma_wait3A_24] : memref<552960x8xf32, #tpu.memory_space<hbm>> -> memref<3456x8xf32, #tpu.memory_space<hbm>>
        tpu.wait_dma2 semaphore(%run_scoped3A : memref<!tpu.dma_semaphore, #tpu.memory_space<semaphore_mem>>) src(%arg6 : memref<3456x8xf32, #tpu.memory_space<vmem>>) dst(%dma_wait3A_25 : memref<3456x8xf32, #tpu.memory_space<hbm>>)
        tpu.yield
      }) : () -> ()
    }
    %scan3A_7 = arith.constant 5 : i32
    return
  }
}

#map = affine_map<(d0, d1) -> (0, 0)>
#map1 = affine_map<(d0, d1) -> (0)>
module attributes {stable_mosaic.version = 14 : i64} {
  func.func @new_body(%arg0: i32, %arg1: i32, %arg2: memref<20480x8xf32, #tpu.memory_space<hbm>>, %arg3: memref<20480xi32, #tpu.memory_space<hbm>>, %arg4: memref<726708x8xf32, #tpu.memory_space<hbm>>, %arg5: memref<726708x8xf32, #tpu.memory_space<hbm>>, %arg6: memref<640xi32, #tpu.memory_space<vmem>>, %arg7: memref<640x8xf32, #tpu.memory_space<vmem>>, %arg8: memref<!tpu.dma_semaphore, #tpu.memory_space<semaphore_mem>>) attributes {dimension_semantics = [#tpu.dimension_semantics<core_parallel>, #tpu.dimension_semantics<subcore_parallel>], iteration_bounds = array<i64: 2, 16>, scalar_prefetch = 0 : i64, scratch_operands = 3 : i64, tpu.core_type = #tpu.core_type<sc_vector_subcore>, window_params = [{transform_indices = #map}, {transform_indices = #map1}, {transform_indices = #map}, {transform_indices = #map}]} {
    %mul3A = arith.constant 2 : i32
    %mul3A_0 = arith.muli %arg1, %mul3A : i32
    %add3A = arith.addi %mul3A_0, %arg0 : i32
    %mul3A_1 = arith.constant 640 : i32
    %mul3A_2 = arith.muli %add3A, %mul3A_1 : i32
    "tpu.region"() ({
      %run_scoped3A = tpu.sem_alloc : memref<!tpu.dma_semaphore, #tpu.memory_space<semaphore_mem>>
      %dma_start3A_7 = tpu.memref_slice %arg3[%mul3A_2] : memref<20480xi32, #tpu.memory_space<hbm>> -> memref<640xi32, #tpu.memory_space<hbm>>
      %dma_start3A_8 = tpu.memref_slice %arg3[%mul3A_2] : memref<20480xi32, #tpu.memory_space<hbm>> -> memref<640xi32, #tpu.memory_space<hbm>>
      tpu.enqueue_dma source(%dma_start3A_8 : memref<640xi32, #tpu.memory_space<hbm>>) target(%arg6 : memref<640xi32, #tpu.memory_space<vmem>>) target_semaphore(%run_scoped3A : memref<!tpu.dma_semaphore, #tpu.memory_space<semaphore_mem>>)
      %dma_wait3A_9 = tpu.memref_slice %arg3[%mul3A_2] : memref<20480xi32, #tpu.memory_space<hbm>> -> memref<640xi32, #tpu.memory_space<hbm>>
      %dma_wait3A_10 = tpu.memref_slice %arg3[%mul3A_2] : memref<20480xi32, #tpu.memory_space<hbm>> -> memref<640xi32, #tpu.memory_space<hbm>>
      tpu.wait_dma2 semaphore(%run_scoped3A : memref<!tpu.dma_semaphore, #tpu.memory_space<semaphore_mem>>) src(%dma_wait3A_10 : memref<640xi32, #tpu.memory_space<hbm>>) dst(%arg6 : memref<640xi32, #tpu.memory_space<vmem>>)
      tpu.yield
    }) : () -> ()
    "tpu.region"() ({
      %run_scoped3A = tpu.sem_alloc : memref<!tpu.dma_semaphore, #tpu.memory_space<semaphore_mem>>
      %dma_start3A_7 = arith.constant 0 : i32
      %dma_start3A_8 = tpu.memref_slice %arg2[%mul3A_2, %dma_start3A_7] : memref<20480x8xf32, #tpu.memory_space<hbm>> -> memref<640x8xf32, #tpu.memory_space<hbm>>
      %dma_start3A_9 = arith.constant 0 : i32
      %dma_start3A_10 = tpu.memref_slice %arg2[%mul3A_2, %dma_start3A_9] : memref<20480x8xf32, #tpu.memory_space<hbm>> -> memref<640x8xf32, #tpu.memory_space<hbm>>
      tpu.enqueue_dma source(%dma_start3A_10 : memref<640x8xf32, #tpu.memory_space<hbm>>) target(%arg7 : memref<640x8xf32, #tpu.memory_space<vmem>>) target_semaphore(%run_scoped3A : memref<!tpu.dma_semaphore, #tpu.memory_space<semaphore_mem>>)
      %dma_wait3A_11 = arith.constant 0 : i32
      %dma_wait3A_12 = tpu.memref_slice %arg2[%mul3A_2, %dma_wait3A_11] : memref<20480x8xf32, #tpu.memory_space<hbm>> -> memref<640x8xf32, #tpu.memory_space<hbm>>
      %dma_wait3A_13 = arith.constant 0 : i32
      %dma_wait3A_14 = tpu.memref_slice %arg2[%mul3A_2, %dma_wait3A_13] : memref<20480x8xf32, #tpu.memory_space<hbm>> -> memref<640x8xf32, #tpu.memory_space<hbm>>
      tpu.wait_dma2 semaphore(%run_scoped3A : memref<!tpu.dma_semaphore, #tpu.memory_space<semaphore_mem>>) src(%dma_wait3A_14 : memref<640x8xf32, #tpu.memory_space<hbm>>) dst(%arg7 : memref<640x8xf32, #tpu.memory_space<vmem>>)
      tpu.yield
    }) : () -> ()
    %dma_start3A = arith.constant 0 : i32
    %dma_start3A_3 = arith.constant 0 : i32
    %dma_start3A_4 = tpu.memref_slice %arg4[%dma_start3A, %dma_start3A_3] : memref<726708x8xf32, #tpu.memory_space<hbm>> -> memref<726708x8xf32, #tpu.memory_space<hbm>>
    tpu.enqueue_indirect_dma source(%arg7 : memref<640x8xf32, #tpu.memory_space<vmem>>) target(%dma_start3A_4 : memref<726708x8xf32, #tpu.memory_space<hbm>>) offsets(%arg6 : memref<640xi32, #tpu.memory_space<vmem>>) semaphore(%arg8 : memref<!tpu.dma_semaphore, #tpu.memory_space<semaphore_mem>>)
    %dma_wait3A = arith.constant 0 : i32
    %dma_wait3A_5 = arith.constant 0 : i32
    %dma_wait3A_6 = tpu.memref_slice %arg4[%dma_wait3A, %dma_wait3A_5] : memref<726708x8xf32, #tpu.memory_space<hbm>> -> memref<726708x8xf32, #tpu.memory_space<hbm>>
    tpu.wait_indirect_dma semaphore(%arg8 : memref<!tpu.dma_semaphore, #tpu.memory_space<semaphore_mem>>) src(%arg7 : memref<640x8xf32, #tpu.memory_space<vmem>>) dst(%dma_wait3A_6 : memref<726708x8xf32, #tpu.memory_space<hbm>>)
    return
  }
}

#map = affine_map<(d0, d1) -> (0, 0)>
#map1 = affine_map<(d0, d1) -> (0)>
module attributes {stable_mosaic.version = 14 : i64} {
  func.func @sc_gather_l1(%arg0: i32, %arg1: i32, %arg2: memref<28672x16xf32, #tpu.memory_space<hbm>>, %arg3: memref<552960xi32, #tpu.memory_space<hbm>>, %arg4: memref<552960x16xf32, #tpu.memory_space<hbm>>, %arg5: memref<3456xi32, #tpu.memory_space<vmem>>, %arg6: memref<3456x16xf32, #tpu.memory_space<vmem>>, %arg7: memref<!tpu.dma_semaphore, #tpu.memory_space<semaphore_mem>>) attributes {dimension_semantics = [#tpu.dimension_semantics<core_parallel>, #tpu.dimension_semantics<subcore_parallel>], iteration_bounds = array<i64: 2, 16>, scalar_prefetch = 0 : i64, scratch_operands = 3 : i64, tpu.core_type = #tpu.core_type<sc_vector_subcore>, window_params = [{transform_indices = #map}, {transform_indices = #map1}, {transform_indices = #map}]} {
    %mul3A = arith.constant 2 : i32
    %mul3A_0 = arith.muli %arg1, %mul3A : i32
    %add3A = arith.addi %mul3A_0, %arg0 : i32
    %mul3A_1 = arith.constant 640 : i32
    %mul3A_2 = arith.muli %add3A, %mul3A_1 : i32
    %scan3A = arith.constant 0 : i32
    %scan3A_3 = arith.constant 0 : i32
    %scan3A_4 = arith.constant 5 : i32
    %scan3A_5 = arith.addi %scan3A_3, %scan3A_4 : i32
    %scan3A_6 = arith.constant 1 : i32
    scf.for %scan3A_8 = %scan3A_3 to %scan3A_5 step %scan3A_6  : i32 {
      %mul3A_9 = arith.constant 128 : i32
      %mul3A_10 = arith.muli %scan3A_8, %mul3A_9 : i32
      %add3A_11 = arith.addi %mul3A_2, %mul3A_10 : i32
      %mul3A_12 = arith.constant 27 : i32
      %mul3A_13 = arith.muli %add3A_11, %mul3A_12 : i32
      "tpu.region"() ({
        %run_scoped3A = tpu.sem_alloc : memref<!tpu.dma_semaphore, #tpu.memory_space<semaphore_mem>>
        %dma_start3A_18 = tpu.memref_slice %arg3[%mul3A_13] : memref<552960xi32, #tpu.memory_space<hbm>> -> memref<3456xi32, #tpu.memory_space<hbm>>
        %dma_start3A_19 = tpu.memref_slice %arg3[%mul3A_13] : memref<552960xi32, #tpu.memory_space<hbm>> -> memref<3456xi32, #tpu.memory_space<hbm>>
        tpu.enqueue_dma source(%dma_start3A_19 : memref<3456xi32, #tpu.memory_space<hbm>>) target(%arg5 : memref<3456xi32, #tpu.memory_space<vmem>>) target_semaphore(%run_scoped3A : memref<!tpu.dma_semaphore, #tpu.memory_space<semaphore_mem>>)
        %dma_wait3A_20 = tpu.memref_slice %arg3[%mul3A_13] : memref<552960xi32, #tpu.memory_space<hbm>> -> memref<3456xi32, #tpu.memory_space<hbm>>
        %dma_wait3A_21 = tpu.memref_slice %arg3[%mul3A_13] : memref<552960xi32, #tpu.memory_space<hbm>> -> memref<3456xi32, #tpu.memory_space<hbm>>
        tpu.wait_dma2 semaphore(%run_scoped3A : memref<!tpu.dma_semaphore, #tpu.memory_space<semaphore_mem>>) src(%dma_wait3A_21 : memref<3456xi32, #tpu.memory_space<hbm>>) dst(%arg5 : memref<3456xi32, #tpu.memory_space<vmem>>)
        tpu.yield
      }) : () -> ()
      %dma_start3A = arith.constant 0 : i32
      %dma_start3A_14 = arith.constant 0 : i32
      %dma_start3A_15 = tpu.memref_slice %arg2[%dma_start3A, %dma_start3A_14] : memref<28672x16xf32, #tpu.memory_space<hbm>> -> memref<28672x16xf32, #tpu.memory_space<hbm>>
      tpu.enqueue_indirect_dma source(%dma_start3A_15 : memref<28672x16xf32, #tpu.memory_space<hbm>>) target(%arg6 : memref<3456x16xf32, #tpu.memory_space<vmem>>) offsets(%arg5 : memref<3456xi32, #tpu.memory_space<vmem>>) semaphore(%arg7 : memref<!tpu.dma_semaphore, #tpu.memory_space<semaphore_mem>>)
      %dma_wait3A = arith.constant 0 : i32
      %dma_wait3A_16 = arith.constant 0 : i32
      %dma_wait3A_17 = tpu.memref_slice %arg2[%dma_wait3A, %dma_wait3A_16] : memref<28672x16xf32, #tpu.memory_space<hbm>> -> memref<28672x16xf32, #tpu.memory_space<hbm>>
      tpu.wait_indirect_dma semaphore(%arg7 : memref<!tpu.dma_semaphore, #tpu.memory_space<semaphore_mem>>) src(%dma_wait3A_17 : memref<28672x16xf32, #tpu.memory_space<hbm>>) dst(%arg6 : memref<3456x16xf32, #tpu.memory_space<vmem>>)
      "tpu.region"() ({
        %run_scoped3A = tpu.sem_alloc : memref<!tpu.dma_semaphore, #tpu.memory_space<semaphore_mem>>
        %dma_start3A_18 = arith.constant 0 : i32
        %dma_start3A_19 = tpu.memref_slice %arg4[%mul3A_13, %dma_start3A_18] : memref<552960x16xf32, #tpu.memory_space<hbm>> -> memref<3456x16xf32, #tpu.memory_space<hbm>>
        %dma_start3A_20 = arith.constant 0 : i32
        %dma_start3A_21 = tpu.memref_slice %arg4[%mul3A_13, %dma_start3A_20] : memref<552960x16xf32, #tpu.memory_space<hbm>> -> memref<3456x16xf32, #tpu.memory_space<hbm>>
        tpu.enqueue_dma source(%arg6 : memref<3456x16xf32, #tpu.memory_space<vmem>>) target(%dma_start3A_21 : memref<3456x16xf32, #tpu.memory_space<hbm>>) target_semaphore(%run_scoped3A : memref<!tpu.dma_semaphore, #tpu.memory_space<semaphore_mem>>)
        %dma_wait3A_22 = arith.constant 0 : i32
        %dma_wait3A_23 = tpu.memref_slice %arg4[%mul3A_13, %dma_wait3A_22] : memref<552960x16xf32, #tpu.memory_space<hbm>> -> memref<3456x16xf32, #tpu.memory_space<hbm>>
        %dma_wait3A_24 = arith.constant 0 : i32
        %dma_wait3A_25 = tpu.memref_slice %arg4[%mul3A_13, %dma_wait3A_24] : memref<552960x16xf32, #tpu.memory_space<hbm>> -> memref<3456x16xf32, #tpu.memory_space<hbm>>
        tpu.wait_dma2 semaphore(%run_scoped3A : memref<!tpu.dma_semaphore, #tpu.memory_space<semaphore_mem>>) src(%arg6 : memref<3456x16xf32, #tpu.memory_space<vmem>>) dst(%dma_wait3A_25 : memref<3456x16xf32, #tpu.memory_space<hbm>>)
        tpu.yield
      }) : () -> ()
    }
    %scan3A_7 = arith.constant 5 : i32
    return
  }
}

#map = affine_map<(d0, d1) -> (0, 0)>
#map1 = affine_map<(d0, d1) -> (0)>
module attributes {stable_mosaic.version = 14 : i64} {
  func.func @new_body(%arg0: i32, %arg1: i32, %arg2: memref<20480x16xf32, #tpu.memory_space<hbm>>, %arg3: memref<20480xi32, #tpu.memory_space<hbm>>, %arg4: memref<726708x16xf32, #tpu.memory_space<hbm>>, %arg5: memref<726708x16xf32, #tpu.memory_space<hbm>>, %arg6: memref<640xi32, #tpu.memory_space<vmem>>, %arg7: memref<640x16xf32, #tpu.memory_space<vmem>>, %arg8: memref<!tpu.dma_semaphore, #tpu.memory_space<semaphore_mem>>) attributes {dimension_semantics = [#tpu.dimension_semantics<core_parallel>, #tpu.dimension_semantics<subcore_parallel>], iteration_bounds = array<i64: 2, 16>, scalar_prefetch = 0 : i64, scratch_operands = 3 : i64, tpu.core_type = #tpu.core_type<sc_vector_subcore>, window_params = [{transform_indices = #map}, {transform_indices = #map1}, {transform_indices = #map}, {transform_indices = #map}]} {
    %mul3A = arith.constant 2 : i32
    %mul3A_0 = arith.muli %arg1, %mul3A : i32
    %add3A = arith.addi %mul3A_0, %arg0 : i32
    %mul3A_1 = arith.constant 640 : i32
    %mul3A_2 = arith.muli %add3A, %mul3A_1 : i32
    "tpu.region"() ({
      %run_scoped3A = tpu.sem_alloc : memref<!tpu.dma_semaphore, #tpu.memory_space<semaphore_mem>>
      %dma_start3A_7 = tpu.memref_slice %arg3[%mul3A_2] : memref<20480xi32, #tpu.memory_space<hbm>> -> memref<640xi32, #tpu.memory_space<hbm>>
      %dma_start3A_8 = tpu.memref_slice %arg3[%mul3A_2] : memref<20480xi32, #tpu.memory_space<hbm>> -> memref<640xi32, #tpu.memory_space<hbm>>
      tpu.enqueue_dma source(%dma_start3A_8 : memref<640xi32, #tpu.memory_space<hbm>>) target(%arg6 : memref<640xi32, #tpu.memory_space<vmem>>) target_semaphore(%run_scoped3A : memref<!tpu.dma_semaphore, #tpu.memory_space<semaphore_mem>>)
      %dma_wait3A_9 = tpu.memref_slice %arg3[%mul3A_2] : memref<20480xi32, #tpu.memory_space<hbm>> -> memref<640xi32, #tpu.memory_space<hbm>>
      %dma_wait3A_10 = tpu.memref_slice %arg3[%mul3A_2] : memref<20480xi32, #tpu.memory_space<hbm>> -> memref<640xi32, #tpu.memory_space<hbm>>
      tpu.wait_dma2 semaphore(%run_scoped3A : memref<!tpu.dma_semaphore, #tpu.memory_space<semaphore_mem>>) src(%dma_wait3A_10 : memref<640xi32, #tpu.memory_space<hbm>>) dst(%arg6 : memref<640xi32, #tpu.memory_space<vmem>>)
      tpu.yield
    }) : () -> ()
    "tpu.region"() ({
      %run_scoped3A = tpu.sem_alloc : memref<!tpu.dma_semaphore, #tpu.memory_space<semaphore_mem>>
      %dma_start3A_7 = arith.constant 0 : i32
      %dma_start3A_8 = tpu.memref_slice %arg2[%mul3A_2, %dma_start3A_7] : memref<20480x16xf32, #tpu.memory_space<hbm>> -> memref<640x16xf32, #tpu.memory_space<hbm>>
      %dma_start3A_9 = arith.constant 0 : i32
      %dma_start3A_10 = tpu.memref_slice %arg2[%mul3A_2, %dma_start3A_9] : memref<20480x16xf32, #tpu.memory_space<hbm>> -> memref<640x16xf32, #tpu.memory_space<hbm>>
      tpu.enqueue_dma source(%dma_start3A_10 : memref<640x16xf32, #tpu.memory_space<hbm>>) target(%arg7 : memref<640x16xf32, #tpu.memory_space<vmem>>) target_semaphore(%run_scoped3A : memref<!tpu.dma_semaphore, #tpu.memory_space<semaphore_mem>>)
      %dma_wait3A_11 = arith.constant 0 : i32
      %dma_wait3A_12 = tpu.memref_slice %arg2[%mul3A_2, %dma_wait3A_11] : memref<20480x16xf32, #tpu.memory_space<hbm>> -> memref<640x16xf32, #tpu.memory_space<hbm>>
      %dma_wait3A_13 = arith.constant 0 : i32
      %dma_wait3A_14 = tpu.memref_slice %arg2[%mul3A_2, %dma_wait3A_13] : memref<20480x16xf32, #tpu.memory_space<hbm>> -> memref<640x16xf32, #tpu.memory_space<hbm>>
      tpu.wait_dma2 semaphore(%run_scoped3A : memref<!tpu.dma_semaphore, #tpu.memory_space<semaphore_mem>>) src(%dma_wait3A_14 : memref<640x16xf32, #tpu.memory_space<hbm>>) dst(%arg7 : memref<640x16xf32, #tpu.memory_space<vmem>>)
      tpu.yield
    }) : () -> ()
    %dma_start3A = arith.constant 0 : i32
    %dma_start3A_3 = arith.constant 0 : i32
    %dma_start3A_4 = tpu.memref_slice %arg4[%dma_start3A, %dma_start3A_3] : memref<726708x16xf32, #tpu.memory_space<hbm>> -> memref<726708x16xf32, #tpu.memory_space<hbm>>
    tpu.enqueue_indirect_dma source(%arg7 : memref<640x16xf32, #tpu.memory_space<vmem>>) target(%dma_start3A_4 : memref<726708x16xf32, #tpu.memory_space<hbm>>) offsets(%arg6 : memref<640xi32, #tpu.memory_space<vmem>>) semaphore(%arg8 : memref<!tpu.dma_semaphore, #tpu.memory_space<semaphore_mem>>)
    %dma_wait3A = arith.constant 0 : i32
    %dma_wait3A_5 = arith.constant 0 : i32
    %dma_wait3A_6 = tpu.memref_slice %arg4[%dma_wait3A, %dma_wait3A_5] : memref<726708x16xf32, #tpu.memory_space<hbm>> -> memref<726708x16xf32, #tpu.memory_space<hbm>>
    tpu.wait_indirect_dma semaphore(%arg8 : memref<!tpu.dma_semaphore, #tpu.memory_space<semaphore_mem>>) src(%arg7 : memref<640x16xf32, #tpu.memory_space<vmem>>) dst(%dma_wait3A_6 : memref<726708x16xf32, #tpu.memory_space<hbm>>)
    return
  }
}

module attributes {stable_mosaic.version = 14 : i64} {
  func.func @tc_stage1_l0(%arg0: i32, %arg1: memref<2048x216xf32, #tpu.memory_space<vmem>>, %arg2: memref<216x16xf32, #tpu.memory_space<vmem>>, %arg3: memref<1x16xf32, #tpu.memory_space<vmem>>, %arg4: memref<2048x16xf32, #tpu.memory_space<vmem>>) attributes {dimension_semantics = [#tpu.dimension_semantics<arbitrary>], iteration_bounds = array<i64: 10>, scalar_prefetch = 0 : i64, scratch_operands = 0 : i64, tpu.core_type = #tpu.core_type<tc>, window_params = [{transform_indices = @transform_0, window_bounds = array<i64: 2048, 216>}, {pipeline_mode = #tpu.pipeline_mode<synchronous>, transform_indices = @transform_1, window_bounds = array<i64: 216, 16>}, {pipeline_mode = #tpu.pipeline_mode<synchronous>, transform_indices = @transform_2, window_bounds = array<i64: 1, 16>}, {transform_indices = @transform_3, window_bounds = array<i64: 2048, 16>}]} {
    %get3A = arith.constant 0 : index
    %get3A_0 = arith.constant 0 : index
    %get3A_1 = vector.load %arg1[%get3A, %get3A_0] : memref<2048x216xf32, #tpu.memory_space<vmem>>, vector<2048x216xf32>
    %get3A_2 = arith.constant 0 : index
    %get3A_3 = arith.constant 0 : index
    %get3A_4 = vector.load %arg2[%get3A_2, %get3A_3] : memref<216x16xf32, #tpu.memory_space<vmem>>, vector<216x16xf32>
    %dot_general3A = arith.constant dense<0.000000e+00> : vector<2048x16xf32>
    %dot_general3A_5 = tpu.matmul %get3A_1, %get3A_4, %dot_general3A {dimension_numbers = #tpu.dot_dimension_numbers<[1], [0], [0], [1], [0, 0, 1, 1], [], []>, precision = #tpu.contract_precision<fp32>, transpose_lhs_hint = false} : vector<2048x216xf32>, vector<216x16xf32>, vector<2048x16xf32> -> vector<2048x16xf32>
    %get3A_6 = arith.constant 0 : index
    %get3A_7 = arith.constant 0 : index
    %get3A_8 = vector.load %arg3[%get3A_6, %get3A_7] : memref<1x16xf32, #tpu.memory_space<vmem>>, vector<1x16xf32>
    %add3A = vector.broadcast %get3A_8 : vector<1x16xf32> to vector<2048x16xf32>
    %add3A_9 = arith.addf %dot_general3A_5, %add3A : vector<2048x16xf32>
    %max3A = arith.constant 0.000000e+00 : f32
    %max3A_10 = vector.broadcast %max3A : f32 to vector<2048x16xf32>
    %max3A_11 = arith.maximumf %add3A_9, %max3A_10 : vector<2048x16xf32>
    %swap3A = arith.constant 0 : index
    %swap3A_12 = arith.constant 0 : index
    %swap3A_13 = vector.load %arg4[%swap3A, %swap3A_12] : memref<2048x16xf32, #tpu.memory_space<vmem>>, vector<2048x16xf32>
    tpu.vector_store %arg4[%swap3A, %swap3A_12], %max3A_11 {strides = array<i32>} : memref<2048x16xf32, #tpu.memory_space<vmem>>, vector<2048x16xf32>,
    return
  }
  func.func @transform_0(%arg0: i32) -> (i32, i32) {
    %c0_i32 = arith.constant 0 : i32
    %c0_i32_0 = arith.constant 0 : i32
    return %arg0, %c0_i32 : i32, i32
  }
  func.func @transform_1(%arg0: i32) -> (i32, i32) {
    %c0_i32 = arith.constant 0 : i32
    %c0_i32_0 = arith.constant 0 : i32
    %c0_i32_1 = arith.constant 0 : i32
    return %c0_i32, %c0_i32_0 : i32, i32
  }
  func.func @transform_2(%arg0: i32) -> (i32, i32) {
    %c0_i32 = arith.constant 0 : i32
    %c0_i32_0 = arith.constant 0 : i32
    %c0_i32_1 = arith.constant 0 : i32
    return %c0_i32, %c0_i32_0 : i32, i32
  }
  func.func @transform_3(%arg0: i32) -> (i32, i32) {
    %c0_i32 = arith.constant 0 : i32
    %c0_i32_0 = arith.constant 0 : i32
    return %arg0, %c0_i32 : i32, i32
  }
}

module attributes {stable_mosaic.version = 14 : i64} {
  func.func @tc_stage1_l1(%arg0: i32, %arg1: memref<2048x432xf32, #tpu.memory_space<vmem>>, %arg2: memref<432x16xf32, #tpu.memory_space<vmem>>, %arg3: memref<1x16xf32, #tpu.memory_space<vmem>>, %arg4: memref<2048x16xf32, #tpu.memory_space<vmem>>) attributes {dimension_semantics = [#tpu.dimension_semantics<arbitrary>], iteration_bounds = array<i64: 10>, scalar_prefetch = 0 : i64, scratch_operands = 0 : i64, tpu.core_type = #tpu.core_type<tc>, window_params = [{transform_indices = @transform_0, window_bounds = array<i64: 2048, 432>}, {pipeline_mode = #tpu.pipeline_mode<synchronous>, transform_indices = @transform_1, window_bounds = array<i64: 432, 16>}, {pipeline_mode = #tpu.pipeline_mode<synchronous>, transform_indices = @transform_2, window_bounds = array<i64: 1, 16>}, {transform_indices = @transform_3, window_bounds = array<i64: 2048, 16>}]} {
    %get3A = arith.constant 0 : index
    %get3A_0 = arith.constant 0 : index
    %get3A_1 = vector.load %arg1[%get3A, %get3A_0] : memref<2048x432xf32, #tpu.memory_space<vmem>>, vector<2048x432xf32>
    %get3A_2 = arith.constant 0 : index
    %get3A_3 = arith.constant 0 : index
    %get3A_4 = vector.load %arg2[%get3A_2, %get3A_3] : memref<432x16xf32, #tpu.memory_space<vmem>>, vector<432x16xf32>
    %dot_general3A = arith.constant dense<0.000000e+00> : vector<2048x16xf32>
    %dot_general3A_5 = tpu.matmul %get3A_1, %get3A_4, %dot_general3A {dimension_numbers = #tpu.dot_dimension_numbers<[1], [0], [0], [1], [0, 0, 1, 1], [], []>, precision = #tpu.contract_precision<fp32>, transpose_lhs_hint = false} : vector<2048x432xf32>, vector<432x16xf32>, vector<2048x16xf32> -> vector<2048x16xf32>
    %get3A_6 = arith.constant 0 : index
    %get3A_7 = arith.constant 0 : index
    %get3A_8 = vector.load %arg3[%get3A_6, %get3A_7] : memref<1x16xf32, #tpu.memory_space<vmem>>, vector<1x16xf32>
    %add3A = vector.broadcast %get3A_8 : vector<1x16xf32> to vector<2048x16xf32>
    %add3A_9 = arith.addf %dot_general3A_5, %add3A : vector<2048x16xf32>
    %max3A = arith.constant 0.000000e+00 : f32
    %max3A_10 = vector.broadcast %max3A : f32 to vector<2048x16xf32>
    %max3A_11 = arith.maximumf %add3A_9, %max3A_10 : vector<2048x16xf32>
    %swap3A = arith.constant 0 : index
    %swap3A_12 = arith.constant 0 : index
    %swap3A_13 = vector.load %arg4[%swap3A, %swap3A_12] : memref<2048x16xf32, #tpu.memory_space<vmem>>, vector<2048x16xf32>
    tpu.vector_store %arg4[%swap3A, %swap3A_12], %max3A_11 {strides = array<i32>} : memref<2048x16xf32, #tpu.memory_space<vmem>>, vector<2048x16xf32>,
    return
  }
  func.func @transform_0(%arg0: i32) -> (i32, i32) {
    %c0_i32 = arith.constant 0 : i32
    %c0_i32_0 = arith.constant 0 : i32
    return %arg0, %c0_i32 : i32, i32
  }
  func.func @transform_1(%arg0: i32) -> (i32, i32) {
    %c0_i32 = arith.constant 0 : i32
    %c0_i32_0 = arith.constant 0 : i32
    %c0_i32_1 = arith.constant 0 : i32
    return %c0_i32, %c0_i32_0 : i32, i32
  }
  func.func @transform_2(%arg0: i32) -> (i32, i32) {
    %c0_i32 = arith.constant 0 : i32
    %c0_i32_0 = arith.constant 0 : i32
    %c0_i32_1 = arith.constant 0 : i32
    return %c0_i32, %c0_i32_0 : i32, i32
  }
  func.func @transform_3(%arg0: i32) -> (i32, i32) {
    %c0_i32 = arith.constant 0 : i32
    %c0_i32_0 = arith.constant 0 : i32
    return %arg0, %c0_i32 : i32, i32
  }
}

module attributes {stable_mosaic.version = 14 : i64} {
  func.func @tc_conv2(%arg0: i32, %arg1: memref<1x65x65x68xf32, #tpu.memory_space<vmem>>, %arg2: memref<1x65x65x68xf32, #tpu.memory_space<vmem>>, %arg3: memref<1x65x65x68xf32, #tpu.memory_space<vmem>>, %arg4: memref<432x32xf32, #tpu.memory_space<vmem>>, %arg5: memref<1x32xf32, #tpu.memory_space<vmem>>, %arg6: memref<1x4096x32xf32, #tpu.memory_space<vmem>>, %arg7: memref<1x4096x1xf32, #tpu.memory_space<vmem>>, %arg8: memref<64x64x432xf32, #tpu.memory_space<vmem>>) attributes {dimension_semantics = [#tpu.dimension_semantics<arbitrary>], iteration_bounds = array<i64: 21>, scalar_prefetch = 0 : i64, scratch_operands = 1 : i64, tpu.core_type = #tpu.core_type<tc>, window_params = [{transform_indices = @transform_0, window_bounds = array<i64: 1, 65, 65, 68>}, {transform_indices = @transform_1, window_bounds = array<i64: 1, 65, 65, 68>}, {transform_indices = @transform_2, window_bounds = array<i64: 1, 65, 65, 68>}, {pipeline_mode = #tpu.pipeline_mode<synchronous>, transform_indices = @transform_3, window_bounds = array<i64: 432, 32>}, {pipeline_mode = #tpu.pipeline_mode<synchronous>, transform_indices = @transform_4, window_bounds = array<i64: 1, 32>}, {transform_indices = @transform_5, window_bounds = array<i64: 1, 4096, 32>}, {transform_indices = @transform_6, window_bounds = array<i64: 1, 4096, 1>}]} {
    %broadcast_in_dim3A = arith.constant 0.000000e+00 : f32
    %broadcast_in_dim3A_0 = vector.broadcast %broadcast_in_dim3A : f32 to vector<64x64x1xf32>
    %get3A = arith.constant 0 : index
    %get3A_1 = arith.constant 0 : index
    %get3A_2 = arith.constant 0 : index
    %get3A_3 = arith.constant 0 : index
    %get3A_4 = vector.load %arg1[%get3A, %get3A_1, %get3A_2, %get3A_3] : memref<1x65x65x68xf32, #tpu.memory_space<vmem>>, vector<1x64x64x16xf32>
    %get3A_5 = vector.shape_cast %get3A_4 : vector<1x64x64x16xf32> to vector<64x64x16xf32>
    %swap3A = arith.constant 0 : index
    %swap3A_6 = arith.constant 0 : index
    %swap3A_7 = arith.constant 0 : index
    %swap3A_8 = vector.load %arg8[%swap3A, %swap3A_6, %swap3A_7] : memref<64x64x432xf32, #tpu.memory_space<vmem>>, vector<64x64x16xf32>
    tpu.vector_store %arg8[%swap3A, %swap3A_6, %swap3A_7], %get3A_5 {strides = array<i32>} : memref<64x64x432xf32, #tpu.memory_space<vmem>>, vector<64x64x16xf32>,
    %get3A_9 = arith.constant 0 : index
    %get3A_10 = arith.constant 0 : index
    %get3A_11 = arith.constant 0 : index
    %get3A_12 = arith.constant 64 : index
    %get3A_13 = vector.load %arg1[%get3A_9, %get3A_10, %get3A_11, %get3A_12] : memref<1x65x65x68xf32, #tpu.memory_space<vmem>>, vector<1x64x64x1xf32>
    %get3A_14 = vector.shape_cast %get3A_13 : vector<1x64x64x1xf32> to vector<64x64x1xf32>
    %add3A = arith.addf %broadcast_in_dim3A_0, %get3A_14 : vector<64x64x1xf32>
    %get3A_15 = arith.constant 0 : index
    %get3A_16 = arith.constant 0 : index
    %get3A_17 = arith.constant 0 : index
    %get3A_18 = arith.constant 16 : index
    %get3A_19 = vector.load %arg1[%get3A_15, %get3A_16, %get3A_17, %get3A_18] : memref<1x65x65x68xf32, #tpu.memory_space<vmem>>, vector<1x64x64x16xf32>
    %get3A_20 = vector.shape_cast %get3A_19 : vector<1x64x64x16xf32> to vector<64x64x16xf32>
    %swap3A_21 = arith.constant 0 : index
    %swap3A_22 = arith.constant 0 : index
    %swap3A_23 = arith.constant 16 : index
    %swap3A_24 = vector.load %arg8[%swap3A_21, %swap3A_22, %swap3A_23] : memref<64x64x432xf32, #tpu.memory_space<vmem>>, vector<64x64x16xf32>
    tpu.vector_store %arg8[%swap3A_21, %swap3A_22, %swap3A_23], %get3A_20 {strides = array<i32>} : memref<64x64x432xf32, #tpu.memory_space<vmem>>, vector<64x64x16xf32>,
    %get3A_25 = arith.constant 0 : index
    %get3A_26 = arith.constant 0 : index
    %get3A_27 = arith.constant 0 : index
    %get3A_28 = arith.constant 65 : index
    %get3A_29 = vector.load %arg1[%get3A_25, %get3A_26, %get3A_27, %get3A_28] : memref<1x65x65x68xf32, #tpu.memory_space<vmem>>, vector<1x64x64x1xf32>
    %get3A_30 = vector.shape_cast %get3A_29 : vector<1x64x64x1xf32> to vector<64x64x1xf32>
    %add3A_31 = arith.addf %add3A, %get3A_30 : vector<64x64x1xf32>
    %get3A_32 = arith.constant 0 : index
    %get3A_33 = arith.constant 0 : index
    %get3A_34 = arith.constant 1 : index
    %get3A_35 = arith.constant 0 : index
    %get3A_36 = vector.load %arg1[%get3A_32, %get3A_33, %get3A_34, %get3A_35] : memref<1x65x65x68xf32, #tpu.memory_space<vmem>>, vector<1x64x64x16xf32>
    %get3A_37 = vector.shape_cast %get3A_36 : vector<1x64x64x16xf32> to vector<64x64x16xf32>
    %swap3A_38 = arith.constant 0 : index
    %swap3A_39 = arith.constant 0 : index
    %swap3A_40 = arith.constant 32 : index
    %swap3A_41 = vector.load %arg8[%swap3A_38, %swap3A_39, %swap3A_40] : memref<64x64x432xf32, #tpu.memory_space<vmem>>, vector<64x64x16xf32>
    tpu.vector_store %arg8[%swap3A_38, %swap3A_39, %swap3A_40], %get3A_37 {strides = array<i32>} : memref<64x64x432xf32, #tpu.memory_space<vmem>>, vector<64x64x16xf32>,
    %get3A_42 = arith.constant 0 : index
    %get3A_43 = arith.constant 0 : index
    %get3A_44 = arith.constant 1 : index
    %get3A_45 = arith.constant 64 : index
    %get3A_46 = vector.load %arg1[%get3A_42, %get3A_43, %get3A_44, %get3A_45] : memref<1x65x65x68xf32, #tpu.memory_space<vmem>>, vector<1x64x64x1xf32>
    %get3A_47 = vector.shape_cast %get3A_46 : vector<1x64x64x1xf32> to vector<64x64x1xf32>
    %add3A_48 = arith.addf %add3A_31, %get3A_47 : vector<64x64x1xf32>
    %get3A_49 = arith.constant 0 : index
    %get3A_50 = arith.constant 0 : index
    %get3A_51 = arith.constant 0 : index
    %get3A_52 = arith.constant 32 : index
    %get3A_53 = vector.load %arg1[%get3A_49, %get3A_50, %get3A_51, %get3A_52] : memref<1x65x65x68xf32, #tpu.memory_space<vmem>>, vector<1x64x64x16xf32>
    %get3A_54 = vector.shape_cast %get3A_53 : vector<1x64x64x16xf32> to vector<64x64x16xf32>
    %swap3A_55 = arith.constant 0 : index
    %swap3A_56 = arith.constant 0 : index
    %swap3A_57 = arith.constant 48 : index
    %swap3A_58 = vector.load %arg8[%swap3A_55, %swap3A_56, %swap3A_57] : memref<64x64x432xf32, #tpu.memory_space<vmem>>, vector<64x64x16xf32>
    tpu.vector_store %arg8[%swap3A_55, %swap3A_56, %swap3A_57], %get3A_54 {strides = array<i32>} : memref<64x64x432xf32, #tpu.memory_space<vmem>>, vector<64x64x16xf32>,
    %get3A_59 = arith.constant 0 : index
    %get3A_60 = arith.constant 0 : index
    %get3A_61 = arith.constant 0 : index
    %get3A_62 = arith.constant 66 : index
    %get3A_63 = vector.load %arg1[%get3A_59, %get3A_60, %get3A_61, %get3A_62] : memref<1x65x65x68xf32, #tpu.memory_space<vmem>>, vector<1x64x64x1xf32>
    %get3A_64 = vector.shape_cast %get3A_63 : vector<1x64x64x1xf32> to vector<64x64x1xf32>
    %add3A_65 = arith.addf %add3A_48, %get3A_64 : vector<64x64x1xf32>
    %get3A_66 = arith.constant 0 : index
    %get3A_67 = arith.constant 0 : index
    %get3A_68 = arith.constant 0 : index
    %get3A_69 = arith.constant 48 : index
    %get3A_70 = vector.load %arg1[%get3A_66, %get3A_67, %get3A_68, %get3A_69] : memref<1x65x65x68xf32, #tpu.memory_space<vmem>>, vector<1x64x64x16xf32>
    %get3A_71 = vector.shape_cast %get3A_70 : vector<1x64x64x16xf32> to vector<64x64x16xf32>
    %swap3A_72 = arith.constant 0 : index
    %swap3A_73 = arith.constant 0 : index
    %swap3A_74 = arith.constant 64 : index
    %swap3A_75 = vector.load %arg8[%swap3A_72, %swap3A_73, %swap3A_74] : memref<64x64x432xf32, #tpu.memory_space<vmem>>, vector<64x64x16xf32>
    tpu.vector_store %arg8[%swap3A_72, %swap3A_73, %swap3A_74], %get3A_71 {strides = array<i32>} : memref<64x64x432xf32, #tpu.memory_space<vmem>>, vector<64x64x16xf32>,
    %get3A_76 = arith.constant 0 : index
    %get3A_77 = arith.constant 0 : index
    %get3A_78 = arith.constant 0 : index
    %get3A_79 = arith.constant 67 : index
    %get3A_80 = vector.load %arg1[%get3A_76, %get3A_77, %get3A_78, %get3A_79] : memref<1x65x65x68xf32, #tpu.memory_space<vmem>>, vector<1x64x64x1xf32>
    %get3A_81 = vector.shape_cast %get3A_80 : vector<1x64x64x1xf32> to vector<64x64x1xf32>
    %add3A_82 = arith.addf %add3A_65, %get3A_81 : vector<64x64x1xf32>
    %get3A_83 = arith.constant 0 : index
    %get3A_84 = arith.constant 0 : index
    %get3A_85 = arith.constant 1 : index
    %get3A_86 = arith.constant 32 : index
    %get3A_87 = vector.load %arg1[%get3A_83, %get3A_84, %get3A_85, %get3A_86] : memref<1x65x65x68xf32, #tpu.memory_space<vmem>>, vector<1x64x64x16xf32>
    %get3A_88 = vector.shape_cast %get3A_87 : vector<1x64x64x16xf32> to vector<64x64x16xf32>
    %swap3A_89 = arith.constant 0 : index
    %swap3A_90 = arith.constant 0 : index
    %swap3A_91 = arith.constant 80 : index
    %swap3A_92 = vector.load %arg8[%swap3A_89, %swap3A_90, %swap3A_91] : memref<64x64x432xf32, #tpu.memory_space<vmem>>, vector<64x64x16xf32>
    tpu.vector_store %arg8[%swap3A_89, %swap3A_90, %swap3A_91], %get3A_88 {strides = array<i32>} : memref<64x64x432xf32, #tpu.memory_space<vmem>>, vector<64x64x16xf32>,
    %get3A_93 = arith.constant 0 : index
    %get3A_94 = arith.constant 0 : index
    %get3A_95 = arith.constant 1 : index
    %get3A_96 = arith.constant 66 : index
    %get3A_97 = vector.load %arg1[%get3A_93, %get3A_94, %get3A_95, %get3A_96] : memref<1x65x65x68xf32, #tpu.memory_space<vmem>>, vector<1x64x64x1xf32>
    %get3A_98 = vector.shape_cast %get3A_97 : vector<1x64x64x1xf32> to vector<64x64x1xf32>
    %add3A_99 = arith.addf %add3A_82, %get3A_98 : vector<64x64x1xf32>
    %get3A_100 = arith.constant 0 : index
    %get3A_101 = arith.constant 1 : index
    %get3A_102 = arith.constant 0 : index
    %get3A_103 = arith.constant 0 : index
    %get3A_104 = vector.load %arg1[%get3A_100, %get3A_101, %get3A_102, %get3A_103] : memref<1x65x65x68xf32, #tpu.memory_space<vmem>>, vector<1x64x64x16xf32>
    %get3A_105 = vector.shape_cast %get3A_104 : vector<1x64x64x16xf32> to vector<64x64x16xf32>
    %swap3A_106 = arith.constant 0 : index
    %swap3A_107 = arith.constant 0 : index
    %swap3A_108 = arith.constant 96 : index
    %swap3A_109 = vector.load %arg8[%swap3A_106, %swap3A_107, %swap3A_108] : memref<64x64x432xf32, #tpu.memory_space<vmem>>, vector<64x64x16xf32>
    tpu.vector_store %arg8[%swap3A_106, %swap3A_107, %swap3A_108], %get3A_105 {strides = array<i32>} : memref<64x64x432xf32, #tpu.memory_space<vmem>>, vector<64x64x16xf32>,
    %get3A_110 = arith.constant 0 : index
    %get3A_111 = arith.constant 1 : index
    %get3A_112 = arith.constant 0 : index
    %get3A_113 = arith.constant 64 : index
    %get3A_114 = vector.load %arg1[%get3A_110, %get3A_111, %get3A_112, %get3A_113] : memref<1x65x65x68xf32, #tpu.memory_space<vmem>>, vector<1x64x64x1xf32>
    %get3A_115 = vector.shape_cast %get3A_114 : vector<1x64x64x1xf32> to vector<64x64x1xf32>
    %add3A_116 = arith.addf %add3A_99, %get3A_115 : vector<64x64x1xf32>
    %get3A_117 = arith.constant 0 : index
    %get3A_118 = arith.constant 1 : index
    %get3A_119 = arith.constant 0 : index
    %get3A_120 = arith.constant 16 : index
    %get3A_121 = vector.load %arg1[%get3A_117, %get3A_118, %get3A_119, %get3A_120] : memref<1x65x65x68xf32, #tpu.memory_space<vmem>>, vector<1x64x64x16xf32>
    %get3A_122 = vector.shape_cast %get3A_121 : vector<1x64x64x16xf32> to vector<64x64x16xf32>
    %swap3A_123 = arith.constant 0 : index
    %swap3A_124 = arith.constant 0 : index
    %swap3A_125 = arith.constant 112 : index
    %swap3A_126 = vector.load %arg8[%swap3A_123, %swap3A_124, %swap3A_125] : memref<64x64x432xf32, #tpu.memory_space<vmem>>, vector<64x64x16xf32>
    tpu.vector_store %arg8[%swap3A_123, %swap3A_124, %swap3A_125], %get3A_122 {strides = array<i32>} : memref<64x64x432xf32, #tpu.memory_space<vmem>>, vector<64x64x16xf32>,
    %get3A_127 = arith.constant 0 : index
    %get3A_128 = arith.constant 1 : index
    %get3A_129 = arith.constant 0 : index
    %get3A_130 = arith.constant 65 : index
    %get3A_131 = vector.load %arg1[%get3A_127, %get3A_128, %get3A_129, %get3A_130] : memref<1x65x65x68xf32, #tpu.memory_space<vmem>>, vector<1x64x64x1xf32>
    %get3A_132 = vector.shape_cast %get3A_131 : vector<1x64x64x1xf32> to vector<64x64x1xf32>
    %add3A_133 = arith.addf %add3A_116, %get3A_132 : vector<64x64x1xf32>
    %get3A_134 = arith.constant 0 : index
    %get3A_135 = arith.constant 1 : index
    %get3A_136 = arith.constant 1 : index
    %get3A_137 = arith.constant 0 : index
    %get3A_138 = vector.load %arg1[%get3A_134, %get3A_135, %get3A_136, %get3A_137] : memref<1x65x65x68xf32, #tpu.memory_space<vmem>>, vector<1x64x64x16xf32>
    %get3A_139 = vector.shape_cast %get3A_138 : vector<1x64x64x16xf32> to vector<64x64x16xf32>
    %swap3A_140 = arith.constant 0 : index
    %swap3A_141 = arith.constant 0 : index
    %swap3A_142 = arith.constant 128 : index
    %swap3A_143 = vector.load %arg8[%swap3A_140, %swap3A_141, %swap3A_142] : memref<64x64x432xf32, #tpu.memory_space<vmem>>, vector<64x64x16xf32>
    tpu.vector_store %arg8[%swap3A_140, %swap3A_141, %swap3A_142], %get3A_139 {strides = array<i32>} : memref<64x64x432xf32, #tpu.memory_space<vmem>>, vector<64x64x16xf32>,
    %get3A_144 = arith.constant 0 : index
    %get3A_145 = arith.constant 1 : index
    %get3A_146 = arith.constant 1 : index
    %get3A_147 = arith.constant 64 : index
    %get3A_148 = vector.load %arg1[%get3A_144, %get3A_145, %get3A_146, %get3A_147] : memref<1x65x65x68xf32, #tpu.memory_space<vmem>>, vector<1x64x64x1xf32>
    %get3A_149 = vector.shape_cast %get3A_148 : vector<1x64x64x1xf32> to vector<64x64x1xf32>
    %add3A_150 = arith.addf %add3A_133, %get3A_149 : vector<64x64x1xf32>
    %get3A_151 = arith.constant 0 : index
    %get3A_152 = arith.constant 0 : index
    %get3A_153 = arith.constant 0 : index
    %get3A_154 = arith.constant 0 : index
    %get3A_155 = vector.load %arg2[%get3A_151, %get3A_152, %get3A_153, %get3A_154] : memref<1x65x65x68xf32, #tpu.memory_space<vmem>>, vector<1x64x64x16xf32>
    %get3A_156 = vector.shape_cast %get3A_155 : vector<1x64x64x16xf32> to vector<64x64x16xf32>
    %swap3A_157 = arith.constant 0 : index
    %swap3A_158 = arith.constant 0 : index
    %swap3A_159 = arith.constant 144 : index
    %swap3A_160 = vector.load %arg8[%swap3A_157, %swap3A_158, %swap3A_159] : memref<64x64x432xf32, #tpu.memory_space<vmem>>, vector<64x64x16xf32>
    tpu.vector_store %arg8[%swap3A_157, %swap3A_158, %swap3A_159], %get3A_156 {strides = array<i32>} : memref<64x64x432xf32, #tpu.memory_space<vmem>>, vector<64x64x16xf32>,
    %get3A_161 = arith.constant 0 : index
    %get3A_162 = arith.constant 0 : index
    %get3A_163 = arith.constant 0 : index
    %get3A_164 = arith.constant 64 : index
    %get3A_165 = vector.load %arg2[%get3A_161, %get3A_162, %get3A_163, %get3A_164] : memref<1x65x65x68xf32, #tpu.memory_space<vmem>>, vector<1x64x64x1xf32>
    %get3A_166 = vector.shape_cast %get3A_165 : vector<1x64x64x1xf32> to vector<64x64x1xf32>
    %add3A_167 = arith.addf %add3A_150, %get3A_166 : vector<64x64x1xf32>
    %get3A_168 = arith.constant 0 : index
    %get3A_169 = arith.constant 0 : index
    %get3A_170 = arith.constant 0 : index
    %get3A_171 = arith.constant 16 : index
    %get3A_172 = vector.load %arg2[%get3A_168, %get3A_169, %get3A_170, %get3A_171] : memref<1x65x65x68xf32, #tpu.memory_space<vmem>>, vector<1x64x64x16xf32>
    %get3A_173 = vector.shape_cast %get3A_172 : vector<1x64x64x16xf32> to vector<64x64x16xf32>
    %swap3A_174 = arith.constant 0 : index
    %swap3A_175 = arith.constant 0 : index
    %swap3A_176 = arith.constant 160 : index
    %swap3A_177 = vector.load %arg8[%swap3A_174, %swap3A_175, %swap3A_176] : memref<64x64x432xf32, #tpu.memory_space<vmem>>, vector<64x64x16xf32>
    tpu.vector_store %arg8[%swap3A_174, %swap3A_175, %swap3A_176], %get3A_173 {strides = array<i32>} : memref<64x64x432xf32, #tpu.memory_space<vmem>>, vector<64x64x16xf32>,
    %get3A_178 = arith.constant 0 : index
    %get3A_179 = arith.constant 0 : index
    %get3A_180 = arith.constant 0 : index
    %get3A_181 = arith.constant 65 : index
    %get3A_182 = vector.load %arg2[%get3A_178, %get3A_179, %get3A_180, %get3A_181] : memref<1x65x65x68xf32, #tpu.memory_space<vmem>>, vector<1x64x64x1xf32>
    %get3A_183 = vector.shape_cast %get3A_182 : vector<1x64x64x1xf32> to vector<64x64x1xf32>
    %add3A_184 = arith.addf %add3A_167, %get3A_183 : vector<64x64x1xf32>
    %get3A_185 = arith.constant 0 : index
    %get3A_186 = arith.constant 0 : index
    %get3A_187 = arith.constant 1 : index
    %get3A_188 = arith.constant 0 : index
    %get3A_189 = vector.load %arg2[%get3A_185, %get3A_186, %get3A_187, %get3A_188] : memref<1x65x65x68xf32, #tpu.memory_space<vmem>>, vector<1x64x64x16xf32>
    %get3A_190 = vector.shape_cast %get3A_189 : vector<1x64x64x16xf32> to vector<64x64x16xf32>
    %swap3A_191 = arith.constant 0 : index
    %swap3A_192 = arith.constant 0 : index
    %swap3A_193 = arith.constant 176 : index
    %swap3A_194 = vector.load %arg8[%swap3A_191, %swap3A_192, %swap3A_193] : memref<64x64x432xf32, #tpu.memory_space<vmem>>, vector<64x64x16xf32>
    tpu.vector_store %arg8[%swap3A_191, %swap3A_192, %swap3A_193], %get3A_190 {strides = array<i32>} : memref<64x64x432xf32, #tpu.memory_space<vmem>>, vector<64x64x16xf32>,
    %get3A_195 = arith.constant 0 : index
    %get3A_196 = arith.constant 0 : index
    %get3A_197 = arith.constant 1 : index
    %get3A_198 = arith.constant 64 : index
    %get3A_199 = vector.load %arg2[%get3A_195, %get3A_196, %get3A_197, %get3A_198] : memref<1x65x65x68xf32, #tpu.memory_space<vmem>>, vector<1x64x64x1xf32>
    %get3A_200 = vector.shape_cast %get3A_199 : vector<1x64x64x1xf32> to vector<64x64x1xf32>
    %add3A_201 = arith.addf %add3A_184, %get3A_200 : vector<64x64x1xf32>
    %get3A_202 = arith.constant 0 : index
    %get3A_203 = arith.constant 0 : index
    %get3A_204 = arith.constant 0 : index
    %get3A_205 = arith.constant 32 : index
    %get3A_206 = vector.load %arg2[%get3A_202, %get3A_203, %get3A_204, %get3A_205] : memref<1x65x65x68xf32, #tpu.memory_space<vmem>>, vector<1x64x64x16xf32>
    %get3A_207 = vector.shape_cast %get3A_206 : vector<1x64x64x16xf32> to vector<64x64x16xf32>
    %swap3A_208 = arith.constant 0 : index
    %swap3A_209 = arith.constant 0 : index
    %swap3A_210 = arith.constant 192 : index
    %swap3A_211 = vector.load %arg8[%swap3A_208, %swap3A_209, %swap3A_210] : memref<64x64x432xf32, #tpu.memory_space<vmem>>, vector<64x64x16xf32>
    tpu.vector_store %arg8[%swap3A_208, %swap3A_209, %swap3A_210], %get3A_207 {strides = array<i32>} : memref<64x64x432xf32, #tpu.memory_space<vmem>>, vector<64x64x16xf32>,
    %get3A_212 = arith.constant 0 : index
    %get3A_213 = arith.constant 0 : index
    %get3A_214 = arith.constant 0 : index
    %get3A_215 = arith.constant 66 : index
    %get3A_216 = vector.load %arg2[%get3A_212, %get3A_213, %get3A_214, %get3A_215] : memref<1x65x65x68xf32, #tpu.memory_space<vmem>>, vector<1x64x64x1xf32>
    %get3A_217 = vector.shape_cast %get3A_216 : vector<1x64x64x1xf32> to vector<64x64x1xf32>
    %add3A_218 = arith.addf %add3A_201, %get3A_217 : vector<64x64x1xf32>
    %get3A_219 = arith.constant 0 : index
    %get3A_220 = arith.constant 0 : index
    %get3A_221 = arith.constant 0 : index
    %get3A_222 = arith.constant 48 : index
    %get3A_223 = vector.load %arg2[%get3A_219, %get3A_220, %get3A_221, %get3A_222] : memref<1x65x65x68xf32, #tpu.memory_space<vmem>>, vector<1x64x64x16xf32>
    %get3A_224 = vector.shape_cast %get3A_223 : vector<1x64x64x16xf32> to vector<64x64x16xf32>
    %swap3A_225 = arith.constant 0 : index
    %swap3A_226 = arith.constant 0 : index
    %swap3A_227 = arith.constant 208 : index
    %swap3A_228 = vector.load %arg8[%swap3A_225, %swap3A_226, %swap3A_227] : memref<64x64x432xf32, #tpu.memory_space<vmem>>, vector<64x64x16xf32>
    tpu.vector_store %arg8[%swap3A_225, %swap3A_226, %swap3A_227], %get3A_224 {strides = array<i32>} : memref<64x64x432xf32, #tpu.memory_space<vmem>>, vector<64x64x16xf32>,
    %get3A_229 = arith.constant 0 : index
    %get3A_230 = arith.constant 0 : index
    %get3A_231 = arith.constant 0 : index
    %get3A_232 = arith.constant 67 : index
    %get3A_233 = vector.load %arg2[%get3A_229, %get3A_230, %get3A_231, %get3A_232] : memref<1x65x65x68xf32, #tpu.memory_space<vmem>>, vector<1x64x64x1xf32>
    %get3A_234 = vector.shape_cast %get3A_233 : vector<1x64x64x1xf32> to vector<64x64x1xf32>
    %add3A_235 = arith.addf %add3A_218, %get3A_234 : vector<64x64x1xf32>
    %get3A_236 = arith.constant 0 : index
    %get3A_237 = arith.constant 0 : index
    %get3A_238 = arith.constant 1 : index
    %get3A_239 = arith.constant 32 : index
    %get3A_240 = vector.load %arg2[%get3A_236, %get3A_237, %get3A_238, %get3A_239] : memref<1x65x65x68xf32, #tpu.memory_space<vmem>>, vector<1x64x64x16xf32>
    %get3A_241 = vector.shape_cast %get3A_240 : vector<1x64x64x16xf32> to vector<64x64x16xf32>
    %swap3A_242 = arith.constant 0 : index
    %swap3A_243 = arith.constant 0 : index
    %swap3A_244 = arith.constant 224 : index
    %swap3A_245 = vector.load %arg8[%swap3A_242, %swap3A_243, %swap3A_244] : memref<64x64x432xf32, #tpu.memory_space<vmem>>, vector<64x64x16xf32>
    tpu.vector_store %arg8[%swap3A_242, %swap3A_243, %swap3A_244], %get3A_241 {strides = array<i32>} : memref<64x64x432xf32, #tpu.memory_space<vmem>>, vector<64x64x16xf32>,
    %get3A_246 = arith.constant 0 : index
    %get3A_247 = arith.constant 0 : index
    %get3A_248 = arith.constant 1 : index
    %get3A_249 = arith.constant 66 : index
    %get3A_250 = vector.load %arg2[%get3A_246, %get3A_247, %get3A_248, %get3A_249] : memref<1x65x65x68xf32, #tpu.memory_space<vmem>>, vector<1x64x64x1xf32>
    %get3A_251 = vector.shape_cast %get3A_250 : vector<1x64x64x1xf32> to vector<64x64x1xf32>
    %add3A_252 = arith.addf %add3A_235, %get3A_251 : vector<64x64x1xf32>
    %get3A_253 = arith.constant 0 : index
    %get3A_254 = arith.constant 1 : index
    %get3A_255 = arith.constant 0 : index
    %get3A_256 = arith.constant 0 : index
    %get3A_257 = vector.load %arg2[%get3A_253, %get3A_254, %get3A_255, %get3A_256] : memref<1x65x65x68xf32, #tpu.memory_space<vmem>>, vector<1x64x64x16xf32>
    %get3A_258 = vector.shape_cast %get3A_257 : vector<1x64x64x16xf32> to vector<64x64x16xf32>
    %swap3A_259 = arith.constant 0 : index
    %swap3A_260 = arith.constant 0 : index
    %swap3A_261 = arith.constant 240 : index
    %swap3A_262 = vector.load %arg8[%swap3A_259, %swap3A_260, %swap3A_261] : memref<64x64x432xf32, #tpu.memory_space<vmem>>, vector<64x64x16xf32>
    tpu.vector_store %arg8[%swap3A_259, %swap3A_260, %swap3A_261], %get3A_258 {strides = array<i32>} : memref<64x64x432xf32, #tpu.memory_space<vmem>>, vector<64x64x16xf32>,
    %get3A_263 = arith.constant 0 : index
    %get3A_264 = arith.constant 1 : index
    %get3A_265 = arith.constant 0 : index
    %get3A_266 = arith.constant 64 : index
    %get3A_267 = vector.load %arg2[%get3A_263, %get3A_264, %get3A_265, %get3A_266] : memref<1x65x65x68xf32, #tpu.memory_space<vmem>>, vector<1x64x64x1xf32>
    %get3A_268 = vector.shape_cast %get3A_267 : vector<1x64x64x1xf32> to vector<64x64x1xf32>
    %add3A_269 = arith.addf %add3A_252, %get3A_268 : vector<64x64x1xf32>
    %get3A_270 = arith.constant 0 : index
    %get3A_271 = arith.constant 1 : index
    %get3A_272 = arith.constant 0 : index
    %get3A_273 = arith.constant 16 : index
    %get3A_274 = vector.load %arg2[%get3A_270, %get3A_271, %get3A_272, %get3A_273] : memref<1x65x65x68xf32, #tpu.memory_space<vmem>>, vector<1x64x64x16xf32>
    %get3A_275 = vector.shape_cast %get3A_274 : vector<1x64x64x16xf32> to vector<64x64x16xf32>
    %swap3A_276 = arith.constant 0 : index
    %swap3A_277 = arith.constant 0 : index
    %swap3A_278 = arith.constant 256 : index
    %swap3A_279 = vector.load %arg8[%swap3A_276, %swap3A_277, %swap3A_278] : memref<64x64x432xf32, #tpu.memory_space<vmem>>, vector<64x64x16xf32>
    tpu.vector_store %arg8[%swap3A_276, %swap3A_277, %swap3A_278], %get3A_275 {strides = array<i32>} : memref<64x64x432xf32, #tpu.memory_space<vmem>>, vector<64x64x16xf32>,
    %get3A_280 = arith.constant 0 : index
    %get3A_281 = arith.constant 1 : index
    %get3A_282 = arith.constant 0 : index
    %get3A_283 = arith.constant 65 : index
    %get3A_284 = vector.load %arg2[%get3A_280, %get3A_281, %get3A_282, %get3A_283] : memref<1x65x65x68xf32, #tpu.memory_space<vmem>>, vector<1x64x64x1xf32>
    %get3A_285 = vector.shape_cast %get3A_284 : vector<1x64x64x1xf32> to vector<64x64x1xf32>
    %add3A_286 = arith.addf %add3A_269, %get3A_285 : vector<64x64x1xf32>
    %get3A_287 = arith.constant 0 : index
    %get3A_288 = arith.constant 1 : index
    %get3A_289 = arith.constant 1 : index
    %get3A_290 = arith.constant 0 : index
    %get3A_291 = vector.load %arg2[%get3A_287, %get3A_288, %get3A_289, %get3A_290] : memref<1x65x65x68xf32, #tpu.memory_space<vmem>>, vector<1x64x64x16xf32>
    %get3A_292 = vector.shape_cast %get3A_291 : vector<1x64x64x16xf32> to vector<64x64x16xf32>
    %swap3A_293 = arith.constant 0 : index
    %swap3A_294 = arith.constant 0 : index
    %swap3A_295 = arith.constant 272 : index
    %swap3A_296 = vector.load %arg8[%swap3A_293, %swap3A_294, %swap3A_295] : memref<64x64x432xf32, #tpu.memory_space<vmem>>, vector<64x64x16xf32>
    tpu.vector_store %arg8[%swap3A_293, %swap3A_294, %swap3A_295], %get3A_292 {strides = array<i32>} : memref<64x64x432xf32, #tpu.memory_space<vmem>>, vector<64x64x16xf32>,
    %get3A_297 = arith.constant 0 : index
    %get3A_298 = arith.constant 1 : index
    %get3A_299 = arith.constant 1 : index
    %get3A_300 = arith.constant 64 : index
    %get3A_301 = vector.load %arg2[%get3A_297, %get3A_298, %get3A_299, %get3A_300] : memref<1x65x65x68xf32, #tpu.memory_space<vmem>>, vector<1x64x64x1xf32>
    %get3A_302 = vector.shape_cast %get3A_301 : vector<1x64x64x1xf32> to vector<64x64x1xf32>
    %add3A_303 = arith.addf %add3A_286, %get3A_302 : vector<64x64x1xf32>
    %get3A_304 = arith.constant 0 : index
    %get3A_305 = arith.constant 0 : index
    %get3A_306 = arith.constant 0 : index
    %get3A_307 = arith.constant 0 : index
    %get3A_308 = vector.load %arg3[%get3A_304, %get3A_305, %get3A_306, %get3A_307] : memref<1x65x65x68xf32, #tpu.memory_space<vmem>>, vector<1x64x64x16xf32>
    %get3A_309 = vector.shape_cast %get3A_308 : vector<1x64x64x16xf32> to vector<64x64x16xf32>
    %swap3A_310 = arith.constant 0 : index
    %swap3A_311 = arith.constant 0 : index
    %swap3A_312 = arith.constant 288 : index
    %swap3A_313 = vector.load %arg8[%swap3A_310, %swap3A_311, %swap3A_312] : memref<64x64x432xf32, #tpu.memory_space<vmem>>, vector<64x64x16xf32>
    tpu.vector_store %arg8[%swap3A_310, %swap3A_311, %swap3A_312], %get3A_309 {strides = array<i32>} : memref<64x64x432xf32, #tpu.memory_space<vmem>>, vector<64x64x16xf32>,
    %get3A_314 = arith.constant 0 : index
    %get3A_315 = arith.constant 0 : index
    %get3A_316 = arith.constant 0 : index
    %get3A_317 = arith.constant 64 : index
    %get3A_318 = vector.load %arg3[%get3A_314, %get3A_315, %get3A_316, %get3A_317] : memref<1x65x65x68xf32, #tpu.memory_space<vmem>>, vector<1x64x64x1xf32>
    %get3A_319 = vector.shape_cast %get3A_318 : vector<1x64x64x1xf32> to vector<64x64x1xf32>
    %add3A_320 = arith.addf %add3A_303, %get3A_319 : vector<64x64x1xf32>
    %get3A_321 = arith.constant 0 : index
    %get3A_322 = arith.constant 0 : index
    %get3A_323 = arith.constant 0 : index
    %get3A_324 = arith.constant 16 : index
    %get3A_325 = vector.load %arg3[%get3A_321, %get3A_322, %get3A_323, %get3A_324] : memref<1x65x65x68xf32, #tpu.memory_space<vmem>>, vector<1x64x64x16xf32>
    %get3A_326 = vector.shape_cast %get3A_325 : vector<1x64x64x16xf32> to vector<64x64x16xf32>
    %swap3A_327 = arith.constant 0 : index
    %swap3A_328 = arith.constant 0 : index
    %swap3A_329 = arith.constant 304 : index
    %swap3A_330 = vector.load %arg8[%swap3A_327, %swap3A_328, %swap3A_329] : memref<64x64x432xf32, #tpu.memory_space<vmem>>, vector<64x64x16xf32>
    tpu.vector_store %arg8[%swap3A_327, %swap3A_328, %swap3A_329], %get3A_326 {strides = array<i32>} : memref<64x64x432xf32, #tpu.memory_space<vmem>>, vector<64x64x16xf32>,
    %get3A_331 = arith.constant 0 : index
    %get3A_332 = arith.constant 0 : index
    %get3A_333 = arith.constant 0 : index
    %get3A_334 = arith.constant 65 : index
    %get3A_335 = vector.load %arg3[%get3A_331, %get3A_332, %get3A_333, %get3A_334] : memref<1x65x65x68xf32, #tpu.memory_space<vmem>>, vector<1x64x64x1xf32>
    %get3A_336 = vector.shape_cast %get3A_335 : vector<1x64x64x1xf32> to vector<64x64x1xf32>
    %add3A_337 = arith.addf %add3A_320, %get3A_336 : vector<64x64x1xf32>
    %get3A_338 = arith.constant 0 : index
    %get3A_339 = arith.constant 0 : index
    %get3A_340 = arith.constant 1 : index
    %get3A_341 = arith.constant 0 : index
    %get3A_342 = vector.load %arg3[%get3A_338, %get3A_339, %get3A_340, %get3A_341] : memref<1x65x65x68xf32, #tpu.memory_space<vmem>>, vector<1x64x64x16xf32>
    %get3A_343 = vector.shape_cast %get3A_342 : vector<1x64x64x16xf32> to vector<64x64x16xf32>
    %swap3A_344 = arith.constant 0 : index
    %swap3A_345 = arith.constant 0 : index
    %swap3A_346 = arith.constant 320 : index
    %swap3A_347 = vector.load %arg8[%swap3A_344, %swap3A_345, %swap3A_346] : memref<64x64x432xf32, #tpu.memory_space<vmem>>, vector<64x64x16xf32>
    tpu.vector_store %arg8[%swap3A_344, %swap3A_345, %swap3A_346], %get3A_343 {strides = array<i32>} : memref<64x64x432xf32, #tpu.memory_space<vmem>>, vector<64x64x16xf32>,
    %get3A_348 = arith.constant 0 : index
    %get3A_349 = arith.constant 0 : index
    %get3A_350 = arith.constant 1 : index
    %get3A_351 = arith.constant 64 : index
    %get3A_352 = vector.load %arg3[%get3A_348, %get3A_349, %get3A_350, %get3A_351] : memref<1x65x65x68xf32, #tpu.memory_space<vmem>>, vector<1x64x64x1xf32>
    %get3A_353 = vector.shape_cast %get3A_352 : vector<1x64x64x1xf32> to vector<64x64x1xf32>
    %add3A_354 = arith.addf %add3A_337, %get3A_353 : vector<64x64x1xf32>
    %get3A_355 = arith.constant 0 : index
    %get3A_356 = arith.constant 0 : index
    %get3A_357 = arith.constant 0 : index
    %get3A_358 = arith.constant 32 : index
    %get3A_359 = vector.load %arg3[%get3A_355, %get3A_356, %get3A_357, %get3A_358] : memref<1x65x65x68xf32, #tpu.memory_space<vmem>>, vector<1x64x64x16xf32>
    %get3A_360 = vector.shape_cast %get3A_359 : vector<1x64x64x16xf32> to vector<64x64x16xf32>
    %swap3A_361 = arith.constant 0 : index
    %swap3A_362 = arith.constant 0 : index
    %swap3A_363 = arith.constant 336 : index
    %swap3A_364 = vector.load %arg8[%swap3A_361, %swap3A_362, %swap3A_363] : memref<64x64x432xf32, #tpu.memory_space<vmem>>, vector<64x64x16xf32>
    tpu.vector_store %arg8[%swap3A_361, %swap3A_362, %swap3A_363], %get3A_360 {strides = array<i32>} : memref<64x64x432xf32, #tpu.memory_space<vmem>>, vector<64x64x16xf32>,
    %get3A_365 = arith.constant 0 : index
    %get3A_366 = arith.constant 0 : index
    %get3A_367 = arith.constant 0 : index
    %get3A_368 = arith.constant 66 : index
    %get3A_369 = vector.load %arg3[%get3A_365, %get3A_366, %get3A_367, %get3A_368] : memref<1x65x65x68xf32, #tpu.memory_space<vmem>>, vector<1x64x64x1xf32>
    %get3A_370 = vector.shape_cast %get3A_369 : vector<1x64x64x1xf32> to vector<64x64x1xf32>
    %add3A_371 = arith.addf %add3A_354, %get3A_370 : vector<64x64x1xf32>
    %get3A_372 = arith.constant 0 : index
    %get3A_373 = arith.constant 0 : index
    %get3A_374 = arith.constant 0 : index
    %get3A_375 = arith.constant 48 : index
    %get3A_376 = vector.load %arg3[%get3A_372, %get3A_373, %get3A_374, %get3A_375] : memref<1x65x65x68xf32, #tpu.memory_space<vmem>>, vector<1x64x64x16xf32>
    %get3A_377 = vector.shape_cast %get3A_376 : vector<1x64x64x16xf32> to vector<64x64x16xf32>
    %swap3A_378 = arith.constant 0 : index
    %swap3A_379 = arith.constant 0 : index
    %swap3A_380 = arith.constant 352 : index
    %swap3A_381 = vector.load %arg8[%swap3A_378, %swap3A_379, %swap3A_380] : memref<64x64x432xf32, #tpu.memory_space<vmem>>, vector<64x64x16xf32>
    tpu.vector_store %arg8[%swap3A_378, %swap3A_379, %swap3A_380], %get3A_377 {strides = array<i32>} : memref<64x64x432xf32, #tpu.memory_space<vmem>>, vector<64x64x16xf32>,
    %get3A_382 = arith.constant 0 : index
    %get3A_383 = arith.constant 0 : index
    %get3A_384 = arith.constant 0 : index
    %get3A_385 = arith.constant 67 : index
    %get3A_386 = vector.load %arg3[%get3A_382, %get3A_383, %get3A_384, %get3A_385] : memref<1x65x65x68xf32, #tpu.memory_space<vmem>>, vector<1x64x64x1xf32>
    %get3A_387 = vector.shape_cast %get3A_386 : vector<1x64x64x1xf32> to vector<64x64x1xf32>
    %add3A_388 = arith.addf %add3A_371, %get3A_387 : vector<64x64x1xf32>
    %get3A_389 = arith.constant 0 : index
    %get3A_390 = arith.constant 0 : index
    %get3A_391 = arith.constant 1 : index
    %get3A_392 = arith.constant 32 : index
    %get3A_393 = vector.load %arg3[%get3A_389, %get3A_390, %get3A_391, %get3A_392] : memref<1x65x65x68xf32, #tpu.memory_space<vmem>>, vector<1x64x64x16xf32>
    %get3A_394 = vector.shape_cast %get3A_393 : vector<1x64x64x16xf32> to vector<64x64x16xf32>
    %swap3A_395 = arith.constant 0 : index
    %swap3A_396 = arith.constant 0 : index
    %swap3A_397 = arith.constant 368 : index
    %swap3A_398 = vector.load %arg8[%swap3A_395, %swap3A_396, %swap3A_397] : memref<64x64x432xf32, #tpu.memory_space<vmem>>, vector<64x64x16xf32>
    tpu.vector_store %arg8[%swap3A_395, %swap3A_396, %swap3A_397], %get3A_394 {strides = array<i32>} : memref<64x64x432xf32, #tpu.memory_space<vmem>>, vector<64x64x16xf32>,
    %get3A_399 = arith.constant 0 : index
    %get3A_400 = arith.constant 0 : index
    %get3A_401 = arith.constant 1 : index
    %get3A_402 = arith.constant 66 : index
    %get3A_403 = vector.load %arg3[%get3A_399, %get3A_400, %get3A_401, %get3A_402] : memref<1x65x65x68xf32, #tpu.memory_space<vmem>>, vector<1x64x64x1xf32>
    %get3A_404 = vector.shape_cast %get3A_403 : vector<1x64x64x1xf32> to vector<64x64x1xf32>
    %add3A_405 = arith.addf %add3A_388, %get3A_404 : vector<64x64x1xf32>
    %get3A_406 = arith.constant 0 : index
    %get3A_407 = arith.constant 1 : index
    %get3A_408 = arith.constant 0 : index
    %get3A_409 = arith.constant 0 : index
    %get3A_410 = vector.load %arg3[%get3A_406, %get3A_407, %get3A_408, %get3A_409] : memref<1x65x65x68xf32, #tpu.memory_space<vmem>>, vector<1x64x64x16xf32>
    %get3A_411 = vector.shape_cast %get3A_410 : vector<1x64x64x16xf32> to vector<64x64x16xf32>
    %swap3A_412 = arith.constant 0 : index
    %swap3A_413 = arith.constant 0 : index
    %swap3A_414 = arith.constant 384 : index
    %swap3A_415 = vector.load %arg8[%swap3A_412, %swap3A_413, %swap3A_414] : memref<64x64x432xf32, #tpu.memory_space<vmem>>, vector<64x64x16xf32>
    tpu.vector_store %arg8[%swap3A_412, %swap3A_413, %swap3A_414], %get3A_411 {strides = array<i32>} : memref<64x64x432xf32, #tpu.memory_space<vmem>>, vector<64x64x16xf32>,
    %get3A_416 = arith.constant 0 : index
    %get3A_417 = arith.constant 1 : index
    %get3A_418 = arith.constant 0 : index
    %get3A_419 = arith.constant 64 : index
    %get3A_420 = vector.load %arg3[%get3A_416, %get3A_417, %get3A_418, %get3A_419] : memref<1x65x65x68xf32, #tpu.memory_space<vmem>>, vector<1x64x64x1xf32>
    %get3A_421 = vector.shape_cast %get3A_420 : vector<1x64x64x1xf32> to vector<64x64x1xf32>
    %add3A_422 = arith.addf %add3A_405, %get3A_421 : vector<64x64x1xf32>
    %get3A_423 = arith.constant 0 : index
    %get3A_424 = arith.constant 1 : index
    %get3A_425 = arith.constant 0 : index
    %get3A_426 = arith.constant 16 : index
    %get3A_427 = vector.load %arg3[%get3A_423, %get3A_424, %get3A_425, %get3A_426] : memref<1x65x65x68xf32, #tpu.memory_space<vmem>>, vector<1x64x64x16xf32>
    %get3A_428 = vector.shape_cast %get3A_427 : vector<1x64x64x16xf32> to vector<64x64x16xf32>
    %swap3A_429 = arith.constant 0 : index
    %swap3A_430 = arith.constant 0 : index
    %swap3A_431 = arith.constant 400 : index
    %swap3A_432 = vector.load %arg8[%swap3A_429, %swap3A_430, %swap3A_431] : memref<64x64x432xf32, #tpu.memory_space<vmem>>, vector<64x64x16xf32>
    tpu.vector_store %arg8[%swap3A_429, %swap3A_430, %swap3A_431], %get3A_428 {strides = array<i32>} : memref<64x64x432xf32, #tpu.memory_space<vmem>>, vector<64x64x16xf32>,
    %get3A_433 = arith.constant 0 : index
    %get3A_434 = arith.constant 1 : index
    %get3A_435 = arith.constant 0 : index
    %get3A_436 = arith.constant 65 : index
    %get3A_437 = vector.load %arg3[%get3A_433, %get3A_434, %get3A_435, %get3A_436] : memref<1x65x65x68xf32, #tpu.memory_space<vmem>>, vector<1x64x64x1xf32>
    %get3A_438 = vector.shape_cast %get3A_437 : vector<1x64x64x1xf32> to vector<64x64x1xf32>
    %add3A_439 = arith.addf %add3A_422, %get3A_438 : vector<64x64x1xf32>
    %get3A_440 = arith.constant 0 : index
    %get3A_441 = arith.constant 1 : index
    %get3A_442 = arith.constant 1 : index
    %get3A_443 = arith.constant 0 : index
    %get3A_444 = vector.load %arg3[%get3A_440, %get3A_441, %get3A_442, %get3A_443] : memref<1x65x65x68xf32, #tpu.memory_space<vmem>>, vector<1x64x64x16xf32>
    %get3A_445 = vector.shape_cast %get3A_444 : vector<1x64x64x16xf32> to vector<64x64x16xf32>
    %swap3A_446 = arith.constant 0 : index
    %swap3A_447 = arith.constant 0 : index
    %swap3A_448 = arith.constant 416 : index
    %swap3A_449 = vector.load %arg8[%swap3A_446, %swap3A_447, %swap3A_448] : memref<64x64x432xf32, #tpu.memory_space<vmem>>, vector<64x64x16xf32>
    tpu.vector_store %arg8[%swap3A_446, %swap3A_447, %swap3A_448], %get3A_445 {strides = array<i32>} : memref<64x64x432xf32, #tpu.memory_space<vmem>>, vector<64x64x16xf32>,
    %get3A_450 = arith.constant 0 : index
    %get3A_451 = arith.constant 1 : index
    %get3A_452 = arith.constant 1 : index
    %get3A_453 = arith.constant 64 : index
    %get3A_454 = vector.load %arg3[%get3A_450, %get3A_451, %get3A_452, %get3A_453] : memref<1x65x65x68xf32, #tpu.memory_space<vmem>>, vector<1x64x64x1xf32>
    %get3A_455 = vector.shape_cast %get3A_454 : vector<1x64x64x1xf32> to vector<64x64x1xf32>
    %add3A_456 = arith.addf %add3A_439, %get3A_455 : vector<64x64x1xf32>
    %get3A_457 = arith.constant 0 : index
    %get3A_458 = arith.constant 0 : index
    %get3A_459 = arith.constant 0 : index
    %get3A_460 = vector.load %arg8[%get3A_457, %get3A_458, %get3A_459] : memref<64x64x432xf32, #tpu.memory_space<vmem>>, vector<64x64x432xf32>
    %reshape3A = vector.shape_cast %get3A_460 : vector<64x64x432xf32> to vector<4096x432xf32>
    %gt3A = arith.constant 0.000000e+00 : f32
    %gt3A_461 = vector.broadcast %gt3A : f32 to vector<64x64x1xf32>
    %gt3A_462 = arith.cmpf ogt, %add3A_456, %gt3A_461 : vector<64x64x1xf32>
    %convert_element_type3A = arith.extui %gt3A_462 : vector<64x64x1xi1> to vector<64x64x1xi32>
    %convert_element_type3A_463 = arith.sitofp %convert_element_type3A : vector<64x64x1xi32> to vector<64x64x1xf32>
    %reshape3A_464 = vector.shape_cast %convert_element_type3A_463 : vector<64x64x1xf32> to vector<4096x1xf32>
    %slice3A = vector.extract_strided_slice %reshape3A {offsets = [0, 0], sizes = [512, 432], strides = [1, 1]} : vector<4096x432xf32> to vector<512x432xf32>
    %get3A_465 = arith.constant 0 : index
    %get3A_466 = arith.constant 0 : index
    %get3A_467 = vector.load %arg4[%get3A_465, %get3A_466] : memref<432x32xf32, #tpu.memory_space<vmem>>, vector<432x32xf32>
    %dot_general3A = arith.constant dense<0.000000e+00> : vector<512x32xf32>
    %dot_general3A_468 = tpu.matmul %slice3A, %get3A_467, %dot_general3A {dimension_numbers = #tpu.dot_dimension_numbers<[1], [0], [0], [1], [0, 0, 1, 1], [], []>, precision = #tpu.contract_precision<fp32>, transpose_lhs_hint = false} : vector<512x432xf32>, vector<432x32xf32>, vector<512x32xf32> -> vector<512x32xf32>
    %get3A_469 = arith.constant 0 : index
    %get3A_470 = arith.constant 0 : index
    %get3A_471 = vector.load %arg5[%get3A_469, %get3A_470] : memref<1x32xf32, #tpu.memory_space<vmem>>, vector<1x32xf32>
    %add3A_472 = vector.broadcast %get3A_471 : vector<1x32xf32> to vector<512x32xf32>
    %add3A_473 = arith.addf %dot_general3A_468, %add3A_472 : vector<512x32xf32>
    %max3A = arith.constant 0.000000e+00 : f32
    %max3A_474 = vector.broadcast %max3A : f32 to vector<512x32xf32>
    %max3A_475 = arith.maximumf %add3A_473, %max3A_474 : vector<512x32xf32>
    %slice3A_476 = vector.extract_strided_slice %reshape3A_464 {offsets = [0, 0], sizes = [512, 1], strides = [1, 1]} : vector<4096x1xf32> to vector<512x1xf32>
    %mul3A = vector.broadcast %slice3A_476 : vector<512x1xf32> to vector<512x32xf32>
    %mul3A_477 = arith.mulf %max3A_475, %mul3A : vector<512x32xf32>
    %swap3A_478 = arith.constant 0 : index
    %swap3A_479 = arith.constant 0 : index
    %swap3A_480 = arith.constant 0 : index
    %swap3A_481 = vector.load %arg6[%swap3A_478, %swap3A_479, %swap3A_480] : memref<1x4096x32xf32, #tpu.memory_space<vmem>>, vector<1x512x32xf32>
    %swap3A_482 = vector.shape_cast %swap3A_481 : vector<1x512x32xf32> to vector<512x32xf32>
    %swap3A_483 = vector.shape_cast %mul3A_477 : vector<512x32xf32> to vector<1x512x32xf32>
    tpu.vector_store %arg6[%swap3A_478, %swap3A_479, %swap3A_480], %swap3A_483 {strides = array<i32>} : memref<1x4096x32xf32, #tpu.memory_space<vmem>>, vector<1x512x32xf32>,
    %slice3A_484 = vector.extract_strided_slice %reshape3A {offsets = [512, 0], sizes = [512, 432], strides = [1, 1]} : vector<4096x432xf32> to vector<512x432xf32>
    %get3A_485 = arith.constant 0 : index
    %get3A_486 = arith.constant 0 : index
    %get3A_487 = vector.load %arg4[%get3A_485, %get3A_486] : memref<432x32xf32, #tpu.memory_space<vmem>>, vector<432x32xf32>
    %dot_general3A_488 = arith.constant dense<0.000000e+00> : vector<512x32xf32>
    %dot_general3A_489 = tpu.matmul %slice3A_484, %get3A_487, %dot_general3A_488 {dimension_numbers = #tpu.dot_dimension_numbers<[1], [0], [0], [1], [0, 0, 1, 1], [], []>, precision = #tpu.contract_precision<fp32>, transpose_lhs_hint = false} : vector<512x432xf32>, vector<432x32xf32>, vector<512x32xf32> -> vector<512x32xf32>
    %get3A_490 = arith.constant 0 : index
    %get3A_491 = arith.constant 0 : index
    %get3A_492 = vector.load %arg5[%get3A_490, %get3A_491] : memref<1x32xf32, #tpu.memory_space<vmem>>, vector<1x32xf32>
    %add3A_493 = vector.broadcast %get3A_492 : vector<1x32xf32> to vector<512x32xf32>
    %add3A_494 = arith.addf %dot_general3A_489, %add3A_493 : vector<512x32xf32>
    %max3A_495 = arith.constant 0.000000e+00 : f32
    %max3A_496 = vector.broadcast %max3A_495 : f32 to vector<512x32xf32>
    %max3A_497 = arith.maximumf %add3A_494, %max3A_496 : vector<512x32xf32>
    %slice3A_498 = vector.extract_strided_slice %reshape3A_464 {offsets = [512, 0], sizes = [512, 1], strides = [1, 1]} : vector<4096x1xf32> to vector<512x1xf32>
    %mul3A_499 = vector.broadcast %slice3A_498 : vector<512x1xf32> to vector<512x32xf32>
    %mul3A_500 = arith.mulf %max3A_497, %mul3A_499 : vector<512x32xf32>
    %swap3A_501 = arith.constant 0 : index
    %swap3A_502 = arith.constant 512 : index
    %swap3A_503 = arith.constant 0 : index
    %swap3A_504 = vector.load %arg6[%swap3A_501, %swap3A_502, %swap3A_503] : memref<1x4096x32xf32, #tpu.memory_space<vmem>>, vector<1x512x32xf32>
    %swap3A_505 = vector.shape_cast %swap3A_504 : vector<1x512x32xf32> to vector<512x32xf32>
    %swap3A_506 = vector.shape_cast %mul3A_500 : vector<512x32xf32> to vector<1x512x32xf32>
    tpu.vector_store %arg6[%swap3A_501, %swap3A_502, %swap3A_503], %swap3A_506 {strides = array<i32>} : memref<1x4096x32xf32, #tpu.memory_space<vmem>>, vector<1x512x32xf32>,
    %slice3A_507 = vector.extract_strided_slice %reshape3A {offsets = [1024, 0], sizes = [512, 432], strides = [1, 1]} : vector<4096x432xf32> to vector<512x432xf32>
    %get3A_508 = arith.constant 0 : index
    %get3A_509 = arith.constant 0 : index
    %get3A_510 = vector.load %arg4[%get3A_508, %get3A_509] : memref<432x32xf32, #tpu.memory_space<vmem>>, vector<432x32xf32>
    %dot_general3A_511 = arith.constant dense<0.000000e+00> : vector<512x32xf32>
    %dot_general3A_512 = tpu.matmul %slice3A_507, %get3A_510, %dot_general3A_511 {dimension_numbers = #tpu.dot_dimension_numbers<[1], [0], [0], [1], [0, 0, 1, 1], [], []>, precision = #tpu.contract_precision<fp32>, transpose_lhs_hint = false} : vector<512x432xf32>, vector<432x32xf32>, vector<512x32xf32> -> vector<512x32xf32>
    %get3A_513 = arith.constant 0 : index
    %get3A_514 = arith.constant 0 : index
    %get3A_515 = vector.load %arg5[%get3A_513, %get3A_514] : memref<1x32xf32, #tpu.memory_space<vmem>>, vector<1x32xf32>
    %add3A_516 = vector.broadcast %get3A_515 : vector<1x32xf32> to vector<512x32xf32>
    %add3A_517 = arith.addf %dot_general3A_512, %add3A_516 : vector<512x32xf32>
    %max3A_518 = arith.constant 0.000000e+00 : f32
    %max3A_519 = vector.broadcast %max3A_518 : f32 to vector<512x32xf32>
    %max3A_520 = arith.maximumf %add3A_517, %max3A_519 : vector<512x32xf32>
    %slice3A_521 = vector.extract_strided_slice %reshape3A_464 {offsets = [1024, 0], sizes = [512, 1], strides = [1, 1]} : vector<4096x1xf32> to vector<512x1xf32>
    %mul3A_522 = vector.broadcast %slice3A_521 : vector<512x1xf32> to vector<512x32xf32>
    %mul3A_523 = arith.mulf %max3A_520, %mul3A_522 : vector<512x32xf32>
    %swap3A_524 = arith.constant 0 : index
    %swap3A_525 = arith.constant 1024 : index
    %swap3A_526 = arith.constant 0 : index
    %swap3A_527 = vector.load %arg6[%swap3A_524, %swap3A_525, %swap3A_526] : memref<1x4096x32xf32, #tpu.memory_space<vmem>>, vector<1x512x32xf32>
    %swap3A_528 = vector.shape_cast %swap3A_527 : vector<1x512x32xf32> to vector<512x32xf32>
    %swap3A_529 = vector.shape_cast %mul3A_523 : vector<512x32xf32> to vector<1x512x32xf32>
    tpu.vector_store %arg6[%swap3A_524, %swap3A_525, %swap3A_526], %swap3A_529 {strides = array<i32>} : memref<1x4096x32xf32, #tpu.memory_space<vmem>>, vector<1x512x32xf32>,
    %slice3A_530 = vector.extract_strided_slice %reshape3A {offsets = [1536, 0], sizes = [512, 432], strides = [1, 1]} : vector<4096x432xf32> to vector<512x432xf32>
    %get3A_531 = arith.constant 0 : index
    %get3A_532 = arith.constant 0 : index
    %get3A_533 = vector.load %arg4[%get3A_531, %get3A_532] : memref<432x32xf32, #tpu.memory_space<vmem>>, vector<432x32xf32>
    %dot_general3A_534 = arith.constant dense<0.000000e+00> : vector<512x32xf32>
    %dot_general3A_535 = tpu.matmul %slice3A_530, %get3A_533, %dot_general3A_534 {dimension_numbers = #tpu.dot_dimension_numbers<[1], [0], [0], [1], [0, 0, 1, 1], [], []>, precision = #tpu.contract_precision<fp32>, transpose_lhs_hint = false} : vector<512x432xf32>, vector<432x32xf32>, vector<512x32xf32> -> vector<512x32xf32>
    %get3A_536 = arith.constant 0 : index
    %get3A_537 = arith.constant 0 : index
    %get3A_538 = vector.load %arg5[%get3A_536, %get3A_537] : memref<1x32xf32, #tpu.memory_space<vmem>>, vector<1x32xf32>
    %add3A_539 = vector.broadcast %get3A_538 : vector<1x32xf32> to vector<512x32xf32>
    %add3A_540 = arith.addf %dot_general3A_535, %add3A_539 : vector<512x32xf32>
    %max3A_541 = arith.constant 0.000000e+00 : f32
    %max3A_542 = vector.broadcast %max3A_541 : f32 to vector<512x32xf32>
    %max3A_543 = arith.maximumf %add3A_540, %max3A_542 : vector<512x32xf32>
    %slice3A_544 = vector.extract_strided_slice %reshape3A_464 {offsets = [1536, 0], sizes = [512, 1], strides = [1, 1]} : vector<4096x1xf32> to vector<512x1xf32>
    %mul3A_545 = vector.broadcast %slice3A_544 : vector<512x1xf32> to vector<512x32xf32>
    %mul3A_546 = arith.mulf %max3A_543, %mul3A_545 : vector<512x32xf32>
    %swap3A_547 = arith.constant 0 : index
    %swap3A_548 = arith.constant 1536 : index
    %swap3A_549 = arith.constant 0 : index
    %swap3A_550 = vector.load %arg6[%swap3A_547, %swap3A_548, %swap3A_549] : memref<1x4096x32xf32, #tpu.memory_space<vmem>>, vector<1x512x32xf32>
    %swap3A_551 = vector.shape_cast %swap3A_550 : vector<1x512x32xf32> to vector<512x32xf32>
    %swap3A_552 = vector.shape_cast %mul3A_546 : vector<512x32xf32> to vector<1x512x32xf32>
    tpu.vector_store %arg6[%swap3A_547, %swap3A_548, %swap3A_549], %swap3A_552 {strides = array<i32>} : memref<1x4096x32xf32, #tpu.memory_space<vmem>>, vector<1x512x32xf32>,
    %slice3A_553 = vector.extract_strided_slice %reshape3A {offsets = [2048, 0], sizes = [512, 432], strides = [1, 1]} : vector<4096x432xf32> to vector<512x432xf32>
    %get3A_554 = arith.constant 0 : index
    %get3A_555 = arith.constant 0 : index
    %get3A_556 = vector.load %arg4[%get3A_554, %get3A_555] : memref<432x32xf32, #tpu.memory_space<vmem>>, vector<432x32xf32>
    %dot_general3A_557 = arith.constant dense<0.000000e+00> : vector<512x32xf32>
    %dot_general3A_558 = tpu.matmul %slice3A_553, %get3A_556, %dot_general3A_557 {dimension_numbers = #tpu.dot_dimension_numbers<[1], [0], [0], [1], [0, 0, 1, 1], [], []>, precision = #tpu.contract_precision<fp32>, transpose_lhs_hint = false} : vector<512x432xf32>, vector<432x32xf32>, vector<512x32xf32> -> vector<512x32xf32>
    %get3A_559 = arith.constant 0 : index
    %get3A_560 = arith.constant 0 : index
    %get3A_561 = vector.load %arg5[%get3A_559, %get3A_560] : memref<1x32xf32, #tpu.memory_space<vmem>>, vector<1x32xf32>
    %add3A_562 = vector.broadcast %get3A_561 : vector<1x32xf32> to vector<512x32xf32>
    %add3A_563 = arith.addf %dot_general3A_558, %add3A_562 : vector<512x32xf32>
    %max3A_564 = arith.constant 0.000000e+00 : f32
    %max3A_565 = vector.broadcast %max3A_564 : f32 to vector<512x32xf32>
    %max3A_566 = arith.maximumf %add3A_563, %max3A_565 : vector<512x32xf32>
    %slice3A_567 = vector.extract_strided_slice %reshape3A_464 {offsets = [2048, 0], sizes = [512, 1], strides = [1, 1]} : vector<4096x1xf32> to vector<512x1xf32>
    %mul3A_568 = vector.broadcast %slice3A_567 : vector<512x1xf32> to vector<512x32xf32>
    %mul3A_569 = arith.mulf %max3A_566, %mul3A_568 : vector<512x32xf32>
    %swap3A_570 = arith.constant 0 : index
    %swap3A_571 = arith.constant 2048 : index
    %swap3A_572 = arith.constant 0 : index
    %swap3A_573 = vector.load %arg6[%swap3A_570, %swap3A_571, %swap3A_572] : memref<1x4096x32xf32, #tpu.memory_space<vmem>>, vector<1x512x32xf32>
    %swap3A_574 = vector.shape_cast %swap3A_573 : vector<1x512x32xf32> to vector<512x32xf32>
    %swap3A_575 = vector.shape_cast %mul3A_569 : vector<512x32xf32> to vector<1x512x32xf32>
    tpu.vector_store %arg6[%swap3A_570, %swap3A_571, %swap3A_572], %swap3A_575 {strides = array<i32>} : memref<1x4096x32xf32, #tpu.memory_space<vmem>>, vector<1x512x32xf32>,
    %slice3A_576 = vector.extract_strided_slice %reshape3A {offsets = [2560, 0], sizes = [512, 432], strides = [1, 1]} : vector<4096x432xf32> to vector<512x432xf32>
    %get3A_577 = arith.constant 0 : index
    %get3A_578 = arith.constant 0 : index
    %get3A_579 = vector.load %arg4[%get3A_577, %get3A_578] : memref<432x32xf32, #tpu.memory_space<vmem>>, vector<432x32xf32>
    %dot_general3A_580 = arith.constant dense<0.000000e+00> : vector<512x32xf32>
    %dot_general3A_581 = tpu.matmul %slice3A_576, %get3A_579, %dot_general3A_580 {dimension_numbers = #tpu.dot_dimension_numbers<[1], [0], [0], [1], [0, 0, 1, 1], [], []>, precision = #tpu.contract_precision<fp32>, transpose_lhs_hint = false} : vector<512x432xf32>, vector<432x32xf32>, vector<512x32xf32> -> vector<512x32xf32>
    %get3A_582 = arith.constant 0 : index
    %get3A_583 = arith.constant 0 : index
    %get3A_584 = vector.load %arg5[%get3A_582, %get3A_583] : memref<1x32xf32, #tpu.memory_space<vmem>>, vector<1x32xf32>
    %add3A_585 = vector.broadcast %get3A_584 : vector<1x32xf32> to vector<512x32xf32>
    %add3A_586 = arith.addf %dot_general3A_581, %add3A_585 : vector<512x32xf32>
    %max3A_587 = arith.constant 0.000000e+00 : f32
    %max3A_588 = vector.broadcast %max3A_587 : f32 to vector<512x32xf32>
    %max3A_589 = arith.maximumf %add3A_586, %max3A_588 : vector<512x32xf32>
    %slice3A_590 = vector.extract_strided_slice %reshape3A_464 {offsets = [2560, 0], sizes = [512, 1], strides = [1, 1]} : vector<4096x1xf32> to vector<512x1xf32>
    %mul3A_591 = vector.broadcast %slice3A_590 : vector<512x1xf32> to vector<512x32xf32>
    %mul3A_592 = arith.mulf %max3A_589, %mul3A_591 : vector<512x32xf32>
    %swap3A_593 = arith.constant 0 : index
    %swap3A_594 = arith.constant 2560 : index
    %swap3A_595 = arith.constant 0 : index
    %swap3A_596 = vector.load %arg6[%swap3A_593, %swap3A_594, %swap3A_595] : memref<1x4096x32xf32, #tpu.memory_space<vmem>>, vector<1x512x32xf32>
    %swap3A_597 = vector.shape_cast %swap3A_596 : vector<1x512x32xf32> to vector<512x32xf32>
    %swap3A_598 = vector.shape_cast %mul3A_592 : vector<512x32xf32> to vector<1x512x32xf32>
    tpu.vector_store %arg6[%swap3A_593, %swap3A_594, %swap3A_595], %swap3A_598 {strides = array<i32>} : memref<1x4096x32xf32, #tpu.memory_space<vmem>>, vector<1x512x32xf32>,
    %slice3A_599 = vector.extract_strided_slice %reshape3A {offsets = [3072, 0], sizes = [512, 432], strides = [1, 1]} : vector<4096x432xf32> to vector<512x432xf32>
    %get3A_600 = arith.constant 0 : index
    %get3A_601 = arith.constant 0 : index
    %get3A_602 = vector.load %arg4[%get3A_600, %get3A_601] : memref<432x32xf32, #tpu.memory_space<vmem>>, vector<432x32xf32>
    %dot_general3A_603 = arith.constant dense<0.000000e+00> : vector<512x32xf32>
    %dot_general3A_604 = tpu.matmul %slice3A_599, %get3A_602, %dot_general3A_603 {dimension_numbers = #tpu.dot_dimension_numbers<[1], [0], [0], [1], [0, 0, 1, 1], [], []>, precision = #tpu.contract_precision<fp32>, transpose_lhs_hint = false} : vector<512x432xf32>, vector<432x32xf32>, vector<512x32xf32> -> vector<512x32xf32>
    %get3A_605 = arith.constant 0 : index
    %get3A_606 = arith.constant 0 : index
    %get3A_607 = vector.load %arg5[%get3A_605, %get3A_606] : memref<1x32xf32, #tpu.memory_space<vmem>>, vector<1x32xf32>
    %add3A_608 = vector.broadcast %get3A_607 : vector<1x32xf32> to vector<512x32xf32>
    %add3A_609 = arith.addf %dot_general3A_604, %add3A_608 : vector<512x32xf32>
    %max3A_610 = arith.constant 0.000000e+00 : f32
    %max3A_611 = vector.broadcast %max3A_610 : f32 to vector<512x32xf32>
    %max3A_612 = arith.maximumf %add3A_609, %max3A_611 : vector<512x32xf32>
    %slice3A_613 = vector.extract_strided_slice %reshape3A_464 {offsets = [3072, 0], sizes = [512, 1], strides = [1, 1]} : vector<4096x1xf32> to vector<512x1xf32>
    %mul3A_614 = vector.broadcast %slice3A_613 : vector<512x1xf32> to vector<512x32xf32>
    %mul3A_615 = arith.mulf %max3A_612, %mul3A_614 : vector<512x32xf32>
    %swap3A_616 = arith.constant 0 : index
    %swap3A_617 = arith.constant 3072 : index
    %swap3A_618 = arith.constant 0 : index
    %swap3A_619 = vector.load %arg6[%swap3A_616, %swap3A_617, %swap3A_618] : memref<1x4096x32xf32, #tpu.memory_space<vmem>>, vector<1x512x32xf32>
    %swap3A_620 = vector.shape_cast %swap3A_619 : vector<1x512x32xf32> to vector<512x32xf32>
    %swap3A_621 = vector.shape_cast %mul3A_615 : vector<512x32xf32> to vector<1x512x32xf32>
    tpu.vector_store %arg6[%swap3A_616, %swap3A_617, %swap3A_618], %swap3A_621 {strides = array<i32>} : memref<1x4096x32xf32, #tpu.memory_space<vmem>>, vector<1x512x32xf32>,
    %slice3A_622 = vector.extract_strided_slice %reshape3A {offsets = [3584, 0], sizes = [512, 432], strides = [1, 1]} : vector<4096x432xf32> to vector<512x432xf32>
    %get3A_623 = arith.constant 0 : index
    %get3A_624 = arith.constant 0 : index
    %get3A_625 = vector.load %arg4[%get3A_623, %get3A_624] : memref<432x32xf32, #tpu.memory_space<vmem>>, vector<432x32xf32>
    %dot_general3A_626 = arith.constant dense<0.000000e+00> : vector<512x32xf32>
    %dot_general3A_627 = tpu.matmul %slice3A_622, %get3A_625, %dot_general3A_626 {dimension_numbers = #tpu.dot_dimension_numbers<[1], [0], [0], [1], [0, 0, 1, 1], [], []>, precision = #tpu.contract_precision<fp32>, transpose_lhs_hint = false} : vector<512x432xf32>, vector<432x32xf32>, vector<512x32xf32> -> vector<512x32xf32>
    %get3A_628 = arith.constant 0 : index
    %get3A_629 = arith.constant 0 : index
    %get3A_630 = vector.load %arg5[%get3A_628, %get3A_629] : memref<1x32xf32, #tpu.memory_space<vmem>>, vector<1x32xf32>
    %add3A_631 = vector.broadcast %get3A_630 : vector<1x32xf32> to vector<512x32xf32>
    %add3A_632 = arith.addf %dot_general3A_627, %add3A_631 : vector<512x32xf32>
    %max3A_633 = arith.constant 0.000000e+00 : f32
    %max3A_634 = vector.broadcast %max3A_633 : f32 to vector<512x32xf32>
    %max3A_635 = arith.maximumf %add3A_632, %max3A_634 : vector<512x32xf32>
    %slice3A_636 = vector.extract_strided_slice %reshape3A_464 {offsets = [3584, 0], sizes = [512, 1], strides = [1, 1]} : vector<4096x1xf32> to vector<512x1xf32>
    %mul3A_637 = vector.broadcast %slice3A_636 : vector<512x1xf32> to vector<512x32xf32>
    %mul3A_638 = arith.mulf %max3A_635, %mul3A_637 : vector<512x32xf32>
    %swap3A_639 = arith.constant 0 : index
    %swap3A_640 = arith.constant 3584 : index
    %swap3A_641 = arith.constant 0 : index
    %swap3A_642 = vector.load %arg6[%swap3A_639, %swap3A_640, %swap3A_641] : memref<1x4096x32xf32, #tpu.memory_space<vmem>>, vector<1x512x32xf32>
    %swap3A_643 = vector.shape_cast %swap3A_642 : vector<1x512x32xf32> to vector<512x32xf32>
    %swap3A_644 = vector.shape_cast %mul3A_638 : vector<512x32xf32> to vector<1x512x32xf32>
    tpu.vector_store %arg6[%swap3A_639, %swap3A_640, %swap3A_641], %swap3A_644 {strides = array<i32>} : memref<1x4096x32xf32, #tpu.memory_space<vmem>>, vector<1x512x32xf32>,
    %swap3A_645 = arith.constant 0 : index
    %swap3A_646 = arith.constant 0 : index
    %swap3A_647 = arith.constant 0 : index
    %swap3A_648 = vector.load %arg7[%swap3A_645, %swap3A_646, %swap3A_647] : memref<1x4096x1xf32, #tpu.memory_space<vmem>>, vector<1x4096x1xf32>
    %swap3A_649 = vector.shape_cast %swap3A_648 : vector<1x4096x1xf32> to vector<4096x1xf32>
    %swap3A_650 = vector.shape_cast %reshape3A_464 : vector<4096x1xf32> to vector<1x4096x1xf32>
    tpu.vector_store %arg7[%swap3A_645, %swap3A_646, %swap3A_647], %swap3A_650 {strides = array<i32>} : memref<1x4096x1xf32, #tpu.memory_space<vmem>>, vector<1x4096x1xf32>,
    return
  }
  func.func @transform_0(%arg0: i32) -> (i32, i32, i32, i32) {
    %mul3A = arith.constant 2 : i32
    %mul3A_0 = arith.muli %mul3A, %arg0 : i32
    %add3A = arith.constant 0 : i32
    %add3A_1 = arith.addi %mul3A_0, %add3A : i32
    %c0_i32 = arith.constant 0 : i32
    %c0_i32_2 = arith.constant 0 : i32
    %c0_i32_3 = arith.constant 0 : i32
    %c0_i32_4 = arith.constant 0 : i32
    return %add3A_1, %c0_i32, %c0_i32_2, %c0_i32_3 : i32, i32, i32, i32
  }
  func.func @transform_1(%arg0: i32) -> (i32, i32, i32, i32) {
    %mul3A = arith.constant 2 : i32
    %mul3A_0 = arith.muli %mul3A, %arg0 : i32
    %add3A = arith.constant 1 : i32
    %add3A_1 = arith.addi %mul3A_0, %add3A : i32
    %c0_i32 = arith.constant 0 : i32
    %c0_i32_2 = arith.constant 0 : i32
    %c0_i32_3 = arith.constant 0 : i32
    %c0_i32_4 = arith.constant 0 : i32
    return %add3A_1, %c0_i32, %c0_i32_2, %c0_i32_3 : i32, i32, i32, i32
  }
  func.func @transform_2(%arg0: i32) -> (i32, i32, i32, i32) {
    %mul3A = arith.constant 2 : i32
    %mul3A_0 = arith.muli %mul3A, %arg0 : i32
    %add3A = arith.constant 2 : i32
    %add3A_1 = arith.addi %mul3A_0, %add3A : i32
    %c0_i32 = arith.constant 0 : i32
    %c0_i32_2 = arith.constant 0 : i32
    %c0_i32_3 = arith.constant 0 : i32
    %c0_i32_4 = arith.constant 0 : i32
    return %add3A_1, %c0_i32, %c0_i32_2, %c0_i32_3 : i32, i32, i32, i32
  }
  func.func @transform_3(%arg0: i32) -> (i32, i32) {
    %c0_i32 = arith.constant 0 : i32
    %c0_i32_0 = arith.constant 0 : i32
    %c0_i32_1 = arith.constant 0 : i32
    return %c0_i32, %c0_i32_0 : i32, i32
  }
  func.func @transform_4(%arg0: i32) -> (i32, i32) {
    %c0_i32 = arith.constant 0 : i32
    %c0_i32_0 = arith.constant 0 : i32
    %c0_i32_1 = arith.constant 0 : i32
    return %c0_i32, %c0_i32_0 : i32, i32
  }
  func.func @transform_5(%arg0: i32) -> (i32, i32, i32) {
    %c0_i32 = arith.constant 0 : i32
    %c0_i32_0 = arith.constant 0 : i32
    %c0_i32_1 = arith.constant 0 : i32
    return %arg0, %c0_i32, %c0_i32_0 : i32, i32, i32
  }
  func.func @transform_6(%arg0: i32) -> (i32, i32, i32) {
    %c0_i32 = arith.constant 0 : i32
    %c0_i32_0 = arith.constant 0 : i32
    %c0_i32_1 = arith.constant 0 : i32
    return %arg0, %c0_i32, %c0_i32_0 : i32, i32, i32
  }
}

module attributes {stable_mosaic.version = 14 : i64} {
  func.func @tc_subm3(%arg0: i32, %arg1: memref<1x66x66x32xf32, #tpu.memory_space<vmem>>, %arg2: memref<1x66x66x32xf32, #tpu.memory_space<vmem>>, %arg3: memref<1x66x66x32xf32, #tpu.memory_space<vmem>>, %arg4: memref<1x4096x1xf32, #tpu.memory_space<vmem>>, %arg5: memref<864x32xf32, #tpu.memory_space<vmem>>, %arg6: memref<1x32xf32, #tpu.memory_space<vmem>>, %arg7: memref<1x4096x32xf32, #tpu.memory_space<vmem>>, %arg8: memref<64x64x864xf32, #tpu.memory_space<vmem>>) attributes {dimension_semantics = [#tpu.dimension_semantics<arbitrary>], iteration_bounds = array<i64: 21>, scalar_prefetch = 0 : i64, scratch_operands = 1 : i64, tpu.core_type = #tpu.core_type<tc>, window_params = [{transform_indices = @transform_0, window_bounds = array<i64: 1, 66, 66, 32>}, {transform_indices = @transform_1, window_bounds = array<i64: 1, 66, 66, 32>}, {transform_indices = @transform_2, window_bounds = array<i64: 1, 66, 66, 32>}, {transform_indices = @transform_3, window_bounds = array<i64: 1, 4096, 1>}, {pipeline_mode = #tpu.pipeline_mode<synchronous>, transform_indices = @transform_4, window_bounds = array<i64: 864, 32>}, {pipeline_mode = #tpu.pipeline_mode<synchronous>, transform_indices = @transform_5, window_bounds = array<i64: 1, 32>}, {transform_indices = @transform_6, window_bounds = array<i64: 1, 4096, 32>}]} {
    %get3A = arith.constant 0 : index
    %get3A_0 = arith.constant 0 : index
    %get3A_1 = arith.constant 0 : index
    %get3A_2 = arith.constant 0 : index
    %get3A_3 = vector.load %arg1[%get3A, %get3A_0, %get3A_1, %get3A_2] : memref<1x66x66x32xf32, #tpu.memory_space<vmem>>, vector<1x64x64x32xf32>
    %get3A_4 = vector.shape_cast %get3A_3 : vector<1x64x64x32xf32> to vector<64x64x32xf32>
    %swap3A = arith.constant 0 : index
    %swap3A_5 = arith.constant 0 : index
    %swap3A_6 = arith.constant 0 : index
    %swap3A_7 = vector.load %arg8[%swap3A, %swap3A_5, %swap3A_6] : memref<64x64x864xf32, #tpu.memory_space<vmem>>, vector<64x64x32xf32>
    tpu.vector_store %arg8[%swap3A, %swap3A_5, %swap3A_6], %get3A_4 {strides = array<i32>} : memref<64x64x864xf32, #tpu.memory_space<vmem>>, vector<64x64x32xf32>,
    %get3A_8 = arith.constant 0 : index
    %get3A_9 = arith.constant 0 : index
    %get3A_10 = arith.constant 1 : index
    %get3A_11 = arith.constant 0 : index
    %get3A_12 = vector.load %arg1[%get3A_8, %get3A_9, %get3A_10, %get3A_11] : memref<1x66x66x32xf32, #tpu.memory_space<vmem>>, vector<1x64x64x32xf32>
    %get3A_13 = vector.shape_cast %get3A_12 : vector<1x64x64x32xf32> to vector<64x64x32xf32>
    %swap3A_14 = arith.constant 0 : index
    %swap3A_15 = arith.constant 0 : index
    %swap3A_16 = arith.constant 32 : index
    %swap3A_17 = vector.load %arg8[%swap3A_14, %swap3A_15, %swap3A_16] : memref<64x64x864xf32, #tpu.memory_space<vmem>>, vector<64x64x32xf32>
    tpu.vector_store %arg8[%swap3A_14, %swap3A_15, %swap3A_16], %get3A_13 {strides = array<i32>} : memref<64x64x864xf32, #tpu.memory_space<vmem>>, vector<64x64x32xf32>,
    %get3A_18 = arith.constant 0 : index
    %get3A_19 = arith.constant 0 : index
    %get3A_20 = arith.constant 2 : index
    %get3A_21 = arith.constant 0 : index
    %get3A_22 = vector.load %arg1[%get3A_18, %get3A_19, %get3A_20, %get3A_21] : memref<1x66x66x32xf32, #tpu.memory_space<vmem>>, vector<1x64x64x32xf32>
    %get3A_23 = vector.shape_cast %get3A_22 : vector<1x64x64x32xf32> to vector<64x64x32xf32>
    %swap3A_24 = arith.constant 0 : index
    %swap3A_25 = arith.constant 0 : index
    %swap3A_26 = arith.constant 64 : index
    %swap3A_27 = vector.load %arg8[%swap3A_24, %swap3A_25, %swap3A_26] : memref<64x64x864xf32, #tpu.memory_space<vmem>>, vector<64x64x32xf32>
    tpu.vector_store %arg8[%swap3A_24, %swap3A_25, %swap3A_26], %get3A_23 {strides = array<i32>} : memref<64x64x864xf32, #tpu.memory_space<vmem>>, vector<64x64x32xf32>,
    %get3A_28 = arith.constant 0 : index
    %get3A_29 = arith.constant 1 : index
    %get3A_30 = arith.constant 0 : index
    %get3A_31 = arith.constant 0 : index
    %get3A_32 = vector.load %arg1[%get3A_28, %get3A_29, %get3A_30, %get3A_31] : memref<1x66x66x32xf32, #tpu.memory_space<vmem>>, vector<1x64x64x32xf32>
    %get3A_33 = vector.shape_cast %get3A_32 : vector<1x64x64x32xf32> to vector<64x64x32xf32>
    %swap3A_34 = arith.constant 0 : index
    %swap3A_35 = arith.constant 0 : index
    %swap3A_36 = arith.constant 96 : index
    %swap3A_37 = vector.load %arg8[%swap3A_34, %swap3A_35, %swap3A_36] : memref<64x64x864xf32, #tpu.memory_space<vmem>>, vector<64x64x32xf32>
    tpu.vector_store %arg8[%swap3A_34, %swap3A_35, %swap3A_36], %get3A_33 {strides = array<i32>} : memref<64x64x864xf32, #tpu.memory_space<vmem>>, vector<64x64x32xf32>,
    %get3A_38 = arith.constant 0 : index
    %get3A_39 = arith.constant 1 : index
    %get3A_40 = arith.constant 1 : index
    %get3A_41 = arith.constant 0 : index
    %get3A_42 = vector.load %arg1[%get3A_38, %get3A_39, %get3A_40, %get3A_41] : memref<1x66x66x32xf32, #tpu.memory_space<vmem>>, vector<1x64x64x32xf32>
    %get3A_43 = vector.shape_cast %get3A_42 : vector<1x64x64x32xf32> to vector<64x64x32xf32>
    %swap3A_44 = arith.constant 0 : index
    %swap3A_45 = arith.constant 0 : index
    %swap3A_46 = arith.constant 128 : index
    %swap3A_47 = vector.load %arg8[%swap3A_44, %swap3A_45, %swap3A_46] : memref<64x64x864xf32, #tpu.memory_space<vmem>>, vector<64x64x32xf32>
    tpu.vector_store %arg8[%swap3A_44, %swap3A_45, %swap3A_46], %get3A_43 {strides = array<i32>} : memref<64x64x864xf32, #tpu.memory_space<vmem>>, vector<64x64x32xf32>,
    %get3A_48 = arith.constant 0 : index
    %get3A_49 = arith.constant 1 : index
    %get3A_50 = arith.constant 2 : index
    %get3A_51 = arith.constant 0 : index
    %get3A_52 = vector.load %arg1[%get3A_48, %get3A_49, %get3A_50, %get3A_51] : memref<1x66x66x32xf32, #tpu.memory_space<vmem>>, vector<1x64x64x32xf32>
    %get3A_53 = vector.shape_cast %get3A_52 : vector<1x64x64x32xf32> to vector<64x64x32xf32>
    %swap3A_54 = arith.constant 0 : index
    %swap3A_55 = arith.constant 0 : index
    %swap3A_56 = arith.constant 160 : index
    %swap3A_57 = vector.load %arg8[%swap3A_54, %swap3A_55, %swap3A_56] : memref<64x64x864xf32, #tpu.memory_space<vmem>>, vector<64x64x32xf32>
    tpu.vector_store %arg8[%swap3A_54, %swap3A_55, %swap3A_56], %get3A_53 {strides = array<i32>} : memref<64x64x864xf32, #tpu.memory_space<vmem>>, vector<64x64x32xf32>,
    %get3A_58 = arith.constant 0 : index
    %get3A_59 = arith.constant 2 : index
    %get3A_60 = arith.constant 0 : index
    %get3A_61 = arith.constant 0 : index
    %get3A_62 = vector.load %arg1[%get3A_58, %get3A_59, %get3A_60, %get3A_61] : memref<1x66x66x32xf32, #tpu.memory_space<vmem>>, vector<1x64x64x32xf32>
    %get3A_63 = vector.shape_cast %get3A_62 : vector<1x64x64x32xf32> to vector<64x64x32xf32>
    %swap3A_64 = arith.constant 0 : index
    %swap3A_65 = arith.constant 0 : index
    %swap3A_66 = arith.constant 192 : index
    %swap3A_67 = vector.load %arg8[%swap3A_64, %swap3A_65, %swap3A_66] : memref<64x64x864xf32, #tpu.memory_space<vmem>>, vector<64x64x32xf32>
    tpu.vector_store %arg8[%swap3A_64, %swap3A_65, %swap3A_66], %get3A_63 {strides = array<i32>} : memref<64x64x864xf32, #tpu.memory_space<vmem>>, vector<64x64x32xf32>,
    %get3A_68 = arith.constant 0 : index
    %get3A_69 = arith.constant 2 : index
    %get3A_70 = arith.constant 1 : index
    %get3A_71 = arith.constant 0 : index
    %get3A_72 = vector.load %arg1[%get3A_68, %get3A_69, %get3A_70, %get3A_71] : memref<1x66x66x32xf32, #tpu.memory_space<vmem>>, vector<1x64x64x32xf32>
    %get3A_73 = vector.shape_cast %get3A_72 : vector<1x64x64x32xf32> to vector<64x64x32xf32>
    %swap3A_74 = arith.constant 0 : index
    %swap3A_75 = arith.constant 0 : index
    %swap3A_76 = arith.constant 224 : index
    %swap3A_77 = vector.load %arg8[%swap3A_74, %swap3A_75, %swap3A_76] : memref<64x64x864xf32, #tpu.memory_space<vmem>>, vector<64x64x32xf32>
    tpu.vector_store %arg8[%swap3A_74, %swap3A_75, %swap3A_76], %get3A_73 {strides = array<i32>} : memref<64x64x864xf32, #tpu.memory_space<vmem>>, vector<64x64x32xf32>,
    %get3A_78 = arith.constant 0 : index
    %get3A_79 = arith.constant 2 : index
    %get3A_80 = arith.constant 2 : index
    %get3A_81 = arith.constant 0 : index
    %get3A_82 = vector.load %arg1[%get3A_78, %get3A_79, %get3A_80, %get3A_81] : memref<1x66x66x32xf32, #tpu.memory_space<vmem>>, vector<1x64x64x32xf32>
    %get3A_83 = vector.shape_cast %get3A_82 : vector<1x64x64x32xf32> to vector<64x64x32xf32>
    %swap3A_84 = arith.constant 0 : index
    %swap3A_85 = arith.constant 0 : index
    %swap3A_86 = arith.constant 256 : index
    %swap3A_87 = vector.load %arg8[%swap3A_84, %swap3A_85, %swap3A_86] : memref<64x64x864xf32, #tpu.memory_space<vmem>>, vector<64x64x32xf32>
    tpu.vector_store %arg8[%swap3A_84, %swap3A_85, %swap3A_86], %get3A_83 {strides = array<i32>} : memref<64x64x864xf32, #tpu.memory_space<vmem>>, vector<64x64x32xf32>,
    %get3A_88 = arith.constant 0 : index
    %get3A_89 = arith.constant 0 : index
    %get3A_90 = arith.constant 0 : index
    %get3A_91 = arith.constant 0 : index
    %get3A_92 = vector.load %arg2[%get3A_88, %get3A_89, %get3A_90, %get3A_91] : memref<1x66x66x32xf32, #tpu.memory_space<vmem>>, vector<1x64x64x32xf32>
    %get3A_93 = vector.shape_cast %get3A_92 : vector<1x64x64x32xf32> to vector<64x64x32xf32>
    %swap3A_94 = arith.constant 0 : index
    %swap3A_95 = arith.constant 0 : index
    %swap3A_96 = arith.constant 288 : index
    %swap3A_97 = vector.load %arg8[%swap3A_94, %swap3A_95, %swap3A_96] : memref<64x64x864xf32, #tpu.memory_space<vmem>>, vector<64x64x32xf32>
    tpu.vector_store %arg8[%swap3A_94, %swap3A_95, %swap3A_96], %get3A_93 {strides = array<i32>} : memref<64x64x864xf32, #tpu.memory_space<vmem>>, vector<64x64x32xf32>,
    %get3A_98 = arith.constant 0 : index
    %get3A_99 = arith.constant 0 : index
    %get3A_100 = arith.constant 1 : index
    %get3A_101 = arith.constant 0 : index
    %get3A_102 = vector.load %arg2[%get3A_98, %get3A_99, %get3A_100, %get3A_101] : memref<1x66x66x32xf32, #tpu.memory_space<vmem>>, vector<1x64x64x32xf32>
    %get3A_103 = vector.shape_cast %get3A_102 : vector<1x64x64x32xf32> to vector<64x64x32xf32>
    %swap3A_104 = arith.constant 0 : index
    %swap3A_105 = arith.constant 0 : index
    %swap3A_106 = arith.constant 320 : index
    %swap3A_107 = vector.load %arg8[%swap3A_104, %swap3A_105, %swap3A_106] : memref<64x64x864xf32, #tpu.memory_space<vmem>>, vector<64x64x32xf32>
    tpu.vector_store %arg8[%swap3A_104, %swap3A_105, %swap3A_106], %get3A_103 {strides = array<i32>} : memref<64x64x864xf32, #tpu.memory_space<vmem>>, vector<64x64x32xf32>,
    %get3A_108 = arith.constant 0 : index
    %get3A_109 = arith.constant 0 : index
    %get3A_110 = arith.constant 2 : index
    %get3A_111 = arith.constant 0 : index
    %get3A_112 = vector.load %arg2[%get3A_108, %get3A_109, %get3A_110, %get3A_111] : memref<1x66x66x32xf32, #tpu.memory_space<vmem>>, vector<1x64x64x32xf32>
    %get3A_113 = vector.shape_cast %get3A_112 : vector<1x64x64x32xf32> to vector<64x64x32xf32>
    %swap3A_114 = arith.constant 0 : index
    %swap3A_115 = arith.constant 0 : index
    %swap3A_116 = arith.constant 352 : index
    %swap3A_117 = vector.load %arg8[%swap3A_114, %swap3A_115, %swap3A_116] : memref<64x64x864xf32, #tpu.memory_space<vmem>>, vector<64x64x32xf32>
    tpu.vector_store %arg8[%swap3A_114, %swap3A_115, %swap3A_116], %get3A_113 {strides = array<i32>} : memref<64x64x864xf32, #tpu.memory_space<vmem>>, vector<64x64x32xf32>,
    %get3A_118 = arith.constant 0 : index
    %get3A_119 = arith.constant 1 : index
    %get3A_120 = arith.constant 0 : index
    %get3A_121 = arith.constant 0 : index
    %get3A_122 = vector.load %arg2[%get3A_118, %get3A_119, %get3A_120, %get3A_121] : memref<1x66x66x32xf32, #tpu.memory_space<vmem>>, vector<1x64x64x32xf32>
    %get3A_123 = vector.shape_cast %get3A_122 : vector<1x64x64x32xf32> to vector<64x64x32xf32>
    %swap3A_124 = arith.constant 0 : index
    %swap3A_125 = arith.constant 0 : index
    %swap3A_126 = arith.constant 384 : index
    %swap3A_127 = vector.load %arg8[%swap3A_124, %swap3A_125, %swap3A_126] : memref<64x64x864xf32, #tpu.memory_space<vmem>>, vector<64x64x32xf32>
    tpu.vector_store %arg8[%swap3A_124, %swap3A_125, %swap3A_126], %get3A_123 {strides = array<i32>} : memref<64x64x864xf32, #tpu.memory_space<vmem>>, vector<64x64x32xf32>,
    %get3A_128 = arith.constant 0 : index
    %get3A_129 = arith.constant 1 : index
    %get3A_130 = arith.constant 1 : index
    %get3A_131 = arith.constant 0 : index
    %get3A_132 = vector.load %arg2[%get3A_128, %get3A_129, %get3A_130, %get3A_131] : memref<1x66x66x32xf32, #tpu.memory_space<vmem>>, vector<1x64x64x32xf32>
    %get3A_133 = vector.shape_cast %get3A_132 : vector<1x64x64x32xf32> to vector<64x64x32xf32>
    %swap3A_134 = arith.constant 0 : index
    %swap3A_135 = arith.constant 0 : index
    %swap3A_136 = arith.constant 416 : index
    %swap3A_137 = vector.load %arg8[%swap3A_134, %swap3A_135, %swap3A_136] : memref<64x64x864xf32, #tpu.memory_space<vmem>>, vector<64x64x32xf32>
    tpu.vector_store %arg8[%swap3A_134, %swap3A_135, %swap3A_136], %get3A_133 {strides = array<i32>} : memref<64x64x864xf32, #tpu.memory_space<vmem>>, vector<64x64x32xf32>,
    %get3A_138 = arith.constant 0 : index
    %get3A_139 = arith.constant 1 : index
    %get3A_140 = arith.constant 2 : index
    %get3A_141 = arith.constant 0 : index
    %get3A_142 = vector.load %arg2[%get3A_138, %get3A_139, %get3A_140, %get3A_141] : memref<1x66x66x32xf32, #tpu.memory_space<vmem>>, vector<1x64x64x32xf32>
    %get3A_143 = vector.shape_cast %get3A_142 : vector<1x64x64x32xf32> to vector<64x64x32xf32>
    %swap3A_144 = arith.constant 0 : index
    %swap3A_145 = arith.constant 0 : index
    %swap3A_146 = arith.constant 448 : index
    %swap3A_147 = vector.load %arg8[%swap3A_144, %swap3A_145, %swap3A_146] : memref<64x64x864xf32, #tpu.memory_space<vmem>>, vector<64x64x32xf32>
    tpu.vector_store %arg8[%swap3A_144, %swap3A_145, %swap3A_146], %get3A_143 {strides = array<i32>} : memref<64x64x864xf32, #tpu.memory_space<vmem>>, vector<64x64x32xf32>,
    %get3A_148 = arith.constant 0 : index
    %get3A_149 = arith.constant 2 : index
    %get3A_150 = arith.constant 0 : index
    %get3A_151 = arith.constant 0 : index
    %get3A_152 = vector.load %arg2[%get3A_148, %get3A_149, %get3A_150, %get3A_151] : memref<1x66x66x32xf32, #tpu.memory_space<vmem>>, vector<1x64x64x32xf32>
    %get3A_153 = vector.shape_cast %get3A_152 : vector<1x64x64x32xf32> to vector<64x64x32xf32>
    %swap3A_154 = arith.constant 0 : index
    %swap3A_155 = arith.constant 0 : index
    %swap3A_156 = arith.constant 480 : index
    %swap3A_157 = vector.load %arg8[%swap3A_154, %swap3A_155, %swap3A_156] : memref<64x64x864xf32, #tpu.memory_space<vmem>>, vector<64x64x32xf32>
    tpu.vector_store %arg8[%swap3A_154, %swap3A_155, %swap3A_156], %get3A_153 {strides = array<i32>} : memref<64x64x864xf32, #tpu.memory_space<vmem>>, vector<64x64x32xf32>,
    %get3A_158 = arith.constant 0 : index
    %get3A_159 = arith.constant 2 : index
    %get3A_160 = arith.constant 1 : index
    %get3A_161 = arith.constant 0 : index
    %get3A_162 = vector.load %arg2[%get3A_158, %get3A_159, %get3A_160, %get3A_161] : memref<1x66x66x32xf32, #tpu.memory_space<vmem>>, vector<1x64x64x32xf32>
    %get3A_163 = vector.shape_cast %get3A_162 : vector<1x64x64x32xf32> to vector<64x64x32xf32>
    %swap3A_164 = arith.constant 0 : index
    %swap3A_165 = arith.constant 0 : index
    %swap3A_166 = arith.constant 512 : index
    %swap3A_167 = vector.load %arg8[%swap3A_164, %swap3A_165, %swap3A_166] : memref<64x64x864xf32, #tpu.memory_space<vmem>>, vector<64x64x32xf32>
    tpu.vector_store %arg8[%swap3A_164, %swap3A_165, %swap3A_166], %get3A_163 {strides = array<i32>} : memref<64x64x864xf32, #tpu.memory_space<vmem>>, vector<64x64x32xf32>,
    %get3A_168 = arith.constant 0 : index
    %get3A_169 = arith.constant 2 : index
    %get3A_170 = arith.constant 2 : index
    %get3A_171 = arith.constant 0 : index
    %get3A_172 = vector.load %arg2[%get3A_168, %get3A_169, %get3A_170, %get3A_171] : memref<1x66x66x32xf32, #tpu.memory_space<vmem>>, vector<1x64x64x32xf32>
    %get3A_173 = vector.shape_cast %get3A_172 : vector<1x64x64x32xf32> to vector<64x64x32xf32>
    %swap3A_174 = arith.constant 0 : index
    %swap3A_175 = arith.constant 0 : index
    %swap3A_176 = arith.constant 544 : index
    %swap3A_177 = vector.load %arg8[%swap3A_174, %swap3A_175, %swap3A_176] : memref<64x64x864xf32, #tpu.memory_space<vmem>>, vector<64x64x32xf32>
    tpu.vector_store %arg8[%swap3A_174, %swap3A_175, %swap3A_176], %get3A_173 {strides = array<i32>} : memref<64x64x864xf32, #tpu.memory_space<vmem>>, vector<64x64x32xf32>,
    %get3A_178 = arith.constant 0 : index
    %get3A_179 = arith.constant 0 : index
    %get3A_180 = arith.constant 0 : index
    %get3A_181 = arith.constant 0 : index
    %get3A_182 = vector.load %arg3[%get3A_178, %get3A_179, %get3A_180, %get3A_181] : memref<1x66x66x32xf32, #tpu.memory_space<vmem>>, vector<1x64x64x32xf32>
    %get3A_183 = vector.shape_cast %get3A_182 : vector<1x64x64x32xf32> to vector<64x64x32xf32>
    %swap3A_184 = arith.constant 0 : index
    %swap3A_185 = arith.constant 0 : index
    %swap3A_186 = arith.constant 576 : index
    %swap3A_187 = vector.load %arg8[%swap3A_184, %swap3A_185, %swap3A_186] : memref<64x64x864xf32, #tpu.memory_space<vmem>>, vector<64x64x32xf32>
    tpu.vector_store %arg8[%swap3A_184, %swap3A_185, %swap3A_186], %get3A_183 {strides = array<i32>} : memref<64x64x864xf32, #tpu.memory_space<vmem>>, vector<64x64x32xf32>,
    %get3A_188 = arith.constant 0 : index
    %get3A_189 = arith.constant 0 : index
    %get3A_190 = arith.constant 1 : index
    %get3A_191 = arith.constant 0 : index
    %get3A_192 = vector.load %arg3[%get3A_188, %get3A_189, %get3A_190, %get3A_191] : memref<1x66x66x32xf32, #tpu.memory_space<vmem>>, vector<1x64x64x32xf32>
    %get3A_193 = vector.shape_cast %get3A_192 : vector<1x64x64x32xf32> to vector<64x64x32xf32>
    %swap3A_194 = arith.constant 0 : index
    %swap3A_195 = arith.constant 0 : index
    %swap3A_196 = arith.constant 608 : index
    %swap3A_197 = vector.load %arg8[%swap3A_194, %swap3A_195, %swap3A_196] : memref<64x64x864xf32, #tpu.memory_space<vmem>>, vector<64x64x32xf32>
    tpu.vector_store %arg8[%swap3A_194, %swap3A_195, %swap3A_196], %get3A_193 {strides = array<i32>} : memref<64x64x864xf32, #tpu.memory_space<vmem>>, vector<64x64x32xf32>,
    %get3A_198 = arith.constant 0 : index
    %get3A_199 = arith.constant 0 : index
    %get3A_200 = arith.constant 2 : index
    %get3A_201 = arith.constant 0 : index
    %get3A_202 = vector.load %arg3[%get3A_198, %get3A_199, %get3A_200, %get3A_201] : memref<1x66x66x32xf32, #tpu.memory_space<vmem>>, vector<1x64x64x32xf32>
    %get3A_203 = vector.shape_cast %get3A_202 : vector<1x64x64x32xf32> to vector<64x64x32xf32>
    %swap3A_204 = arith.constant 0 : index
    %swap3A_205 = arith.constant 0 : index
    %swap3A_206 = arith.constant 640 : index
    %swap3A_207 = vector.load %arg8[%swap3A_204, %swap3A_205, %swap3A_206] : memref<64x64x864xf32, #tpu.memory_space<vmem>>, vector<64x64x32xf32>
    tpu.vector_store %arg8[%swap3A_204, %swap3A_205, %swap3A_206], %get3A_203 {strides = array<i32>} : memref<64x64x864xf32, #tpu.memory_space<vmem>>, vector<64x64x32xf32>,
    %get3A_208 = arith.constant 0 : index
    %get3A_209 = arith.constant 1 : index
    %get3A_210 = arith.constant 0 : index
    %get3A_211 = arith.constant 0 : index
    %get3A_212 = vector.load %arg3[%get3A_208, %get3A_209, %get3A_210, %get3A_211] : memref<1x66x66x32xf32, #tpu.memory_space<vmem>>, vector<1x64x64x32xf32>
    %get3A_213 = vector.shape_cast %get3A_212 : vector<1x64x64x32xf32> to vector<64x64x32xf32>
    %swap3A_214 = arith.constant 0 : index
    %swap3A_215 = arith.constant 0 : index
    %swap3A_216 = arith.constant 672 : index
    %swap3A_217 = vector.load %arg8[%swap3A_214, %swap3A_215, %swap3A_216] : memref<64x64x864xf32, #tpu.memory_space<vmem>>, vector<64x64x32xf32>
    tpu.vector_store %arg8[%swap3A_214, %swap3A_215, %swap3A_216], %get3A_213 {strides = array<i32>} : memref<64x64x864xf32, #tpu.memory_space<vmem>>, vector<64x64x32xf32>,
    %get3A_218 = arith.constant 0 : index
    %get3A_219 = arith.constant 1 : index
    %get3A_220 = arith.constant 1 : index
    %get3A_221 = arith.constant 0 : index
    %get3A_222 = vector.load %arg3[%get3A_218, %get3A_219, %get3A_220, %get3A_221] : memref<1x66x66x32xf32, #tpu.memory_space<vmem>>, vector<1x64x64x32xf32>
    %get3A_223 = vector.shape_cast %get3A_222 : vector<1x64x64x32xf32> to vector<64x64x32xf32>
    %swap3A_224 = arith.constant 0 : index
    %swap3A_225 = arith.constant 0 : index
    %swap3A_226 = arith.constant 704 : index
    %swap3A_227 = vector.load %arg8[%swap3A_224, %swap3A_225, %swap3A_226] : memref<64x64x864xf32, #tpu.memory_space<vmem>>, vector<64x64x32xf32>
    tpu.vector_store %arg8[%swap3A_224, %swap3A_225, %swap3A_226], %get3A_223 {strides = array<i32>} : memref<64x64x864xf32, #tpu.memory_space<vmem>>, vector<64x64x32xf32>,
    %get3A_228 = arith.constant 0 : index
    %get3A_229 = arith.constant 1 : index
    %get3A_230 = arith.constant 2 : index
    %get3A_231 = arith.constant 0 : index
    %get3A_232 = vector.load %arg3[%get3A_228, %get3A_229, %get3A_230, %get3A_231] : memref<1x66x66x32xf32, #tpu.memory_space<vmem>>, vector<1x64x64x32xf32>
    %get3A_233 = vector.shape_cast %get3A_232 : vector<1x64x64x32xf32> to vector<64x64x32xf32>
    %swap3A_234 = arith.constant 0 : index
    %swap3A_235 = arith.constant 0 : index
    %swap3A_236 = arith.constant 736 : index
    %swap3A_237 = vector.load %arg8[%swap3A_234, %swap3A_235, %swap3A_236] : memref<64x64x864xf32, #tpu.memory_space<vmem>>, vector<64x64x32xf32>
    tpu.vector_store %arg8[%swap3A_234, %swap3A_235, %swap3A_236], %get3A_233 {strides = array<i32>} : memref<64x64x864xf32, #tpu.memory_space<vmem>>, vector<64x64x32xf32>,
    %get3A_238 = arith.constant 0 : index
    %get3A_239 = arith.constant 2 : index
    %get3A_240 = arith.constant 0 : index
    %get3A_241 = arith.constant 0 : index
    %get3A_242 = vector.load %arg3[%get3A_238, %get3A_239, %get3A_240, %get3A_241] : memref<1x66x66x32xf32, #tpu.memory_space<vmem>>, vector<1x64x64x32xf32>
    %get3A_243 = vector.shape_cast %get3A_242 : vector<1x64x64x32xf32> to vector<64x64x32xf32>
    %swap3A_244 = arith.constant 0 : index
    %swap3A_245 = arith.constant 0 : index
    %swap3A_246 = arith.constant 768 : index
    %swap3A_247 = vector.load %arg8[%swap3A_244, %swap3A_245, %swap3A_246] : memref<64x64x864xf32, #tpu.memory_space<vmem>>, vector<64x64x32xf32>
    tpu.vector_store %arg8[%swap3A_244, %swap3A_245, %swap3A_246], %get3A_243 {strides = array<i32>} : memref<64x64x864xf32, #tpu.memory_space<vmem>>, vector<64x64x32xf32>,
    %get3A_248 = arith.constant 0 : index
    %get3A_249 = arith.constant 2 : index
    %get3A_250 = arith.constant 1 : index
    %get3A_251 = arith.constant 0 : index
    %get3A_252 = vector.load %arg3[%get3A_248, %get3A_249, %get3A_250, %get3A_251] : memref<1x66x66x32xf32, #tpu.memory_space<vmem>>, vector<1x64x64x32xf32>
    %get3A_253 = vector.shape_cast %get3A_252 : vector<1x64x64x32xf32> to vector<64x64x32xf32>
    %swap3A_254 = arith.constant 0 : index
    %swap3A_255 = arith.constant 0 : index
    %swap3A_256 = arith.constant 800 : index
    %swap3A_257 = vector.load %arg8[%swap3A_254, %swap3A_255, %swap3A_256] : memref<64x64x864xf32, #tpu.memory_space<vmem>>, vector<64x64x32xf32>
    tpu.vector_store %arg8[%swap3A_254, %swap3A_255, %swap3A_256], %get3A_253 {strides = array<i32>} : memref<64x64x864xf32, #tpu.memory_space<vmem>>, vector<64x64x32xf32>,
    %get3A_258 = arith.constant 0 : index
    %get3A_259 = arith.constant 2 : index
    %get3A_260 = arith.constant 2 : index
    %get3A_261 = arith.constant 0 : index
    %get3A_262 = vector.load %arg3[%get3A_258, %get3A_259, %get3A_260, %get3A_261] : memref<1x66x66x32xf32, #tpu.memory_space<vmem>>, vector<1x64x64x32xf32>
    %get3A_263 = vector.shape_cast %get3A_262 : vector<1x64x64x32xf32> to vector<64x64x32xf32>
    %swap3A_264 = arith.constant 0 : index
    %swap3A_265 = arith.constant 0 : index
    %swap3A_266 = arith.constant 832 : index
    %swap3A_267 = vector.load %arg8[%swap3A_264, %swap3A_265, %swap3A_266] : memref<64x64x864xf32, #tpu.memory_space<vmem>>, vector<64x64x32xf32>
    tpu.vector_store %arg8[%swap3A_264, %swap3A_265, %swap3A_266], %get3A_263 {strides = array<i32>} : memref<64x64x864xf32, #tpu.memory_space<vmem>>, vector<64x64x32xf32>,
    %get3A_268 = arith.constant 0 : index
    %get3A_269 = arith.constant 0 : index
    %get3A_270 = arith.constant 0 : index
    %get3A_271 = vector.load %arg8[%get3A_268, %get3A_269, %get3A_270] : memref<64x64x864xf32, #tpu.memory_space<vmem>>, vector<64x64x864xf32>
    %reshape3A = vector.shape_cast %get3A_271 : vector<64x64x864xf32> to vector<4096x864xf32>
    %slice3A = vector.extract_strided_slice %reshape3A {offsets = [0, 0], sizes = [512, 864], strides = [1, 1]} : vector<4096x864xf32> to vector<512x864xf32>
    %get3A_272 = arith.constant 0 : index
    %get3A_273 = arith.constant 0 : index
    %get3A_274 = vector.load %arg5[%get3A_272, %get3A_273] : memref<864x32xf32, #tpu.memory_space<vmem>>, vector<864x32xf32>
    %dot_general3A = arith.constant dense<0.000000e+00> : vector<512x32xf32>
    %dot_general3A_275 = tpu.matmul %slice3A, %get3A_274, %dot_general3A {dimension_numbers = #tpu.dot_dimension_numbers<[1], [0], [0], [1], [0, 0, 1, 1], [], []>, precision = #tpu.contract_precision<fp32>, transpose_lhs_hint = false} : vector<512x864xf32>, vector<864x32xf32>, vector<512x32xf32> -> vector<512x32xf32>
    %get3A_276 = arith.constant 0 : index
    %get3A_277 = arith.constant 0 : index
    %get3A_278 = vector.load %arg6[%get3A_276, %get3A_277] : memref<1x32xf32, #tpu.memory_space<vmem>>, vector<1x32xf32>
    %add3A = vector.broadcast %get3A_278 : vector<1x32xf32> to vector<512x32xf32>
    %add3A_279 = arith.addf %dot_general3A_275, %add3A : vector<512x32xf32>
    %max3A = arith.constant 0.000000e+00 : f32
    %max3A_280 = vector.broadcast %max3A : f32 to vector<512x32xf32>
    %max3A_281 = arith.maximumf %add3A_279, %max3A_280 : vector<512x32xf32>
    %get3A_282 = arith.constant 0 : index
    %get3A_283 = arith.constant 0 : index
    %get3A_284 = arith.constant 0 : index
    %get3A_285 = vector.load %arg4[%get3A_282, %get3A_283, %get3A_284] : memref<1x4096x1xf32, #tpu.memory_space<vmem>>, vector<1x512x1xf32>
    %get3A_286 = vector.shape_cast %get3A_285 : vector<1x512x1xf32> to vector<512x1xf32>
    %mul3A = vector.broadcast %get3A_286 : vector<512x1xf32> to vector<512x32xf32>
    %mul3A_287 = arith.mulf %max3A_281, %mul3A : vector<512x32xf32>
    %swap3A_288 = arith.constant 0 : index
    %swap3A_289 = arith.constant 0 : index
    %swap3A_290 = arith.constant 0 : index
    %swap3A_291 = vector.load %arg7[%swap3A_288, %swap3A_289, %swap3A_290] : memref<1x4096x32xf32, #tpu.memory_space<vmem>>, vector<1x512x32xf32>
    %swap3A_292 = vector.shape_cast %swap3A_291 : vector<1x512x32xf32> to vector<512x32xf32>
    %swap3A_293 = vector.shape_cast %mul3A_287 : vector<512x32xf32> to vector<1x512x32xf32>
    tpu.vector_store %arg7[%swap3A_288, %swap3A_289, %swap3A_290], %swap3A_293 {strides = array<i32>} : memref<1x4096x32xf32, #tpu.memory_space<vmem>>, vector<1x512x32xf32>,
    %slice3A_294 = vector.extract_strided_slice %reshape3A {offsets = [512, 0], sizes = [512, 864], strides = [1, 1]} : vector<4096x864xf32> to vector<512x864xf32>
    %get3A_295 = arith.constant 0 : index
    %get3A_296 = arith.constant 0 : index
    %get3A_297 = vector.load %arg5[%get3A_295, %get3A_296] : memref<864x32xf32, #tpu.memory_space<vmem>>, vector<864x32xf32>
    %dot_general3A_298 = arith.constant dense<0.000000e+00> : vector<512x32xf32>
    %dot_general3A_299 = tpu.matmul %slice3A_294, %get3A_297, %dot_general3A_298 {dimension_numbers = #tpu.dot_dimension_numbers<[1], [0], [0], [1], [0, 0, 1, 1], [], []>, precision = #tpu.contract_precision<fp32>, transpose_lhs_hint = false} : vector<512x864xf32>, vector<864x32xf32>, vector<512x32xf32> -> vector<512x32xf32>
    %get3A_300 = arith.constant 0 : index
    %get3A_301 = arith.constant 0 : index
    %get3A_302 = vector.load %arg6[%get3A_300, %get3A_301] : memref<1x32xf32, #tpu.memory_space<vmem>>, vector<1x32xf32>
    %add3A_303 = vector.broadcast %get3A_302 : vector<1x32xf32> to vector<512x32xf32>
    %add3A_304 = arith.addf %dot_general3A_299, %add3A_303 : vector<512x32xf32>
    %max3A_305 = arith.constant 0.000000e+00 : f32
    %max3A_306 = vector.broadcast %max3A_305 : f32 to vector<512x32xf32>
    %max3A_307 = arith.maximumf %add3A_304, %max3A_306 : vector<512x32xf32>
    %get3A_308 = arith.constant 0 : index
    %get3A_309 = arith.constant 512 : index
    %get3A_310 = arith.constant 0 : index
    %get3A_311 = vector.load %arg4[%get3A_308, %get3A_309, %get3A_310] : memref<1x4096x1xf32, #tpu.memory_space<vmem>>, vector<1x512x1xf32>
    %get3A_312 = vector.shape_cast %get3A_311 : vector<1x512x1xf32> to vector<512x1xf32>
    %mul3A_313 = vector.broadcast %get3A_312 : vector<512x1xf32> to vector<512x32xf32>
    %mul3A_314 = arith.mulf %max3A_307, %mul3A_313 : vector<512x32xf32>
    %swap3A_315 = arith.constant 0 : index
    %swap3A_316 = arith.constant 512 : index
    %swap3A_317 = arith.constant 0 : index
    %swap3A_318 = vector.load %arg7[%swap3A_315, %swap3A_316, %swap3A_317] : memref<1x4096x32xf32, #tpu.memory_space<vmem>>, vector<1x512x32xf32>
    %swap3A_319 = vector.shape_cast %swap3A_318 : vector<1x512x32xf32> to vector<512x32xf32>
    %swap3A_320 = vector.shape_cast %mul3A_314 : vector<512x32xf32> to vector<1x512x32xf32>
    tpu.vector_store %arg7[%swap3A_315, %swap3A_316, %swap3A_317], %swap3A_320 {strides = array<i32>} : memref<1x4096x32xf32, #tpu.memory_space<vmem>>, vector<1x512x32xf32>,
    %slice3A_321 = vector.extract_strided_slice %reshape3A {offsets = [1024, 0], sizes = [512, 864], strides = [1, 1]} : vector<4096x864xf32> to vector<512x864xf32>
    %get3A_322 = arith.constant 0 : index
    %get3A_323 = arith.constant 0 : index
    %get3A_324 = vector.load %arg5[%get3A_322, %get3A_323] : memref<864x32xf32, #tpu.memory_space<vmem>>, vector<864x32xf32>
    %dot_general3A_325 = arith.constant dense<0.000000e+00> : vector<512x32xf32>
    %dot_general3A_326 = tpu.matmul %slice3A_321, %get3A_324, %dot_general3A_325 {dimension_numbers = #tpu.dot_dimension_numbers<[1], [0], [0], [1], [0, 0, 1, 1], [], []>, precision = #tpu.contract_precision<fp32>, transpose_lhs_hint = false} : vector<512x864xf32>, vector<864x32xf32>, vector<512x32xf32> -> vector<512x32xf32>
    %get3A_327 = arith.constant 0 : index
    %get3A_328 = arith.constant 0 : index
    %get3A_329 = vector.load %arg6[%get3A_327, %get3A_328] : memref<1x32xf32, #tpu.memory_space<vmem>>, vector<1x32xf32>
    %add3A_330 = vector.broadcast %get3A_329 : vector<1x32xf32> to vector<512x32xf32>
    %add3A_331 = arith.addf %dot_general3A_326, %add3A_330 : vector<512x32xf32>
    %max3A_332 = arith.constant 0.000000e+00 : f32
    %max3A_333 = vector.broadcast %max3A_332 : f32 to vector<512x32xf32>
    %max3A_334 = arith.maximumf %add3A_331, %max3A_333 : vector<512x32xf32>
    %get3A_335 = arith.constant 0 : index
    %get3A_336 = arith.constant 1024 : index
    %get3A_337 = arith.constant 0 : index
    %get3A_338 = vector.load %arg4[%get3A_335, %get3A_336, %get3A_337] : memref<1x4096x1xf32, #tpu.memory_space<vmem>>, vector<1x512x1xf32>
    %get3A_339 = vector.shape_cast %get3A_338 : vector<1x512x1xf32> to vector<512x1xf32>
    %mul3A_340 = vector.broadcast %get3A_339 : vector<512x1xf32> to vector<512x32xf32>
    %mul3A_341 = arith.mulf %max3A_334, %mul3A_340 : vector<512x32xf32>
    %swap3A_342 = arith.constant 0 : index
    %swap3A_343 = arith.constant 1024 : index
    %swap3A_344 = arith.constant 0 : index
    %swap3A_345 = vector.load %arg7[%swap3A_342, %swap3A_343, %swap3A_344] : memref<1x4096x32xf32, #tpu.memory_space<vmem>>, vector<1x512x32xf32>
    %swap3A_346 = vector.shape_cast %swap3A_345 : vector<1x512x32xf32> to vector<512x32xf32>
    %swap3A_347 = vector.shape_cast %mul3A_341 : vector<512x32xf32> to vector<1x512x32xf32>
    tpu.vector_store %arg7[%swap3A_342, %swap3A_343, %swap3A_344], %swap3A_347 {strides = array<i32>} : memref<1x4096x32xf32, #tpu.memory_space<vmem>>, vector<1x512x32xf32>,
    %slice3A_348 = vector.extract_strided_slice %reshape3A {offsets = [1536, 0], sizes = [512, 864], strides = [1, 1]} : vector<4096x864xf32> to vector<512x864xf32>
    %get3A_349 = arith.constant 0 : index
    %get3A_350 = arith.constant 0 : index
    %get3A_351 = vector.load %arg5[%get3A_349, %get3A_350] : memref<864x32xf32, #tpu.memory_space<vmem>>, vector<864x32xf32>
    %dot_general3A_352 = arith.constant dense<0.000000e+00> : vector<512x32xf32>
    %dot_general3A_353 = tpu.matmul %slice3A_348, %get3A_351, %dot_general3A_352 {dimension_numbers = #tpu.dot_dimension_numbers<[1], [0], [0], [1], [0, 0, 1, 1], [], []>, precision = #tpu.contract_precision<fp32>, transpose_lhs_hint = false} : vector<512x864xf32>, vector<864x32xf32>, vector<512x32xf32> -> vector<512x32xf32>
    %get3A_354 = arith.constant 0 : index
    %get3A_355 = arith.constant 0 : index
    %get3A_356 = vector.load %arg6[%get3A_354, %get3A_355] : memref<1x32xf32, #tpu.memory_space<vmem>>, vector<1x32xf32>
    %add3A_357 = vector.broadcast %get3A_356 : vector<1x32xf32> to vector<512x32xf32>
    %add3A_358 = arith.addf %dot_general3A_353, %add3A_357 : vector<512x32xf32>
    %max3A_359 = arith.constant 0.000000e+00 : f32
    %max3A_360 = vector.broadcast %max3A_359 : f32 to vector<512x32xf32>
    %max3A_361 = arith.maximumf %add3A_358, %max3A_360 : vector<512x32xf32>
    %get3A_362 = arith.constant 0 : index
    %get3A_363 = arith.constant 1536 : index
    %get3A_364 = arith.constant 0 : index
    %get3A_365 = vector.load %arg4[%get3A_362, %get3A_363, %get3A_364] : memref<1x4096x1xf32, #tpu.memory_space<vmem>>, vector<1x512x1xf32>
    %get3A_366 = vector.shape_cast %get3A_365 : vector<1x512x1xf32> to vector<512x1xf32>
    %mul3A_367 = vector.broadcast %get3A_366 : vector<512x1xf32> to vector<512x32xf32>
    %mul3A_368 = arith.mulf %max3A_361, %mul3A_367 : vector<512x32xf32>
    %swap3A_369 = arith.constant 0 : index
    %swap3A_370 = arith.constant 1536 : index
    %swap3A_371 = arith.constant 0 : index
    %swap3A_372 = vector.load %arg7[%swap3A_369, %swap3A_370, %swap3A_371] : memref<1x4096x32xf32, #tpu.memory_space<vmem>>, vector<1x512x32xf32>
    %swap3A_373 = vector.shape_cast %swap3A_372 : vector<1x512x32xf32> to vector<512x32xf32>
    %swap3A_374 = vector.shape_cast %mul3A_368 : vector<512x32xf32> to vector<1x512x32xf32>
    tpu.vector_store %arg7[%swap3A_369, %swap3A_370, %swap3A_371], %swap3A_374 {strides = array<i32>} : memref<1x4096x32xf32, #tpu.memory_space<vmem>>, vector<1x512x32xf32>,
    %slice3A_375 = vector.extract_strided_slice %reshape3A {offsets = [2048, 0], sizes = [512, 864], strides = [1, 1]} : vector<4096x864xf32> to vector<512x864xf32>
    %get3A_376 = arith.constant 0 : index
    %get3A_377 = arith.constant 0 : index
    %get3A_378 = vector.load %arg5[%get3A_376, %get3A_377] : memref<864x32xf32, #tpu.memory_space<vmem>>, vector<864x32xf32>
    %dot_general3A_379 = arith.constant dense<0.000000e+00> : vector<512x32xf32>
    %dot_general3A_380 = tpu.matmul %slice3A_375, %get3A_378, %dot_general3A_379 {dimension_numbers = #tpu.dot_dimension_numbers<[1], [0], [0], [1], [0, 0, 1, 1], [], []>, precision = #tpu.contract_precision<fp32>, transpose_lhs_hint = false} : vector<512x864xf32>, vector<864x32xf32>, vector<512x32xf32> -> vector<512x32xf32>
    %get3A_381 = arith.constant 0 : index
    %get3A_382 = arith.constant 0 : index
    %get3A_383 = vector.load %arg6[%get3A_381, %get3A_382] : memref<1x32xf32, #tpu.memory_space<vmem>>, vector<1x32xf32>
    %add3A_384 = vector.broadcast %get3A_383 : vector<1x32xf32> to vector<512x32xf32>
    %add3A_385 = arith.addf %dot_general3A_380, %add3A_384 : vector<512x32xf32>
    %max3A_386 = arith.constant 0.000000e+00 : f32
    %max3A_387 = vector.broadcast %max3A_386 : f32 to vector<512x32xf32>
    %max3A_388 = arith.maximumf %add3A_385, %max3A_387 : vector<512x32xf32>
    %get3A_389 = arith.constant 0 : index
    %get3A_390 = arith.constant 2048 : index
    %get3A_391 = arith.constant 0 : index
    %get3A_392 = vector.load %arg4[%get3A_389, %get3A_390, %get3A_391] : memref<1x4096x1xf32, #tpu.memory_space<vmem>>, vector<1x512x1xf32>
    %get3A_393 = vector.shape_cast %get3A_392 : vector<1x512x1xf32> to vector<512x1xf32>
    %mul3A_394 = vector.broadcast %get3A_393 : vector<512x1xf32> to vector<512x32xf32>
    %mul3A_395 = arith.mulf %max3A_388, %mul3A_394 : vector<512x32xf32>
    %swap3A_396 = arith.constant 0 : index
    %swap3A_397 = arith.constant 2048 : index
    %swap3A_398 = arith.constant 0 : index
    %swap3A_399 = vector.load %arg7[%swap3A_396, %swap3A_397, %swap3A_398] : memref<1x4096x32xf32, #tpu.memory_space<vmem>>, vector<1x512x32xf32>
    %swap3A_400 = vector.shape_cast %swap3A_399 : vector<1x512x32xf32> to vector<512x32xf32>
    %swap3A_401 = vector.shape_cast %mul3A_395 : vector<512x32xf32> to vector<1x512x32xf32>
    tpu.vector_store %arg7[%swap3A_396, %swap3A_397, %swap3A_398], %swap3A_401 {strides = array<i32>} : memref<1x4096x32xf32, #tpu.memory_space<vmem>>, vector<1x512x32xf32>,
    %slice3A_402 = vector.extract_strided_slice %reshape3A {offsets = [2560, 0], sizes = [512, 864], strides = [1, 1]} : vector<4096x864xf32> to vector<512x864xf32>
    %get3A_403 = arith.constant 0 : index
    %get3A_404 = arith.constant 0 : index
    %get3A_405 = vector.load %arg5[%get3A_403, %get3A_404] : memref<864x32xf32, #tpu.memory_space<vmem>>, vector<864x32xf32>
    %dot_general3A_406 = arith.constant dense<0.000000e+00> : vector<512x32xf32>
    %dot_general3A_407 = tpu.matmul %slice3A_402, %get3A_405, %dot_general3A_406 {dimension_numbers = #tpu.dot_dimension_numbers<[1], [0], [0], [1], [0, 0, 1, 1], [], []>, precision = #tpu.contract_precision<fp32>, transpose_lhs_hint = false} : vector<512x864xf32>, vector<864x32xf32>, vector<512x32xf32> -> vector<512x32xf32>
    %get3A_408 = arith.constant 0 : index
    %get3A_409 = arith.constant 0 : index
    %get3A_410 = vector.load %arg6[%get3A_408, %get3A_409] : memref<1x32xf32, #tpu.memory_space<vmem>>, vector<1x32xf32>
    %add3A_411 = vector.broadcast %get3A_410 : vector<1x32xf32> to vector<512x32xf32>
    %add3A_412 = arith.addf %dot_general3A_407, %add3A_411 : vector<512x32xf32>
    %max3A_413 = arith.constant 0.000000e+00 : f32
    %max3A_414 = vector.broadcast %max3A_413 : f32 to vector<512x32xf32>
    %max3A_415 = arith.maximumf %add3A_412, %max3A_414 : vector<512x32xf32>
    %get3A_416 = arith.constant 0 : index
    %get3A_417 = arith.constant 2560 : index
    %get3A_418 = arith.constant 0 : index
    %get3A_419 = vector.load %arg4[%get3A_416, %get3A_417, %get3A_418] : memref<1x4096x1xf32, #tpu.memory_space<vmem>>, vector<1x512x1xf32>
    %get3A_420 = vector.shape_cast %get3A_419 : vector<1x512x1xf32> to vector<512x1xf32>
    %mul3A_421 = vector.broadcast %get3A_420 : vector<512x1xf32> to vector<512x32xf32>
    %mul3A_422 = arith.mulf %max3A_415, %mul3A_421 : vector<512x32xf32>
    %swap3A_423 = arith.constant 0 : index
    %swap3A_424 = arith.constant 2560 : index
    %swap3A_425 = arith.constant 0 : index
    %swap3A_426 = vector.load %arg7[%swap3A_423, %swap3A_424, %swap3A_425] : memref<1x4096x32xf32, #tpu.memory_space<vmem>>, vector<1x512x32xf32>
    %swap3A_427 = vector.shape_cast %swap3A_426 : vector<1x512x32xf32> to vector<512x32xf32>
    %swap3A_428 = vector.shape_cast %mul3A_422 : vector<512x32xf32> to vector<1x512x32xf32>
    tpu.vector_store %arg7[%swap3A_423, %swap3A_424, %swap3A_425], %swap3A_428 {strides = array<i32>} : memref<1x4096x32xf32, #tpu.memory_space<vmem>>, vector<1x512x32xf32>,
    %slice3A_429 = vector.extract_strided_slice %reshape3A {offsets = [3072, 0], sizes = [512, 864], strides = [1, 1]} : vector<4096x864xf32> to vector<512x864xf32>
    %get3A_430 = arith.constant 0 : index
    %get3A_431 = arith.constant 0 : index
    %get3A_432 = vector.load %arg5[%get3A_430, %get3A_431] : memref<864x32xf32, #tpu.memory_space<vmem>>, vector<864x32xf32>
    %dot_general3A_433 = arith.constant dense<0.000000e+00> : vector<512x32xf32>
    %dot_general3A_434 = tpu.matmul %slice3A_429, %get3A_432, %dot_general3A_433 {dimension_numbers = #tpu.dot_dimension_numbers<[1], [0], [0], [1], [0, 0, 1, 1], [], []>, precision = #tpu.contract_precision<fp32>, transpose_lhs_hint = false} : vector<512x864xf32>, vector<864x32xf32>, vector<512x32xf32> -> vector<512x32xf32>
    %get3A_435 = arith.constant 0 : index
    %get3A_436 = arith.constant 0 : index
    %get3A_437 = vector.load %arg6[%get3A_435, %get3A_436] : memref<1x32xf32, #tpu.memory_space<vmem>>, vector<1x32xf32>
    %add3A_438 = vector.broadcast %get3A_437 : vector<1x32xf32> to vector<512x32xf32>
    %add3A_439 = arith.addf %dot_general3A_434, %add3A_438 : vector<512x32xf32>
    %max3A_440 = arith.constant 0.000000e+00 : f32
    %max3A_441 = vector.broadcast %max3A_440 : f32 to vector<512x32xf32>
    %max3A_442 = arith.maximumf %add3A_439, %max3A_441 : vector<512x32xf32>
    %get3A_443 = arith.constant 0 : index
    %get3A_444 = arith.constant 3072 : index
    %get3A_445 = arith.constant 0 : index
    %get3A_446 = vector.load %arg4[%get3A_443, %get3A_444, %get3A_445] : memref<1x4096x1xf32, #tpu.memory_space<vmem>>, vector<1x512x1xf32>
    %get3A_447 = vector.shape_cast %get3A_446 : vector<1x512x1xf32> to vector<512x1xf32>
    %mul3A_448 = vector.broadcast %get3A_447 : vector<512x1xf32> to vector<512x32xf32>
    %mul3A_449 = arith.mulf %max3A_442, %mul3A_448 : vector<512x32xf32>
    %swap3A_450 = arith.constant 0 : index
    %swap3A_451 = arith.constant 3072 : index
    %swap3A_452 = arith.constant 0 : index
    %swap3A_453 = vector.load %arg7[%swap3A_450, %swap3A_451, %swap3A_452] : memref<1x4096x32xf32, #tpu.memory_space<vmem>>, vector<1x512x32xf32>
    %swap3A_454 = vector.shape_cast %swap3A_453 : vector<1x512x32xf32> to vector<512x32xf32>
    %swap3A_455 = vector.shape_cast %mul3A_449 : vector<512x32xf32> to vector<1x512x32xf32>
    tpu.vector_store %arg7[%swap3A_450, %swap3A_451, %swap3A_452], %swap3A_455 {strides = array<i32>} : memref<1x4096x32xf32, #tpu.memory_space<vmem>>, vector<1x512x32xf32>,
    %slice3A_456 = vector.extract_strided_slice %reshape3A {offsets = [3584, 0], sizes = [512, 864], strides = [1, 1]} : vector<4096x864xf32> to vector<512x864xf32>
    %get3A_457 = arith.constant 0 : index
    %get3A_458 = arith.constant 0 : index
    %get3A_459 = vector.load %arg5[%get3A_457, %get3A_458] : memref<864x32xf32, #tpu.memory_space<vmem>>, vector<864x32xf32>
    %dot_general3A_460 = arith.constant dense<0.000000e+00> : vector<512x32xf32>
    %dot_general3A_461 = tpu.matmul %slice3A_456, %get3A_459, %dot_general3A_460 {dimension_numbers = #tpu.dot_dimension_numbers<[1], [0], [0], [1], [0, 0, 1, 1], [], []>, precision = #tpu.contract_precision<fp32>, transpose_lhs_hint = false} : vector<512x864xf32>, vector<864x32xf32>, vector<512x32xf32> -> vector<512x32xf32>
    %get3A_462 = arith.constant 0 : index
    %get3A_463 = arith.constant 0 : index
    %get3A_464 = vector.load %arg6[%get3A_462, %get3A_463] : memref<1x32xf32, #tpu.memory_space<vmem>>, vector<1x32xf32>
    %add3A_465 = vector.broadcast %get3A_464 : vector<1x32xf32> to vector<512x32xf32>
    %add3A_466 = arith.addf %dot_general3A_461, %add3A_465 : vector<512x32xf32>
    %max3A_467 = arith.constant 0.000000e+00 : f32
    %max3A_468 = vector.broadcast %max3A_467 : f32 to vector<512x32xf32>
    %max3A_469 = arith.maximumf %add3A_466, %max3A_468 : vector<512x32xf32>
    %get3A_470 = arith.constant 0 : index
    %get3A_471 = arith.constant 3584 : index
    %get3A_472 = arith.constant 0 : index
    %get3A_473 = vector.load %arg4[%get3A_470, %get3A_471, %get3A_472] : memref<1x4096x1xf32, #tpu.memory_space<vmem>>, vector<1x512x1xf32>
    %get3A_474 = vector.shape_cast %get3A_473 : vector<1x512x1xf32> to vector<512x1xf32>
    %mul3A_475 = vector.broadcast %get3A_474 : vector<512x1xf32> to vector<512x32xf32>
    %mul3A_476 = arith.mulf %max3A_469, %mul3A_475 : vector<512x32xf32>
    %swap3A_477 = arith.constant 0 : index
    %swap3A_478 = arith.constant 3584 : index
    %swap3A_479 = arith.constant 0 : index
    %swap3A_480 = vector.load %arg7[%swap3A_477, %swap3A_478, %swap3A_479] : memref<1x4096x32xf32, #tpu.memory_space<vmem>>, vector<1x512x32xf32>
    %swap3A_481 = vector.shape_cast %swap3A_480 : vector<1x512x32xf32> to vector<512x32xf32>
    %swap3A_482 = vector.shape_cast %mul3A_476 : vector<512x32xf32> to vector<1x512x32xf32>
    tpu.vector_store %arg7[%swap3A_477, %swap3A_478, %swap3A_479], %swap3A_482 {strides = array<i32>} : memref<1x4096x32xf32, #tpu.memory_space<vmem>>, vector<1x512x32xf32>,
    return
  }
  func.func @transform_0(%arg0: i32) -> (i32, i32, i32, i32) {
    %add3A = arith.constant 0 : i32
    %add3A_0 = arith.addi %arg0, %add3A : i32
    %c0_i32 = arith.constant 0 : i32
    %c0_i32_1 = arith.constant 0 : i32
    %c0_i32_2 = arith.constant 0 : i32
    %c0_i32_3 = arith.constant 0 : i32
    return %add3A_0, %c0_i32, %c0_i32_1, %c0_i32_2 : i32, i32, i32, i32
  }
  func.func @transform_1(%arg0: i32) -> (i32, i32, i32, i32) {
    %add3A = arith.constant 1 : i32
    %add3A_0 = arith.addi %arg0, %add3A : i32
    %c0_i32 = arith.constant 0 : i32
    %c0_i32_1 = arith.constant 0 : i32
    %c0_i32_2 = arith.constant 0 : i32
    %c0_i32_3 = arith.constant 0 : i32
    return %add3A_0, %c0_i32, %c0_i32_1, %c0_i32_2 : i32, i32, i32, i32
  }
  func.func @transform_2(%arg0: i32) -> (i32, i32, i32, i32) {
    %add3A = arith.constant 2 : i32
    %add3A_0 = arith.addi %arg0, %add3A : i32
    %c0_i32 = arith.constant 0 : i32
    %c0_i32_1 = arith.constant 0 : i32
    %c0_i32_2 = arith.constant 0 : i32
    %c0_i32_3 = arith.constant 0 : i32
    return %add3A_0, %c0_i32, %c0_i32_1, %c0_i32_2 : i32, i32, i32, i32
  }
  func.func @transform_3(%arg0: i32) -> (i32, i32, i32) {
    %c0_i32 = arith.constant 0 : i32
    %c0_i32_0 = arith.constant 0 : i32
    %c0_i32_1 = arith.constant 0 : i32
    return %arg0, %c0_i32, %c0_i32_0 : i32, i32, i32
  }
  func.func @transform_4(%arg0: i32) -> (i32, i32) {
    %c0_i32 = arith.constant 0 : i32
    %c0_i32_0 = arith.constant 0 : i32
    %c0_i32_1 = arith.constant 0 : i32
    return %c0_i32, %c0_i32_0 : i32, i32
  }
  func.func @transform_5(%arg0: i32) -> (i32, i32) {
    %c0_i32 = arith.constant 0 : i32
    %c0_i32_0 = arith.constant 0 : i32
    %c0_i32_1 = arith.constant 0 : i32
    return %c0_i32, %c0_i32_0 : i32, i32
  }
  func.func @transform_6(%arg0: i32) -> (i32, i32, i32) {
    %c0_i32 = arith.constant 0 : i32
    %c0_i32_0 = arith.constant 0 : i32
    %c0_i32_1 = arith.constant 0 : i32
    return %arg0, %c0_i32, %c0_i32_0 : i32, i32, i32
  }
}

module attributes {stable_mosaic.version = 14 : i64} {
  func.func @tc_subm4(%arg0: i32, %arg1: memref<1x66x66x32xf32, #tpu.memory_space<vmem>>, %arg2: memref<1x66x66x32xf32, #tpu.memory_space<vmem>>, %arg3: memref<1x66x66x32xf32, #tpu.memory_space<vmem>>, %arg4: memref<1x4096x1xf32, #tpu.memory_space<vmem>>, %arg5: memref<864x32xf32, #tpu.memory_space<vmem>>, %arg6: memref<1x32xf32, #tpu.memory_space<vmem>>, %arg7: memref<1x4096x32xf32, #tpu.memory_space<vmem>>, %arg8: memref<64x64x864xf32, #tpu.memory_space<vmem>>) attributes {dimension_semantics = [#tpu.dimension_semantics<arbitrary>], iteration_bounds = array<i64: 21>, scalar_prefetch = 0 : i64, scratch_operands = 1 : i64, tpu.core_type = #tpu.core_type<tc>, window_params = [{transform_indices = @transform_0, window_bounds = array<i64: 1, 66, 66, 32>}, {transform_indices = @transform_1, window_bounds = array<i64: 1, 66, 66, 32>}, {transform_indices = @transform_2, window_bounds = array<i64: 1, 66, 66, 32>}, {transform_indices = @transform_3, window_bounds = array<i64: 1, 4096, 1>}, {pipeline_mode = #tpu.pipeline_mode<synchronous>, transform_indices = @transform_4, window_bounds = array<i64: 864, 32>}, {pipeline_mode = #tpu.pipeline_mode<synchronous>, transform_indices = @transform_5, window_bounds = array<i64: 1, 32>}, {transform_indices = @transform_6, window_bounds = array<i64: 1, 4096, 32>}]} {
    %get3A = arith.constant 0 : index
    %get3A_0 = arith.constant 0 : index
    %get3A_1 = arith.constant 0 : index
    %get3A_2 = arith.constant 0 : index
    %get3A_3 = vector.load %arg1[%get3A, %get3A_0, %get3A_1, %get3A_2] : memref<1x66x66x32xf32, #tpu.memory_space<vmem>>, vector<1x64x64x32xf32>
    %get3A_4 = vector.shape_cast %get3A_3 : vector<1x64x64x32xf32> to vector<64x64x32xf32>
    %swap3A = arith.constant 0 : index
    %swap3A_5 = arith.constant 0 : index
    %swap3A_6 = arith.constant 0 : index
    %swap3A_7 = vector.load %arg8[%swap3A, %swap3A_5, %swap3A_6] : memref<64x64x864xf32, #tpu.memory_space<vmem>>, vector<64x64x32xf32>
    tpu.vector_store %arg8[%swap3A, %swap3A_5, %swap3A_6], %get3A_4 {strides = array<i32>} : memref<64x64x864xf32, #tpu.memory_space<vmem>>, vector<64x64x32xf32>,
    %get3A_8 = arith.constant 0 : index
    %get3A_9 = arith.constant 0 : index
    %get3A_10 = arith.constant 1 : index
    %get3A_11 = arith.constant 0 : index
    %get3A_12 = vector.load %arg1[%get3A_8, %get3A_9, %get3A_10, %get3A_11] : memref<1x66x66x32xf32, #tpu.memory_space<vmem>>, vector<1x64x64x32xf32>
    %get3A_13 = vector.shape_cast %get3A_12 : vector<1x64x64x32xf32> to vector<64x64x32xf32>
    %swap3A_14 = arith.constant 0 : index
    %swap3A_15 = arith.constant 0 : index
    %swap3A_16 = arith.constant 32 : index
    %swap3A_17 = vector.load %arg8[%swap3A_14, %swap3A_15, %swap3A_16] : memref<64x64x864xf32, #tpu.memory_space<vmem>>, vector<64x64x32xf32>
    tpu.vector_store %arg8[%swap3A_14, %swap3A_15, %swap3A_16], %get3A_13 {strides = array<i32>} : memref<64x64x864xf32, #tpu.memory_space<vmem>>, vector<64x64x32xf32>,
    %get3A_18 = arith.constant 0 : index
    %get3A_19 = arith.constant 0 : index
    %get3A_20 = arith.constant 2 : index
    %get3A_21 = arith.constant 0 : index
    %get3A_22 = vector.load %arg1[%get3A_18, %get3A_19, %get3A_20, %get3A_21] : memref<1x66x66x32xf32, #tpu.memory_space<vmem>>, vector<1x64x64x32xf32>
    %get3A_23 = vector.shape_cast %get3A_22 : vector<1x64x64x32xf32> to vector<64x64x32xf32>
    %swap3A_24 = arith.constant 0 : index
    %swap3A_25 = arith.constant 0 : index
    %swap3A_26 = arith.constant 64 : index
    %swap3A_27 = vector.load %arg8[%swap3A_24, %swap3A_25, %swap3A_26] : memref<64x64x864xf32, #tpu.memory_space<vmem>>, vector<64x64x32xf32>
    tpu.vector_store %arg8[%swap3A_24, %swap3A_25, %swap3A_26], %get3A_23 {strides = array<i32>} : memref<64x64x864xf32, #tpu.memory_space<vmem>>, vector<64x64x32xf32>,
    %get3A_28 = arith.constant 0 : index
    %get3A_29 = arith.constant 1 : index
    %get3A_30 = arith.constant 0 : index
    %get3A_31 = arith.constant 0 : index
    %get3A_32 = vector.load %arg1[%get3A_28, %get3A_29, %get3A_30, %get3A_31] : memref<1x66x66x32xf32, #tpu.memory_space<vmem>>, vector<1x64x64x32xf32>
    %get3A_33 = vector.shape_cast %get3A_32 : vector<1x64x64x32xf32> to vector<64x64x32xf32>
    %swap3A_34 = arith.constant 0 : index
    %swap3A_35 = arith.constant 0 : index
    %swap3A_36 = arith.constant 96 : index
    %swap3A_37 = vector.load %arg8[%swap3A_34, %swap3A_35, %swap3A_36] : memref<64x64x864xf32, #tpu.memory_space<vmem>>, vector<64x64x32xf32>
    tpu.vector_store %arg8[%swap3A_34, %swap3A_35, %swap3A_36], %get3A_33 {strides = array<i32>} : memref<64x64x864xf32, #tpu.memory_space<vmem>>, vector<64x64x32xf32>,
    %get3A_38 = arith.constant 0 : index
    %get3A_39 = arith.constant 1 : index
    %get3A_40 = arith.constant 1 : index
    %get3A_41 = arith.constant 0 : index
    %get3A_42 = vector.load %arg1[%get3A_38, %get3A_39, %get3A_40, %get3A_41] : memref<1x66x66x32xf32, #tpu.memory_space<vmem>>, vector<1x64x64x32xf32>
    %get3A_43 = vector.shape_cast %get3A_42 : vector<1x64x64x32xf32> to vector<64x64x32xf32>
    %swap3A_44 = arith.constant 0 : index
    %swap3A_45 = arith.constant 0 : index
    %swap3A_46 = arith.constant 128 : index
    %swap3A_47 = vector.load %arg8[%swap3A_44, %swap3A_45, %swap3A_46] : memref<64x64x864xf32, #tpu.memory_space<vmem>>, vector<64x64x32xf32>
    tpu.vector_store %arg8[%swap3A_44, %swap3A_45, %swap3A_46], %get3A_43 {strides = array<i32>} : memref<64x64x864xf32, #tpu.memory_space<vmem>>, vector<64x64x32xf32>,
    %get3A_48 = arith.constant 0 : index
    %get3A_49 = arith.constant 1 : index
    %get3A_50 = arith.constant 2 : index
    %get3A_51 = arith.constant 0 : index
    %get3A_52 = vector.load %arg1[%get3A_48, %get3A_49, %get3A_50, %get3A_51] : memref<1x66x66x32xf32, #tpu.memory_space<vmem>>, vector<1x64x64x32xf32>
    %get3A_53 = vector.shape_cast %get3A_52 : vector<1x64x64x32xf32> to vector<64x64x32xf32>
    %swap3A_54 = arith.constant 0 : index
    %swap3A_55 = arith.constant 0 : index
    %swap3A_56 = arith.constant 160 : index
    %swap3A_57 = vector.load %arg8[%swap3A_54, %swap3A_55, %swap3A_56] : memref<64x64x864xf32, #tpu.memory_space<vmem>>, vector<64x64x32xf32>
    tpu.vector_store %arg8[%swap3A_54, %swap3A_55, %swap3A_56], %get3A_53 {strides = array<i32>} : memref<64x64x864xf32, #tpu.memory_space<vmem>>, vector<64x64x32xf32>,
    %get3A_58 = arith.constant 0 : index
    %get3A_59 = arith.constant 2 : index
    %get3A_60 = arith.constant 0 : index
    %get3A_61 = arith.constant 0 : index
    %get3A_62 = vector.load %arg1[%get3A_58, %get3A_59, %get3A_60, %get3A_61] : memref<1x66x66x32xf32, #tpu.memory_space<vmem>>, vector<1x64x64x32xf32>
    %get3A_63 = vector.shape_cast %get3A_62 : vector<1x64x64x32xf32> to vector<64x64x32xf32>
    %swap3A_64 = arith.constant 0 : index
    %swap3A_65 = arith.constant 0 : index
    %swap3A_66 = arith.constant 192 : index
    %swap3A_67 = vector.load %arg8[%swap3A_64, %swap3A_65, %swap3A_66] : memref<64x64x864xf32, #tpu.memory_space<vmem>>, vector<64x64x32xf32>
    tpu.vector_store %arg8[%swap3A_64, %swap3A_65, %swap3A_66], %get3A_63 {strides = array<i32>} : memref<64x64x864xf32, #tpu.memory_space<vmem>>, vector<64x64x32xf32>,
    %get3A_68 = arith.constant 0 : index
    %get3A_69 = arith.constant 2 : index
    %get3A_70 = arith.constant 1 : index
    %get3A_71 = arith.constant 0 : index
    %get3A_72 = vector.load %arg1[%get3A_68, %get3A_69, %get3A_70, %get3A_71] : memref<1x66x66x32xf32, #tpu.memory_space<vmem>>, vector<1x64x64x32xf32>
    %get3A_73 = vector.shape_cast %get3A_72 : vector<1x64x64x32xf32> to vector<64x64x32xf32>
    %swap3A_74 = arith.constant 0 : index
    %swap3A_75 = arith.constant 0 : index
    %swap3A_76 = arith.constant 224 : index
    %swap3A_77 = vector.load %arg8[%swap3A_74, %swap3A_75, %swap3A_76] : memref<64x64x864xf32, #tpu.memory_space<vmem>>, vector<64x64x32xf32>
    tpu.vector_store %arg8[%swap3A_74, %swap3A_75, %swap3A_76], %get3A_73 {strides = array<i32>} : memref<64x64x864xf32, #tpu.memory_space<vmem>>, vector<64x64x32xf32>,
    %get3A_78 = arith.constant 0 : index
    %get3A_79 = arith.constant 2 : index
    %get3A_80 = arith.constant 2 : index
    %get3A_81 = arith.constant 0 : index
    %get3A_82 = vector.load %arg1[%get3A_78, %get3A_79, %get3A_80, %get3A_81] : memref<1x66x66x32xf32, #tpu.memory_space<vmem>>, vector<1x64x64x32xf32>
    %get3A_83 = vector.shape_cast %get3A_82 : vector<1x64x64x32xf32> to vector<64x64x32xf32>
    %swap3A_84 = arith.constant 0 : index
    %swap3A_85 = arith.constant 0 : index
    %swap3A_86 = arith.constant 256 : index
    %swap3A_87 = vector.load %arg8[%swap3A_84, %swap3A_85, %swap3A_86] : memref<64x64x864xf32, #tpu.memory_space<vmem>>, vector<64x64x32xf32>
    tpu.vector_store %arg8[%swap3A_84, %swap3A_85, %swap3A_86], %get3A_83 {strides = array<i32>} : memref<64x64x864xf32, #tpu.memory_space<vmem>>, vector<64x64x32xf32>,
    %get3A_88 = arith.constant 0 : index
    %get3A_89 = arith.constant 0 : index
    %get3A_90 = arith.constant 0 : index
    %get3A_91 = arith.constant 0 : index
    %get3A_92 = vector.load %arg2[%get3A_88, %get3A_89, %get3A_90, %get3A_91] : memref<1x66x66x32xf32, #tpu.memory_space<vmem>>, vector<1x64x64x32xf32>
    %get3A_93 = vector.shape_cast %get3A_92 : vector<1x64x64x32xf32> to vector<64x64x32xf32>
    %swap3A_94 = arith.constant 0 : index
    %swap3A_95 = arith.constant 0 : index
    %swap3A_96 = arith.constant 288 : index
    %swap3A_97 = vector.load %arg8[%swap3A_94, %swap3A_95, %swap3A_96] : memref<64x64x864xf32, #tpu.memory_space<vmem>>, vector<64x64x32xf32>
    tpu.vector_store %arg8[%swap3A_94, %swap3A_95, %swap3A_96], %get3A_93 {strides = array<i32>} : memref<64x64x864xf32, #tpu.memory_space<vmem>>, vector<64x64x32xf32>,
    %get3A_98 = arith.constant 0 : index
    %get3A_99 = arith.constant 0 : index
    %get3A_100 = arith.constant 1 : index
    %get3A_101 = arith.constant 0 : index
    %get3A_102 = vector.load %arg2[%get3A_98, %get3A_99, %get3A_100, %get3A_101] : memref<1x66x66x32xf32, #tpu.memory_space<vmem>>, vector<1x64x64x32xf32>
    %get3A_103 = vector.shape_cast %get3A_102 : vector<1x64x64x32xf32> to vector<64x64x32xf32>
    %swap3A_104 = arith.constant 0 : index
    %swap3A_105 = arith.constant 0 : index
    %swap3A_106 = arith.constant 320 : index
    %swap3A_107 = vector.load %arg8[%swap3A_104, %swap3A_105, %swap3A_106] : memref<64x64x864xf32, #tpu.memory_space<vmem>>, vector<64x64x32xf32>
    tpu.vector_store %arg8[%swap3A_104, %swap3A_105, %swap3A_106], %get3A_103 {strides = array<i32>} : memref<64x64x864xf32, #tpu.memory_space<vmem>>, vector<64x64x32xf32>,
    %get3A_108 = arith.constant 0 : index
    %get3A_109 = arith.constant 0 : index
    %get3A_110 = arith.constant 2 : index
    %get3A_111 = arith.constant 0 : index
    %get3A_112 = vector.load %arg2[%get3A_108, %get3A_109, %get3A_110, %get3A_111] : memref<1x66x66x32xf32, #tpu.memory_space<vmem>>, vector<1x64x64x32xf32>
    %get3A_113 = vector.shape_cast %get3A_112 : vector<1x64x64x32xf32> to vector<64x64x32xf32>
    %swap3A_114 = arith.constant 0 : index
    %swap3A_115 = arith.constant 0 : index
    %swap3A_116 = arith.constant 352 : index
    %swap3A_117 = vector.load %arg8[%swap3A_114, %swap3A_115, %swap3A_116] : memref<64x64x864xf32, #tpu.memory_space<vmem>>, vector<64x64x32xf32>
    tpu.vector_store %arg8[%swap3A_114, %swap3A_115, %swap3A_116], %get3A_113 {strides = array<i32>} : memref<64x64x864xf32, #tpu.memory_space<vmem>>, vector<64x64x32xf32>,
    %get3A_118 = arith.constant 0 : index
    %get3A_119 = arith.constant 1 : index
    %get3A_120 = arith.constant 0 : index
    %get3A_121 = arith.constant 0 : index
    %get3A_122 = vector.load %arg2[%get3A_118, %get3A_119, %get3A_120, %get3A_121] : memref<1x66x66x32xf32, #tpu.memory_space<vmem>>, vector<1x64x64x32xf32>
    %get3A_123 = vector.shape_cast %get3A_122 : vector<1x64x64x32xf32> to vector<64x64x32xf32>
    %swap3A_124 = arith.constant 0 : index
    %swap3A_125 = arith.constant 0 : index
    %swap3A_126 = arith.constant 384 : index
    %swap3A_127 = vector.load %arg8[%swap3A_124, %swap3A_125, %swap3A_126] : memref<64x64x864xf32, #tpu.memory_space<vmem>>, vector<64x64x32xf32>
    tpu.vector_store %arg8[%swap3A_124, %swap3A_125, %swap3A_126], %get3A_123 {strides = array<i32>} : memref<64x64x864xf32, #tpu.memory_space<vmem>>, vector<64x64x32xf32>,
    %get3A_128 = arith.constant 0 : index
    %get3A_129 = arith.constant 1 : index
    %get3A_130 = arith.constant 1 : index
    %get3A_131 = arith.constant 0 : index
    %get3A_132 = vector.load %arg2[%get3A_128, %get3A_129, %get3A_130, %get3A_131] : memref<1x66x66x32xf32, #tpu.memory_space<vmem>>, vector<1x64x64x32xf32>
    %get3A_133 = vector.shape_cast %get3A_132 : vector<1x64x64x32xf32> to vector<64x64x32xf32>
    %swap3A_134 = arith.constant 0 : index
    %swap3A_135 = arith.constant 0 : index
    %swap3A_136 = arith.constant 416 : index
    %swap3A_137 = vector.load %arg8[%swap3A_134, %swap3A_135, %swap3A_136] : memref<64x64x864xf32, #tpu.memory_space<vmem>>, vector<64x64x32xf32>
    tpu.vector_store %arg8[%swap3A_134, %swap3A_135, %swap3A_136], %get3A_133 {strides = array<i32>} : memref<64x64x864xf32, #tpu.memory_space<vmem>>, vector<64x64x32xf32>,
    %get3A_138 = arith.constant 0 : index
    %get3A_139 = arith.constant 1 : index
    %get3A_140 = arith.constant 2 : index
    %get3A_141 = arith.constant 0 : index
    %get3A_142 = vector.load %arg2[%get3A_138, %get3A_139, %get3A_140, %get3A_141] : memref<1x66x66x32xf32, #tpu.memory_space<vmem>>, vector<1x64x64x32xf32>
    %get3A_143 = vector.shape_cast %get3A_142 : vector<1x64x64x32xf32> to vector<64x64x32xf32>
    %swap3A_144 = arith.constant 0 : index
    %swap3A_145 = arith.constant 0 : index
    %swap3A_146 = arith.constant 448 : index
    %swap3A_147 = vector.load %arg8[%swap3A_144, %swap3A_145, %swap3A_146] : memref<64x64x864xf32, #tpu.memory_space<vmem>>, vector<64x64x32xf32>
    tpu.vector_store %arg8[%swap3A_144, %swap3A_145, %swap3A_146], %get3A_143 {strides = array<i32>} : memref<64x64x864xf32, #tpu.memory_space<vmem>>, vector<64x64x32xf32>,
    %get3A_148 = arith.constant 0 : index
    %get3A_149 = arith.constant 2 : index
    %get3A_150 = arith.constant 0 : index
    %get3A_151 = arith.constant 0 : index
    %get3A_152 = vector.load %arg2[%get3A_148, %get3A_149, %get3A_150, %get3A_151] : memref<1x66x66x32xf32, #tpu.memory_space<vmem>>, vector<1x64x64x32xf32>
    %get3A_153 = vector.shape_cast %get3A_152 : vector<1x64x64x32xf32> to vector<64x64x32xf32>
    %swap3A_154 = arith.constant 0 : index
    %swap3A_155 = arith.constant 0 : index
    %swap3A_156 = arith.constant 480 : index
    %swap3A_157 = vector.load %arg8[%swap3A_154, %swap3A_155, %swap3A_156] : memref<64x64x864xf32, #tpu.memory_space<vmem>>, vector<64x64x32xf32>
    tpu.vector_store %arg8[%swap3A_154, %swap3A_155, %swap3A_156], %get3A_153 {strides = array<i32>} : memref<64x64x864xf32, #tpu.memory_space<vmem>>, vector<64x64x32xf32>,
    %get3A_158 = arith.constant 0 : index
    %get3A_159 = arith.constant 2 : index
    %get3A_160 = arith.constant 1 : index
    %get3A_161 = arith.constant 0 : index
    %get3A_162 = vector.load %arg2[%get3A_158, %get3A_159, %get3A_160, %get3A_161] : memref<1x66x66x32xf32, #tpu.memory_space<vmem>>, vector<1x64x64x32xf32>
    %get3A_163 = vector.shape_cast %get3A_162 : vector<1x64x64x32xf32> to vector<64x64x32xf32>
    %swap3A_164 = arith.constant 0 : index
    %swap3A_165 = arith.constant 0 : index
    %swap3A_166 = arith.constant 512 : index
    %swap3A_167 = vector.load %arg8[%swap3A_164, %swap3A_165, %swap3A_166] : memref<64x64x864xf32, #tpu.memory_space<vmem>>, vector<64x64x32xf32>
    tpu.vector_store %arg8[%swap3A_164, %swap3A_165, %swap3A_166], %get3A_163 {strides = array<i32>} : memref<64x64x864xf32, #tpu.memory_space<vmem>>, vector<64x64x32xf32>,
    %get3A_168 = arith.constant 0 : index
    %get3A_169 = arith.constant 2 : index
    %get3A_170 = arith.constant 2 : index
    %get3A_171 = arith.constant 0 : index
    %get3A_172 = vector.load %arg2[%get3A_168, %get3A_169, %get3A_170, %get3A_171] : memref<1x66x66x32xf32, #tpu.memory_space<vmem>>, vector<1x64x64x32xf32>
    %get3A_173 = vector.shape_cast %get3A_172 : vector<1x64x64x32xf32> to vector<64x64x32xf32>
    %swap3A_174 = arith.constant 0 : index
    %swap3A_175 = arith.constant 0 : index
    %swap3A_176 = arith.constant 544 : index
    %swap3A_177 = vector.load %arg8[%swap3A_174, %swap3A_175, %swap3A_176] : memref<64x64x864xf32, #tpu.memory_space<vmem>>, vector<64x64x32xf32>
    tpu.vector_store %arg8[%swap3A_174, %swap3A_175, %swap3A_176], %get3A_173 {strides = array<i32>} : memref<64x64x864xf32, #tpu.memory_space<vmem>>, vector<64x64x32xf32>,
    %get3A_178 = arith.constant 0 : index
    %get3A_179 = arith.constant 0 : index
    %get3A_180 = arith.constant 0 : index
    %get3A_181 = arith.constant 0 : index
    %get3A_182 = vector.load %arg3[%get3A_178, %get3A_179, %get3A_180, %get3A_181] : memref<1x66x66x32xf32, #tpu.memory_space<vmem>>, vector<1x64x64x32xf32>
    %get3A_183 = vector.shape_cast %get3A_182 : vector<1x64x64x32xf32> to vector<64x64x32xf32>
    %swap3A_184 = arith.constant 0 : index
    %swap3A_185 = arith.constant 0 : index
    %swap3A_186 = arith.constant 576 : index
    %swap3A_187 = vector.load %arg8[%swap3A_184, %swap3A_185, %swap3A_186] : memref<64x64x864xf32, #tpu.memory_space<vmem>>, vector<64x64x32xf32>
    tpu.vector_store %arg8[%swap3A_184, %swap3A_185, %swap3A_186], %get3A_183 {strides = array<i32>} : memref<64x64x864xf32, #tpu.memory_space<vmem>>, vector<64x64x32xf32>,
    %get3A_188 = arith.constant 0 : index
    %get3A_189 = arith.constant 0 : index
    %get3A_190 = arith.constant 1 : index
    %get3A_191 = arith.constant 0 : index
    %get3A_192 = vector.load %arg3[%get3A_188, %get3A_189, %get3A_190, %get3A_191] : memref<1x66x66x32xf32, #tpu.memory_space<vmem>>, vector<1x64x64x32xf32>
    %get3A_193 = vector.shape_cast %get3A_192 : vector<1x64x64x32xf32> to vector<64x64x32xf32>
    %swap3A_194 = arith.constant 0 : index
    %swap3A_195 = arith.constant 0 : index
    %swap3A_196 = arith.constant 608 : index
    %swap3A_197 = vector.load %arg8[%swap3A_194, %swap3A_195, %swap3A_196] : memref<64x64x864xf32, #tpu.memory_space<vmem>>, vector<64x64x32xf32>
    tpu.vector_store %arg8[%swap3A_194, %swap3A_195, %swap3A_196], %get3A_193 {strides = array<i32>} : memref<64x64x864xf32, #tpu.memory_space<vmem>>, vector<64x64x32xf32>,
    %get3A_198 = arith.constant 0 : index
    %get3A_199 = arith.constant 0 : index
    %get3A_200 = arith.constant 2 : index
    %get3A_201 = arith.constant 0 : index
    %get3A_202 = vector.load %arg3[%get3A_198, %get3A_199, %get3A_200, %get3A_201] : memref<1x66x66x32xf32, #tpu.memory_space<vmem>>, vector<1x64x64x32xf32>
    %get3A_203 = vector.shape_cast %get3A_202 : vector<1x64x64x32xf32> to vector<64x64x32xf32>
    %swap3A_204 = arith.constant 0 : index
    %swap3A_205 = arith.constant 0 : index
    %swap3A_206 = arith.constant 640 : index
    %swap3A_207 = vector.load %arg8[%swap3A_204, %swap3A_205, %swap3A_206] : memref<64x64x864xf32, #tpu.memory_space<vmem>>, vector<64x64x32xf32>
    tpu.vector_store %arg8[%swap3A_204, %swap3A_205, %swap3A_206], %get3A_203 {strides = array<i32>} : memref<64x64x864xf32, #tpu.memory_space<vmem>>, vector<64x64x32xf32>,
    %get3A_208 = arith.constant 0 : index
    %get3A_209 = arith.constant 1 : index
    %get3A_210 = arith.constant 0 : index
    %get3A_211 = arith.constant 0 : index
    %get3A_212 = vector.load %arg3[%get3A_208, %get3A_209, %get3A_210, %get3A_211] : memref<1x66x66x32xf32, #tpu.memory_space<vmem>>, vector<1x64x64x32xf32>
    %get3A_213 = vector.shape_cast %get3A_212 : vector<1x64x64x32xf32> to vector<64x64x32xf32>
    %swap3A_214 = arith.constant 0 : index
    %swap3A_215 = arith.constant 0 : index
    %swap3A_216 = arith.constant 672 : index
    %swap3A_217 = vector.load %arg8[%swap3A_214, %swap3A_215, %swap3A_216] : memref<64x64x864xf32, #tpu.memory_space<vmem>>, vector<64x64x32xf32>
    tpu.vector_store %arg8[%swap3A_214, %swap3A_215, %swap3A_216], %get3A_213 {strides = array<i32>} : memref<64x64x864xf32, #tpu.memory_space<vmem>>, vector<64x64x32xf32>,
    %get3A_218 = arith.constant 0 : index
    %get3A_219 = arith.constant 1 : index
    %get3A_220 = arith.constant 1 : index
    %get3A_221 = arith.constant 0 : index
    %get3A_222 = vector.load %arg3[%get3A_218, %get3A_219, %get3A_220, %get3A_221] : memref<1x66x66x32xf32, #tpu.memory_space<vmem>>, vector<1x64x64x32xf32>
    %get3A_223 = vector.shape_cast %get3A_222 : vector<1x64x64x32xf32> to vector<64x64x32xf32>
    %swap3A_224 = arith.constant 0 : index
    %swap3A_225 = arith.constant 0 : index
    %swap3A_226 = arith.constant 704 : index
    %swap3A_227 = vector.load %arg8[%swap3A_224, %swap3A_225, %swap3A_226] : memref<64x64x864xf32, #tpu.memory_space<vmem>>, vector<64x64x32xf32>
    tpu.vector_store %arg8[%swap3A_224, %swap3A_225, %swap3A_226], %get3A_223 {strides = array<i32>} : memref<64x64x864xf32, #tpu.memory_space<vmem>>, vector<64x64x32xf32>,
    %get3A_228 = arith.constant 0 : index
    %get3A_229 = arith.constant 1 : index
    %get3A_230 = arith.constant 2 : index
    %get3A_231 = arith.constant 0 : index
    %get3A_232 = vector.load %arg3[%get3A_228, %get3A_229, %get3A_230, %get3A_231] : memref<1x66x66x32xf32, #tpu.memory_space<vmem>>, vector<1x64x64x32xf32>
    %get3A_233 = vector.shape_cast %get3A_232 : vector<1x64x64x32xf32> to vector<64x64x32xf32>
    %swap3A_234 = arith.constant 0 : index
    %swap3A_235 = arith.constant 0 : index
    %swap3A_236 = arith.constant 736 : index
    %swap3A_237 = vector.load %arg8[%swap3A_234, %swap3A_235, %swap3A_236] : memref<64x64x864xf32, #tpu.memory_space<vmem>>, vector<64x64x32xf32>
    tpu.vector_store %arg8[%swap3A_234, %swap3A_235, %swap3A_236], %get3A_233 {strides = array<i32>} : memref<64x64x864xf32, #tpu.memory_space<vmem>>, vector<64x64x32xf32>,
    %get3A_238 = arith.constant 0 : index
    %get3A_239 = arith.constant 2 : index
    %get3A_240 = arith.constant 0 : index
    %get3A_241 = arith.constant 0 : index
    %get3A_242 = vector.load %arg3[%get3A_238, %get3A_239, %get3A_240, %get3A_241] : memref<1x66x66x32xf32, #tpu.memory_space<vmem>>, vector<1x64x64x32xf32>
    %get3A_243 = vector.shape_cast %get3A_242 : vector<1x64x64x32xf32> to vector<64x64x32xf32>
    %swap3A_244 = arith.constant 0 : index
    %swap3A_245 = arith.constant 0 : index
    %swap3A_246 = arith.constant 768 : index
    %swap3A_247 = vector.load %arg8[%swap3A_244, %swap3A_245, %swap3A_246] : memref<64x64x864xf32, #tpu.memory_space<vmem>>, vector<64x64x32xf32>
    tpu.vector_store %arg8[%swap3A_244, %swap3A_245, %swap3A_246], %get3A_243 {strides = array<i32>} : memref<64x64x864xf32, #tpu.memory_space<vmem>>, vector<64x64x32xf32>,
    %get3A_248 = arith.constant 0 : index
    %get3A_249 = arith.constant 2 : index
    %get3A_250 = arith.constant 1 : index
    %get3A_251 = arith.constant 0 : index
    %get3A_252 = vector.load %arg3[%get3A_248, %get3A_249, %get3A_250, %get3A_251] : memref<1x66x66x32xf32, #tpu.memory_space<vmem>>, vector<1x64x64x32xf32>
    %get3A_253 = vector.shape_cast %get3A_252 : vector<1x64x64x32xf32> to vector<64x64x32xf32>
    %swap3A_254 = arith.constant 0 : index
    %swap3A_255 = arith.constant 0 : index
    %swap3A_256 = arith.constant 800 : index
    %swap3A_257 = vector.load %arg8[%swap3A_254, %swap3A_255, %swap3A_256] : memref<64x64x864xf32, #tpu.memory_space<vmem>>, vector<64x64x32xf32>
    tpu.vector_store %arg8[%swap3A_254, %swap3A_255, %swap3A_256], %get3A_253 {strides = array<i32>} : memref<64x64x864xf32, #tpu.memory_space<vmem>>, vector<64x64x32xf32>,
    %get3A_258 = arith.constant 0 : index
    %get3A_259 = arith.constant 2 : index
    %get3A_260 = arith.constant 2 : index
    %get3A_261 = arith.constant 0 : index
    %get3A_262 = vector.load %arg3[%get3A_258, %get3A_259, %get3A_260, %get3A_261] : memref<1x66x66x32xf32, #tpu.memory_space<vmem>>, vector<1x64x64x32xf32>
    %get3A_263 = vector.shape_cast %get3A_262 : vector<1x64x64x32xf32> to vector<64x64x32xf32>
    %swap3A_264 = arith.constant 0 : index
    %swap3A_265 = arith.constant 0 : index
    %swap3A_266 = arith.constant 832 : index
    %swap3A_267 = vector.load %arg8[%swap3A_264, %swap3A_265, %swap3A_266] : memref<64x64x864xf32, #tpu.memory_space<vmem>>, vector<64x64x32xf32>
    tpu.vector_store %arg8[%swap3A_264, %swap3A_265, %swap3A_266], %get3A_263 {strides = array<i32>} : memref<64x64x864xf32, #tpu.memory_space<vmem>>, vector<64x64x32xf32>,
    %get3A_268 = arith.constant 0 : index
    %get3A_269 = arith.constant 0 : index
    %get3A_270 = arith.constant 0 : index
    %get3A_271 = vector.load %arg8[%get3A_268, %get3A_269, %get3A_270] : memref<64x64x864xf32, #tpu.memory_space<vmem>>, vector<64x64x864xf32>
    %reshape3A = vector.shape_cast %get3A_271 : vector<64x64x864xf32> to vector<4096x864xf32>
    %slice3A = vector.extract_strided_slice %reshape3A {offsets = [0, 0], sizes = [512, 864], strides = [1, 1]} : vector<4096x864xf32> to vector<512x864xf32>
    %get3A_272 = arith.constant 0 : index
    %get3A_273 = arith.constant 0 : index
    %get3A_274 = vector.load %arg5[%get3A_272, %get3A_273] : memref<864x32xf32, #tpu.memory_space<vmem>>, vector<864x32xf32>
    %dot_general3A = arith.constant dense<0.000000e+00> : vector<512x32xf32>
    %dot_general3A_275 = tpu.matmul %slice3A, %get3A_274, %dot_general3A {dimension_numbers = #tpu.dot_dimension_numbers<[1], [0], [0], [1], [0, 0, 1, 1], [], []>, precision = #tpu.contract_precision<fp32>, transpose_lhs_hint = false} : vector<512x864xf32>, vector<864x32xf32>, vector<512x32xf32> -> vector<512x32xf32>
    %get3A_276 = arith.constant 0 : index
    %get3A_277 = arith.constant 0 : index
    %get3A_278 = vector.load %arg6[%get3A_276, %get3A_277] : memref<1x32xf32, #tpu.memory_space<vmem>>, vector<1x32xf32>
    %add3A = vector.broadcast %get3A_278 : vector<1x32xf32> to vector<512x32xf32>
    %add3A_279 = arith.addf %dot_general3A_275, %add3A : vector<512x32xf32>
    %max3A = arith.constant 0.000000e+00 : f32
    %max3A_280 = vector.broadcast %max3A : f32 to vector<512x32xf32>
    %max3A_281 = arith.maximumf %add3A_279, %max3A_280 : vector<512x32xf32>
    %get3A_282 = arith.constant 0 : index
    %get3A_283 = arith.constant 0 : index
    %get3A_284 = arith.constant 0 : index
    %get3A_285 = vector.load %arg4[%get3A_282, %get3A_283, %get3A_284] : memref<1x4096x1xf32, #tpu.memory_space<vmem>>, vector<1x512x1xf32>
    %get3A_286 = vector.shape_cast %get3A_285 : vector<1x512x1xf32> to vector<512x1xf32>
    %mul3A = vector.broadcast %get3A_286 : vector<512x1xf32> to vector<512x32xf32>
    %mul3A_287 = arith.mulf %max3A_281, %mul3A : vector<512x32xf32>
    %swap3A_288 = arith.constant 0 : index
    %swap3A_289 = arith.constant 0 : index
    %swap3A_290 = arith.constant 0 : index
    %swap3A_291 = vector.load %arg7[%swap3A_288, %swap3A_289, %swap3A_290] : memref<1x4096x32xf32, #tpu.memory_space<vmem>>, vector<1x512x32xf32>
    %swap3A_292 = vector.shape_cast %swap3A_291 : vector<1x512x32xf32> to vector<512x32xf32>
    %swap3A_293 = vector.shape_cast %mul3A_287 : vector<512x32xf32> to vector<1x512x32xf32>
    tpu.vector_store %arg7[%swap3A_288, %swap3A_289, %swap3A_290], %swap3A_293 {strides = array<i32>} : memref<1x4096x32xf32, #tpu.memory_space<vmem>>, vector<1x512x32xf32>,
    %slice3A_294 = vector.extract_strided_slice %reshape3A {offsets = [512, 0], sizes = [512, 864], strides = [1, 1]} : vector<4096x864xf32> to vector<512x864xf32>
    %get3A_295 = arith.constant 0 : index
    %get3A_296 = arith.constant 0 : index
    %get3A_297 = vector.load %arg5[%get3A_295, %get3A_296] : memref<864x32xf32, #tpu.memory_space<vmem>>, vector<864x32xf32>
    %dot_general3A_298 = arith.constant dense<0.000000e+00> : vector<512x32xf32>
    %dot_general3A_299 = tpu.matmul %slice3A_294, %get3A_297, %dot_general3A_298 {dimension_numbers = #tpu.dot_dimension_numbers<[1], [0], [0], [1], [0, 0, 1, 1], [], []>, precision = #tpu.contract_precision<fp32>, transpose_lhs_hint = false} : vector<512x864xf32>, vector<864x32xf32>, vector<512x32xf32> -> vector<512x32xf32>
    %get3A_300 = arith.constant 0 : index
    %get3A_301 = arith.constant 0 : index
    %get3A_302 = vector.load %arg6[%get3A_300, %get3A_301] : memref<1x32xf32, #tpu.memory_space<vmem>>, vector<1x32xf32>
    %add3A_303 = vector.broadcast %get3A_302 : vector<1x32xf32> to vector<512x32xf32>
    %add3A_304 = arith.addf %dot_general3A_299, %add3A_303 : vector<512x32xf32>
    %max3A_305 = arith.constant 0.000000e+00 : f32
    %max3A_306 = vector.broadcast %max3A_305 : f32 to vector<512x32xf32>
    %max3A_307 = arith.maximumf %add3A_304, %max3A_306 : vector<512x32xf32>
    %get3A_308 = arith.constant 0 : index
    %get3A_309 = arith.constant 512 : index
    %get3A_310 = arith.constant 0 : index
    %get3A_311 = vector.load %arg4[%get3A_308, %get3A_309, %get3A_310] : memref<1x4096x1xf32, #tpu.memory_space<vmem>>, vector<1x512x1xf32>
    %get3A_312 = vector.shape_cast %get3A_311 : vector<1x512x1xf32> to vector<512x1xf32>
    %mul3A_313 = vector.broadcast %get3A_312 : vector<512x1xf32> to vector<512x32xf32>
    %mul3A_314 = arith.mulf %max3A_307, %mul3A_313 : vector<512x32xf32>
    %swap3A_315 = arith.constant 0 : index
    %swap3A_316 = arith.constant 512 : index
    %swap3A_317 = arith.constant 0 : index
    %swap3A_318 = vector.load %arg7[%swap3A_315, %swap3A_316, %swap3A_317] : memref<1x4096x32xf32, #tpu.memory_space<vmem>>, vector<1x512x32xf32>
    %swap3A_319 = vector.shape_cast %swap3A_318 : vector<1x512x32xf32> to vector<512x32xf32>
    %swap3A_320 = vector.shape_cast %mul3A_314 : vector<512x32xf32> to vector<1x512x32xf32>
    tpu.vector_store %arg7[%swap3A_315, %swap3A_316, %swap3A_317], %swap3A_320 {strides = array<i32>} : memref<1x4096x32xf32, #tpu.memory_space<vmem>>, vector<1x512x32xf32>,
    %slice3A_321 = vector.extract_strided_slice %reshape3A {offsets = [1024, 0], sizes = [512, 864], strides = [1, 1]} : vector<4096x864xf32> to vector<512x864xf32>
    %get3A_322 = arith.constant 0 : index
    %get3A_323 = arith.constant 0 : index
    %get3A_324 = vector.load %arg5[%get3A_322, %get3A_323] : memref<864x32xf32, #tpu.memory_space<vmem>>, vector<864x32xf32>
    %dot_general3A_325 = arith.constant dense<0.000000e+00> : vector<512x32xf32>
    %dot_general3A_326 = tpu.matmul %slice3A_321, %get3A_324, %dot_general3A_325 {dimension_numbers = #tpu.dot_dimension_numbers<[1], [0], [0], [1], [0, 0, 1, 1], [], []>, precision = #tpu.contract_precision<fp32>, transpose_lhs_hint = false} : vector<512x864xf32>, vector<864x32xf32>, vector<512x32xf32> -> vector<512x32xf32>
    %get3A_327 = arith.constant 0 : index
    %get3A_328 = arith.constant 0 : index
    %get3A_329 = vector.load %arg6[%get3A_327, %get3A_328] : memref<1x32xf32, #tpu.memory_space<vmem>>, vector<1x32xf32>
    %add3A_330 = vector.broadcast %get3A_329 : vector<1x32xf32> to vector<512x32xf32>
    %add3A_331 = arith.addf %dot_general3A_326, %add3A_330 : vector<512x32xf32>
    %max3A_332 = arith.constant 0.000000e+00 : f32
    %max3A_333 = vector.broadcast %max3A_332 : f32 to vector<512x32xf32>
    %max3A_334 = arith.maximumf %add3A_331, %max3A_333 : vector<512x32xf32>
    %get3A_335 = arith.constant 0 : index
    %get3A_336 = arith.constant 1024 : index
    %get3A_337 = arith.constant 0 : index
    %get3A_338 = vector.load %arg4[%get3A_335, %get3A_336, %get3A_337] : memref<1x4096x1xf32, #tpu.memory_space<vmem>>, vector<1x512x1xf32>
    %get3A_339 = vector.shape_cast %get3A_338 : vector<1x512x1xf32> to vector<512x1xf32>
    %mul3A_340 = vector.broadcast %get3A_339 : vector<512x1xf32> to vector<512x32xf32>
    %mul3A_341 = arith.mulf %max3A_334, %mul3A_340 : vector<512x32xf32>
    %swap3A_342 = arith.constant 0 : index
    %swap3A_343 = arith.constant 1024 : index
    %swap3A_344 = arith.constant 0 : index
    %swap3A_345 = vector.load %arg7[%swap3A_342, %swap3A_343, %swap3A_344] : memref<1x4096x32xf32, #tpu.memory_space<vmem>>, vector<1x512x32xf32>
    %swap3A_346 = vector.shape_cast %swap3A_345 : vector<1x512x32xf32> to vector<512x32xf32>
    %swap3A_347 = vector.shape_cast %mul3A_341 : vector<512x32xf32> to vector<1x512x32xf32>
    tpu.vector_store %arg7[%swap3A_342, %swap3A_343, %swap3A_344], %swap3A_347 {strides = array<i32>} : memref<1x4096x32xf32, #tpu.memory_space<vmem>>, vector<1x512x32xf32>,
    %slice3A_348 = vector.extract_strided_slice %reshape3A {offsets = [1536, 0], sizes = [512, 864], strides = [1, 1]} : vector<4096x864xf32> to vector<512x864xf32>
    %get3A_349 = arith.constant 0 : index
    %get3A_350 = arith.constant 0 : index
    %get3A_351 = vector.load %arg5[%get3A_349, %get3A_350] : memref<864x32xf32, #tpu.memory_space<vmem>>, vector<864x32xf32>
    %dot_general3A_352 = arith.constant dense<0.000000e+00> : vector<512x32xf32>
    %dot_general3A_353 = tpu.matmul %slice3A_348, %get3A_351, %dot_general3A_352 {dimension_numbers = #tpu.dot_dimension_numbers<[1], [0], [0], [1], [0, 0, 1, 1], [], []>, precision = #tpu.contract_precision<fp32>, transpose_lhs_hint = false} : vector<512x864xf32>, vector<864x32xf32>, vector<512x32xf32> -> vector<512x32xf32>
    %get3A_354 = arith.constant 0 : index
    %get3A_355 = arith.constant 0 : index
    %get3A_356 = vector.load %arg6[%get3A_354, %get3A_355] : memref<1x32xf32, #tpu.memory_space<vmem>>, vector<1x32xf32>
    %add3A_357 = vector.broadcast %get3A_356 : vector<1x32xf32> to vector<512x32xf32>
    %add3A_358 = arith.addf %dot_general3A_353, %add3A_357 : vector<512x32xf32>
    %max3A_359 = arith.constant 0.000000e+00 : f32
    %max3A_360 = vector.broadcast %max3A_359 : f32 to vector<512x32xf32>
    %max3A_361 = arith.maximumf %add3A_358, %max3A_360 : vector<512x32xf32>
    %get3A_362 = arith.constant 0 : index
    %get3A_363 = arith.constant 1536 : index
    %get3A_364 = arith.constant 0 : index
    %get3A_365 = vector.load %arg4[%get3A_362, %get3A_363, %get3A_364] : memref<1x4096x1xf32, #tpu.memory_space<vmem>>, vector<1x512x1xf32>
    %get3A_366 = vector.shape_cast %get3A_365 : vector<1x512x1xf32> to vector<512x1xf32>
    %mul3A_367 = vector.broadcast %get3A_366 : vector<512x1xf32> to vector<512x32xf32>
    %mul3A_368 = arith.mulf %max3A_361, %mul3A_367 : vector<512x32xf32>
    %swap3A_369 = arith.constant 0 : index
    %swap3A_370 = arith.constant 1536 : index
    %swap3A_371 = arith.constant 0 : index
    %swap3A_372 = vector.load %arg7[%swap3A_369, %swap3A_370, %swap3A_371] : memref<1x4096x32xf32, #tpu.memory_space<vmem>>, vector<1x512x32xf32>
    %swap3A_373 = vector.shape_cast %swap3A_372 : vector<1x512x32xf32> to vector<512x32xf32>
    %swap3A_374 = vector.shape_cast %mul3A_368 : vector<512x32xf32> to vector<1x512x32xf32>
    tpu.vector_store %arg7[%swap3A_369, %swap3A_370, %swap3A_371], %swap3A_374 {strides = array<i32>} : memref<1x4096x32xf32, #tpu.memory_space<vmem>>, vector<1x512x32xf32>,
    %slice3A_375 = vector.extract_strided_slice %reshape3A {offsets = [2048, 0], sizes = [512, 864], strides = [1, 1]} : vector<4096x864xf32> to vector<512x864xf32>
    %get3A_376 = arith.constant 0 : index
    %get3A_377 = arith.constant 0 : index
    %get3A_378 = vector.load %arg5[%get3A_376, %get3A_377] : memref<864x32xf32, #tpu.memory_space<vmem>>, vector<864x32xf32>
    %dot_general3A_379 = arith.constant dense<0.000000e+00> : vector<512x32xf32>
    %dot_general3A_380 = tpu.matmul %slice3A_375, %get3A_378, %dot_general3A_379 {dimension_numbers = #tpu.dot_dimension_numbers<[1], [0], [0], [1], [0, 0, 1, 1], [], []>, precision = #tpu.contract_precision<fp32>, transpose_lhs_hint = false} : vector<512x864xf32>, vector<864x32xf32>, vector<512x32xf32> -> vector<512x32xf32>
    %get3A_381 = arith.constant 0 : index
    %get3A_382 = arith.constant 0 : index
    %get3A_383 = vector.load %arg6[%get3A_381, %get3A_382] : memref<1x32xf32, #tpu.memory_space<vmem>>, vector<1x32xf32>
    %add3A_384 = vector.broadcast %get3A_383 : vector<1x32xf32> to vector<512x32xf32>
    %add3A_385 = arith.addf %dot_general3A_380, %add3A_384 : vector<512x32xf32>
    %max3A_386 = arith.constant 0.000000e+00 : f32
    %max3A_387 = vector.broadcast %max3A_386 : f32 to vector<512x32xf32>
    %max3A_388 = arith.maximumf %add3A_385, %max3A_387 : vector<512x32xf32>
    %get3A_389 = arith.constant 0 : index
    %get3A_390 = arith.constant 2048 : index
    %get3A_391 = arith.constant 0 : index
    %get3A_392 = vector.load %arg4[%get3A_389, %get3A_390, %get3A_391] : memref<1x4096x1xf32, #tpu.memory_space<vmem>>, vector<1x512x1xf32>
    %get3A_393 = vector.shape_cast %get3A_392 : vector<1x512x1xf32> to vector<512x1xf32>
    %mul3A_394 = vector.broadcast %get3A_393 : vector<512x1xf32> to vector<512x32xf32>
    %mul3A_395 = arith.mulf %max3A_388, %mul3A_394 : vector<512x32xf32>
    %swap3A_396 = arith.constant 0 : index
    %swap3A_397 = arith.constant 2048 : index
    %swap3A_398 = arith.constant 0 : index
    %swap3A_399 = vector.load %arg7[%swap3A_396, %swap3A_397, %swap3A_398] : memref<1x4096x32xf32, #tpu.memory_space<vmem>>, vector<1x512x32xf32>
    %swap3A_400 = vector.shape_cast %swap3A_399 : vector<1x512x32xf32> to vector<512x32xf32>
    %swap3A_401 = vector.shape_cast %mul3A_395 : vector<512x32xf32> to vector<1x512x32xf32>
    tpu.vector_store %arg7[%swap3A_396, %swap3A_397, %swap3A_398], %swap3A_401 {strides = array<i32>} : memref<1x4096x32xf32, #tpu.memory_space<vmem>>, vector<1x512x32xf32>,
    %slice3A_402 = vector.extract_strided_slice %reshape3A {offsets = [2560, 0], sizes = [512, 864], strides = [1, 1]} : vector<4096x864xf32> to vector<512x864xf32>
    %get3A_403 = arith.constant 0 : index
    %get3A_404 = arith.constant 0 : index
    %get3A_405 = vector.load %arg5[%get3A_403, %get3A_404] : memref<864x32xf32, #tpu.memory_space<vmem>>, vector<864x32xf32>
    %dot_general3A_406 = arith.constant dense<0.000000e+00> : vector<512x32xf32>
    %dot_general3A_407 = tpu.matmul %slice3A_402, %get3A_405, %dot_general3A_406 {dimension_numbers = #tpu.dot_dimension_numbers<[1], [0], [0], [1], [0, 0, 1, 1], [], []>, precision = #tpu.contract_precision<fp32>, transpose_lhs_hint = false} : vector<512x864xf32>, vector<864x32xf32>, vector<512x32xf32> -> vector<512x32xf32>
    %get3A_408 = arith.constant 0 : index
    %get3A_409 = arith.constant 0 : index
    %get3A_410 = vector.load %arg6[%get3A_408, %get3A_409] : memref<1x32xf32, #tpu.memory_space<vmem>>, vector<1x32xf32>
    %add3A_411 = vector.broadcast %get3A_410 : vector<1x32xf32> to vector<512x32xf32>
    %add3A_412 = arith.addf %dot_general3A_407, %add3A_411 : vector<512x32xf32>
    %max3A_413 = arith.constant 0.000000e+00 : f32
    %max3A_414 = vector.broadcast %max3A_413 : f32 to vector<512x32xf32>
    %max3A_415 = arith.maximumf %add3A_412, %max3A_414 : vector<512x32xf32>
    %get3A_416 = arith.constant 0 : index
    %get3A_417 = arith.constant 2560 : index
    %get3A_418 = arith.constant 0 : index
    %get3A_419 = vector.load %arg4[%get3A_416, %get3A_417, %get3A_418] : memref<1x4096x1xf32, #tpu.memory_space<vmem>>, vector<1x512x1xf32>
    %get3A_420 = vector.shape_cast %get3A_419 : vector<1x512x1xf32> to vector<512x1xf32>
    %mul3A_421 = vector.broadcast %get3A_420 : vector<512x1xf32> to vector<512x32xf32>
    %mul3A_422 = arith.mulf %max3A_415, %mul3A_421 : vector<512x32xf32>
    %swap3A_423 = arith.constant 0 : index
    %swap3A_424 = arith.constant 2560 : index
    %swap3A_425 = arith.constant 0 : index
    %swap3A_426 = vector.load %arg7[%swap3A_423, %swap3A_424, %swap3A_425] : memref<1x4096x32xf32, #tpu.memory_space<vmem>>, vector<1x512x32xf32>
    %swap3A_427 = vector.shape_cast %swap3A_426 : vector<1x512x32xf32> to vector<512x32xf32>
    %swap3A_428 = vector.shape_cast %mul3A_422 : vector<512x32xf32> to vector<1x512x32xf32>
    tpu.vector_store %arg7[%swap3A_423, %swap3A_424, %swap3A_425], %swap3A_428 {strides = array<i32>} : memref<1x4096x32xf32, #tpu.memory_space<vmem>>, vector<1x512x32xf32>,
    %slice3A_429 = vector.extract_strided_slice %reshape3A {offsets = [3072, 0], sizes = [512, 864], strides = [1, 1]} : vector<4096x864xf32> to vector<512x864xf32>
    %get3A_430 = arith.constant 0 : index
    %get3A_431 = arith.constant 0 : index
    %get3A_432 = vector.load %arg5[%get3A_430, %get3A_431] : memref<864x32xf32, #tpu.memory_space<vmem>>, vector<864x32xf32>
    %dot_general3A_433 = arith.constant dense<0.000000e+00> : vector<512x32xf32>
    %dot_general3A_434 = tpu.matmul %slice3A_429, %get3A_432, %dot_general3A_433 {dimension_numbers = #tpu.dot_dimension_numbers<[1], [0], [0], [1], [0, 0, 1, 1], [], []>, precision = #tpu.contract_precision<fp32>, transpose_lhs_hint = false} : vector<512x864xf32>, vector<864x32xf32>, vector<512x32xf32> -> vector<512x32xf32>
    %get3A_435 = arith.constant 0 : index
    %get3A_436 = arith.constant 0 : index
    %get3A_437 = vector.load %arg6[%get3A_435, %get3A_436] : memref<1x32xf32, #tpu.memory_space<vmem>>, vector<1x32xf32>
    %add3A_438 = vector.broadcast %get3A_437 : vector<1x32xf32> to vector<512x32xf32>
    %add3A_439 = arith.addf %dot_general3A_434, %add3A_438 : vector<512x32xf32>
    %max3A_440 = arith.constant 0.000000e+00 : f32
    %max3A_441 = vector.broadcast %max3A_440 : f32 to vector<512x32xf32>
    %max3A_442 = arith.maximumf %add3A_439, %max3A_441 : vector<512x32xf32>
    %get3A_443 = arith.constant 0 : index
    %get3A_444 = arith.constant 3072 : index
    %get3A_445 = arith.constant 0 : index
    %get3A_446 = vector.load %arg4[%get3A_443, %get3A_444, %get3A_445] : memref<1x4096x1xf32, #tpu.memory_space<vmem>>, vector<1x512x1xf32>
    %get3A_447 = vector.shape_cast %get3A_446 : vector<1x512x1xf32> to vector<512x1xf32>
    %mul3A_448 = vector.broadcast %get3A_447 : vector<512x1xf32> to vector<512x32xf32>
    %mul3A_449 = arith.mulf %max3A_442, %mul3A_448 : vector<512x32xf32>
    %swap3A_450 = arith.constant 0 : index
    %swap3A_451 = arith.constant 3072 : index
    %swap3A_452 = arith.constant 0 : index
    %swap3A_453 = vector.load %arg7[%swap3A_450, %swap3A_451, %swap3A_452] : memref<1x4096x32xf32, #tpu.memory_space<vmem>>, vector<1x512x32xf32>
    %swap3A_454 = vector.shape_cast %swap3A_453 : vector<1x512x32xf32> to vector<512x32xf32>
    %swap3A_455 = vector.shape_cast %mul3A_449 : vector<512x32xf32> to vector<1x512x32xf32>
    tpu.vector_store %arg7[%swap3A_450, %swap3A_451, %swap3A_452], %swap3A_455 {strides = array<i32>} : memref<1x4096x32xf32, #tpu.memory_space<vmem>>, vector<1x512x32xf32>,
    %slice3A_456 = vector.extract_strided_slice %reshape3A {offsets = [3584, 0], sizes = [512, 864], strides = [1, 1]} : vector<4096x864xf32> to vector<512x864xf32>
    %get3A_457 = arith.constant 0 : index
    %get3A_458 = arith.constant 0 : index
    %get3A_459 = vector.load %arg5[%get3A_457, %get3A_458] : memref<864x32xf32, #tpu.memory_space<vmem>>, vector<864x32xf32>
    %dot_general3A_460 = arith.constant dense<0.000000e+00> : vector<512x32xf32>
    %dot_general3A_461 = tpu.matmul %slice3A_456, %get3A_459, %dot_general3A_460 {dimension_numbers = #tpu.dot_dimension_numbers<[1], [0], [0], [1], [0, 0, 1, 1], [], []>, precision = #tpu.contract_precision<fp32>, transpose_lhs_hint = false} : vector<512x864xf32>, vector<864x32xf32>, vector<512x32xf32> -> vector<512x32xf32>
    %get3A_462 = arith.constant 0 : index
    %get3A_463 = arith.constant 0 : index
    %get3A_464 = vector.load %arg6[%get3A_462, %get3A_463] : memref<1x32xf32, #tpu.memory_space<vmem>>, vector<1x32xf32>
    %add3A_465 = vector.broadcast %get3A_464 : vector<1x32xf32> to vector<512x32xf32>
    %add3A_466 = arith.addf %dot_general3A_461, %add3A_465 : vector<512x32xf32>
    %max3A_467 = arith.constant 0.000000e+00 : f32
    %max3A_468 = vector.broadcast %max3A_467 : f32 to vector<512x32xf32>
    %max3A_469 = arith.maximumf %add3A_466, %max3A_468 : vector<512x32xf32>
    %get3A_470 = arith.constant 0 : index
    %get3A_471 = arith.constant 3584 : index
    %get3A_472 = arith.constant 0 : index
    %get3A_473 = vector.load %arg4[%get3A_470, %get3A_471, %get3A_472] : memref<1x4096x1xf32, #tpu.memory_space<vmem>>, vector<1x512x1xf32>
    %get3A_474 = vector.shape_cast %get3A_473 : vector<1x512x1xf32> to vector<512x1xf32>
    %mul3A_475 = vector.broadcast %get3A_474 : vector<512x1xf32> to vector<512x32xf32>
    %mul3A_476 = arith.mulf %max3A_469, %mul3A_475 : vector<512x32xf32>
    %swap3A_477 = arith.constant 0 : index
    %swap3A_478 = arith.constant 3584 : index
    %swap3A_479 = arith.constant 0 : index
    %swap3A_480 = vector.load %arg7[%swap3A_477, %swap3A_478, %swap3A_479] : memref<1x4096x32xf32, #tpu.memory_space<vmem>>, vector<1x512x32xf32>
    %swap3A_481 = vector.shape_cast %swap3A_480 : vector<1x512x32xf32> to vector<512x32xf32>
    %swap3A_482 = vector.shape_cast %mul3A_476 : vector<512x32xf32> to vector<1x512x32xf32>
    tpu.vector_store %arg7[%swap3A_477, %swap3A_478, %swap3A_479], %swap3A_482 {strides = array<i32>} : memref<1x4096x32xf32, #tpu.memory_space<vmem>>, vector<1x512x32xf32>,
    return
  }
  func.func @transform_0(%arg0: i32) -> (i32, i32, i32, i32) {
    %add3A = arith.constant 0 : i32
    %add3A_0 = arith.addi %arg0, %add3A : i32
    %c0_i32 = arith.constant 0 : i32
    %c0_i32_1 = arith.constant 0 : i32
    %c0_i32_2 = arith.constant 0 : i32
    %c0_i32_3 = arith.constant 0 : i32
    return %add3A_0, %c0_i32, %c0_i32_1, %c0_i32_2 : i32, i32, i32, i32
  }
  func.func @transform_1(%arg0: i32) -> (i32, i32, i32, i32) {
    %add3A = arith.constant 1 : i32
    %add3A_0 = arith.addi %arg0, %add3A : i32
    %c0_i32 = arith.constant 0 : i32
    %c0_i32_1 = arith.constant 0 : i32
    %c0_i32_2 = arith.constant 0 : i32
    %c0_i32_3 = arith.constant 0 : i32
    return %add3A_0, %c0_i32, %c0_i32_1, %c0_i32_2 : i32, i32, i32, i32
  }
  func.func @transform_2(%arg0: i32) -> (i32, i32, i32, i32) {
    %add3A = arith.constant 2 : i32
    %add3A_0 = arith.addi %arg0, %add3A : i32
    %c0_i32 = arith.constant 0 : i32
    %c0_i32_1 = arith.constant 0 : i32
    %c0_i32_2 = arith.constant 0 : i32
    %c0_i32_3 = arith.constant 0 : i32
    return %add3A_0, %c0_i32, %c0_i32_1, %c0_i32_2 : i32, i32, i32, i32
  }
  func.func @transform_3(%arg0: i32) -> (i32, i32, i32) {
    %c0_i32 = arith.constant 0 : i32
    %c0_i32_0 = arith.constant 0 : i32
    %c0_i32_1 = arith.constant 0 : i32
    return %arg0, %c0_i32, %c0_i32_0 : i32, i32, i32
  }
  func.func @transform_4(%arg0: i32) -> (i32, i32) {
    %c0_i32 = arith.constant 0 : i32
    %c0_i32_0 = arith.constant 0 : i32
    %c0_i32_1 = arith.constant 0 : i32
    return %c0_i32, %c0_i32_0 : i32, i32
  }
  func.func @transform_5(%arg0: i32) -> (i32, i32) {
    %c0_i32 = arith.constant 0 : i32
    %c0_i32_0 = arith.constant 0 : i32
    %c0_i32_1 = arith.constant 0 : i32
    return %c0_i32, %c0_i32_0 : i32, i32
  }
  func.func @transform_6(%arg0: i32) -> (i32, i32, i32) {
    %c0_i32 = arith.constant 0 : i32
    %c0_i32_0 = arith.constant 0 : i32
    %c0_i32_1 = arith.constant 0 : i32
    return %arg0, %c0_i32, %c0_i32_0 : i32, i32, i32
  }
}

module attributes {stable_mosaic.version = 14 : i64} {
  func.func @tc_conv3(%arg0: i32, %arg1: memref<1x33x33x132xf32, #tpu.memory_space<vmem>>, %arg2: memref<1x33x33x132xf32, #tpu.memory_space<vmem>>, %arg3: memref<1x33x33x132xf32, #tpu.memory_space<vmem>>, %arg4: memref<864x64xf32, #tpu.memory_space<vmem>>, %arg5: memref<1x64xf32, #tpu.memory_space<vmem>>, %arg6: memref<1x1024x64xf32, #tpu.memory_space<vmem>>, %arg7: memref<1x1024x1xf32, #tpu.memory_space<vmem>>, %arg8: memref<32x32x864xf32, #tpu.memory_space<vmem>>) attributes {dimension_semantics = [#tpu.dimension_semantics<arbitrary>], iteration_bounds = array<i64: 11>, scalar_prefetch = 0 : i64, scratch_operands = 1 : i64, tpu.core_type = #tpu.core_type<tc>, window_params = [{transform_indices = @transform_0, window_bounds = array<i64: 1, 33, 33, 132>}, {transform_indices = @transform_1, window_bounds = array<i64: 1, 33, 33, 132>}, {transform_indices = @transform_2, window_bounds = array<i64: 1, 33, 33, 132>}, {pipeline_mode = #tpu.pipeline_mode<synchronous>, transform_indices = @transform_3, window_bounds = array<i64: 864, 64>}, {pipeline_mode = #tpu.pipeline_mode<synchronous>, transform_indices = @transform_4, window_bounds = array<i64: 1, 64>}, {transform_indices = @transform_5, window_bounds = array<i64: 1, 1024, 64>}, {transform_indices = @transform_6, window_bounds = array<i64: 1, 1024, 1>}]} {
    %broadcast_in_dim3A = arith.constant 0.000000e+00 : f32
    %broadcast_in_dim3A_0 = vector.broadcast %broadcast_in_dim3A : f32 to vector<32x32x1xf32>
    %get3A = arith.constant 0 : index
    %get3A_1 = arith.constant 0 : index
    %get3A_2 = arith.constant 0 : index
    %get3A_3 = arith.constant 0 : index
    %get3A_4 = vector.load %arg1[%get3A, %get3A_1, %get3A_2, %get3A_3] : memref<1x33x33x132xf32, #tpu.memory_space<vmem>>, vector<1x32x32x32xf32>
    %get3A_5 = vector.shape_cast %get3A_4 : vector<1x32x32x32xf32> to vector<32x32x32xf32>
    %swap3A = arith.constant 0 : index
    %swap3A_6 = arith.constant 0 : index
    %swap3A_7 = arith.constant 0 : index
    %swap3A_8 = vector.load %arg8[%swap3A, %swap3A_6, %swap3A_7] : memref<32x32x864xf32, #tpu.memory_space<vmem>>, vector<32x32x32xf32>
    tpu.vector_store %arg8[%swap3A, %swap3A_6, %swap3A_7], %get3A_5 {strides = array<i32>} : memref<32x32x864xf32, #tpu.memory_space<vmem>>, vector<32x32x32xf32>,
    %get3A_9 = arith.constant 0 : index
    %get3A_10 = arith.constant 0 : index
    %get3A_11 = arith.constant 0 : index
    %get3A_12 = arith.constant 128 : index
    %get3A_13 = vector.load %arg1[%get3A_9, %get3A_10, %get3A_11, %get3A_12] : memref<1x33x33x132xf32, #tpu.memory_space<vmem>>, vector<1x32x32x1xf32>
    %get3A_14 = vector.shape_cast %get3A_13 : vector<1x32x32x1xf32> to vector<32x32x1xf32>
    %add3A = arith.addf %broadcast_in_dim3A_0, %get3A_14 : vector<32x32x1xf32>
    %get3A_15 = arith.constant 0 : index
    %get3A_16 = arith.constant 0 : index
    %get3A_17 = arith.constant 0 : index
    %get3A_18 = arith.constant 32 : index
    %get3A_19 = vector.load %arg1[%get3A_15, %get3A_16, %get3A_17, %get3A_18] : memref<1x33x33x132xf32, #tpu.memory_space<vmem>>, vector<1x32x32x32xf32>
    %get3A_20 = vector.shape_cast %get3A_19 : vector<1x32x32x32xf32> to vector<32x32x32xf32>
    %swap3A_21 = arith.constant 0 : index
    %swap3A_22 = arith.constant 0 : index
    %swap3A_23 = arith.constant 32 : index
    %swap3A_24 = vector.load %arg8[%swap3A_21, %swap3A_22, %swap3A_23] : memref<32x32x864xf32, #tpu.memory_space<vmem>>, vector<32x32x32xf32>
    tpu.vector_store %arg8[%swap3A_21, %swap3A_22, %swap3A_23], %get3A_20 {strides = array<i32>} : memref<32x32x864xf32, #tpu.memory_space<vmem>>, vector<32x32x32xf32>,
    %get3A_25 = arith.constant 0 : index
    %get3A_26 = arith.constant 0 : index
    %get3A_27 = arith.constant 0 : index
    %get3A_28 = arith.constant 129 : index
    %get3A_29 = vector.load %arg1[%get3A_25, %get3A_26, %get3A_27, %get3A_28] : memref<1x33x33x132xf32, #tpu.memory_space<vmem>>, vector<1x32x32x1xf32>
    %get3A_30 = vector.shape_cast %get3A_29 : vector<1x32x32x1xf32> to vector<32x32x1xf32>
    %add3A_31 = arith.addf %add3A, %get3A_30 : vector<32x32x1xf32>
    %get3A_32 = arith.constant 0 : index
    %get3A_33 = arith.constant 0 : index
    %get3A_34 = arith.constant 1 : index
    %get3A_35 = arith.constant 0 : index
    %get3A_36 = vector.load %arg1[%get3A_32, %get3A_33, %get3A_34, %get3A_35] : memref<1x33x33x132xf32, #tpu.memory_space<vmem>>, vector<1x32x32x32xf32>
    %get3A_37 = vector.shape_cast %get3A_36 : vector<1x32x32x32xf32> to vector<32x32x32xf32>
    %swap3A_38 = arith.constant 0 : index
    %swap3A_39 = arith.constant 0 : index
    %swap3A_40 = arith.constant 64 : index
    %swap3A_41 = vector.load %arg8[%swap3A_38, %swap3A_39, %swap3A_40] : memref<32x32x864xf32, #tpu.memory_space<vmem>>, vector<32x32x32xf32>
    tpu.vector_store %arg8[%swap3A_38, %swap3A_39, %swap3A_40], %get3A_37 {strides = array<i32>} : memref<32x32x864xf32, #tpu.memory_space<vmem>>, vector<32x32x32xf32>,
    %get3A_42 = arith.constant 0 : index
    %get3A_43 = arith.constant 0 : index
    %get3A_44 = arith.constant 1 : index
    %get3A_45 = arith.constant 128 : index
    %get3A_46 = vector.load %arg1[%get3A_42, %get3A_43, %get3A_44, %get3A_45] : memref<1x33x33x132xf32, #tpu.memory_space<vmem>>, vector<1x32x32x1xf32>
    %get3A_47 = vector.shape_cast %get3A_46 : vector<1x32x32x1xf32> to vector<32x32x1xf32>
    %add3A_48 = arith.addf %add3A_31, %get3A_47 : vector<32x32x1xf32>
    %get3A_49 = arith.constant 0 : index
    %get3A_50 = arith.constant 0 : index
    %get3A_51 = arith.constant 0 : index
    %get3A_52 = arith.constant 64 : index
    %get3A_53 = vector.load %arg1[%get3A_49, %get3A_50, %get3A_51, %get3A_52] : memref<1x33x33x132xf32, #tpu.memory_space<vmem>>, vector<1x32x32x32xf32>
    %get3A_54 = vector.shape_cast %get3A_53 : vector<1x32x32x32xf32> to vector<32x32x32xf32>
    %swap3A_55 = arith.constant 0 : index
    %swap3A_56 = arith.constant 0 : index
    %swap3A_57 = arith.constant 96 : index
    %swap3A_58 = vector.load %arg8[%swap3A_55, %swap3A_56, %swap3A_57] : memref<32x32x864xf32, #tpu.memory_space<vmem>>, vector<32x32x32xf32>
    tpu.vector_store %arg8[%swap3A_55, %swap3A_56, %swap3A_57], %get3A_54 {strides = array<i32>} : memref<32x32x864xf32, #tpu.memory_space<vmem>>, vector<32x32x32xf32>,
    %get3A_59 = arith.constant 0 : index
    %get3A_60 = arith.constant 0 : index
    %get3A_61 = arith.constant 0 : index
    %get3A_62 = arith.constant 130 : index
    %get3A_63 = vector.load %arg1[%get3A_59, %get3A_60, %get3A_61, %get3A_62] : memref<1x33x33x132xf32, #tpu.memory_space<vmem>>, vector<1x32x32x1xf32>
    %get3A_64 = vector.shape_cast %get3A_63 : vector<1x32x32x1xf32> to vector<32x32x1xf32>
    %add3A_65 = arith.addf %add3A_48, %get3A_64 : vector<32x32x1xf32>
    %get3A_66 = arith.constant 0 : index
    %get3A_67 = arith.constant 0 : index
    %get3A_68 = arith.constant 0 : index
    %get3A_69 = arith.constant 96 : index
    %get3A_70 = vector.load %arg1[%get3A_66, %get3A_67, %get3A_68, %get3A_69] : memref<1x33x33x132xf32, #tpu.memory_space<vmem>>, vector<1x32x32x32xf32>
    %get3A_71 = vector.shape_cast %get3A_70 : vector<1x32x32x32xf32> to vector<32x32x32xf32>
    %swap3A_72 = arith.constant 0 : index
    %swap3A_73 = arith.constant 0 : index
    %swap3A_74 = arith.constant 128 : index
    %swap3A_75 = vector.load %arg8[%swap3A_72, %swap3A_73, %swap3A_74] : memref<32x32x864xf32, #tpu.memory_space<vmem>>, vector<32x32x32xf32>
    tpu.vector_store %arg8[%swap3A_72, %swap3A_73, %swap3A_74], %get3A_71 {strides = array<i32>} : memref<32x32x864xf32, #tpu.memory_space<vmem>>, vector<32x32x32xf32>,
    %get3A_76 = arith.constant 0 : index
    %get3A_77 = arith.constant 0 : index
    %get3A_78 = arith.constant 0 : index
    %get3A_79 = arith.constant 131 : index
    %get3A_80 = vector.load %arg1[%get3A_76, %get3A_77, %get3A_78, %get3A_79] : memref<1x33x33x132xf32, #tpu.memory_space<vmem>>, vector<1x32x32x1xf32>
    %get3A_81 = vector.shape_cast %get3A_80 : vector<1x32x32x1xf32> to vector<32x32x1xf32>
    %add3A_82 = arith.addf %add3A_65, %get3A_81 : vector<32x32x1xf32>
    %get3A_83 = arith.constant 0 : index
    %get3A_84 = arith.constant 0 : index
    %get3A_85 = arith.constant 1 : index
    %get3A_86 = arith.constant 64 : index
    %get3A_87 = vector.load %arg1[%get3A_83, %get3A_84, %get3A_85, %get3A_86] : memref<1x33x33x132xf32, #tpu.memory_space<vmem>>, vector<1x32x32x32xf32>
    %get3A_88 = vector.shape_cast %get3A_87 : vector<1x32x32x32xf32> to vector<32x32x32xf32>
    %swap3A_89 = arith.constant 0 : index
    %swap3A_90 = arith.constant 0 : index
    %swap3A_91 = arith.constant 160 : index
    %swap3A_92 = vector.load %arg8[%swap3A_89, %swap3A_90, %swap3A_91] : memref<32x32x864xf32, #tpu.memory_space<vmem>>, vector<32x32x32xf32>
    tpu.vector_store %arg8[%swap3A_89, %swap3A_90, %swap3A_91], %get3A_88 {strides = array<i32>} : memref<32x32x864xf32, #tpu.memory_space<vmem>>, vector<32x32x32xf32>,
    %get3A_93 = arith.constant 0 : index
    %get3A_94 = arith.constant 0 : index
    %get3A_95 = arith.constant 1 : index
    %get3A_96 = arith.constant 130 : index
    %get3A_97 = vector.load %arg1[%get3A_93, %get3A_94, %get3A_95, %get3A_96] : memref<1x33x33x132xf32, #tpu.memory_space<vmem>>, vector<1x32x32x1xf32>
    %get3A_98 = vector.shape_cast %get3A_97 : vector<1x32x32x1xf32> to vector<32x32x1xf32>
    %add3A_99 = arith.addf %add3A_82, %get3A_98 : vector<32x32x1xf32>
    %get3A_100 = arith.constant 0 : index
    %get3A_101 = arith.constant 1 : index
    %get3A_102 = arith.constant 0 : index
    %get3A_103 = arith.constant 0 : index
    %get3A_104 = vector.load %arg1[%get3A_100, %get3A_101, %get3A_102, %get3A_103] : memref<1x33x33x132xf32, #tpu.memory_space<vmem>>, vector<1x32x32x32xf32>
    %get3A_105 = vector.shape_cast %get3A_104 : vector<1x32x32x32xf32> to vector<32x32x32xf32>
    %swap3A_106 = arith.constant 0 : index
    %swap3A_107 = arith.constant 0 : index
    %swap3A_108 = arith.constant 192 : index
    %swap3A_109 = vector.load %arg8[%swap3A_106, %swap3A_107, %swap3A_108] : memref<32x32x864xf32, #tpu.memory_space<vmem>>, vector<32x32x32xf32>
    tpu.vector_store %arg8[%swap3A_106, %swap3A_107, %swap3A_108], %get3A_105 {strides = array<i32>} : memref<32x32x864xf32, #tpu.memory_space<vmem>>, vector<32x32x32xf32>,
    %get3A_110 = arith.constant 0 : index
    %get3A_111 = arith.constant 1 : index
    %get3A_112 = arith.constant 0 : index
    %get3A_113 = arith.constant 128 : index
    %get3A_114 = vector.load %arg1[%get3A_110, %get3A_111, %get3A_112, %get3A_113] : memref<1x33x33x132xf32, #tpu.memory_space<vmem>>, vector<1x32x32x1xf32>
    %get3A_115 = vector.shape_cast %get3A_114 : vector<1x32x32x1xf32> to vector<32x32x1xf32>
    %add3A_116 = arith.addf %add3A_99, %get3A_115 : vector<32x32x1xf32>
    %get3A_117 = arith.constant 0 : index
    %get3A_118 = arith.constant 1 : index
    %get3A_119 = arith.constant 0 : index
    %get3A_120 = arith.constant 32 : index
    %get3A_121 = vector.load %arg1[%get3A_117, %get3A_118, %get3A_119, %get3A_120] : memref<1x33x33x132xf32, #tpu.memory_space<vmem>>, vector<1x32x32x32xf32>
    %get3A_122 = vector.shape_cast %get3A_121 : vector<1x32x32x32xf32> to vector<32x32x32xf32>
    %swap3A_123 = arith.constant 0 : index
    %swap3A_124 = arith.constant 0 : index
    %swap3A_125 = arith.constant 224 : index
    %swap3A_126 = vector.load %arg8[%swap3A_123, %swap3A_124, %swap3A_125] : memref<32x32x864xf32, #tpu.memory_space<vmem>>, vector<32x32x32xf32>
    tpu.vector_store %arg8[%swap3A_123, %swap3A_124, %swap3A_125], %get3A_122 {strides = array<i32>} : memref<32x32x864xf32, #tpu.memory_space<vmem>>, vector<32x32x32xf32>,
    %get3A_127 = arith.constant 0 : index
    %get3A_128 = arith.constant 1 : index
    %get3A_129 = arith.constant 0 : index
    %get3A_130 = arith.constant 129 : index
    %get3A_131 = vector.load %arg1[%get3A_127, %get3A_128, %get3A_129, %get3A_130] : memref<1x33x33x132xf32, #tpu.memory_space<vmem>>, vector<1x32x32x1xf32>
    %get3A_132 = vector.shape_cast %get3A_131 : vector<1x32x32x1xf32> to vector<32x32x1xf32>
    %add3A_133 = arith.addf %add3A_116, %get3A_132 : vector<32x32x1xf32>
    %get3A_134 = arith.constant 0 : index
    %get3A_135 = arith.constant 1 : index
    %get3A_136 = arith.constant 1 : index
    %get3A_137 = arith.constant 0 : index
    %get3A_138 = vector.load %arg1[%get3A_134, %get3A_135, %get3A_136, %get3A_137] : memref<1x33x33x132xf32, #tpu.memory_space<vmem>>, vector<1x32x32x32xf32>
    %get3A_139 = vector.shape_cast %get3A_138 : vector<1x32x32x32xf32> to vector<32x32x32xf32>
    %swap3A_140 = arith.constant 0 : index
    %swap3A_141 = arith.constant 0 : index
    %swap3A_142 = arith.constant 256 : index
    %swap3A_143 = vector.load %arg8[%swap3A_140, %swap3A_141, %swap3A_142] : memref<32x32x864xf32, #tpu.memory_space<vmem>>, vector<32x32x32xf32>
    tpu.vector_store %arg8[%swap3A_140, %swap3A_141, %swap3A_142], %get3A_139 {strides = array<i32>} : memref<32x32x864xf32, #tpu.memory_space<vmem>>, vector<32x32x32xf32>,
    %get3A_144 = arith.constant 0 : index
    %get3A_145 = arith.constant 1 : index
    %get3A_146 = arith.constant 1 : index
    %get3A_147 = arith.constant 128 : index
    %get3A_148 = vector.load %arg1[%get3A_144, %get3A_145, %get3A_146, %get3A_147] : memref<1x33x33x132xf32, #tpu.memory_space<vmem>>, vector<1x32x32x1xf32>
    %get3A_149 = vector.shape_cast %get3A_148 : vector<1x32x32x1xf32> to vector<32x32x1xf32>
    %add3A_150 = arith.addf %add3A_133, %get3A_149 : vector<32x32x1xf32>
    %get3A_151 = arith.constant 0 : index
    %get3A_152 = arith.constant 0 : index
    %get3A_153 = arith.constant 0 : index
    %get3A_154 = arith.constant 0 : index
    %get3A_155 = vector.load %arg2[%get3A_151, %get3A_152, %get3A_153, %get3A_154] : memref<1x33x33x132xf32, #tpu.memory_space<vmem>>, vector<1x32x32x32xf32>
    %get3A_156 = vector.shape_cast %get3A_155 : vector<1x32x32x32xf32> to vector<32x32x32xf32>
    %swap3A_157 = arith.constant 0 : index
    %swap3A_158 = arith.constant 0 : index
    %swap3A_159 = arith.constant 288 : index
    %swap3A_160 = vector.load %arg8[%swap3A_157, %swap3A_158, %swap3A_159] : memref<32x32x864xf32, #tpu.memory_space<vmem>>, vector<32x32x32xf32>
    tpu.vector_store %arg8[%swap3A_157, %swap3A_158, %swap3A_159], %get3A_156 {strides = array<i32>} : memref<32x32x864xf32, #tpu.memory_space<vmem>>, vector<32x32x32xf32>,
    %get3A_161 = arith.constant 0 : index
    %get3A_162 = arith.constant 0 : index
    %get3A_163 = arith.constant 0 : index
    %get3A_164 = arith.constant 128 : index
    %get3A_165 = vector.load %arg2[%get3A_161, %get3A_162, %get3A_163, %get3A_164] : memref<1x33x33x132xf32, #tpu.memory_space<vmem>>, vector<1x32x32x1xf32>
    %get3A_166 = vector.shape_cast %get3A_165 : vector<1x32x32x1xf32> to vector<32x32x1xf32>
    %add3A_167 = arith.addf %add3A_150, %get3A_166 : vector<32x32x1xf32>
    %get3A_168 = arith.constant 0 : index
    %get3A_169 = arith.constant 0 : index
    %get3A_170 = arith.constant 0 : index
    %get3A_171 = arith.constant 32 : index
    %get3A_172 = vector.load %arg2[%get3A_168, %get3A_169, %get3A_170, %get3A_171] : memref<1x33x33x132xf32, #tpu.memory_space<vmem>>, vector<1x32x32x32xf32>
    %get3A_173 = vector.shape_cast %get3A_172 : vector<1x32x32x32xf32> to vector<32x32x32xf32>
    %swap3A_174 = arith.constant 0 : index
    %swap3A_175 = arith.constant 0 : index
    %swap3A_176 = arith.constant 320 : index
    %swap3A_177 = vector.load %arg8[%swap3A_174, %swap3A_175, %swap3A_176] : memref<32x32x864xf32, #tpu.memory_space<vmem>>, vector<32x32x32xf32>
    tpu.vector_store %arg8[%swap3A_174, %swap3A_175, %swap3A_176], %get3A_173 {strides = array<i32>} : memref<32x32x864xf32, #tpu.memory_space<vmem>>, vector<32x32x32xf32>,
    %get3A_178 = arith.constant 0 : index
    %get3A_179 = arith.constant 0 : index
    %get3A_180 = arith.constant 0 : index
    %get3A_181 = arith.constant 129 : index
    %get3A_182 = vector.load %arg2[%get3A_178, %get3A_179, %get3A_180, %get3A_181] : memref<1x33x33x132xf32, #tpu.memory_space<vmem>>, vector<1x32x32x1xf32>
    %get3A_183 = vector.shape_cast %get3A_182 : vector<1x32x32x1xf32> to vector<32x32x1xf32>
    %add3A_184 = arith.addf %add3A_167, %get3A_183 : vector<32x32x1xf32>
    %get3A_185 = arith.constant 0 : index
    %get3A_186 = arith.constant 0 : index
    %get3A_187 = arith.constant 1 : index
    %get3A_188 = arith.constant 0 : index
    %get3A_189 = vector.load %arg2[%get3A_185, %get3A_186, %get3A_187, %get3A_188] : memref<1x33x33x132xf32, #tpu.memory_space<vmem>>, vector<1x32x32x32xf32>
    %get3A_190 = vector.shape_cast %get3A_189 : vector<1x32x32x32xf32> to vector<32x32x32xf32>
    %swap3A_191 = arith.constant 0 : index
    %swap3A_192 = arith.constant 0 : index
    %swap3A_193 = arith.constant 352 : index
    %swap3A_194 = vector.load %arg8[%swap3A_191, %swap3A_192, %swap3A_193] : memref<32x32x864xf32, #tpu.memory_space<vmem>>, vector<32x32x32xf32>
    tpu.vector_store %arg8[%swap3A_191, %swap3A_192, %swap3A_193], %get3A_190 {strides = array<i32>} : memref<32x32x864xf32, #tpu.memory_space<vmem>>, vector<32x32x32xf32>,
    %get3A_195 = arith.constant 0 : index
    %get3A_196 = arith.constant 0 : index
    %get3A_197 = arith.constant 1 : index
    %get3A_198 = arith.constant 128 : index
    %get3A_199 = vector.load %arg2[%get3A_195, %get3A_196, %get3A_197, %get3A_198] : memref<1x33x33x132xf32, #tpu.memory_space<vmem>>, vector<1x32x32x1xf32>
    %get3A_200 = vector.shape_cast %get3A_199 : vector<1x32x32x1xf32> to vector<32x32x1xf32>
    %add3A_201 = arith.addf %add3A_184, %get3A_200 : vector<32x32x1xf32>
    %get3A_202 = arith.constant 0 : index
    %get3A_203 = arith.constant 0 : index
    %get3A_204 = arith.constant 0 : index
    %get3A_205 = arith.constant 64 : index
    %get3A_206 = vector.load %arg2[%get3A_202, %get3A_203, %get3A_204, %get3A_205] : memref<1x33x33x132xf32, #tpu.memory_space<vmem>>, vector<1x32x32x32xf32>
    %get3A_207 = vector.shape_cast %get3A_206 : vector<1x32x32x32xf32> to vector<32x32x32xf32>
    %swap3A_208 = arith.constant 0 : index
    %swap3A_209 = arith.constant 0 : index
    %swap3A_210 = arith.constant 384 : index
    %swap3A_211 = vector.load %arg8[%swap3A_208, %swap3A_209, %swap3A_210] : memref<32x32x864xf32, #tpu.memory_space<vmem>>, vector<32x32x32xf32>
    tpu.vector_store %arg8[%swap3A_208, %swap3A_209, %swap3A_210], %get3A_207 {strides = array<i32>} : memref<32x32x864xf32, #tpu.memory_space<vmem>>, vector<32x32x32xf32>,
    %get3A_212 = arith.constant 0 : index
    %get3A_213 = arith.constant 0 : index
    %get3A_214 = arith.constant 0 : index
    %get3A_215 = arith.constant 130 : index
    %get3A_216 = vector.load %arg2[%get3A_212, %get3A_213, %get3A_214, %get3A_215] : memref<1x33x33x132xf32, #tpu.memory_space<vmem>>, vector<1x32x32x1xf32>
    %get3A_217 = vector.shape_cast %get3A_216 : vector<1x32x32x1xf32> to vector<32x32x1xf32>
    %add3A_218 = arith.addf %add3A_201, %get3A_217 : vector<32x32x1xf32>
    %get3A_219 = arith.constant 0 : index
    %get3A_220 = arith.constant 0 : index
    %get3A_221 = arith.constant 0 : index
    %get3A_222 = arith.constant 96 : index
    %get3A_223 = vector.load %arg2[%get3A_219, %get3A_220, %get3A_221, %get3A_222] : memref<1x33x33x132xf32, #tpu.memory_space<vmem>>, vector<1x32x32x32xf32>
    %get3A_224 = vector.shape_cast %get3A_223 : vector<1x32x32x32xf32> to vector<32x32x32xf32>
    %swap3A_225 = arith.constant 0 : index
    %swap3A_226 = arith.constant 0 : index
    %swap3A_227 = arith.constant 416 : index
    %swap3A_228 = vector.load %arg8[%swap3A_225, %swap3A_226, %swap3A_227] : memref<32x32x864xf32, #tpu.memory_space<vmem>>, vector<32x32x32xf32>
    tpu.vector_store %arg8[%swap3A_225, %swap3A_226, %swap3A_227], %get3A_224 {strides = array<i32>} : memref<32x32x864xf32, #tpu.memory_space<vmem>>, vector<32x32x32xf32>,
    %get3A_229 = arith.constant 0 : index
    %get3A_230 = arith.constant 0 : index
    %get3A_231 = arith.constant 0 : index
    %get3A_232 = arith.constant 131 : index
    %get3A_233 = vector.load %arg2[%get3A_229, %get3A_230, %get3A_231, %get3A_232] : memref<1x33x33x132xf32, #tpu.memory_space<vmem>>, vector<1x32x32x1xf32>
    %get3A_234 = vector.shape_cast %get3A_233 : vector<1x32x32x1xf32> to vector<32x32x1xf32>
    %add3A_235 = arith.addf %add3A_218, %get3A_234 : vector<32x32x1xf32>
    %get3A_236 = arith.constant 0 : index
    %get3A_237 = arith.constant 0 : index
    %get3A_238 = arith.constant 1 : index
    %get3A_239 = arith.constant 64 : index
    %get3A_240 = vector.load %arg2[%get3A_236, %get3A_237, %get3A_238, %get3A_239] : memref<1x33x33x132xf32, #tpu.memory_space<vmem>>, vector<1x32x32x32xf32>
    %get3A_241 = vector.shape_cast %get3A_240 : vector<1x32x32x32xf32> to vector<32x32x32xf32>
    %swap3A_242 = arith.constant 0 : index
    %swap3A_243 = arith.constant 0 : index
    %swap3A_244 = arith.constant 448 : index
    %swap3A_245 = vector.load %arg8[%swap3A_242, %swap3A_243, %swap3A_244] : memref<32x32x864xf32, #tpu.memory_space<vmem>>, vector<32x32x32xf32>
    tpu.vector_store %arg8[%swap3A_242, %swap3A_243, %swap3A_244], %get3A_241 {strides = array<i32>} : memref<32x32x864xf32, #tpu.memory_space<vmem>>, vector<32x32x32xf32>,
    %get3A_246 = arith.constant 0 : index
    %get3A_247 = arith.constant 0 : index
    %get3A_248 = arith.constant 1 : index
    %get3A_249 = arith.constant 130 : index
    %get3A_250 = vector.load %arg2[%get3A_246, %get3A_247, %get3A_248, %get3A_249] : memref<1x33x33x132xf32, #tpu.memory_space<vmem>>, vector<1x32x32x1xf32>
    %get3A_251 = vector.shape_cast %get3A_250 : vector<1x32x32x1xf32> to vector<32x32x1xf32>
    %add3A_252 = arith.addf %add3A_235, %get3A_251 : vector<32x32x1xf32>
    %get3A_253 = arith.constant 0 : index
    %get3A_254 = arith.constant 1 : index
    %get3A_255 = arith.constant 0 : index
    %get3A_256 = arith.constant 0 : index
    %get3A_257 = vector.load %arg2[%get3A_253, %get3A_254, %get3A_255, %get3A_256] : memref<1x33x33x132xf32, #tpu.memory_space<vmem>>, vector<1x32x32x32xf32>
    %get3A_258 = vector.shape_cast %get3A_257 : vector<1x32x32x32xf32> to vector<32x32x32xf32>
    %swap3A_259 = arith.constant 0 : index
    %swap3A_260 = arith.constant 0 : index
    %swap3A_261 = arith.constant 480 : index
    %swap3A_262 = vector.load %arg8[%swap3A_259, %swap3A_260, %swap3A_261] : memref<32x32x864xf32, #tpu.memory_space<vmem>>, vector<32x32x32xf32>
    tpu.vector_store %arg8[%swap3A_259, %swap3A_260, %swap3A_261], %get3A_258 {strides = array<i32>} : memref<32x32x864xf32, #tpu.memory_space<vmem>>, vector<32x32x32xf32>,
    %get3A_263 = arith.constant 0 : index
    %get3A_264 = arith.constant 1 : index
    %get3A_265 = arith.constant 0 : index
    %get3A_266 = arith.constant 128 : index
    %get3A_267 = vector.load %arg2[%get3A_263, %get3A_264, %get3A_265, %get3A_266] : memref<1x33x33x132xf32, #tpu.memory_space<vmem>>, vector<1x32x32x1xf32>
    %get3A_268 = vector.shape_cast %get3A_267 : vector<1x32x32x1xf32> to vector<32x32x1xf32>
    %add3A_269 = arith.addf %add3A_252, %get3A_268 : vector<32x32x1xf32>
    %get3A_270 = arith.constant 0 : index
    %get3A_271 = arith.constant 1 : index
    %get3A_272 = arith.constant 0 : index
    %get3A_273 = arith.constant 32 : index
    %get3A_274 = vector.load %arg2[%get3A_270, %get3A_271, %get3A_272, %get3A_273] : memref<1x33x33x132xf32, #tpu.memory_space<vmem>>, vector<1x32x32x32xf32>
    %get3A_275 = vector.shape_cast %get3A_274 : vector<1x32x32x32xf32> to vector<32x32x32xf32>
    %swap3A_276 = arith.constant 0 : index
    %swap3A_277 = arith.constant 0 : index
    %swap3A_278 = arith.constant 512 : index
    %swap3A_279 = vector.load %arg8[%swap3A_276, %swap3A_277, %swap3A_278] : memref<32x32x864xf32, #tpu.memory_space<vmem>>, vector<32x32x32xf32>
    tpu.vector_store %arg8[%swap3A_276, %swap3A_277, %swap3A_278], %get3A_275 {strides = array<i32>} : memref<32x32x864xf32, #tpu.memory_space<vmem>>, vector<32x32x32xf32>,
    %get3A_280 = arith.constant 0 : index
    %get3A_281 = arith.constant 1 : index
    %get3A_282 = arith.constant 0 : index
    %get3A_283 = arith.constant 129 : index
    %get3A_284 = vector.load %arg2[%get3A_280, %get3A_281, %get3A_282, %get3A_283] : memref<1x33x33x132xf32, #tpu.memory_space<vmem>>, vector<1x32x32x1xf32>
    %get3A_285 = vector.shape_cast %get3A_284 : vector<1x32x32x1xf32> to vector<32x32x1xf32>
    %add3A_286 = arith.addf %add3A_269, %get3A_285 : vector<32x32x1xf32>
    %get3A_287 = arith.constant 0 : index
    %get3A_288 = arith.constant 1 : index
    %get3A_289 = arith.constant 1 : index
    %get3A_290 = arith.constant 0 : index
    %get3A_291 = vector.load %arg2[%get3A_287, %get3A_288, %get3A_289, %get3A_290] : memref<1x33x33x132xf32, #tpu.memory_space<vmem>>, vector<1x32x32x32xf32>
    %get3A_292 = vector.shape_cast %get3A_291 : vector<1x32x32x32xf32> to vector<32x32x32xf32>
    %swap3A_293 = arith.constant 0 : index
    %swap3A_294 = arith.constant 0 : index
    %swap3A_295 = arith.constant 544 : index
    %swap3A_296 = vector.load %arg8[%swap3A_293, %swap3A_294, %swap3A_295] : memref<32x32x864xf32, #tpu.memory_space<vmem>>, vector<32x32x32xf32>
    tpu.vector_store %arg8[%swap3A_293, %swap3A_294, %swap3A_295], %get3A_292 {strides = array<i32>} : memref<32x32x864xf32, #tpu.memory_space<vmem>>, vector<32x32x32xf32>,
    %get3A_297 = arith.constant 0 : index
    %get3A_298 = arith.constant 1 : index
    %get3A_299 = arith.constant 1 : index
    %get3A_300 = arith.constant 128 : index
    %get3A_301 = vector.load %arg2[%get3A_297, %get3A_298, %get3A_299, %get3A_300] : memref<1x33x33x132xf32, #tpu.memory_space<vmem>>, vector<1x32x32x1xf32>
    %get3A_302 = vector.shape_cast %get3A_301 : vector<1x32x32x1xf32> to vector<32x32x1xf32>
    %add3A_303 = arith.addf %add3A_286, %get3A_302 : vector<32x32x1xf32>
    %get3A_304 = arith.constant 0 : index
    %get3A_305 = arith.constant 0 : index
    %get3A_306 = arith.constant 0 : index
    %get3A_307 = arith.constant 0 : index
    %get3A_308 = vector.load %arg3[%get3A_304, %get3A_305, %get3A_306, %get3A_307] : memref<1x33x33x132xf32, #tpu.memory_space<vmem>>, vector<1x32x32x32xf32>
    %get3A_309 = vector.shape_cast %get3A_308 : vector<1x32x32x32xf32> to vector<32x32x32xf32>
    %swap3A_310 = arith.constant 0 : index
    %swap3A_311 = arith.constant 0 : index
    %swap3A_312 = arith.constant 576 : index
    %swap3A_313 = vector.load %arg8[%swap3A_310, %swap3A_311, %swap3A_312] : memref<32x32x864xf32, #tpu.memory_space<vmem>>, vector<32x32x32xf32>
    tpu.vector_store %arg8[%swap3A_310, %swap3A_311, %swap3A_312], %get3A_309 {strides = array<i32>} : memref<32x32x864xf32, #tpu.memory_space<vmem>>, vector<32x32x32xf32>,
    %get3A_314 = arith.constant 0 : index
    %get3A_315 = arith.constant 0 : index
    %get3A_316 = arith.constant 0 : index
    %get3A_317 = arith.constant 128 : index
    %get3A_318 = vector.load %arg3[%get3A_314, %get3A_315, %get3A_316, %get3A_317] : memref<1x33x33x132xf32, #tpu.memory_space<vmem>>, vector<1x32x32x1xf32>
    %get3A_319 = vector.shape_cast %get3A_318 : vector<1x32x32x1xf32> to vector<32x32x1xf32>
    %add3A_320 = arith.addf %add3A_303, %get3A_319 : vector<32x32x1xf32>
    %get3A_321 = arith.constant 0 : index
    %get3A_322 = arith.constant 0 : index
    %get3A_323 = arith.constant 0 : index
    %get3A_324 = arith.constant 32 : index
    %get3A_325 = vector.load %arg3[%get3A_321, %get3A_322, %get3A_323, %get3A_324] : memref<1x33x33x132xf32, #tpu.memory_space<vmem>>, vector<1x32x32x32xf32>
    %get3A_326 = vector.shape_cast %get3A_325 : vector<1x32x32x32xf32> to vector<32x32x32xf32>
    %swap3A_327 = arith.constant 0 : index
    %swap3A_328 = arith.constant 0 : index
    %swap3A_329 = arith.constant 608 : index
    %swap3A_330 = vector.load %arg8[%swap3A_327, %swap3A_328, %swap3A_329] : memref<32x32x864xf32, #tpu.memory_space<vmem>>, vector<32x32x32xf32>
    tpu.vector_store %arg8[%swap3A_327, %swap3A_328, %swap3A_329], %get3A_326 {strides = array<i32>} : memref<32x32x864xf32, #tpu.memory_space<vmem>>, vector<32x32x32xf32>,
    %get3A_331 = arith.constant 0 : index
    %get3A_332 = arith.constant 0 : index
    %get3A_333 = arith.constant 0 : index
    %get3A_334 = arith.constant 129 : index
    %get3A_335 = vector.load %arg3[%get3A_331, %get3A_332, %get3A_333, %get3A_334] : memref<1x33x33x132xf32, #tpu.memory_space<vmem>>, vector<1x32x32x1xf32>
    %get3A_336 = vector.shape_cast %get3A_335 : vector<1x32x32x1xf32> to vector<32x32x1xf32>
    %add3A_337 = arith.addf %add3A_320, %get3A_336 : vector<32x32x1xf32>
    %get3A_338 = arith.constant 0 : index
    %get3A_339 = arith.constant 0 : index
    %get3A_340 = arith.constant 1 : index
    %get3A_341 = arith.constant 0 : index
    %get3A_342 = vector.load %arg3[%get3A_338, %get3A_339, %get3A_340, %get3A_341] : memref<1x33x33x132xf32, #tpu.memory_space<vmem>>, vector<1x32x32x32xf32>
    %get3A_343 = vector.shape_cast %get3A_342 : vector<1x32x32x32xf32> to vector<32x32x32xf32>
    %swap3A_344 = arith.constant 0 : index
    %swap3A_345 = arith.constant 0 : index
    %swap3A_346 = arith.constant 640 : index
    %swap3A_347 = vector.load %arg8[%swap3A_344, %swap3A_345, %swap3A_346] : memref<32x32x864xf32, #tpu.memory_space<vmem>>, vector<32x32x32xf32>
    tpu.vector_store %arg8[%swap3A_344, %swap3A_345, %swap3A_346], %get3A_343 {strides = array<i32>} : memref<32x32x864xf32, #tpu.memory_space<vmem>>, vector<32x32x32xf32>,
    %get3A_348 = arith.constant 0 : index
    %get3A_349 = arith.constant 0 : index
    %get3A_350 = arith.constant 1 : index
    %get3A_351 = arith.constant 128 : index
    %get3A_352 = vector.load %arg3[%get3A_348, %get3A_349, %get3A_350, %get3A_351] : memref<1x33x33x132xf32, #tpu.memory_space<vmem>>, vector<1x32x32x1xf32>
    %get3A_353 = vector.shape_cast %get3A_352 : vector<1x32x32x1xf32> to vector<32x32x1xf32>
    %add3A_354 = arith.addf %add3A_337, %get3A_353 : vector<32x32x1xf32>
    %get3A_355 = arith.constant 0 : index
    %get3A_356 = arith.constant 0 : index
    %get3A_357 = arith.constant 0 : index
    %get3A_358 = arith.constant 64 : index
    %get3A_359 = vector.load %arg3[%get3A_355, %get3A_356, %get3A_357, %get3A_358] : memref<1x33x33x132xf32, #tpu.memory_space<vmem>>, vector<1x32x32x32xf32>
    %get3A_360 = vector.shape_cast %get3A_359 : vector<1x32x32x32xf32> to vector<32x32x32xf32>
    %swap3A_361 = arith.constant 0 : index
    %swap3A_362 = arith.constant 0 : index
    %swap3A_363 = arith.constant 672 : index
    %swap3A_364 = vector.load %arg8[%swap3A_361, %swap3A_362, %swap3A_363] : memref<32x32x864xf32, #tpu.memory_space<vmem>>, vector<32x32x32xf32>
    tpu.vector_store %arg8[%swap3A_361, %swap3A_362, %swap3A_363], %get3A_360 {strides = array<i32>} : memref<32x32x864xf32, #tpu.memory_space<vmem>>, vector<32x32x32xf32>,
    %get3A_365 = arith.constant 0 : index
    %get3A_366 = arith.constant 0 : index
    %get3A_367 = arith.constant 0 : index
    %get3A_368 = arith.constant 130 : index
    %get3A_369 = vector.load %arg3[%get3A_365, %get3A_366, %get3A_367, %get3A_368] : memref<1x33x33x132xf32, #tpu.memory_space<vmem>>, vector<1x32x32x1xf32>
    %get3A_370 = vector.shape_cast %get3A_369 : vector<1x32x32x1xf32> to vector<32x32x1xf32>
    %add3A_371 = arith.addf %add3A_354, %get3A_370 : vector<32x32x1xf32>
    %get3A_372 = arith.constant 0 : index
    %get3A_373 = arith.constant 0 : index
    %get3A_374 = arith.constant 0 : index
    %get3A_375 = arith.constant 96 : index
    %get3A_376 = vector.load %arg3[%get3A_372, %get3A_373, %get3A_374, %get3A_375] : memref<1x33x33x132xf32, #tpu.memory_space<vmem>>, vector<1x32x32x32xf32>
    %get3A_377 = vector.shape_cast %get3A_376 : vector<1x32x32x32xf32> to vector<32x32x32xf32>
    %swap3A_378 = arith.constant 0 : index
    %swap3A_379 = arith.constant 0 : index
    %swap3A_380 = arith.constant 704 : index
    %swap3A_381 = vector.load %arg8[%swap3A_378, %swap3A_379, %swap3A_380] : memref<32x32x864xf32, #tpu.memory_space<vmem>>, vector<32x32x32xf32>
    tpu.vector_store %arg8[%swap3A_378, %swap3A_379, %swap3A_380], %get3A_377 {strides = array<i32>} : memref<32x32x864xf32, #tpu.memory_space<vmem>>, vector<32x32x32xf32>,
    %get3A_382 = arith.constant 0 : index
    %get3A_383 = arith.constant 0 : index
    %get3A_384 = arith.constant 0 : index
    %get3A_385 = arith.constant 131 : index
    %get3A_386 = vector.load %arg3[%get3A_382, %get3A_383, %get3A_384, %get3A_385] : memref<1x33x33x132xf32, #tpu.memory_space<vmem>>, vector<1x32x32x1xf32>
    %get3A_387 = vector.shape_cast %get3A_386 : vector<1x32x32x1xf32> to vector<32x32x1xf32>
    %add3A_388 = arith.addf %add3A_371, %get3A_387 : vector<32x32x1xf32>
    %get3A_389 = arith.constant 0 : index
    %get3A_390 = arith.constant 0 : index
    %get3A_391 = arith.constant 1 : index
    %get3A_392 = arith.constant 64 : index
    %get3A_393 = vector.load %arg3[%get3A_389, %get3A_390, %get3A_391, %get3A_392] : memref<1x33x33x132xf32, #tpu.memory_space<vmem>>, vector<1x32x32x32xf32>
    %get3A_394 = vector.shape_cast %get3A_393 : vector<1x32x32x32xf32> to vector<32x32x32xf32>
    %swap3A_395 = arith.constant 0 : index
    %swap3A_396 = arith.constant 0 : index
    %swap3A_397 = arith.constant 736 : index
    %swap3A_398 = vector.load %arg8[%swap3A_395, %swap3A_396, %swap3A_397] : memref<32x32x864xf32, #tpu.memory_space<vmem>>, vector<32x32x32xf32>
    tpu.vector_store %arg8[%swap3A_395, %swap3A_396, %swap3A_397], %get3A_394 {strides = array<i32>} : memref<32x32x864xf32, #tpu.memory_space<vmem>>, vector<32x32x32xf32>,
    %get3A_399 = arith.constant 0 : index
    %get3A_400 = arith.constant 0 : index
    %get3A_401 = arith.constant 1 : index
    %get3A_402 = arith.constant 130 : index
    %get3A_403 = vector.load %arg3[%get3A_399, %get3A_400, %get3A_401, %get3A_402] : memref<1x33x33x132xf32, #tpu.memory_space<vmem>>, vector<1x32x32x1xf32>
    %get3A_404 = vector.shape_cast %get3A_403 : vector<1x32x32x1xf32> to vector<32x32x1xf32>
    %add3A_405 = arith.addf %add3A_388, %get3A_404 : vector<32x32x1xf32>
    %get3A_406 = arith.constant 0 : index
    %get3A_407 = arith.constant 1 : index
    %get3A_408 = arith.constant 0 : index
    %get3A_409 = arith.constant 0 : index
    %get3A_410 = vector.load %arg3[%get3A_406, %get3A_407, %get3A_408, %get3A_409] : memref<1x33x33x132xf32, #tpu.memory_space<vmem>>, vector<1x32x32x32xf32>
    %get3A_411 = vector.shape_cast %get3A_410 : vector<1x32x32x32xf32> to vector<32x32x32xf32>
    %swap3A_412 = arith.constant 0 : index
    %swap3A_413 = arith.constant 0 : index
    %swap3A_414 = arith.constant 768 : index
    %swap3A_415 = vector.load %arg8[%swap3A_412, %swap3A_413, %swap3A_414] : memref<32x32x864xf32, #tpu.memory_space<vmem>>, vector<32x32x32xf32>
    tpu.vector_store %arg8[%swap3A_412, %swap3A_413, %swap3A_414], %get3A_411 {strides = array<i32>} : memref<32x32x864xf32, #tpu.memory_space<vmem>>, vector<32x32x32xf32>,
    %get3A_416 = arith.constant 0 : index
    %get3A_417 = arith.constant 1 : index
    %get3A_418 = arith.constant 0 : index
    %get3A_419 = arith.constant 128 : index
    %get3A_420 = vector.load %arg3[%get3A_416, %get3A_417, %get3A_418, %get3A_419] : memref<1x33x33x132xf32, #tpu.memory_space<vmem>>, vector<1x32x32x1xf32>
    %get3A_421 = vector.shape_cast %get3A_420 : vector<1x32x32x1xf32> to vector<32x32x1xf32>
    %add3A_422 = arith.addf %add3A_405, %get3A_421 : vector<32x32x1xf32>
    %get3A_423 = arith.constant 0 : index
    %get3A_424 = arith.constant 1 : index
    %get3A_425 = arith.constant 0 : index
    %get3A_426 = arith.constant 32 : index
    %get3A_427 = vector.load %arg3[%get3A_423, %get3A_424, %get3A_425, %get3A_426] : memref<1x33x33x132xf32, #tpu.memory_space<vmem>>, vector<1x32x32x32xf32>
    %get3A_428 = vector.shape_cast %get3A_427 : vector<1x32x32x32xf32> to vector<32x32x32xf32>
    %swap3A_429 = arith.constant 0 : index
    %swap3A_430 = arith.constant 0 : index
    %swap3A_431 = arith.constant 800 : index
    %swap3A_432 = vector.load %arg8[%swap3A_429, %swap3A_430, %swap3A_431] : memref<32x32x864xf32, #tpu.memory_space<vmem>>, vector<32x32x32xf32>
    tpu.vector_store %arg8[%swap3A_429, %swap3A_430, %swap3A_431], %get3A_428 {strides = array<i32>} : memref<32x32x864xf32, #tpu.memory_space<vmem>>, vector<32x32x32xf32>,
    %get3A_433 = arith.constant 0 : index
    %get3A_434 = arith.constant 1 : index
    %get3A_435 = arith.constant 0 : index
    %get3A_436 = arith.constant 129 : index
    %get3A_437 = vector.load %arg3[%get3A_433, %get3A_434, %get3A_435, %get3A_436] : memref<1x33x33x132xf32, #tpu.memory_space<vmem>>, vector<1x32x32x1xf32>
    %get3A_438 = vector.shape_cast %get3A_437 : vector<1x32x32x1xf32> to vector<32x32x1xf32>
    %add3A_439 = arith.addf %add3A_422, %get3A_438 : vector<32x32x1xf32>
    %get3A_440 = arith.constant 0 : index
    %get3A_441 = arith.constant 1 : index
    %get3A_442 = arith.constant 1 : index
    %get3A_443 = arith.constant 0 : index
    %get3A_444 = vector.load %arg3[%get3A_440, %get3A_441, %get3A_442, %get3A_443] : memref<1x33x33x132xf32, #tpu.memory_space<vmem>>, vector<1x32x32x32xf32>
    %get3A_445 = vector.shape_cast %get3A_444 : vector<1x32x32x32xf32> to vector<32x32x32xf32>
    %swap3A_446 = arith.constant 0 : index
    %swap3A_447 = arith.constant 0 : index
    %swap3A_448 = arith.constant 832 : index
    %swap3A_449 = vector.load %arg8[%swap3A_446, %swap3A_447, %swap3A_448] : memref<32x32x864xf32, #tpu.memory_space<vmem>>, vector<32x32x32xf32>
    tpu.vector_store %arg8[%swap3A_446, %swap3A_447, %swap3A_448], %get3A_445 {strides = array<i32>} : memref<32x32x864xf32, #tpu.memory_space<vmem>>, vector<32x32x32xf32>,
    %get3A_450 = arith.constant 0 : index
    %get3A_451 = arith.constant 1 : index
    %get3A_452 = arith.constant 1 : index
    %get3A_453 = arith.constant 128 : index
    %get3A_454 = vector.load %arg3[%get3A_450, %get3A_451, %get3A_452, %get3A_453] : memref<1x33x33x132xf32, #tpu.memory_space<vmem>>, vector<1x32x32x1xf32>
    %get3A_455 = vector.shape_cast %get3A_454 : vector<1x32x32x1xf32> to vector<32x32x1xf32>
    %add3A_456 = arith.addf %add3A_439, %get3A_455 : vector<32x32x1xf32>
    %get3A_457 = arith.constant 0 : index
    %get3A_458 = arith.constant 0 : index
    %get3A_459 = arith.constant 0 : index
    %get3A_460 = vector.load %arg8[%get3A_457, %get3A_458, %get3A_459] : memref<32x32x864xf32, #tpu.memory_space<vmem>>, vector<32x32x864xf32>
    %reshape3A = vector.shape_cast %get3A_460 : vector<32x32x864xf32> to vector<1024x864xf32>
    %gt3A = arith.constant 0.000000e+00 : f32
    %gt3A_461 = vector.broadcast %gt3A : f32 to vector<32x32x1xf32>
    %gt3A_462 = arith.cmpf ogt, %add3A_456, %gt3A_461 : vector<32x32x1xf32>
    %convert_element_type3A = arith.extui %gt3A_462 : vector<32x32x1xi1> to vector<32x32x1xi32>
    %convert_element_type3A_463 = arith.sitofp %convert_element_type3A : vector<32x32x1xi32> to vector<32x32x1xf32>
    %reshape3A_464 = vector.shape_cast %convert_element_type3A_463 : vector<32x32x1xf32> to vector<1024x1xf32>
    %slice3A = vector.extract_strided_slice %reshape3A {offsets = [0, 0], sizes = [512, 864], strides = [1, 1]} : vector<1024x864xf32> to vector<512x864xf32>
    %get3A_465 = arith.constant 0 : index
    %get3A_466 = arith.constant 0 : index
    %get3A_467 = vector.load %arg4[%get3A_465, %get3A_466] : memref<864x64xf32, #tpu.memory_space<vmem>>, vector<864x64xf32>
    %dot_general3A = arith.constant dense<0.000000e+00> : vector<512x64xf32>
    %dot_general3A_468 = tpu.matmul %slice3A, %get3A_467, %dot_general3A {dimension_numbers = #tpu.dot_dimension_numbers<[1], [0], [0], [1], [0, 0, 1, 1], [], []>, precision = #tpu.contract_precision<fp32>, transpose_lhs_hint = false} : vector<512x864xf32>, vector<864x64xf32>, vector<512x64xf32> -> vector<512x64xf32>
    %get3A_469 = arith.constant 0 : index
    %get3A_470 = arith.constant 0 : index
    %get3A_471 = vector.load %arg5[%get3A_469, %get3A_470] : memref<1x64xf32, #tpu.memory_space<vmem>>, vector<1x64xf32>
    %add3A_472 = vector.broadcast %get3A_471 : vector<1x64xf32> to vector<512x64xf32>
    %add3A_473 = arith.addf %dot_general3A_468, %add3A_472 : vector<512x64xf32>
    %max3A = arith.constant 0.000000e+00 : f32
    %max3A_474 = vector.broadcast %max3A : f32 to vector<512x64xf32>
    %max3A_475 = arith.maximumf %add3A_473, %max3A_474 : vector<512x64xf32>
    %slice3A_476 = vector.extract_strided_slice %reshape3A_464 {offsets = [0, 0], sizes = [512, 1], strides = [1, 1]} : vector<1024x1xf32> to vector<512x1xf32>
    %mul3A = vector.broadcast %slice3A_476 : vector<512x1xf32> to vector<512x64xf32>
    %mul3A_477 = arith.mulf %max3A_475, %mul3A : vector<512x64xf32>
    %swap3A_478 = arith.constant 0 : index
    %swap3A_479 = arith.constant 0 : index
    %swap3A_480 = arith.constant 0 : index
    %swap3A_481 = vector.load %arg6[%swap3A_478, %swap3A_479, %swap3A_480] : memref<1x1024x64xf32, #tpu.memory_space<vmem>>, vector<1x512x64xf32>
    %swap3A_482 = vector.shape_cast %swap3A_481 : vector<1x512x64xf32> to vector<512x64xf32>
    %swap3A_483 = vector.shape_cast %mul3A_477 : vector<512x64xf32> to vector<1x512x64xf32>
    tpu.vector_store %arg6[%swap3A_478, %swap3A_479, %swap3A_480], %swap3A_483 {strides = array<i32>} : memref<1x1024x64xf32, #tpu.memory_space<vmem>>, vector<1x512x64xf32>,
    %slice3A_484 = vector.extract_strided_slice %reshape3A {offsets = [512, 0], sizes = [512, 864], strides = [1, 1]} : vector<1024x864xf32> to vector<512x864xf32>
    %get3A_485 = arith.constant 0 : index
    %get3A_486 = arith.constant 0 : index
    %get3A_487 = vector.load %arg4[%get3A_485, %get3A_486] : memref<864x64xf32, #tpu.memory_space<vmem>>, vector<864x64xf32>
    %dot_general3A_488 = arith.constant dense<0.000000e+00> : vector<512x64xf32>
    %dot_general3A_489 = tpu.matmul %slice3A_484, %get3A_487, %dot_general3A_488 {dimension_numbers = #tpu.dot_dimension_numbers<[1], [0], [0], [1], [0, 0, 1, 1], [], []>, precision = #tpu.contract_precision<fp32>, transpose_lhs_hint = false} : vector<512x864xf32>, vector<864x64xf32>, vector<512x64xf32> -> vector<512x64xf32>
    %get3A_490 = arith.constant 0 : index
    %get3A_491 = arith.constant 0 : index
    %get3A_492 = vector.load %arg5[%get3A_490, %get3A_491] : memref<1x64xf32, #tpu.memory_space<vmem>>, vector<1x64xf32>
    %add3A_493 = vector.broadcast %get3A_492 : vector<1x64xf32> to vector<512x64xf32>
    %add3A_494 = arith.addf %dot_general3A_489, %add3A_493 : vector<512x64xf32>
    %max3A_495 = arith.constant 0.000000e+00 : f32
    %max3A_496 = vector.broadcast %max3A_495 : f32 to vector<512x64xf32>
    %max3A_497 = arith.maximumf %add3A_494, %max3A_496 : vector<512x64xf32>
    %slice3A_498 = vector.extract_strided_slice %reshape3A_464 {offsets = [512, 0], sizes = [512, 1], strides = [1, 1]} : vector<1024x1xf32> to vector<512x1xf32>
    %mul3A_499 = vector.broadcast %slice3A_498 : vector<512x1xf32> to vector<512x64xf32>
    %mul3A_500 = arith.mulf %max3A_497, %mul3A_499 : vector<512x64xf32>
    %swap3A_501 = arith.constant 0 : index
    %swap3A_502 = arith.constant 512 : index
    %swap3A_503 = arith.constant 0 : index
    %swap3A_504 = vector.load %arg6[%swap3A_501, %swap3A_502, %swap3A_503] : memref<1x1024x64xf32, #tpu.memory_space<vmem>>, vector<1x512x64xf32>
    %swap3A_505 = vector.shape_cast %swap3A_504 : vector<1x512x64xf32> to vector<512x64xf32>
    %swap3A_506 = vector.shape_cast %mul3A_500 : vector<512x64xf32> to vector<1x512x64xf32>
    tpu.vector_store %arg6[%swap3A_501, %swap3A_502, %swap3A_503], %swap3A_506 {strides = array<i32>} : memref<1x1024x64xf32, #tpu.memory_space<vmem>>, vector<1x512x64xf32>,
    %swap3A_507 = arith.constant 0 : index
    %swap3A_508 = arith.constant 0 : index
    %swap3A_509 = arith.constant 0 : index
    %swap3A_510 = vector.load %arg7[%swap3A_507, %swap3A_508, %swap3A_509] : memref<1x1024x1xf32, #tpu.memory_space<vmem>>, vector<1x1024x1xf32>
    %swap3A_511 = vector.shape_cast %swap3A_510 : vector<1x1024x1xf32> to vector<1024x1xf32>
    %swap3A_512 = vector.shape_cast %reshape3A_464 : vector<1024x1xf32> to vector<1x1024x1xf32>
    tpu.vector_store %arg7[%swap3A_507, %swap3A_508, %swap3A_509], %swap3A_512 {strides = array<i32>} : memref<1x1024x1xf32, #tpu.memory_space<vmem>>, vector<1x1024x1xf32>,
    return
  }
  func.func @transform_0(%arg0: i32) -> (i32, i32, i32, i32) {
    %mul3A = arith.constant 2 : i32
    %mul3A_0 = arith.muli %mul3A, %arg0 : i32
    %add3A = arith.constant 0 : i32
    %add3A_1 = arith.addi %mul3A_0, %add3A : i32
    %c0_i32 = arith.constant 0 : i32
    %c0_i32_2 = arith.constant 0 : i32
    %c0_i32_3 = arith.constant 0 : i32
    %c0_i32_4 = arith.constant 0 : i32
    return %add3A_1, %c0_i32, %c0_i32_2, %c0_i32_3 : i32, i32, i32, i32
  }
  func.func @transform_1(%arg0: i32) -> (i32, i32, i32, i32) {
    %mul3A = arith.constant 2 : i32
    %mul3A_0 = arith.muli %mul3A, %arg0 : i32
    %add3A = arith.constant 1 : i32
    %add3A_1 = arith.addi %mul3A_0, %add3A : i32
    %c0_i32 = arith.constant 0 : i32
    %c0_i32_2 = arith.constant 0 : i32
    %c0_i32_3 = arith.constant 0 : i32
    %c0_i32_4 = arith.constant 0 : i32
    return %add3A_1, %c0_i32, %c0_i32_2, %c0_i32_3 : i32, i32, i32, i32
  }
  func.func @transform_2(%arg0: i32) -> (i32, i32, i32, i32) {
    %mul3A = arith.constant 2 : i32
    %mul3A_0 = arith.muli %mul3A, %arg0 : i32
    %add3A = arith.constant 2 : i32
    %add3A_1 = arith.addi %mul3A_0, %add3A : i32
    %c0_i32 = arith.constant 0 : i32
    %c0_i32_2 = arith.constant 0 : i32
    %c0_i32_3 = arith.constant 0 : i32
    %c0_i32_4 = arith.constant 0 : i32
    return %add3A_1, %c0_i32, %c0_i32_2, %c0_i32_3 : i32, i32, i32, i32
  }
  func.func @transform_3(%arg0: i32) -> (i32, i32) {
    %c0_i32 = arith.constant 0 : i32
    %c0_i32_0 = arith.constant 0 : i32
    %c0_i32_1 = arith.constant 0 : i32
    return %c0_i32, %c0_i32_0 : i32, i32
  }
  func.func @transform_4(%arg0: i32) -> (i32, i32) {
    %c0_i32 = arith.constant 0 : i32
    %c0_i32_0 = arith.constant 0 : i32
    %c0_i32_1 = arith.constant 0 : i32
    return %c0_i32, %c0_i32_0 : i32, i32
  }
  func.func @transform_5(%arg0: i32) -> (i32, i32, i32) {
    %c0_i32 = arith.constant 0 : i32
    %c0_i32_0 = arith.constant 0 : i32
    %c0_i32_1 = arith.constant 0 : i32
    return %arg0, %c0_i32, %c0_i32_0 : i32, i32, i32
  }
  func.func @transform_6(%arg0: i32) -> (i32, i32, i32) {
    %c0_i32 = arith.constant 0 : i32
    %c0_i32_0 = arith.constant 0 : i32
    %c0_i32_1 = arith.constant 0 : i32
    return %arg0, %c0_i32, %c0_i32_0 : i32, i32, i32
  }
}

module attributes {stable_mosaic.version = 14 : i64} {
  func.func @tc_subm6(%arg0: i32, %arg1: memref<1x34x34x64xf32, #tpu.memory_space<vmem>>, %arg2: memref<1x34x34x64xf32, #tpu.memory_space<vmem>>, %arg3: memref<1x34x34x64xf32, #tpu.memory_space<vmem>>, %arg4: memref<1x1024x1xf32, #tpu.memory_space<vmem>>, %arg5: memref<1728x64xf32, #tpu.memory_space<vmem>>, %arg6: memref<1x64xf32, #tpu.memory_space<vmem>>, %arg7: memref<1x1024x64xf32, #tpu.memory_space<vmem>>, %arg8: memref<32x32x1728xf32, #tpu.memory_space<vmem>>) attributes {dimension_semantics = [#tpu.dimension_semantics<arbitrary>], iteration_bounds = array<i64: 11>, scalar_prefetch = 0 : i64, scratch_operands = 1 : i64, tpu.core_type = #tpu.core_type<tc>, window_params = [{transform_indices = @transform_0, window_bounds = array<i64: 1, 34, 34, 64>}, {transform_indices = @transform_1, window_bounds = array<i64: 1, 34, 34, 64>}, {transform_indices = @transform_2, window_bounds = array<i64: 1, 34, 34, 64>}, {transform_indices = @transform_3, window_bounds = array<i64: 1, 1024, 1>}, {pipeline_mode = #tpu.pipeline_mode<synchronous>, transform_indices = @transform_4, window_bounds = array<i64: 1728, 64>}, {pipeline_mode = #tpu.pipeline_mode<synchronous>, transform_indices = @transform_5, window_bounds = array<i64: 1, 64>}, {transform_indices = @transform_6, window_bounds = array<i64: 1, 1024, 64>}]} {
    %get3A = arith.constant 0 : index
    %get3A_0 = arith.constant 0 : index
    %get3A_1 = arith.constant 0 : index
    %get3A_2 = arith.constant 0 : index
    %get3A_3 = vector.load %arg1[%get3A, %get3A_0, %get3A_1, %get3A_2] : memref<1x34x34x64xf32, #tpu.memory_space<vmem>>, vector<1x32x32x64xf32>
    %get3A_4 = vector.shape_cast %get3A_3 : vector<1x32x32x64xf32> to vector<32x32x64xf32>
    %swap3A = arith.constant 0 : index
    %swap3A_5 = arith.constant 0 : index
    %swap3A_6 = arith.constant 0 : index
    %swap3A_7 = vector.load %arg8[%swap3A, %swap3A_5, %swap3A_6] : memref<32x32x1728xf32, #tpu.memory_space<vmem>>, vector<32x32x64xf32>
    tpu.vector_store %arg8[%swap3A, %swap3A_5, %swap3A_6], %get3A_4 {strides = array<i32>} : memref<32x32x1728xf32, #tpu.memory_space<vmem>>, vector<32x32x64xf32>,
    %get3A_8 = arith.constant 0 : index
    %get3A_9 = arith.constant 0 : index
    %get3A_10 = arith.constant 1 : index
    %get3A_11 = arith.constant 0 : index
    %get3A_12 = vector.load %arg1[%get3A_8, %get3A_9, %get3A_10, %get3A_11] : memref<1x34x34x64xf32, #tpu.memory_space<vmem>>, vector<1x32x32x64xf32>
    %get3A_13 = vector.shape_cast %get3A_12 : vector<1x32x32x64xf32> to vector<32x32x64xf32>
    %swap3A_14 = arith.constant 0 : index
    %swap3A_15 = arith.constant 0 : index
    %swap3A_16 = arith.constant 64 : index
    %swap3A_17 = vector.load %arg8[%swap3A_14, %swap3A_15, %swap3A_16] : memref<32x32x1728xf32, #tpu.memory_space<vmem>>, vector<32x32x64xf32>
    tpu.vector_store %arg8[%swap3A_14, %swap3A_15, %swap3A_16], %get3A_13 {strides = array<i32>} : memref<32x32x1728xf32, #tpu.memory_space<vmem>>, vector<32x32x64xf32>,
    %get3A_18 = arith.constant 0 : index
    %get3A_19 = arith.constant 0 : index
    %get3A_20 = arith.constant 2 : index
    %get3A_21 = arith.constant 0 : index
    %get3A_22 = vector.load %arg1[%get3A_18, %get3A_19, %get3A_20, %get3A_21] : memref<1x34x34x64xf32, #tpu.memory_space<vmem>>, vector<1x32x32x64xf32>
    %get3A_23 = vector.shape_cast %get3A_22 : vector<1x32x32x64xf32> to vector<32x32x64xf32>
    %swap3A_24 = arith.constant 0 : index
    %swap3A_25 = arith.constant 0 : index
    %swap3A_26 = arith.constant 128 : index
    %swap3A_27 = vector.load %arg8[%swap3A_24, %swap3A_25, %swap3A_26] : memref<32x32x1728xf32, #tpu.memory_space<vmem>>, vector<32x32x64xf32>
    tpu.vector_store %arg8[%swap3A_24, %swap3A_25, %swap3A_26], %get3A_23 {strides = array<i32>} : memref<32x32x1728xf32, #tpu.memory_space<vmem>>, vector<32x32x64xf32>,
    %get3A_28 = arith.constant 0 : index
    %get3A_29 = arith.constant 1 : index
    %get3A_30 = arith.constant 0 : index
    %get3A_31 = arith.constant 0 : index
    %get3A_32 = vector.load %arg1[%get3A_28, %get3A_29, %get3A_30, %get3A_31] : memref<1x34x34x64xf32, #tpu.memory_space<vmem>>, vector<1x32x32x64xf32>
    %get3A_33 = vector.shape_cast %get3A_32 : vector<1x32x32x64xf32> to vector<32x32x64xf32>
    %swap3A_34 = arith.constant 0 : index
    %swap3A_35 = arith.constant 0 : index
    %swap3A_36 = arith.constant 192 : index
    %swap3A_37 = vector.load %arg8[%swap3A_34, %swap3A_35, %swap3A_36] : memref<32x32x1728xf32, #tpu.memory_space<vmem>>, vector<32x32x64xf32>
    tpu.vector_store %arg8[%swap3A_34, %swap3A_35, %swap3A_36], %get3A_33 {strides = array<i32>} : memref<32x32x1728xf32, #tpu.memory_space<vmem>>, vector<32x32x64xf32>,
    %get3A_38 = arith.constant 0 : index
    %get3A_39 = arith.constant 1 : index
    %get3A_40 = arith.constant 1 : index
    %get3A_41 = arith.constant 0 : index
    %get3A_42 = vector.load %arg1[%get3A_38, %get3A_39, %get3A_40, %get3A_41] : memref<1x34x34x64xf32, #tpu.memory_space<vmem>>, vector<1x32x32x64xf32>
    %get3A_43 = vector.shape_cast %get3A_42 : vector<1x32x32x64xf32> to vector<32x32x64xf32>
    %swap3A_44 = arith.constant 0 : index
    %swap3A_45 = arith.constant 0 : index
    %swap3A_46 = arith.constant 256 : index
    %swap3A_47 = vector.load %arg8[%swap3A_44, %swap3A_45, %swap3A_46] : memref<32x32x1728xf32, #tpu.memory_space<vmem>>, vector<32x32x64xf32>
    tpu.vector_store %arg8[%swap3A_44, %swap3A_45, %swap3A_46], %get3A_43 {strides = array<i32>} : memref<32x32x1728xf32, #tpu.memory_space<vmem>>, vector<32x32x64xf32>,
    %get3A_48 = arith.constant 0 : index
    %get3A_49 = arith.constant 1 : index
    %get3A_50 = arith.constant 2 : index
    %get3A_51 = arith.constant 0 : index
    %get3A_52 = vector.load %arg1[%get3A_48, %get3A_49, %get3A_50, %get3A_51] : memref<1x34x34x64xf32, #tpu.memory_space<vmem>>, vector<1x32x32x64xf32>
    %get3A_53 = vector.shape_cast %get3A_52 : vector<1x32x32x64xf32> to vector<32x32x64xf32>
    %swap3A_54 = arith.constant 0 : index
    %swap3A_55 = arith.constant 0 : index
    %swap3A_56 = arith.constant 320 : index
    %swap3A_57 = vector.load %arg8[%swap3A_54, %swap3A_55, %swap3A_56] : memref<32x32x1728xf32, #tpu.memory_space<vmem>>, vector<32x32x64xf32>
    tpu.vector_store %arg8[%swap3A_54, %swap3A_55, %swap3A_56], %get3A_53 {strides = array<i32>} : memref<32x32x1728xf32, #tpu.memory_space<vmem>>, vector<32x32x64xf32>,
    %get3A_58 = arith.constant 0 : index
    %get3A_59 = arith.constant 2 : index
    %get3A_60 = arith.constant 0 : index
    %get3A_61 = arith.constant 0 : index
    %get3A_62 = vector.load %arg1[%get3A_58, %get3A_59, %get3A_60, %get3A_61] : memref<1x34x34x64xf32, #tpu.memory_space<vmem>>, vector<1x32x32x64xf32>
    %get3A_63 = vector.shape_cast %get3A_62 : vector<1x32x32x64xf32> to vector<32x32x64xf32>
    %swap3A_64 = arith.constant 0 : index
    %swap3A_65 = arith.constant 0 : index
    %swap3A_66 = arith.constant 384 : index
    %swap3A_67 = vector.load %arg8[%swap3A_64, %swap3A_65, %swap3A_66] : memref<32x32x1728xf32, #tpu.memory_space<vmem>>, vector<32x32x64xf32>
    tpu.vector_store %arg8[%swap3A_64, %swap3A_65, %swap3A_66], %get3A_63 {strides = array<i32>} : memref<32x32x1728xf32, #tpu.memory_space<vmem>>, vector<32x32x64xf32>,
    %get3A_68 = arith.constant 0 : index
    %get3A_69 = arith.constant 2 : index
    %get3A_70 = arith.constant 1 : index
    %get3A_71 = arith.constant 0 : index
    %get3A_72 = vector.load %arg1[%get3A_68, %get3A_69, %get3A_70, %get3A_71] : memref<1x34x34x64xf32, #tpu.memory_space<vmem>>, vector<1x32x32x64xf32>
    %get3A_73 = vector.shape_cast %get3A_72 : vector<1x32x32x64xf32> to vector<32x32x64xf32>
    %swap3A_74 = arith.constant 0 : index
    %swap3A_75 = arith.constant 0 : index
    %swap3A_76 = arith.constant 448 : index
    %swap3A_77 = vector.load %arg8[%swap3A_74, %swap3A_75, %swap3A_76] : memref<32x32x1728xf32, #tpu.memory_space<vmem>>, vector<32x32x64xf32>
    tpu.vector_store %arg8[%swap3A_74, %swap3A_75, %swap3A_76], %get3A_73 {strides = array<i32>} : memref<32x32x1728xf32, #tpu.memory_space<vmem>>, vector<32x32x64xf32>,
    %get3A_78 = arith.constant 0 : index
    %get3A_79 = arith.constant 2 : index
    %get3A_80 = arith.constant 2 : index
    %get3A_81 = arith.constant 0 : index
    %get3A_82 = vector.load %arg1[%get3A_78, %get3A_79, %get3A_80, %get3A_81] : memref<1x34x34x64xf32, #tpu.memory_space<vmem>>, vector<1x32x32x64xf32>
    %get3A_83 = vector.shape_cast %get3A_82 : vector<1x32x32x64xf32> to vector<32x32x64xf32>
    %swap3A_84 = arith.constant 0 : index
    %swap3A_85 = arith.constant 0 : index
    %swap3A_86 = arith.constant 512 : index
    %swap3A_87 = vector.load %arg8[%swap3A_84, %swap3A_85, %swap3A_86] : memref<32x32x1728xf32, #tpu.memory_space<vmem>>, vector<32x32x64xf32>
    tpu.vector_store %arg8[%swap3A_84, %swap3A_85, %swap3A_86], %get3A_83 {strides = array<i32>} : memref<32x32x1728xf32, #tpu.memory_space<vmem>>, vector<32x32x64xf32>,
    %get3A_88 = arith.constant 0 : index
    %get3A_89 = arith.constant 0 : index
    %get3A_90 = arith.constant 0 : index
    %get3A_91 = arith.constant 0 : index
    %get3A_92 = vector.load %arg2[%get3A_88, %get3A_89, %get3A_90, %get3A_91] : memref<1x34x34x64xf32, #tpu.memory_space<vmem>>, vector<1x32x32x64xf32>
    %get3A_93 = vector.shape_cast %get3A_92 : vector<1x32x32x64xf32> to vector<32x32x64xf32>
    %swap3A_94 = arith.constant 0 : index
    %swap3A_95 = arith.constant 0 : index
    %swap3A_96 = arith.constant 576 : index
    %swap3A_97 = vector.load %arg8[%swap3A_94, %swap3A_95, %swap3A_96] : memref<32x32x1728xf32, #tpu.memory_space<vmem>>, vector<32x32x64xf32>
    tpu.vector_store %arg8[%swap3A_94, %swap3A_95, %swap3A_96], %get3A_93 {strides = array<i32>} : memref<32x32x1728xf32, #tpu.memory_space<vmem>>, vector<32x32x64xf32>,
    %get3A_98 = arith.constant 0 : index
    %get3A_99 = arith.constant 0 : index
    %get3A_100 = arith.constant 1 : index
    %get3A_101 = arith.constant 0 : index
    %get3A_102 = vector.load %arg2[%get3A_98, %get3A_99, %get3A_100, %get3A_101] : memref<1x34x34x64xf32, #tpu.memory_space<vmem>>, vector<1x32x32x64xf32>
    %get3A_103 = vector.shape_cast %get3A_102 : vector<1x32x32x64xf32> to vector<32x32x64xf32>
    %swap3A_104 = arith.constant 0 : index
    %swap3A_105 = arith.constant 0 : index
    %swap3A_106 = arith.constant 640 : index
    %swap3A_107 = vector.load %arg8[%swap3A_104, %swap3A_105, %swap3A_106] : memref<32x32x1728xf32, #tpu.memory_space<vmem>>, vector<32x32x64xf32>
    tpu.vector_store %arg8[%swap3A_104, %swap3A_105, %swap3A_106], %get3A_103 {strides = array<i32>} : memref<32x32x1728xf32, #tpu.memory_space<vmem>>, vector<32x32x64xf32>,
    %get3A_108 = arith.constant 0 : index
    %get3A_109 = arith.constant 0 : index
    %get3A_110 = arith.constant 2 : index
    %get3A_111 = arith.constant 0 : index
    %get3A_112 = vector.load %arg2[%get3A_108, %get3A_109, %get3A_110, %get3A_111] : memref<1x34x34x64xf32, #tpu.memory_space<vmem>>, vector<1x32x32x64xf32>
    %get3A_113 = vector.shape_cast %get3A_112 : vector<1x32x32x64xf32> to vector<32x32x64xf32>
    %swap3A_114 = arith.constant 0 : index
    %swap3A_115 = arith.constant 0 : index
    %swap3A_116 = arith.constant 704 : index
    %swap3A_117 = vector.load %arg8[%swap3A_114, %swap3A_115, %swap3A_116] : memref<32x32x1728xf32, #tpu.memory_space<vmem>>, vector<32x32x64xf32>
    tpu.vector_store %arg8[%swap3A_114, %swap3A_115, %swap3A_116], %get3A_113 {strides = array<i32>} : memref<32x32x1728xf32, #tpu.memory_space<vmem>>, vector<32x32x64xf32>,
    %get3A_118 = arith.constant 0 : index
    %get3A_119 = arith.constant 1 : index
    %get3A_120 = arith.constant 0 : index
    %get3A_121 = arith.constant 0 : index
    %get3A_122 = vector.load %arg2[%get3A_118, %get3A_119, %get3A_120, %get3A_121] : memref<1x34x34x64xf32, #tpu.memory_space<vmem>>, vector<1x32x32x64xf32>
    %get3A_123 = vector.shape_cast %get3A_122 : vector<1x32x32x64xf32> to vector<32x32x64xf32>
    %swap3A_124 = arith.constant 0 : index
    %swap3A_125 = arith.constant 0 : index
    %swap3A_126 = arith.constant 768 : index
    %swap3A_127 = vector.load %arg8[%swap3A_124, %swap3A_125, %swap3A_126] : memref<32x32x1728xf32, #tpu.memory_space<vmem>>, vector<32x32x64xf32>
    tpu.vector_store %arg8[%swap3A_124, %swap3A_125, %swap3A_126], %get3A_123 {strides = array<i32>} : memref<32x32x1728xf32, #tpu.memory_space<vmem>>, vector<32x32x64xf32>,
    %get3A_128 = arith.constant 0 : index
    %get3A_129 = arith.constant 1 : index
    %get3A_130 = arith.constant 1 : index
    %get3A_131 = arith.constant 0 : index
    %get3A_132 = vector.load %arg2[%get3A_128, %get3A_129, %get3A_130, %get3A_131] : memref<1x34x34x64xf32, #tpu.memory_space<vmem>>, vector<1x32x32x64xf32>
    %get3A_133 = vector.shape_cast %get3A_132 : vector<1x32x32x64xf32> to vector<32x32x64xf32>
    %swap3A_134 = arith.constant 0 : index
    %swap3A_135 = arith.constant 0 : index
    %swap3A_136 = arith.constant 832 : index
    %swap3A_137 = vector.load %arg8[%swap3A_134, %swap3A_135, %swap3A_136] : memref<32x32x1728xf32, #tpu.memory_space<vmem>>, vector<32x32x64xf32>
    tpu.vector_store %arg8[%swap3A_134, %swap3A_135, %swap3A_136], %get3A_133 {strides = array<i32>} : memref<32x32x1728xf32, #tpu.memory_space<vmem>>, vector<32x32x64xf32>,
    %get3A_138 = arith.constant 0 : index
    %get3A_139 = arith.constant 1 : index
    %get3A_140 = arith.constant 2 : index
    %get3A_141 = arith.constant 0 : index
    %get3A_142 = vector.load %arg2[%get3A_138, %get3A_139, %get3A_140, %get3A_141] : memref<1x34x34x64xf32, #tpu.memory_space<vmem>>, vector<1x32x32x64xf32>
    %get3A_143 = vector.shape_cast %get3A_142 : vector<1x32x32x64xf32> to vector<32x32x64xf32>
    %swap3A_144 = arith.constant 0 : index
    %swap3A_145 = arith.constant 0 : index
    %swap3A_146 = arith.constant 896 : index
    %swap3A_147 = vector.load %arg8[%swap3A_144, %swap3A_145, %swap3A_146] : memref<32x32x1728xf32, #tpu.memory_space<vmem>>, vector<32x32x64xf32>
    tpu.vector_store %arg8[%swap3A_144, %swap3A_145, %swap3A_146], %get3A_143 {strides = array<i32>} : memref<32x32x1728xf32, #tpu.memory_space<vmem>>, vector<32x32x64xf32>,
    %get3A_148 = arith.constant 0 : index
    %get3A_149 = arith.constant 2 : index
    %get3A_150 = arith.constant 0 : index
    %get3A_151 = arith.constant 0 : index
    %get3A_152 = vector.load %arg2[%get3A_148, %get3A_149, %get3A_150, %get3A_151] : memref<1x34x34x64xf32, #tpu.memory_space<vmem>>, vector<1x32x32x64xf32>
    %get3A_153 = vector.shape_cast %get3A_152 : vector<1x32x32x64xf32> to vector<32x32x64xf32>
    %swap3A_154 = arith.constant 0 : index
    %swap3A_155 = arith.constant 0 : index
    %swap3A_156 = arith.constant 960 : index
    %swap3A_157 = vector.load %arg8[%swap3A_154, %swap3A_155, %swap3A_156] : memref<32x32x1728xf32, #tpu.memory_space<vmem>>, vector<32x32x64xf32>
    tpu.vector_store %arg8[%swap3A_154, %swap3A_155, %swap3A_156], %get3A_153 {strides = array<i32>} : memref<32x32x1728xf32, #tpu.memory_space<vmem>>, vector<32x32x64xf32>,
    %get3A_158 = arith.constant 0 : index
    %get3A_159 = arith.constant 2 : index
    %get3A_160 = arith.constant 1 : index
    %get3A_161 = arith.constant 0 : index
    %get3A_162 = vector.load %arg2[%get3A_158, %get3A_159, %get3A_160, %get3A_161] : memref<1x34x34x64xf32, #tpu.memory_space<vmem>>, vector<1x32x32x64xf32>
    %get3A_163 = vector.shape_cast %get3A_162 : vector<1x32x32x64xf32> to vector<32x32x64xf32>
    %swap3A_164 = arith.constant 0 : index
    %swap3A_165 = arith.constant 0 : index
    %swap3A_166 = arith.constant 1024 : index
    %swap3A_167 = vector.load %arg8[%swap3A_164, %swap3A_165, %swap3A_166] : memref<32x32x1728xf32, #tpu.memory_space<vmem>>, vector<32x32x64xf32>
    tpu.vector_store %arg8[%swap3A_164, %swap3A_165, %swap3A_166], %get3A_163 {strides = array<i32>} : memref<32x32x1728xf32, #tpu.memory_space<vmem>>, vector<32x32x64xf32>,
    %get3A_168 = arith.constant 0 : index
    %get3A_169 = arith.constant 2 : index
    %get3A_170 = arith.constant 2 : index
    %get3A_171 = arith.constant 0 : index
    %get3A_172 = vector.load %arg2[%get3A_168, %get3A_169, %get3A_170, %get3A_171] : memref<1x34x34x64xf32, #tpu.memory_space<vmem>>, vector<1x32x32x64xf32>
    %get3A_173 = vector.shape_cast %get3A_172 : vector<1x32x32x64xf32> to vector<32x32x64xf32>
    %swap3A_174 = arith.constant 0 : index
    %swap3A_175 = arith.constant 0 : index
    %swap3A_176 = arith.constant 1088 : index
    %swap3A_177 = vector.load %arg8[%swap3A_174, %swap3A_175, %swap3A_176] : memref<32x32x1728xf32, #tpu.memory_space<vmem>>, vector<32x32x64xf32>
    tpu.vector_store %arg8[%swap3A_174, %swap3A_175, %swap3A_176], %get3A_173 {strides = array<i32>} : memref<32x32x1728xf32, #tpu.memory_space<vmem>>, vector<32x32x64xf32>,
    %get3A_178 = arith.constant 0 : index
    %get3A_179 = arith.constant 0 : index
    %get3A_180 = arith.constant 0 : index
    %get3A_181 = arith.constant 0 : index
    %get3A_182 = vector.load %arg3[%get3A_178, %get3A_179, %get3A_180, %get3A_181] : memref<1x34x34x64xf32, #tpu.memory_space<vmem>>, vector<1x32x32x64xf32>
    %get3A_183 = vector.shape_cast %get3A_182 : vector<1x32x32x64xf32> to vector<32x32x64xf32>
    %swap3A_184 = arith.constant 0 : index
    %swap3A_185 = arith.constant 0 : index
    %swap3A_186 = arith.constant 1152 : index
    %swap3A_187 = vector.load %arg8[%swap3A_184, %swap3A_185, %swap3A_186] : memref<32x32x1728xf32, #tpu.memory_space<vmem>>, vector<32x32x64xf32>
    tpu.vector_store %arg8[%swap3A_184, %swap3A_185, %swap3A_186], %get3A_183 {strides = array<i32>} : memref<32x32x1728xf32, #tpu.memory_space<vmem>>, vector<32x32x64xf32>,
    %get3A_188 = arith.constant 0 : index
    %get3A_189 = arith.constant 0 : index
    %get3A_190 = arith.constant 1 : index
    %get3A_191 = arith.constant 0 : index
    %get3A_192 = vector.load %arg3[%get3A_188, %get3A_189, %get3A_190, %get3A_191] : memref<1x34x34x64xf32, #tpu.memory_space<vmem>>, vector<1x32x32x64xf32>
    %get3A_193 = vector.shape_cast %get3A_192 : vector<1x32x32x64xf32> to vector<32x32x64xf32>
    %swap3A_194 = arith.constant 0 : index
    %swap3A_195 = arith.constant 0 : index
    %swap3A_196 = arith.constant 1216 : index
    %swap3A_197 = vector.load %arg8[%swap3A_194, %swap3A_195, %swap3A_196] : memref<32x32x1728xf32, #tpu.memory_space<vmem>>, vector<32x32x64xf32>
    tpu.vector_store %arg8[%swap3A_194, %swap3A_195, %swap3A_196], %get3A_193 {strides = array<i32>} : memref<32x32x1728xf32, #tpu.memory_space<vmem>>, vector<32x32x64xf32>,
    %get3A_198 = arith.constant 0 : index
    %get3A_199 = arith.constant 0 : index
    %get3A_200 = arith.constant 2 : index
    %get3A_201 = arith.constant 0 : index
    %get3A_202 = vector.load %arg3[%get3A_198, %get3A_199, %get3A_200, %get3A_201] : memref<1x34x34x64xf32, #tpu.memory_space<vmem>>, vector<1x32x32x64xf32>
    %get3A_203 = vector.shape_cast %get3A_202 : vector<1x32x32x64xf32> to vector<32x32x64xf32>
    %swap3A_204 = arith.constant 0 : index
    %swap3A_205 = arith.constant 0 : index
    %swap3A_206 = arith.constant 1280 : index
    %swap3A_207 = vector.load %arg8[%swap3A_204, %swap3A_205, %swap3A_206] : memref<32x32x1728xf32, #tpu.memory_space<vmem>>, vector<32x32x64xf32>
    tpu.vector_store %arg8[%swap3A_204, %swap3A_205, %swap3A_206], %get3A_203 {strides = array<i32>} : memref<32x32x1728xf32, #tpu.memory_space<vmem>>, vector<32x32x64xf32>,
    %get3A_208 = arith.constant 0 : index
    %get3A_209 = arith.constant 1 : index
    %get3A_210 = arith.constant 0 : index
    %get3A_211 = arith.constant 0 : index
    %get3A_212 = vector.load %arg3[%get3A_208, %get3A_209, %get3A_210, %get3A_211] : memref<1x34x34x64xf32, #tpu.memory_space<vmem>>, vector<1x32x32x64xf32>
    %get3A_213 = vector.shape_cast %get3A_212 : vector<1x32x32x64xf32> to vector<32x32x64xf32>
    %swap3A_214 = arith.constant 0 : index
    %swap3A_215 = arith.constant 0 : index
    %swap3A_216 = arith.constant 1344 : index
    %swap3A_217 = vector.load %arg8[%swap3A_214, %swap3A_215, %swap3A_216] : memref<32x32x1728xf32, #tpu.memory_space<vmem>>, vector<32x32x64xf32>
    tpu.vector_store %arg8[%swap3A_214, %swap3A_215, %swap3A_216], %get3A_213 {strides = array<i32>} : memref<32x32x1728xf32, #tpu.memory_space<vmem>>, vector<32x32x64xf32>,
    %get3A_218 = arith.constant 0 : index
    %get3A_219 = arith.constant 1 : index
    %get3A_220 = arith.constant 1 : index
    %get3A_221 = arith.constant 0 : index
    %get3A_222 = vector.load %arg3[%get3A_218, %get3A_219, %get3A_220, %get3A_221] : memref<1x34x34x64xf32, #tpu.memory_space<vmem>>, vector<1x32x32x64xf32>
    %get3A_223 = vector.shape_cast %get3A_222 : vector<1x32x32x64xf32> to vector<32x32x64xf32>
    %swap3A_224 = arith.constant 0 : index
    %swap3A_225 = arith.constant 0 : index
    %swap3A_226 = arith.constant 1408 : index
    %swap3A_227 = vector.load %arg8[%swap3A_224, %swap3A_225, %swap3A_226] : memref<32x32x1728xf32, #tpu.memory_space<vmem>>, vector<32x32x64xf32>
    tpu.vector_store %arg8[%swap3A_224, %swap3A_225, %swap3A_226], %get3A_223 {strides = array<i32>} : memref<32x32x1728xf32, #tpu.memory_space<vmem>>, vector<32x32x64xf32>,
    %get3A_228 = arith.constant 0 : index
    %get3A_229 = arith.constant 1 : index
    %get3A_230 = arith.constant 2 : index
    %get3A_231 = arith.constant 0 : index
    %get3A_232 = vector.load %arg3[%get3A_228, %get3A_229, %get3A_230, %get3A_231] : memref<1x34x34x64xf32, #tpu.memory_space<vmem>>, vector<1x32x32x64xf32>
    %get3A_233 = vector.shape_cast %get3A_232 : vector<1x32x32x64xf32> to vector<32x32x64xf32>
    %swap3A_234 = arith.constant 0 : index
    %swap3A_235 = arith.constant 0 : index
    %swap3A_236 = arith.constant 1472 : index
    %swap3A_237 = vector.load %arg8[%swap3A_234, %swap3A_235, %swap3A_236] : memref<32x32x1728xf32, #tpu.memory_space<vmem>>, vector<32x32x64xf32>
    tpu.vector_store %arg8[%swap3A_234, %swap3A_235, %swap3A_236], %get3A_233 {strides = array<i32>} : memref<32x32x1728xf32, #tpu.memory_space<vmem>>, vector<32x32x64xf32>,
    %get3A_238 = arith.constant 0 : index
    %get3A_239 = arith.constant 2 : index
    %get3A_240 = arith.constant 0 : index
    %get3A_241 = arith.constant 0 : index
    %get3A_242 = vector.load %arg3[%get3A_238, %get3A_239, %get3A_240, %get3A_241] : memref<1x34x34x64xf32, #tpu.memory_space<vmem>>, vector<1x32x32x64xf32>
    %get3A_243 = vector.shape_cast %get3A_242 : vector<1x32x32x64xf32> to vector<32x32x64xf32>
    %swap3A_244 = arith.constant 0 : index
    %swap3A_245 = arith.constant 0 : index
    %swap3A_246 = arith.constant 1536 : index
    %swap3A_247 = vector.load %arg8[%swap3A_244, %swap3A_245, %swap3A_246] : memref<32x32x1728xf32, #tpu.memory_space<vmem>>, vector<32x32x64xf32>
    tpu.vector_store %arg8[%swap3A_244, %swap3A_245, %swap3A_246], %get3A_243 {strides = array<i32>} : memref<32x32x1728xf32, #tpu.memory_space<vmem>>, vector<32x32x64xf32>,
    %get3A_248 = arith.constant 0 : index
    %get3A_249 = arith.constant 2 : index
    %get3A_250 = arith.constant 1 : index
    %get3A_251 = arith.constant 0 : index
    %get3A_252 = vector.load %arg3[%get3A_248, %get3A_249, %get3A_250, %get3A_251] : memref<1x34x34x64xf32, #tpu.memory_space<vmem>>, vector<1x32x32x64xf32>
    %get3A_253 = vector.shape_cast %get3A_252 : vector<1x32x32x64xf32> to vector<32x32x64xf32>
    %swap3A_254 = arith.constant 0 : index
    %swap3A_255 = arith.constant 0 : index
    %swap3A_256 = arith.constant 1600 : index
    %swap3A_257 = vector.load %arg8[%swap3A_254, %swap3A_255, %swap3A_256] : memref<32x32x1728xf32, #tpu.memory_space<vmem>>, vector<32x32x64xf32>
    tpu.vector_store %arg8[%swap3A_254, %swap3A_255, %swap3A_256], %get3A_253 {strides = array<i32>} : memref<32x32x1728xf32, #tpu.memory_space<vmem>>, vector<32x32x64xf32>,
    %get3A_258 = arith.constant 0 : index
    %get3A_259 = arith.constant 2 : index
    %get3A_260 = arith.constant 2 : index
    %get3A_261 = arith.constant 0 : index
    %get3A_262 = vector.load %arg3[%get3A_258, %get3A_259, %get3A_260, %get3A_261] : memref<1x34x34x64xf32, #tpu.memory_space<vmem>>, vector<1x32x32x64xf32>
    %get3A_263 = vector.shape_cast %get3A_262 : vector<1x32x32x64xf32> to vector<32x32x64xf32>
    %swap3A_264 = arith.constant 0 : index
    %swap3A_265 = arith.constant 0 : index
    %swap3A_266 = arith.constant 1664 : index
    %swap3A_267 = vector.load %arg8[%swap3A_264, %swap3A_265, %swap3A_266] : memref<32x32x1728xf32, #tpu.memory_space<vmem>>, vector<32x32x64xf32>
    tpu.vector_store %arg8[%swap3A_264, %swap3A_265, %swap3A_266], %get3A_263 {strides = array<i32>} : memref<32x32x1728xf32, #tpu.memory_space<vmem>>, vector<32x32x64xf32>,
    %get3A_268 = arith.constant 0 : index
    %get3A_269 = arith.constant 0 : index
    %get3A_270 = arith.constant 0 : index
    %get3A_271 = vector.load %arg8[%get3A_268, %get3A_269, %get3A_270] : memref<32x32x1728xf32, #tpu.memory_space<vmem>>, vector<32x32x1728xf32>
    %reshape3A = vector.shape_cast %get3A_271 : vector<32x32x1728xf32> to vector<1024x1728xf32>
    %slice3A = vector.extract_strided_slice %reshape3A {offsets = [0, 0], sizes = [512, 1728], strides = [1, 1]} : vector<1024x1728xf32> to vector<512x1728xf32>
    %get3A_272 = arith.constant 0 : index
    %get3A_273 = arith.constant 0 : index
    %get3A_274 = vector.load %arg5[%get3A_272, %get3A_273] : memref<1728x64xf32, #tpu.memory_space<vmem>>, vector<1728x64xf32>
    %dot_general3A = arith.constant dense<0.000000e+00> : vector<512x64xf32>
    %dot_general3A_275 = tpu.matmul %slice3A, %get3A_274, %dot_general3A {dimension_numbers = #tpu.dot_dimension_numbers<[1], [0], [0], [1], [0, 0, 1, 1], [], []>, precision = #tpu.contract_precision<fp32>, transpose_lhs_hint = false} : vector<512x1728xf32>, vector<1728x64xf32>, vector<512x64xf32> -> vector<512x64xf32>
    %get3A_276 = arith.constant 0 : index
    %get3A_277 = arith.constant 0 : index
    %get3A_278 = vector.load %arg6[%get3A_276, %get3A_277] : memref<1x64xf32, #tpu.memory_space<vmem>>, vector<1x64xf32>
    %add3A = vector.broadcast %get3A_278 : vector<1x64xf32> to vector<512x64xf32>
    %add3A_279 = arith.addf %dot_general3A_275, %add3A : vector<512x64xf32>
    %max3A = arith.constant 0.000000e+00 : f32
    %max3A_280 = vector.broadcast %max3A : f32 to vector<512x64xf32>
    %max3A_281 = arith.maximumf %add3A_279, %max3A_280 : vector<512x64xf32>
    %get3A_282 = arith.constant 0 : index
    %get3A_283 = arith.constant 0 : index
    %get3A_284 = arith.constant 0 : index
    %get3A_285 = vector.load %arg4[%get3A_282, %get3A_283, %get3A_284] : memref<1x1024x1xf32, #tpu.memory_space<vmem>>, vector<1x512x1xf32>
    %get3A_286 = vector.shape_cast %get3A_285 : vector<1x512x1xf32> to vector<512x1xf32>
    %mul3A = vector.broadcast %get3A_286 : vector<512x1xf32> to vector<512x64xf32>
    %mul3A_287 = arith.mulf %max3A_281, %mul3A : vector<512x64xf32>
    %swap3A_288 = arith.constant 0 : index
    %swap3A_289 = arith.constant 0 : index
    %swap3A_290 = arith.constant 0 : index
    %swap3A_291 = vector.load %arg7[%swap3A_288, %swap3A_289, %swap3A_290] : memref<1x1024x64xf32, #tpu.memory_space<vmem>>, vector<1x512x64xf32>
    %swap3A_292 = vector.shape_cast %swap3A_291 : vector<1x512x64xf32> to vector<512x64xf32>
    %swap3A_293 = vector.shape_cast %mul3A_287 : vector<512x64xf32> to vector<1x512x64xf32>
    tpu.vector_store %arg7[%swap3A_288, %swap3A_289, %swap3A_290], %swap3A_293 {strides = array<i32>} : memref<1x1024x64xf32, #tpu.memory_space<vmem>>, vector<1x512x64xf32>,
    %slice3A_294 = vector.extract_strided_slice %reshape3A {offsets = [512, 0], sizes = [512, 1728], strides = [1, 1]} : vector<1024x1728xf32> to vector<512x1728xf32>
    %get3A_295 = arith.constant 0 : index
    %get3A_296 = arith.constant 0 : index
    %get3A_297 = vector.load %arg5[%get3A_295, %get3A_296] : memref<1728x64xf32, #tpu.memory_space<vmem>>, vector<1728x64xf32>
    %dot_general3A_298 = arith.constant dense<0.000000e+00> : vector<512x64xf32>
    %dot_general3A_299 = tpu.matmul %slice3A_294, %get3A_297, %dot_general3A_298 {dimension_numbers = #tpu.dot_dimension_numbers<[1], [0], [0], [1], [0, 0, 1, 1], [], []>, precision = #tpu.contract_precision<fp32>, transpose_lhs_hint = false} : vector<512x1728xf32>, vector<1728x64xf32>, vector<512x64xf32> -> vector<512x64xf32>
    %get3A_300 = arith.constant 0 : index
    %get3A_301 = arith.constant 0 : index
    %get3A_302 = vector.load %arg6[%get3A_300, %get3A_301] : memref<1x64xf32, #tpu.memory_space<vmem>>, vector<1x64xf32>
    %add3A_303 = vector.broadcast %get3A_302 : vector<1x64xf32> to vector<512x64xf32>
    %add3A_304 = arith.addf %dot_general3A_299, %add3A_303 : vector<512x64xf32>
    %max3A_305 = arith.constant 0.000000e+00 : f32
    %max3A_306 = vector.broadcast %max3A_305 : f32 to vector<512x64xf32>
    %max3A_307 = arith.maximumf %add3A_304, %max3A_306 : vector<512x64xf32>
    %get3A_308 = arith.constant 0 : index
    %get3A_309 = arith.constant 512 : index
    %get3A_310 = arith.constant 0 : index
    %get3A_311 = vector.load %arg4[%get3A_308, %get3A_309, %get3A_310] : memref<1x1024x1xf32, #tpu.memory_space<vmem>>, vector<1x512x1xf32>
    %get3A_312 = vector.shape_cast %get3A_311 : vector<1x512x1xf32> to vector<512x1xf32>
    %mul3A_313 = vector.broadcast %get3A_312 : vector<512x1xf32> to vector<512x64xf32>
    %mul3A_314 = arith.mulf %max3A_307, %mul3A_313 : vector<512x64xf32>
    %swap3A_315 = arith.constant 0 : index
    %swap3A_316 = arith.constant 512 : index
    %swap3A_317 = arith.constant 0 : index
    %swap3A_318 = vector.load %arg7[%swap3A_315, %swap3A_316, %swap3A_317] : memref<1x1024x64xf32, #tpu.memory_space<vmem>>, vector<1x512x64xf32>
    %swap3A_319 = vector.shape_cast %swap3A_318 : vector<1x512x64xf32> to vector<512x64xf32>
    %swap3A_320 = vector.shape_cast %mul3A_314 : vector<512x64xf32> to vector<1x512x64xf32>
    tpu.vector_store %arg7[%swap3A_315, %swap3A_316, %swap3A_317], %swap3A_320 {strides = array<i32>} : memref<1x1024x64xf32, #tpu.memory_space<vmem>>, vector<1x512x64xf32>,
    return
  }
  func.func @transform_0(%arg0: i32) -> (i32, i32, i32, i32) {
    %add3A = arith.constant 0 : i32
    %add3A_0 = arith.addi %arg0, %add3A : i32
    %c0_i32 = arith.constant 0 : i32
    %c0_i32_1 = arith.constant 0 : i32
    %c0_i32_2 = arith.constant 0 : i32
    %c0_i32_3 = arith.constant 0 : i32
    return %add3A_0, %c0_i32, %c0_i32_1, %c0_i32_2 : i32, i32, i32, i32
  }
  func.func @transform_1(%arg0: i32) -> (i32, i32, i32, i32) {
    %add3A = arith.constant 1 : i32
    %add3A_0 = arith.addi %arg0, %add3A : i32
    %c0_i32 = arith.constant 0 : i32
    %c0_i32_1 = arith.constant 0 : i32
    %c0_i32_2 = arith.constant 0 : i32
    %c0_i32_3 = arith.constant 0 : i32
    return %add3A_0, %c0_i32, %c0_i32_1, %c0_i32_2 : i32, i32, i32, i32
  }
  func.func @transform_2(%arg0: i32) -> (i32, i32, i32, i32) {
    %add3A = arith.constant 2 : i32
    %add3A_0 = arith.addi %arg0, %add3A : i32
    %c0_i32 = arith.constant 0 : i32
    %c0_i32_1 = arith.constant 0 : i32
    %c0_i32_2 = arith.constant 0 : i32
    %c0_i32_3 = arith.constant 0 : i32
    return %add3A_0, %c0_i32, %c0_i32_1, %c0_i32_2 : i32, i32, i32, i32
  }
  func.func @transform_3(%arg0: i32) -> (i32, i32, i32) {
    %c0_i32 = arith.constant 0 : i32
    %c0_i32_0 = arith.constant 0 : i32
    %c0_i32_1 = arith.constant 0 : i32
    return %arg0, %c0_i32, %c0_i32_0 : i32, i32, i32
  }
  func.func @transform_4(%arg0: i32) -> (i32, i32) {
    %c0_i32 = arith.constant 0 : i32
    %c0_i32_0 = arith.constant 0 : i32
    %c0_i32_1 = arith.constant 0 : i32
    return %c0_i32, %c0_i32_0 : i32, i32
  }
  func.func @transform_5(%arg0: i32) -> (i32, i32) {
    %c0_i32 = arith.constant 0 : i32
    %c0_i32_0 = arith.constant 0 : i32
    %c0_i32_1 = arith.constant 0 : i32
    return %c0_i32, %c0_i32_0 : i32, i32
  }
  func.func @transform_6(%arg0: i32) -> (i32, i32, i32) {
    %c0_i32 = arith.constant 0 : i32
    %c0_i32_0 = arith.constant 0 : i32
    %c0_i32_1 = arith.constant 0 : i32
    return %arg0, %c0_i32, %c0_i32_0 : i32, i32, i32
  }
}

module attributes {stable_mosaic.version = 14 : i64} {
  func.func @tc_subm7(%arg0: i32, %arg1: memref<1x34x34x64xf32, #tpu.memory_space<vmem>>, %arg2: memref<1x34x34x64xf32, #tpu.memory_space<vmem>>, %arg3: memref<1x34x34x64xf32, #tpu.memory_space<vmem>>, %arg4: memref<1x1024x1xf32, #tpu.memory_space<vmem>>, %arg5: memref<1728x64xf32, #tpu.memory_space<vmem>>, %arg6: memref<1x64xf32, #tpu.memory_space<vmem>>, %arg7: memref<1x1024x64xf32, #tpu.memory_space<vmem>>, %arg8: memref<32x32x1728xf32, #tpu.memory_space<vmem>>) attributes {dimension_semantics = [#tpu.dimension_semantics<arbitrary>], iteration_bounds = array<i64: 11>, scalar_prefetch = 0 : i64, scratch_operands = 1 : i64, tpu.core_type = #tpu.core_type<tc>, window_params = [{transform_indices = @transform_0, window_bounds = array<i64: 1, 34, 34, 64>}, {transform_indices = @transform_1, window_bounds = array<i64: 1, 34, 34, 64>}, {transform_indices = @transform_2, window_bounds = array<i64: 1, 34, 34, 64>}, {transform_indices = @transform_3, window_bounds = array<i64: 1, 1024, 1>}, {pipeline_mode = #tpu.pipeline_mode<synchronous>, transform_indices = @transform_4, window_bounds = array<i64: 1728, 64>}, {pipeline_mode = #tpu.pipeline_mode<synchronous>, transform_indices = @transform_5, window_bounds = array<i64: 1, 64>}, {transform_indices = @transform_6, window_bounds = array<i64: 1, 1024, 64>}]} {
    %get3A = arith.constant 0 : index
    %get3A_0 = arith.constant 0 : index
    %get3A_1 = arith.constant 0 : index
    %get3A_2 = arith.constant 0 : index
    %get3A_3 = vector.load %arg1[%get3A, %get3A_0, %get3A_1, %get3A_2] : memref<1x34x34x64xf32, #tpu.memory_space<vmem>>, vector<1x32x32x64xf32>
    %get3A_4 = vector.shape_cast %get3A_3 : vector<1x32x32x64xf32> to vector<32x32x64xf32>
    %swap3A = arith.constant 0 : index
    %swap3A_5 = arith.constant 0 : index
    %swap3A_6 = arith.constant 0 : index
    %swap3A_7 = vector.load %arg8[%swap3A, %swap3A_5, %swap3A_6] : memref<32x32x1728xf32, #tpu.memory_space<vmem>>, vector<32x32x64xf32>
    tpu.vector_store %arg8[%swap3A, %swap3A_5, %swap3A_6], %get3A_4 {strides = array<i32>} : memref<32x32x1728xf32, #tpu.memory_space<vmem>>, vector<32x32x64xf32>,
    %get3A_8 = arith.constant 0 : index
    %get3A_9 = arith.constant 0 : index
    %get3A_10 = arith.constant 1 : index
    %get3A_11 = arith.constant 0 : index
    %get3A_12 = vector.load %arg1[%get3A_8, %get3A_9, %get3A_10, %get3A_11] : memref<1x34x34x64xf32, #tpu.memory_space<vmem>>, vector<1x32x32x64xf32>
    %get3A_13 = vector.shape_cast %get3A_12 : vector<1x32x32x64xf32> to vector<32x32x64xf32>
    %swap3A_14 = arith.constant 0 : index
    %swap3A_15 = arith.constant 0 : index
    %swap3A_16 = arith.constant 64 : index
    %swap3A_17 = vector.load %arg8[%swap3A_14, %swap3A_15, %swap3A_16] : memref<32x32x1728xf32, #tpu.memory_space<vmem>>, vector<32x32x64xf32>
    tpu.vector_store %arg8[%swap3A_14, %swap3A_15, %swap3A_16], %get3A_13 {strides = array<i32>} : memref<32x32x1728xf32, #tpu.memory_space<vmem>>, vector<32x32x64xf32>,
    %get3A_18 = arith.constant 0 : index
    %get3A_19 = arith.constant 0 : index
    %get3A_20 = arith.constant 2 : index
    %get3A_21 = arith.constant 0 : index
    %get3A_22 = vector.load %arg1[%get3A_18, %get3A_19, %get3A_20, %get3A_21] : memref<1x34x34x64xf32, #tpu.memory_space<vmem>>, vector<1x32x32x64xf32>
    %get3A_23 = vector.shape_cast %get3A_22 : vector<1x32x32x64xf32> to vector<32x32x64xf32>
    %swap3A_24 = arith.constant 0 : index
    %swap3A_25 = arith.constant 0 : index
    %swap3A_26 = arith.constant 128 : index
    %swap3A_27 = vector.load %arg8[%swap3A_24, %swap3A_25, %swap3A_26] : memref<32x32x1728xf32, #tpu.memory_space<vmem>>, vector<32x32x64xf32>
    tpu.vector_store %arg8[%swap3A_24, %swap3A_25, %swap3A_26], %get3A_23 {strides = array<i32>} : memref<32x32x1728xf32, #tpu.memory_space<vmem>>, vector<32x32x64xf32>,
    %get3A_28 = arith.constant 0 : index
    %get3A_29 = arith.constant 1 : index
    %get3A_30 = arith.constant 0 : index
    %get3A_31 = arith.constant 0 : index
    %get3A_32 = vector.load %arg1[%get3A_28, %get3A_29, %get3A_30, %get3A_31] : memref<1x34x34x64xf32, #tpu.memory_space<vmem>>, vector<1x32x32x64xf32>
    %get3A_33 = vector.shape_cast %get3A_32 : vector<1x32x32x64xf32> to vector<32x32x64xf32>
    %swap3A_34 = arith.constant 0 : index
    %swap3A_35 = arith.constant 0 : index
    %swap3A_36 = arith.constant 192 : index
    %swap3A_37 = vector.load %arg8[%swap3A_34, %swap3A_35, %swap3A_36] : memref<32x32x1728xf32, #tpu.memory_space<vmem>>, vector<32x32x64xf32>
    tpu.vector_store %arg8[%swap3A_34, %swap3A_35, %swap3A_36], %get3A_33 {strides = array<i32>} : memref<32x32x1728xf32, #tpu.memory_space<vmem>>, vector<32x32x64xf32>,
    %get3A_38 = arith.constant 0 : index
    %get3A_39 = arith.constant 1 : index
    %get3A_40 = arith.constant 1 : index
    %get3A_41 = arith.constant 0 : index
    %get3A_42 = vector.load %arg1[%get3A_38, %get3A_39, %get3A_40, %get3A_41] : memref<1x34x34x64xf32, #tpu.memory_space<vmem>>, vector<1x32x32x64xf32>
    %get3A_43 = vector.shape_cast %get3A_42 : vector<1x32x32x64xf32> to vector<32x32x64xf32>
    %swap3A_44 = arith.constant 0 : index
    %swap3A_45 = arith.constant 0 : index
    %swap3A_46 = arith.constant 256 : index
    %swap3A_47 = vector.load %arg8[%swap3A_44, %swap3A_45, %swap3A_46] : memref<32x32x1728xf32, #tpu.memory_space<vmem>>, vector<32x32x64xf32>
    tpu.vector_store %arg8[%swap3A_44, %swap3A_45, %swap3A_46], %get3A_43 {strides = array<i32>} : memref<32x32x1728xf32, #tpu.memory_space<vmem>>, vector<32x32x64xf32>,
    %get3A_48 = arith.constant 0 : index
    %get3A_49 = arith.constant 1 : index
    %get3A_50 = arith.constant 2 : index
    %get3A_51 = arith.constant 0 : index
    %get3A_52 = vector.load %arg1[%get3A_48, %get3A_49, %get3A_50, %get3A_51] : memref<1x34x34x64xf32, #tpu.memory_space<vmem>>, vector<1x32x32x64xf32>
    %get3A_53 = vector.shape_cast %get3A_52 : vector<1x32x32x64xf32> to vector<32x32x64xf32>
    %swap3A_54 = arith.constant 0 : index
    %swap3A_55 = arith.constant 0 : index
    %swap3A_56 = arith.constant 320 : index
    %swap3A_57 = vector.load %arg8[%swap3A_54, %swap3A_55, %swap3A_56] : memref<32x32x1728xf32, #tpu.memory_space<vmem>>, vector<32x32x64xf32>
    tpu.vector_store %arg8[%swap3A_54, %swap3A_55, %swap3A_56], %get3A_53 {strides = array<i32>} : memref<32x32x1728xf32, #tpu.memory_space<vmem>>, vector<32x32x64xf32>,
    %get3A_58 = arith.constant 0 : index
    %get3A_59 = arith.constant 2 : index
    %get3A_60 = arith.constant 0 : index
    %get3A_61 = arith.constant 0 : index
    %get3A_62 = vector.load %arg1[%get3A_58, %get3A_59, %get3A_60, %get3A_61] : memref<1x34x34x64xf32, #tpu.memory_space<vmem>>, vector<1x32x32x64xf32>
    %get3A_63 = vector.shape_cast %get3A_62 : vector<1x32x32x64xf32> to vector<32x32x64xf32>
    %swap3A_64 = arith.constant 0 : index
    %swap3A_65 = arith.constant 0 : index
    %swap3A_66 = arith.constant 384 : index
    %swap3A_67 = vector.load %arg8[%swap3A_64, %swap3A_65, %swap3A_66] : memref<32x32x1728xf32, #tpu.memory_space<vmem>>, vector<32x32x64xf32>
    tpu.vector_store %arg8[%swap3A_64, %swap3A_65, %swap3A_66], %get3A_63 {strides = array<i32>} : memref<32x32x1728xf32, #tpu.memory_space<vmem>>, vector<32x32x64xf32>,
    %get3A_68 = arith.constant 0 : index
    %get3A_69 = arith.constant 2 : index
    %get3A_70 = arith.constant 1 : index
    %get3A_71 = arith.constant 0 : index
    %get3A_72 = vector.load %arg1[%get3A_68, %get3A_69, %get3A_70, %get3A_71] : memref<1x34x34x64xf32, #tpu.memory_space<vmem>>, vector<1x32x32x64xf32>
    %get3A_73 = vector.shape_cast %get3A_72 : vector<1x32x32x64xf32> to vector<32x32x64xf32>
    %swap3A_74 = arith.constant 0 : index
    %swap3A_75 = arith.constant 0 : index
    %swap3A_76 = arith.constant 448 : index
    %swap3A_77 = vector.load %arg8[%swap3A_74, %swap3A_75, %swap3A_76] : memref<32x32x1728xf32, #tpu.memory_space<vmem>>, vector<32x32x64xf32>
    tpu.vector_store %arg8[%swap3A_74, %swap3A_75, %swap3A_76], %get3A_73 {strides = array<i32>} : memref<32x32x1728xf32, #tpu.memory_space<vmem>>, vector<32x32x64xf32>,
    %get3A_78 = arith.constant 0 : index
    %get3A_79 = arith.constant 2 : index
    %get3A_80 = arith.constant 2 : index
    %get3A_81 = arith.constant 0 : index
    %get3A_82 = vector.load %arg1[%get3A_78, %get3A_79, %get3A_80, %get3A_81] : memref<1x34x34x64xf32, #tpu.memory_space<vmem>>, vector<1x32x32x64xf32>
    %get3A_83 = vector.shape_cast %get3A_82 : vector<1x32x32x64xf32> to vector<32x32x64xf32>
    %swap3A_84 = arith.constant 0 : index
    %swap3A_85 = arith.constant 0 : index
    %swap3A_86 = arith.constant 512 : index
    %swap3A_87 = vector.load %arg8[%swap3A_84, %swap3A_85, %swap3A_86] : memref<32x32x1728xf32, #tpu.memory_space<vmem>>, vector<32x32x64xf32>
    tpu.vector_store %arg8[%swap3A_84, %swap3A_85, %swap3A_86], %get3A_83 {strides = array<i32>} : memref<32x32x1728xf32, #tpu.memory_space<vmem>>, vector<32x32x64xf32>,
    %get3A_88 = arith.constant 0 : index
    %get3A_89 = arith.constant 0 : index
    %get3A_90 = arith.constant 0 : index
    %get3A_91 = arith.constant 0 : index
    %get3A_92 = vector.load %arg2[%get3A_88, %get3A_89, %get3A_90, %get3A_91] : memref<1x34x34x64xf32, #tpu.memory_space<vmem>>, vector<1x32x32x64xf32>
    %get3A_93 = vector.shape_cast %get3A_92 : vector<1x32x32x64xf32> to vector<32x32x64xf32>
    %swap3A_94 = arith.constant 0 : index
    %swap3A_95 = arith.constant 0 : index
    %swap3A_96 = arith.constant 576 : index
    %swap3A_97 = vector.load %arg8[%swap3A_94, %swap3A_95, %swap3A_96] : memref<32x32x1728xf32, #tpu.memory_space<vmem>>, vector<32x32x64xf32>
    tpu.vector_store %arg8[%swap3A_94, %swap3A_95, %swap3A_96], %get3A_93 {strides = array<i32>} : memref<32x32x1728xf32, #tpu.memory_space<vmem>>, vector<32x32x64xf32>,
    %get3A_98 = arith.constant 0 : index
    %get3A_99 = arith.constant 0 : index
    %get3A_100 = arith.constant 1 : index
    %get3A_101 = arith.constant 0 : index
    %get3A_102 = vector.load %arg2[%get3A_98, %get3A_99, %get3A_100, %get3A_101] : memref<1x34x34x64xf32, #tpu.memory_space<vmem>>, vector<1x32x32x64xf32>
    %get3A_103 = vector.shape_cast %get3A_102 : vector<1x32x32x64xf32> to vector<32x32x64xf32>
    %swap3A_104 = arith.constant 0 : index
    %swap3A_105 = arith.constant 0 : index
    %swap3A_106 = arith.constant 640 : index
    %swap3A_107 = vector.load %arg8[%swap3A_104, %swap3A_105, %swap3A_106] : memref<32x32x1728xf32, #tpu.memory_space<vmem>>, vector<32x32x64xf32>
    tpu.vector_store %arg8[%swap3A_104, %swap3A_105, %swap3A_106], %get3A_103 {strides = array<i32>} : memref<32x32x1728xf32, #tpu.memory_space<vmem>>, vector<32x32x64xf32>,
    %get3A_108 = arith.constant 0 : index
    %get3A_109 = arith.constant 0 : index
    %get3A_110 = arith.constant 2 : index
    %get3A_111 = arith.constant 0 : index
    %get3A_112 = vector.load %arg2[%get3A_108, %get3A_109, %get3A_110, %get3A_111] : memref<1x34x34x64xf32, #tpu.memory_space<vmem>>, vector<1x32x32x64xf32>
    %get3A_113 = vector.shape_cast %get3A_112 : vector<1x32x32x64xf32> to vector<32x32x64xf32>
    %swap3A_114 = arith.constant 0 : index
    %swap3A_115 = arith.constant 0 : index
    %swap3A_116 = arith.constant 704 : index
    %swap3A_117 = vector.load %arg8[%swap3A_114, %swap3A_115, %swap3A_116] : memref<32x32x1728xf32, #tpu.memory_space<vmem>>, vector<32x32x64xf32>
    tpu.vector_store %arg8[%swap3A_114, %swap3A_115, %swap3A_116], %get3A_113 {strides = array<i32>} : memref<32x32x1728xf32, #tpu.memory_space<vmem>>, vector<32x32x64xf32>,
    %get3A_118 = arith.constant 0 : index
    %get3A_119 = arith.constant 1 : index
    %get3A_120 = arith.constant 0 : index
    %get3A_121 = arith.constant 0 : index
    %get3A_122 = vector.load %arg2[%get3A_118, %get3A_119, %get3A_120, %get3A_121] : memref<1x34x34x64xf32, #tpu.memory_space<vmem>>, vector<1x32x32x64xf32>
    %get3A_123 = vector.shape_cast %get3A_122 : vector<1x32x32x64xf32> to vector<32x32x64xf32>
    %swap3A_124 = arith.constant 0 : index
    %swap3A_125 = arith.constant 0 : index
    %swap3A_126 = arith.constant 768 : index
    %swap3A_127 = vector.load %arg8[%swap3A_124, %swap3A_125, %swap3A_126] : memref<32x32x1728xf32, #tpu.memory_space<vmem>>, vector<32x32x64xf32>
    tpu.vector_store %arg8[%swap3A_124, %swap3A_125, %swap3A_126], %get3A_123 {strides = array<i32>} : memref<32x32x1728xf32, #tpu.memory_space<vmem>>, vector<32x32x64xf32>,
    %get3A_128 = arith.constant 0 : index
    %get3A_129 = arith.constant 1 : index
    %get3A_130 = arith.constant 1 : index
    %get3A_131 = arith.constant 0 : index
    %get3A_132 = vector.load %arg2[%get3A_128, %get3A_129, %get3A_130, %get3A_131] : memref<1x34x34x64xf32, #tpu.memory_space<vmem>>, vector<1x32x32x64xf32>
    %get3A_133 = vector.shape_cast %get3A_132 : vector<1x32x32x64xf32> to vector<32x32x64xf32>
    %swap3A_134 = arith.constant 0 : index
    %swap3A_135 = arith.constant 0 : index
    %swap3A_136 = arith.constant 832 : index
    %swap3A_137 = vector.load %arg8[%swap3A_134, %swap3A_135, %swap3A_136] : memref<32x32x1728xf32, #tpu.memory_space<vmem>>, vector<32x32x64xf32>
    tpu.vector_store %arg8[%swap3A_134, %swap3A_135, %swap3A_136], %get3A_133 {strides = array<i32>} : memref<32x32x1728xf32, #tpu.memory_space<vmem>>, vector<32x32x64xf32>,
    %get3A_138 = arith.constant 0 : index
    %get3A_139 = arith.constant 1 : index
    %get3A_140 = arith.constant 2 : index
    %get3A_141 = arith.constant 0 : index
    %get3A_142 = vector.load %arg2[%get3A_138, %get3A_139, %get3A_140, %get3A_141] : memref<1x34x34x64xf32, #tpu.memory_space<vmem>>, vector<1x32x32x64xf32>
    %get3A_143 = vector.shape_cast %get3A_142 : vector<1x32x32x64xf32> to vector<32x32x64xf32>
    %swap3A_144 = arith.constant 0 : index
    %swap3A_145 = arith.constant 0 : index
    %swap3A_146 = arith.constant 896 : index
    %swap3A_147 = vector.load %arg8[%swap3A_144, %swap3A_145, %swap3A_146] : memref<32x32x1728xf32, #tpu.memory_space<vmem>>, vector<32x32x64xf32>
    tpu.vector_store %arg8[%swap3A_144, %swap3A_145, %swap3A_146], %get3A_143 {strides = array<i32>} : memref<32x32x1728xf32, #tpu.memory_space<vmem>>, vector<32x32x64xf32>,
    %get3A_148 = arith.constant 0 : index
    %get3A_149 = arith.constant 2 : index
    %get3A_150 = arith.constant 0 : index
    %get3A_151 = arith.constant 0 : index
    %get3A_152 = vector.load %arg2[%get3A_148, %get3A_149, %get3A_150, %get3A_151] : memref<1x34x34x64xf32, #tpu.memory_space<vmem>>, vector<1x32x32x64xf32>
    %get3A_153 = vector.shape_cast %get3A_152 : vector<1x32x32x64xf32> to vector<32x32x64xf32>
    %swap3A_154 = arith.constant 0 : index
    %swap3A_155 = arith.constant 0 : index
    %swap3A_156 = arith.constant 960 : index
    %swap3A_157 = vector.load %arg8[%swap3A_154, %swap3A_155, %swap3A_156] : memref<32x32x1728xf32, #tpu.memory_space<vmem>>, vector<32x32x64xf32>
    tpu.vector_store %arg8[%swap3A_154, %swap3A_155, %swap3A_156], %get3A_153 {strides = array<i32>} : memref<32x32x1728xf32, #tpu.memory_space<vmem>>, vector<32x32x64xf32>,
    %get3A_158 = arith.constant 0 : index
    %get3A_159 = arith.constant 2 : index
    %get3A_160 = arith.constant 1 : index
    %get3A_161 = arith.constant 0 : index
    %get3A_162 = vector.load %arg2[%get3A_158, %get3A_159, %get3A_160, %get3A_161] : memref<1x34x34x64xf32, #tpu.memory_space<vmem>>, vector<1x32x32x64xf32>
    %get3A_163 = vector.shape_cast %get3A_162 : vector<1x32x32x64xf32> to vector<32x32x64xf32>
    %swap3A_164 = arith.constant 0 : index
    %swap3A_165 = arith.constant 0 : index
    %swap3A_166 = arith.constant 1024 : index
    %swap3A_167 = vector.load %arg8[%swap3A_164, %swap3A_165, %swap3A_166] : memref<32x32x1728xf32, #tpu.memory_space<vmem>>, vector<32x32x64xf32>
    tpu.vector_store %arg8[%swap3A_164, %swap3A_165, %swap3A_166], %get3A_163 {strides = array<i32>} : memref<32x32x1728xf32, #tpu.memory_space<vmem>>, vector<32x32x64xf32>,
    %get3A_168 = arith.constant 0 : index
    %get3A_169 = arith.constant 2 : index
    %get3A_170 = arith.constant 2 : index
    %get3A_171 = arith.constant 0 : index
    %get3A_172 = vector.load %arg2[%get3A_168, %get3A_169, %get3A_170, %get3A_171] : memref<1x34x34x64xf32, #tpu.memory_space<vmem>>, vector<1x32x32x64xf32>
    %get3A_173 = vector.shape_cast %get3A_172 : vector<1x32x32x64xf32> to vector<32x32x64xf32>
    %swap3A_174 = arith.constant 0 : index
    %swap3A_175 = arith.constant 0 : index
    %swap3A_176 = arith.constant 1088 : index
    %swap3A_177 = vector.load %arg8[%swap3A_174, %swap3A_175, %swap3A_176] : memref<32x32x1728xf32, #tpu.memory_space<vmem>>, vector<32x32x64xf32>
    tpu.vector_store %arg8[%swap3A_174, %swap3A_175, %swap3A_176], %get3A_173 {strides = array<i32>} : memref<32x32x1728xf32, #tpu.memory_space<vmem>>, vector<32x32x64xf32>,
    %get3A_178 = arith.constant 0 : index
    %get3A_179 = arith.constant 0 : index
    %get3A_180 = arith.constant 0 : index
    %get3A_181 = arith.constant 0 : index
    %get3A_182 = vector.load %arg3[%get3A_178, %get3A_179, %get3A_180, %get3A_181] : memref<1x34x34x64xf32, #tpu.memory_space<vmem>>, vector<1x32x32x64xf32>
    %get3A_183 = vector.shape_cast %get3A_182 : vector<1x32x32x64xf32> to vector<32x32x64xf32>
    %swap3A_184 = arith.constant 0 : index
    %swap3A_185 = arith.constant 0 : index
    %swap3A_186 = arith.constant 1152 : index
    %swap3A_187 = vector.load %arg8[%swap3A_184, %swap3A_185, %swap3A_186] : memref<32x32x1728xf32, #tpu.memory_space<vmem>>, vector<32x32x64xf32>
    tpu.vector_store %arg8[%swap3A_184, %swap3A_185, %swap3A_186], %get3A_183 {strides = array<i32>} : memref<32x32x1728xf32, #tpu.memory_space<vmem>>, vector<32x32x64xf32>,
    %get3A_188 = arith.constant 0 : index
    %get3A_189 = arith.constant 0 : index
    %get3A_190 = arith.constant 1 : index
    %get3A_191 = arith.constant 0 : index
    %get3A_192 = vector.load %arg3[%get3A_188, %get3A_189, %get3A_190, %get3A_191] : memref<1x34x34x64xf32, #tpu.memory_space<vmem>>, vector<1x32x32x64xf32>
    %get3A_193 = vector.shape_cast %get3A_192 : vector<1x32x32x64xf32> to vector<32x32x64xf32>
    %swap3A_194 = arith.constant 0 : index
    %swap3A_195 = arith.constant 0 : index
    %swap3A_196 = arith.constant 1216 : index
    %swap3A_197 = vector.load %arg8[%swap3A_194, %swap3A_195, %swap3A_196] : memref<32x32x1728xf32, #tpu.memory_space<vmem>>, vector<32x32x64xf32>
    tpu.vector_store %arg8[%swap3A_194, %swap3A_195, %swap3A_196], %get3A_193 {strides = array<i32>} : memref<32x32x1728xf32, #tpu.memory_space<vmem>>, vector<32x32x64xf32>,
    %get3A_198 = arith.constant 0 : index
    %get3A_199 = arith.constant 0 : index
    %get3A_200 = arith.constant 2 : index
    %get3A_201 = arith.constant 0 : index
    %get3A_202 = vector.load %arg3[%get3A_198, %get3A_199, %get3A_200, %get3A_201] : memref<1x34x34x64xf32, #tpu.memory_space<vmem>>, vector<1x32x32x64xf32>
    %get3A_203 = vector.shape_cast %get3A_202 : vector<1x32x32x64xf32> to vector<32x32x64xf32>
    %swap3A_204 = arith.constant 0 : index
    %swap3A_205 = arith.constant 0 : index
    %swap3A_206 = arith.constant 1280 : index
    %swap3A_207 = vector.load %arg8[%swap3A_204, %swap3A_205, %swap3A_206] : memref<32x32x1728xf32, #tpu.memory_space<vmem>>, vector<32x32x64xf32>
    tpu.vector_store %arg8[%swap3A_204, %swap3A_205, %swap3A_206], %get3A_203 {strides = array<i32>} : memref<32x32x1728xf32, #tpu.memory_space<vmem>>, vector<32x32x64xf32>,
    %get3A_208 = arith.constant 0 : index
    %get3A_209 = arith.constant 1 : index
    %get3A_210 = arith.constant 0 : index
    %get3A_211 = arith.constant 0 : index
    %get3A_212 = vector.load %arg3[%get3A_208, %get3A_209, %get3A_210, %get3A_211] : memref<1x34x34x64xf32, #tpu.memory_space<vmem>>, vector<1x32x32x64xf32>
    %get3A_213 = vector.shape_cast %get3A_212 : vector<1x32x32x64xf32> to vector<32x32x64xf32>
    %swap3A_214 = arith.constant 0 : index
    %swap3A_215 = arith.constant 0 : index
    %swap3A_216 = arith.constant 1344 : index
    %swap3A_217 = vector.load %arg8[%swap3A_214, %swap3A_215, %swap3A_216] : memref<32x32x1728xf32, #tpu.memory_space<vmem>>, vector<32x32x64xf32>
    tpu.vector_store %arg8[%swap3A_214, %swap3A_215, %swap3A_216], %get3A_213 {strides = array<i32>} : memref<32x32x1728xf32, #tpu.memory_space<vmem>>, vector<32x32x64xf32>,
    %get3A_218 = arith.constant 0 : index
    %get3A_219 = arith.constant 1 : index
    %get3A_220 = arith.constant 1 : index
    %get3A_221 = arith.constant 0 : index
    %get3A_222 = vector.load %arg3[%get3A_218, %get3A_219, %get3A_220, %get3A_221] : memref<1x34x34x64xf32, #tpu.memory_space<vmem>>, vector<1x32x32x64xf32>
    %get3A_223 = vector.shape_cast %get3A_222 : vector<1x32x32x64xf32> to vector<32x32x64xf32>
    %swap3A_224 = arith.constant 0 : index
    %swap3A_225 = arith.constant 0 : index
    %swap3A_226 = arith.constant 1408 : index
    %swap3A_227 = vector.load %arg8[%swap3A_224, %swap3A_225, %swap3A_226] : memref<32x32x1728xf32, #tpu.memory_space<vmem>>, vector<32x32x64xf32>
    tpu.vector_store %arg8[%swap3A_224, %swap3A_225, %swap3A_226], %get3A_223 {strides = array<i32>} : memref<32x32x1728xf32, #tpu.memory_space<vmem>>, vector<32x32x64xf32>,
    %get3A_228 = arith.constant 0 : index
    %get3A_229 = arith.constant 1 : index
    %get3A_230 = arith.constant 2 : index
    %get3A_231 = arith.constant 0 : index
    %get3A_232 = vector.load %arg3[%get3A_228, %get3A_229, %get3A_230, %get3A_231] : memref<1x34x34x64xf32, #tpu.memory_space<vmem>>, vector<1x32x32x64xf32>
    %get3A_233 = vector.shape_cast %get3A_232 : vector<1x32x32x64xf32> to vector<32x32x64xf32>
    %swap3A_234 = arith.constant 0 : index
    %swap3A_235 = arith.constant 0 : index
    %swap3A_236 = arith.constant 1472 : index
    %swap3A_237 = vector.load %arg8[%swap3A_234, %swap3A_235, %swap3A_236] : memref<32x32x1728xf32, #tpu.memory_space<vmem>>, vector<32x32x64xf32>
    tpu.vector_store %arg8[%swap3A_234, %swap3A_235, %swap3A_236], %get3A_233 {strides = array<i32>} : memref<32x32x1728xf32, #tpu.memory_space<vmem>>, vector<32x32x64xf32>,
    %get3A_238 = arith.constant 0 : index
    %get3A_239 = arith.constant 2 : index
    %get3A_240 = arith.constant 0 : index
    %get3A_241 = arith.constant 0 : index
    %get3A_242 = vector.load %arg3[%get3A_238, %get3A_239, %get3A_240, %get3A_241] : memref<1x34x34x64xf32, #tpu.memory_space<vmem>>, vector<1x32x32x64xf32>
    %get3A_243 = vector.shape_cast %get3A_242 : vector<1x32x32x64xf32> to vector<32x32x64xf32>
    %swap3A_244 = arith.constant 0 : index
    %swap3A_245 = arith.constant 0 : index
    %swap3A_246 = arith.constant 1536 : index
    %swap3A_247 = vector.load %arg8[%swap3A_244, %swap3A_245, %swap3A_246] : memref<32x32x1728xf32, #tpu.memory_space<vmem>>, vector<32x32x64xf32>
    tpu.vector_store %arg8[%swap3A_244, %swap3A_245, %swap3A_246], %get3A_243 {strides = array<i32>} : memref<32x32x1728xf32, #tpu.memory_space<vmem>>, vector<32x32x64xf32>,
    %get3A_248 = arith.constant 0 : index
    %get3A_249 = arith.constant 2 : index
    %get3A_250 = arith.constant 1 : index
    %get3A_251 = arith.constant 0 : index
    %get3A_252 = vector.load %arg3[%get3A_248, %get3A_249, %get3A_250, %get3A_251] : memref<1x34x34x64xf32, #tpu.memory_space<vmem>>, vector<1x32x32x64xf32>
    %get3A_253 = vector.shape_cast %get3A_252 : vector<1x32x32x64xf32> to vector<32x32x64xf32>
    %swap3A_254 = arith.constant 0 : index
    %swap3A_255 = arith.constant 0 : index
    %swap3A_256 = arith.constant 1600 : index
    %swap3A_257 = vector.load %arg8[%swap3A_254, %swap3A_255, %swap3A_256] : memref<32x32x1728xf32, #tpu.memory_space<vmem>>, vector<32x32x64xf32>
    tpu.vector_store %arg8[%swap3A_254, %swap3A_255, %swap3A_256], %get3A_253 {strides = array<i32>} : memref<32x32x1728xf32, #tpu.memory_space<vmem>>, vector<32x32x64xf32>,
    %get3A_258 = arith.constant 0 : index
    %get3A_259 = arith.constant 2 : index
    %get3A_260 = arith.constant 2 : index
    %get3A_261 = arith.constant 0 : index
    %get3A_262 = vector.load %arg3[%get3A_258, %get3A_259, %get3A_260, %get3A_261] : memref<1x34x34x64xf32, #tpu.memory_space<vmem>>, vector<1x32x32x64xf32>
    %get3A_263 = vector.shape_cast %get3A_262 : vector<1x32x32x64xf32> to vector<32x32x64xf32>
    %swap3A_264 = arith.constant 0 : index
    %swap3A_265 = arith.constant 0 : index
    %swap3A_266 = arith.constant 1664 : index
    %swap3A_267 = vector.load %arg8[%swap3A_264, %swap3A_265, %swap3A_266] : memref<32x32x1728xf32, #tpu.memory_space<vmem>>, vector<32x32x64xf32>
    tpu.vector_store %arg8[%swap3A_264, %swap3A_265, %swap3A_266], %get3A_263 {strides = array<i32>} : memref<32x32x1728xf32, #tpu.memory_space<vmem>>, vector<32x32x64xf32>,
    %get3A_268 = arith.constant 0 : index
    %get3A_269 = arith.constant 0 : index
    %get3A_270 = arith.constant 0 : index
    %get3A_271 = vector.load %arg8[%get3A_268, %get3A_269, %get3A_270] : memref<32x32x1728xf32, #tpu.memory_space<vmem>>, vector<32x32x1728xf32>
    %reshape3A = vector.shape_cast %get3A_271 : vector<32x32x1728xf32> to vector<1024x1728xf32>
    %slice3A = vector.extract_strided_slice %reshape3A {offsets = [0, 0], sizes = [512, 1728], strides = [1, 1]} : vector<1024x1728xf32> to vector<512x1728xf32>
    %get3A_272 = arith.constant 0 : index
    %get3A_273 = arith.constant 0 : index
    %get3A_274 = vector.load %arg5[%get3A_272, %get3A_273] : memref<1728x64xf32, #tpu.memory_space<vmem>>, vector<1728x64xf32>
    %dot_general3A = arith.constant dense<0.000000e+00> : vector<512x64xf32>
    %dot_general3A_275 = tpu.matmul %slice3A, %get3A_274, %dot_general3A {dimension_numbers = #tpu.dot_dimension_numbers<[1], [0], [0], [1], [0, 0, 1, 1], [], []>, precision = #tpu.contract_precision<fp32>, transpose_lhs_hint = false} : vector<512x1728xf32>, vector<1728x64xf32>, vector<512x64xf32> -> vector<512x64xf32>
    %get3A_276 = arith.constant 0 : index
    %get3A_277 = arith.constant 0 : index
    %get3A_278 = vector.load %arg6[%get3A_276, %get3A_277] : memref<1x64xf32, #tpu.memory_space<vmem>>, vector<1x64xf32>
    %add3A = vector.broadcast %get3A_278 : vector<1x64xf32> to vector<512x64xf32>
    %add3A_279 = arith.addf %dot_general3A_275, %add3A : vector<512x64xf32>
    %max3A = arith.constant 0.000000e+00 : f32
    %max3A_280 = vector.broadcast %max3A : f32 to vector<512x64xf32>
    %max3A_281 = arith.maximumf %add3A_279, %max3A_280 : vector<512x64xf32>
    %get3A_282 = arith.constant 0 : index
    %get3A_283 = arith.constant 0 : index
    %get3A_284 = arith.constant 0 : index
    %get3A_285 = vector.load %arg4[%get3A_282, %get3A_283, %get3A_284] : memref<1x1024x1xf32, #tpu.memory_space<vmem>>, vector<1x512x1xf32>
    %get3A_286 = vector.shape_cast %get3A_285 : vector<1x512x1xf32> to vector<512x1xf32>
    %mul3A = vector.broadcast %get3A_286 : vector<512x1xf32> to vector<512x64xf32>
    %mul3A_287 = arith.mulf %max3A_281, %mul3A : vector<512x64xf32>
    %swap3A_288 = arith.constant 0 : index
    %swap3A_289 = arith.constant 0 : index
    %swap3A_290 = arith.constant 0 : index
    %swap3A_291 = vector.load %arg7[%swap3A_288, %swap3A_289, %swap3A_290] : memref<1x1024x64xf32, #tpu.memory_space<vmem>>, vector<1x512x64xf32>
    %swap3A_292 = vector.shape_cast %swap3A_291 : vector<1x512x64xf32> to vector<512x64xf32>
    %swap3A_293 = vector.shape_cast %mul3A_287 : vector<512x64xf32> to vector<1x512x64xf32>
    tpu.vector_store %arg7[%swap3A_288, %swap3A_289, %swap3A_290], %swap3A_293 {strides = array<i32>} : memref<1x1024x64xf32, #tpu.memory_space<vmem>>, vector<1x512x64xf32>,
    %slice3A_294 = vector.extract_strided_slice %reshape3A {offsets = [512, 0], sizes = [512, 1728], strides = [1, 1]} : vector<1024x1728xf32> to vector<512x1728xf32>
    %get3A_295 = arith.constant 0 : index
    %get3A_296 = arith.constant 0 : index
    %get3A_297 = vector.load %arg5[%get3A_295, %get3A_296] : memref<1728x64xf32, #tpu.memory_space<vmem>>, vector<1728x64xf32>
    %dot_general3A_298 = arith.constant dense<0.000000e+00> : vector<512x64xf32>
    %dot_general3A_299 = tpu.matmul %slice3A_294, %get3A_297, %dot_general3A_298 {dimension_numbers = #tpu.dot_dimension_numbers<[1], [0], [0], [1], [0, 0, 1, 1], [], []>, precision = #tpu.contract_precision<fp32>, transpose_lhs_hint = false} : vector<512x1728xf32>, vector<1728x64xf32>, vector<512x64xf32> -> vector<512x64xf32>
    %get3A_300 = arith.constant 0 : index
    %get3A_301 = arith.constant 0 : index
    %get3A_302 = vector.load %arg6[%get3A_300, %get3A_301] : memref<1x64xf32, #tpu.memory_space<vmem>>, vector<1x64xf32>
    %add3A_303 = vector.broadcast %get3A_302 : vector<1x64xf32> to vector<512x64xf32>
    %add3A_304 = arith.addf %dot_general3A_299, %add3A_303 : vector<512x64xf32>
    %max3A_305 = arith.constant 0.000000e+00 : f32
    %max3A_306 = vector.broadcast %max3A_305 : f32 to vector<512x64xf32>
    %max3A_307 = arith.maximumf %add3A_304, %max3A_306 : vector<512x64xf32>
    %get3A_308 = arith.constant 0 : index
    %get3A_309 = arith.constant 512 : index
    %get3A_310 = arith.constant 0 : index
    %get3A_311 = vector.load %arg4[%get3A_308, %get3A_309, %get3A_310] : memref<1x1024x1xf32, #tpu.memory_space<vmem>>, vector<1x512x1xf32>
    %get3A_312 = vector.shape_cast %get3A_311 : vector<1x512x1xf32> to vector<512x1xf32>
    %mul3A_313 = vector.broadcast %get3A_312 : vector<512x1xf32> to vector<512x64xf32>
    %mul3A_314 = arith.mulf %max3A_307, %mul3A_313 : vector<512x64xf32>
    %swap3A_315 = arith.constant 0 : index
    %swap3A_316 = arith.constant 512 : index
    %swap3A_317 = arith.constant 0 : index
    %swap3A_318 = vector.load %arg7[%swap3A_315, %swap3A_316, %swap3A_317] : memref<1x1024x64xf32, #tpu.memory_space<vmem>>, vector<1x512x64xf32>
    %swap3A_319 = vector.shape_cast %swap3A_318 : vector<1x512x64xf32> to vector<512x64xf32>
    %swap3A_320 = vector.shape_cast %mul3A_314 : vector<512x64xf32> to vector<1x512x64xf32>
    tpu.vector_store %arg7[%swap3A_315, %swap3A_316, %swap3A_317], %swap3A_320 {strides = array<i32>} : memref<1x1024x64xf32, #tpu.memory_space<vmem>>, vector<1x512x64xf32>,
    return
  }
  func.func @transform_0(%arg0: i32) -> (i32, i32, i32, i32) {
    %add3A = arith.constant 0 : i32
    %add3A_0 = arith.addi %arg0, %add3A : i32
    %c0_i32 = arith.constant 0 : i32
    %c0_i32_1 = arith.constant 0 : i32
    %c0_i32_2 = arith.constant 0 : i32
    %c0_i32_3 = arith.constant 0 : i32
    return %add3A_0, %c0_i32, %c0_i32_1, %c0_i32_2 : i32, i32, i32, i32
  }
  func.func @transform_1(%arg0: i32) -> (i32, i32, i32, i32) {
    %add3A = arith.constant 1 : i32
    %add3A_0 = arith.addi %arg0, %add3A : i32
    %c0_i32 = arith.constant 0 : i32
    %c0_i32_1 = arith.constant 0 : i32
    %c0_i32_2 = arith.constant 0 : i32
    %c0_i32_3 = arith.constant 0 : i32
    return %add3A_0, %c0_i32, %c0_i32_1, %c0_i32_2 : i32, i32, i32, i32
  }
  func.func @transform_2(%arg0: i32) -> (i32, i32, i32, i32) {
    %add3A = arith.constant 2 : i32
    %add3A_0 = arith.addi %arg0, %add3A : i32
    %c0_i32 = arith.constant 0 : i32
    %c0_i32_1 = arith.constant 0 : i32
    %c0_i32_2 = arith.constant 0 : i32
    %c0_i32_3 = arith.constant 0 : i32
    return %add3A_0, %c0_i32, %c0_i32_1, %c0_i32_2 : i32, i32, i32, i32
  }
  func.func @transform_3(%arg0: i32) -> (i32, i32, i32) {
    %c0_i32 = arith.constant 0 : i32
    %c0_i32_0 = arith.constant 0 : i32
    %c0_i32_1 = arith.constant 0 : i32
    return %arg0, %c0_i32, %c0_i32_0 : i32, i32, i32
  }
  func.func @transform_4(%arg0: i32) -> (i32, i32) {
    %c0_i32 = arith.constant 0 : i32
    %c0_i32_0 = arith.constant 0 : i32
    %c0_i32_1 = arith.constant 0 : i32
    return %c0_i32, %c0_i32_0 : i32, i32
  }
  func.func @transform_5(%arg0: i32) -> (i32, i32) {
    %c0_i32 = arith.constant 0 : i32
    %c0_i32_0 = arith.constant 0 : i32
    %c0_i32_1 = arith.constant 0 : i32
    return %c0_i32, %c0_i32_0 : i32, i32
  }
  func.func @transform_6(%arg0: i32) -> (i32, i32, i32) {
    %c0_i32 = arith.constant 0 : i32
    %c0_i32_0 = arith.constant 0 : i32
    %c0_i32_1 = arith.constant 0 : i32
    return %arg0, %c0_i32, %c0_i32_0 : i32, i32, i32
  }
}

module attributes {stable_mosaic.version = 14 : i64} {
  func.func @tc_conv4(%arg0: i32, %arg1: memref<1x17x17x260xf32, #tpu.memory_space<vmem>>, %arg2: memref<1x17x17x260xf32, #tpu.memory_space<vmem>>, %arg3: memref<1x17x17x260xf32, #tpu.memory_space<vmem>>, %arg4: memref<1728x64xf32, #tpu.memory_space<vmem>>, %arg5: memref<1x64xf32, #tpu.memory_space<vmem>>, %arg6: memref<1x256x64xf32, #tpu.memory_space<vmem>>, %arg7: memref<1x256x1xf32, #tpu.memory_space<vmem>>, %arg8: memref<16x16x1728xf32, #tpu.memory_space<vmem>>) attributes {dimension_semantics = [#tpu.dimension_semantics<arbitrary>], iteration_bounds = array<i64: 5>, scalar_prefetch = 0 : i64, scratch_operands = 1 : i64, tpu.core_type = #tpu.core_type<tc>, window_params = [{transform_indices = @transform_0, window_bounds = array<i64: 1, 17, 17, 260>}, {transform_indices = @transform_1, window_bounds = array<i64: 1, 17, 17, 260>}, {transform_indices = @transform_2, window_bounds = array<i64: 1, 17, 17, 260>}, {pipeline_mode = #tpu.pipeline_mode<synchronous>, transform_indices = @transform_3, window_bounds = array<i64: 1728, 64>}, {pipeline_mode = #tpu.pipeline_mode<synchronous>, transform_indices = @transform_4, window_bounds = array<i64: 1, 64>}, {transform_indices = @transform_5, window_bounds = array<i64: 1, 256, 64>}, {transform_indices = @transform_6, window_bounds = array<i64: 1, 256, 1>}]} {
    %broadcast_in_dim3A = arith.constant 0.000000e+00 : f32
    %broadcast_in_dim3A_0 = vector.broadcast %broadcast_in_dim3A : f32 to vector<16x16x1xf32>
    %get3A = arith.constant 0 : index
    %get3A_1 = arith.constant 0 : index
    %get3A_2 = arith.constant 0 : index
    %get3A_3 = arith.constant 0 : index
    %get3A_4 = vector.load %arg1[%get3A, %get3A_1, %get3A_2, %get3A_3] : memref<1x17x17x260xf32, #tpu.memory_space<vmem>>, vector<1x16x16x64xf32>
    %get3A_5 = vector.shape_cast %get3A_4 : vector<1x16x16x64xf32> to vector<16x16x64xf32>
    %swap3A = arith.constant 0 : index
    %swap3A_6 = arith.constant 0 : index
    %swap3A_7 = arith.constant 0 : index
    %swap3A_8 = vector.load %arg8[%swap3A, %swap3A_6, %swap3A_7] : memref<16x16x1728xf32, #tpu.memory_space<vmem>>, vector<16x16x64xf32>
    tpu.vector_store %arg8[%swap3A, %swap3A_6, %swap3A_7], %get3A_5 {strides = array<i32>} : memref<16x16x1728xf32, #tpu.memory_space<vmem>>, vector<16x16x64xf32>,
    %get3A_9 = arith.constant 0 : index
    %get3A_10 = arith.constant 0 : index
    %get3A_11 = arith.constant 0 : index
    %get3A_12 = arith.constant 256 : index
    %get3A_13 = vector.load %arg1[%get3A_9, %get3A_10, %get3A_11, %get3A_12] : memref<1x17x17x260xf32, #tpu.memory_space<vmem>>, vector<1x16x16x1xf32>
    %get3A_14 = vector.shape_cast %get3A_13 : vector<1x16x16x1xf32> to vector<16x16x1xf32>
    %add3A = arith.addf %broadcast_in_dim3A_0, %get3A_14 : vector<16x16x1xf32>
    %get3A_15 = arith.constant 0 : index
    %get3A_16 = arith.constant 0 : index
    %get3A_17 = arith.constant 0 : index
    %get3A_18 = arith.constant 64 : index
    %get3A_19 = vector.load %arg1[%get3A_15, %get3A_16, %get3A_17, %get3A_18] : memref<1x17x17x260xf32, #tpu.memory_space<vmem>>, vector<1x16x16x64xf32>
    %get3A_20 = vector.shape_cast %get3A_19 : vector<1x16x16x64xf32> to vector<16x16x64xf32>
    %swap3A_21 = arith.constant 0 : index
    %swap3A_22 = arith.constant 0 : index
    %swap3A_23 = arith.constant 64 : index
    %swap3A_24 = vector.load %arg8[%swap3A_21, %swap3A_22, %swap3A_23] : memref<16x16x1728xf32, #tpu.memory_space<vmem>>, vector<16x16x64xf32>
    tpu.vector_store %arg8[%swap3A_21, %swap3A_22, %swap3A_23], %get3A_20 {strides = array<i32>} : memref<16x16x1728xf32, #tpu.memory_space<vmem>>, vector<16x16x64xf32>,
    %get3A_25 = arith.constant 0 : index
    %get3A_26 = arith.constant 0 : index
    %get3A_27 = arith.constant 0 : index
    %get3A_28 = arith.constant 257 : index
    %get3A_29 = vector.load %arg1[%get3A_25, %get3A_26, %get3A_27, %get3A_28] : memref<1x17x17x260xf32, #tpu.memory_space<vmem>>, vector<1x16x16x1xf32>
    %get3A_30 = vector.shape_cast %get3A_29 : vector<1x16x16x1xf32> to vector<16x16x1xf32>
    %add3A_31 = arith.addf %add3A, %get3A_30 : vector<16x16x1xf32>
    %get3A_32 = arith.constant 0 : index
    %get3A_33 = arith.constant 0 : index
    %get3A_34 = arith.constant 1 : index
    %get3A_35 = arith.constant 0 : index
    %get3A_36 = vector.load %arg1[%get3A_32, %get3A_33, %get3A_34, %get3A_35] : memref<1x17x17x260xf32, #tpu.memory_space<vmem>>, vector<1x16x16x64xf32>
    %get3A_37 = vector.shape_cast %get3A_36 : vector<1x16x16x64xf32> to vector<16x16x64xf32>
    %swap3A_38 = arith.constant 0 : index
    %swap3A_39 = arith.constant 0 : index
    %swap3A_40 = arith.constant 128 : index
    %swap3A_41 = vector.load %arg8[%swap3A_38, %swap3A_39, %swap3A_40] : memref<16x16x1728xf32, #tpu.memory_space<vmem>>, vector<16x16x64xf32>
    tpu.vector_store %arg8[%swap3A_38, %swap3A_39, %swap3A_40], %get3A_37 {strides = array<i32>} : memref<16x16x1728xf32, #tpu.memory_space<vmem>>, vector<16x16x64xf32>,
    %get3A_42 = arith.constant 0 : index
    %get3A_43 = arith.constant 0 : index
    %get3A_44 = arith.constant 1 : index
    %get3A_45 = arith.constant 256 : index
    %get3A_46 = vector.load %arg1[%get3A_42, %get3A_43, %get3A_44, %get3A_45] : memref<1x17x17x260xf32, #tpu.memory_space<vmem>>, vector<1x16x16x1xf32>
    %get3A_47 = vector.shape_cast %get3A_46 : vector<1x16x16x1xf32> to vector<16x16x1xf32>
    %add3A_48 = arith.addf %add3A_31, %get3A_47 : vector<16x16x1xf32>
    %get3A_49 = arith.constant 0 : index
    %get3A_50 = arith.constant 0 : index
    %get3A_51 = arith.constant 0 : index
    %get3A_52 = arith.constant 128 : index
    %get3A_53 = vector.load %arg1[%get3A_49, %get3A_50, %get3A_51, %get3A_52] : memref<1x17x17x260xf32, #tpu.memory_space<vmem>>, vector<1x16x16x64xf32>
    %get3A_54 = vector.shape_cast %get3A_53 : vector<1x16x16x64xf32> to vector<16x16x64xf32>
    %swap3A_55 = arith.constant 0 : index
    %swap3A_56 = arith.constant 0 : index
    %swap3A_57 = arith.constant 192 : index
    %swap3A_58 = vector.load %arg8[%swap3A_55, %swap3A_56, %swap3A_57] : memref<16x16x1728xf32, #tpu.memory_space<vmem>>, vector<16x16x64xf32>
    tpu.vector_store %arg8[%swap3A_55, %swap3A_56, %swap3A_57], %get3A_54 {strides = array<i32>} : memref<16x16x1728xf32, #tpu.memory_space<vmem>>, vector<16x16x64xf32>,
    %get3A_59 = arith.constant 0 : index
    %get3A_60 = arith.constant 0 : index
    %get3A_61 = arith.constant 0 : index
    %get3A_62 = arith.constant 258 : index
    %get3A_63 = vector.load %arg1[%get3A_59, %get3A_60, %get3A_61, %get3A_62] : memref<1x17x17x260xf32, #tpu.memory_space<vmem>>, vector<1x16x16x1xf32>
    %get3A_64 = vector.shape_cast %get3A_63 : vector<1x16x16x1xf32> to vector<16x16x1xf32>
    %add3A_65 = arith.addf %add3A_48, %get3A_64 : vector<16x16x1xf32>
    %get3A_66 = arith.constant 0 : index
    %get3A_67 = arith.constant 0 : index
    %get3A_68 = arith.constant 0 : index
    %get3A_69 = arith.constant 192 : index
    %get3A_70 = vector.load %arg1[%get3A_66, %get3A_67, %get3A_68, %get3A_69] : memref<1x17x17x260xf32, #tpu.memory_space<vmem>>, vector<1x16x16x64xf32>
    %get3A_71 = vector.shape_cast %get3A_70 : vector<1x16x16x64xf32> to vector<16x16x64xf32>
    %swap3A_72 = arith.constant 0 : index
    %swap3A_73 = arith.constant 0 : index
    %swap3A_74 = arith.constant 256 : index
    %swap3A_75 = vector.load %arg8[%swap3A_72, %swap3A_73, %swap3A_74] : memref<16x16x1728xf32, #tpu.memory_space<vmem>>, vector<16x16x64xf32>
    tpu.vector_store %arg8[%swap3A_72, %swap3A_73, %swap3A_74], %get3A_71 {strides = array<i32>} : memref<16x16x1728xf32, #tpu.memory_space<vmem>>, vector<16x16x64xf32>,
    %get3A_76 = arith.constant 0 : index
    %get3A_77 = arith.constant 0 : index
    %get3A_78 = arith.constant 0 : index
    %get3A_79 = arith.constant 259 : index
    %get3A_80 = vector.load %arg1[%get3A_76, %get3A_77, %get3A_78, %get3A_79] : memref<1x17x17x260xf32, #tpu.memory_space<vmem>>, vector<1x16x16x1xf32>
    %get3A_81 = vector.shape_cast %get3A_80 : vector<1x16x16x1xf32> to vector<16x16x1xf32>
    %add3A_82 = arith.addf %add3A_65, %get3A_81 : vector<16x16x1xf32>
    %get3A_83 = arith.constant 0 : index
    %get3A_84 = arith.constant 0 : index
    %get3A_85 = arith.constant 1 : index
    %get3A_86 = arith.constant 128 : index
    %get3A_87 = vector.load %arg1[%get3A_83, %get3A_84, %get3A_85, %get3A_86] : memref<1x17x17x260xf32, #tpu.memory_space<vmem>>, vector<1x16x16x64xf32>
    %get3A_88 = vector.shape_cast %get3A_87 : vector<1x16x16x64xf32> to vector<16x16x64xf32>
    %swap3A_89 = arith.constant 0 : index
    %swap3A_90 = arith.constant 0 : index
    %swap3A_91 = arith.constant 320 : index
    %swap3A_92 = vector.load %arg8[%swap3A_89, %swap3A_90, %swap3A_91] : memref<16x16x1728xf32, #tpu.memory_space<vmem>>, vector<16x16x64xf32>
    tpu.vector_store %arg8[%swap3A_89, %swap3A_90, %swap3A_91], %get3A_88 {strides = array<i32>} : memref<16x16x1728xf32, #tpu.memory_space<vmem>>, vector<16x16x64xf32>,
    %get3A_93 = arith.constant 0 : index
    %get3A_94 = arith.constant 0 : index
    %get3A_95 = arith.constant 1 : index
    %get3A_96 = arith.constant 258 : index
    %get3A_97 = vector.load %arg1[%get3A_93, %get3A_94, %get3A_95, %get3A_96] : memref<1x17x17x260xf32, #tpu.memory_space<vmem>>, vector<1x16x16x1xf32>
    %get3A_98 = vector.shape_cast %get3A_97 : vector<1x16x16x1xf32> to vector<16x16x1xf32>
    %add3A_99 = arith.addf %add3A_82, %get3A_98 : vector<16x16x1xf32>
    %get3A_100 = arith.constant 0 : index
    %get3A_101 = arith.constant 1 : index
    %get3A_102 = arith.constant 0 : index
    %get3A_103 = arith.constant 0 : index
    %get3A_104 = vector.load %arg1[%get3A_100, %get3A_101, %get3A_102, %get3A_103] : memref<1x17x17x260xf32, #tpu.memory_space<vmem>>, vector<1x16x16x64xf32>
    %get3A_105 = vector.shape_cast %get3A_104 : vector<1x16x16x64xf32> to vector<16x16x64xf32>
    %swap3A_106 = arith.constant 0 : index
    %swap3A_107 = arith.constant 0 : index
    %swap3A_108 = arith.constant 384 : index
    %swap3A_109 = vector.load %arg8[%swap3A_106, %swap3A_107, %swap3A_108] : memref<16x16x1728xf32, #tpu.memory_space<vmem>>, vector<16x16x64xf32>
    tpu.vector_store %arg8[%swap3A_106, %swap3A_107, %swap3A_108], %get3A_105 {strides = array<i32>} : memref<16x16x1728xf32, #tpu.memory_space<vmem>>, vector<16x16x64xf32>,
    %get3A_110 = arith.constant 0 : index
    %get3A_111 = arith.constant 1 : index
    %get3A_112 = arith.constant 0 : index
    %get3A_113 = arith.constant 256 : index
    %get3A_114 = vector.load %arg1[%get3A_110, %get3A_111, %get3A_112, %get3A_113] : memref<1x17x17x260xf32, #tpu.memory_space<vmem>>, vector<1x16x16x1xf32>
    %get3A_115 = vector.shape_cast %get3A_114 : vector<1x16x16x1xf32> to vector<16x16x1xf32>
    %add3A_116 = arith.addf %add3A_99, %get3A_115 : vector<16x16x1xf32>
    %get3A_117 = arith.constant 0 : index
    %get3A_118 = arith.constant 1 : index
    %get3A_119 = arith.constant 0 : index
    %get3A_120 = arith.constant 64 : index
    %get3A_121 = vector.load %arg1[%get3A_117, %get3A_118, %get3A_119, %get3A_120] : memref<1x17x17x260xf32, #tpu.memory_space<vmem>>, vector<1x16x16x64xf32>
    %get3A_122 = vector.shape_cast %get3A_121 : vector<1x16x16x64xf32> to vector<16x16x64xf32>
    %swap3A_123 = arith.constant 0 : index
    %swap3A_124 = arith.constant 0 : index
    %swap3A_125 = arith.constant 448 : index
    %swap3A_126 = vector.load %arg8[%swap3A_123, %swap3A_124, %swap3A_125] : memref<16x16x1728xf32, #tpu.memory_space<vmem>>, vector<16x16x64xf32>
    tpu.vector_store %arg8[%swap3A_123, %swap3A_124, %swap3A_125], %get3A_122 {strides = array<i32>} : memref<16x16x1728xf32, #tpu.memory_space<vmem>>, vector<16x16x64xf32>,
    %get3A_127 = arith.constant 0 : index
    %get3A_128 = arith.constant 1 : index
    %get3A_129 = arith.constant 0 : index
    %get3A_130 = arith.constant 257 : index
    %get3A_131 = vector.load %arg1[%get3A_127, %get3A_128, %get3A_129, %get3A_130] : memref<1x17x17x260xf32, #tpu.memory_space<vmem>>, vector<1x16x16x1xf32>
    %get3A_132 = vector.shape_cast %get3A_131 : vector<1x16x16x1xf32> to vector<16x16x1xf32>
    %add3A_133 = arith.addf %add3A_116, %get3A_132 : vector<16x16x1xf32>
    %get3A_134 = arith.constant 0 : index
    %get3A_135 = arith.constant 1 : index
    %get3A_136 = arith.constant 1 : index
    %get3A_137 = arith.constant 0 : index
    %get3A_138 = vector.load %arg1[%get3A_134, %get3A_135, %get3A_136, %get3A_137] : memref<1x17x17x260xf32, #tpu.memory_space<vmem>>, vector<1x16x16x64xf32>
    %get3A_139 = vector.shape_cast %get3A_138 : vector<1x16x16x64xf32> to vector<16x16x64xf32>
    %swap3A_140 = arith.constant 0 : index
    %swap3A_141 = arith.constant 0 : index
    %swap3A_142 = arith.constant 512 : index
    %swap3A_143 = vector.load %arg8[%swap3A_140, %swap3A_141, %swap3A_142] : memref<16x16x1728xf32, #tpu.memory_space<vmem>>, vector<16x16x64xf32>
    tpu.vector_store %arg8[%swap3A_140, %swap3A_141, %swap3A_142], %get3A_139 {strides = array<i32>} : memref<16x16x1728xf32, #tpu.memory_space<vmem>>, vector<16x16x64xf32>,
    %get3A_144 = arith.constant 0 : index
    %get3A_145 = arith.constant 1 : index
    %get3A_146 = arith.constant 1 : index
    %get3A_147 = arith.constant 256 : index
    %get3A_148 = vector.load %arg1[%get3A_144, %get3A_145, %get3A_146, %get3A_147] : memref<1x17x17x260xf32, #tpu.memory_space<vmem>>, vector<1x16x16x1xf32>
    %get3A_149 = vector.shape_cast %get3A_148 : vector<1x16x16x1xf32> to vector<16x16x1xf32>
    %add3A_150 = arith.addf %add3A_133, %get3A_149 : vector<16x16x1xf32>
    %get3A_151 = arith.constant 0 : index
    %get3A_152 = arith.constant 0 : index
    %get3A_153 = arith.constant 0 : index
    %get3A_154 = arith.constant 0 : index
    %get3A_155 = vector.load %arg2[%get3A_151, %get3A_152, %get3A_153, %get3A_154] : memref<1x17x17x260xf32, #tpu.memory_space<vmem>>, vector<1x16x16x64xf32>
    %get3A_156 = vector.shape_cast %get3A_155 : vector<1x16x16x64xf32> to vector<16x16x64xf32>
    %swap3A_157 = arith.constant 0 : index
    %swap3A_158 = arith.constant 0 : index
    %swap3A_159 = arith.constant 576 : index
    %swap3A_160 = vector.load %arg8[%swap3A_157, %swap3A_158, %swap3A_159] : memref<16x16x1728xf32, #tpu.memory_space<vmem>>, vector<16x16x64xf32>
    tpu.vector_store %arg8[%swap3A_157, %swap3A_158, %swap3A_159], %get3A_156 {strides = array<i32>} : memref<16x16x1728xf32, #tpu.memory_space<vmem>>, vector<16x16x64xf32>,
    %get3A_161 = arith.constant 0 : index
    %get3A_162 = arith.constant 0 : index
    %get3A_163 = arith.constant 0 : index
    %get3A_164 = arith.constant 256 : index
    %get3A_165 = vector.load %arg2[%get3A_161, %get3A_162, %get3A_163, %get3A_164] : memref<1x17x17x260xf32, #tpu.memory_space<vmem>>, vector<1x16x16x1xf32>
    %get3A_166 = vector.shape_cast %get3A_165 : vector<1x16x16x1xf32> to vector<16x16x1xf32>
    %add3A_167 = arith.addf %add3A_150, %get3A_166 : vector<16x16x1xf32>
    %get3A_168 = arith.constant 0 : index
    %get3A_169 = arith.constant 0 : index
    %get3A_170 = arith.constant 0 : index
    %get3A_171 = arith.constant 64 : index
    %get3A_172 = vector.load %arg2[%get3A_168, %get3A_169, %get3A_170, %get3A_171] : memref<1x17x17x260xf32, #tpu.memory_space<vmem>>, vector<1x16x16x64xf32>
    %get3A_173 = vector.shape_cast %get3A_172 : vector<1x16x16x64xf32> to vector<16x16x64xf32>
    %swap3A_174 = arith.constant 0 : index
    %swap3A_175 = arith.constant 0 : index
    %swap3A_176 = arith.constant 640 : index
    %swap3A_177 = vector.load %arg8[%swap3A_174, %swap3A_175, %swap3A_176] : memref<16x16x1728xf32, #tpu.memory_space<vmem>>, vector<16x16x64xf32>
    tpu.vector_store %arg8[%swap3A_174, %swap3A_175, %swap3A_176], %get3A_173 {strides = array<i32>} : memref<16x16x1728xf32, #tpu.memory_space<vmem>>, vector<16x16x64xf32>,
    %get3A_178 = arith.constant 0 : index
    %get3A_179 = arith.constant 0 : index
    %get3A_180 = arith.constant 0 : index
    %get3A_181 = arith.constant 257 : index
    %get3A_182 = vector.load %arg2[%get3A_178, %get3A_179, %get3A_180, %get3A_181] : memref<1x17x17x260xf32, #tpu.memory_space<vmem>>, vector<1x16x16x1xf32>
    %get3A_183 = vector.shape_cast %get3A_182 : vector<1x16x16x1xf32> to vector<16x16x1xf32>
    %add3A_184 = arith.addf %add3A_167, %get3A_183 : vector<16x16x1xf32>
    %get3A_185 = arith.constant 0 : index
    %get3A_186 = arith.constant 0 : index
    %get3A_187 = arith.constant 1 : index
    %get3A_188 = arith.constant 0 : index
    %get3A_189 = vector.load %arg2[%get3A_185, %get3A_186, %get3A_187, %get3A_188] : memref<1x17x17x260xf32, #tpu.memory_space<vmem>>, vector<1x16x16x64xf32>
    %get3A_190 = vector.shape_cast %get3A_189 : vector<1x16x16x64xf32> to vector<16x16x64xf32>
    %swap3A_191 = arith.constant 0 : index
    %swap3A_192 = arith.constant 0 : index
    %swap3A_193 = arith.constant 704 : index
    %swap3A_194 = vector.load %arg8[%swap3A_191, %swap3A_192, %swap3A_193] : memref<16x16x1728xf32, #tpu.memory_space<vmem>>, vector<16x16x64xf32>
    tpu.vector_store %arg8[%swap3A_191, %swap3A_192, %swap3A_193], %get3A_190 {strides = array<i32>} : memref<16x16x1728xf32, #tpu.memory_space<vmem>>, vector<16x16x64xf32>,
    %get3A_195 = arith.constant 0 : index
    %get3A_196 = arith.constant 0 : index
    %get3A_197 = arith.constant 1 : index
    %get3A_198 = arith.constant 256 : index
    %get3A_199 = vector.load %arg2[%get3A_195, %get3A_196, %get3A_197, %get3A_198] : memref<1x17x17x260xf32, #tpu.memory_space<vmem>>, vector<1x16x16x1xf32>
    %get3A_200 = vector.shape_cast %get3A_199 : vector<1x16x16x1xf32> to vector<16x16x1xf32>
    %add3A_201 = arith.addf %add3A_184, %get3A_200 : vector<16x16x1xf32>
    %get3A_202 = arith.constant 0 : index
    %get3A_203 = arith.constant 0 : index
    %get3A_204 = arith.constant 0 : index
    %get3A_205 = arith.constant 128 : index
    %get3A_206 = vector.load %arg2[%get3A_202, %get3A_203, %get3A_204, %get3A_205] : memref<1x17x17x260xf32, #tpu.memory_space<vmem>>, vector<1x16x16x64xf32>
    %get3A_207 = vector.shape_cast %get3A_206 : vector<1x16x16x64xf32> to vector<16x16x64xf32>
    %swap3A_208 = arith.constant 0 : index
    %swap3A_209 = arith.constant 0 : index
    %swap3A_210 = arith.constant 768 : index
    %swap3A_211 = vector.load %arg8[%swap3A_208, %swap3A_209, %swap3A_210] : memref<16x16x1728xf32, #tpu.memory_space<vmem>>, vector<16x16x64xf32>
    tpu.vector_store %arg8[%swap3A_208, %swap3A_209, %swap3A_210], %get3A_207 {strides = array<i32>} : memref<16x16x1728xf32, #tpu.memory_space<vmem>>, vector<16x16x64xf32>,
    %get3A_212 = arith.constant 0 : index
    %get3A_213 = arith.constant 0 : index
    %get3A_214 = arith.constant 0 : index
    %get3A_215 = arith.constant 258 : index
    %get3A_216 = vector.load %arg2[%get3A_212, %get3A_213, %get3A_214, %get3A_215] : memref<1x17x17x260xf32, #tpu.memory_space<vmem>>, vector<1x16x16x1xf32>
    %get3A_217 = vector.shape_cast %get3A_216 : vector<1x16x16x1xf32> to vector<16x16x1xf32>
    %add3A_218 = arith.addf %add3A_201, %get3A_217 : vector<16x16x1xf32>
    %get3A_219 = arith.constant 0 : index
    %get3A_220 = arith.constant 0 : index
    %get3A_221 = arith.constant 0 : index
    %get3A_222 = arith.constant 192 : index
    %get3A_223 = vector.load %arg2[%get3A_219, %get3A_220, %get3A_221, %get3A_222] : memref<1x17x17x260xf32, #tpu.memory_space<vmem>>, vector<1x16x16x64xf32>
    %get3A_224 = vector.shape_cast %get3A_223 : vector<1x16x16x64xf32> to vector<16x16x64xf32>
    %swap3A_225 = arith.constant 0 : index
    %swap3A_226 = arith.constant 0 : index
    %swap3A_227 = arith.constant 832 : index
    %swap3A_228 = vector.load %arg8[%swap3A_225, %swap3A_226, %swap3A_227] : memref<16x16x1728xf32, #tpu.memory_space<vmem>>, vector<16x16x64xf32>
    tpu.vector_store %arg8[%swap3A_225, %swap3A_226, %swap3A_227], %get3A_224 {strides = array<i32>} : memref<16x16x1728xf32, #tpu.memory_space<vmem>>, vector<16x16x64xf32>,
    %get3A_229 = arith.constant 0 : index
    %get3A_230 = arith.constant 0 : index
    %get3A_231 = arith.constant 0 : index
    %get3A_232 = arith.constant 259 : index
    %get3A_233 = vector.load %arg2[%get3A_229, %get3A_230, %get3A_231, %get3A_232] : memref<1x17x17x260xf32, #tpu.memory_space<vmem>>, vector<1x16x16x1xf32>
    %get3A_234 = vector.shape_cast %get3A_233 : vector<1x16x16x1xf32> to vector<16x16x1xf32>
    %add3A_235 = arith.addf %add3A_218, %get3A_234 : vector<16x16x1xf32>
    %get3A_236 = arith.constant 0 : index
    %get3A_237 = arith.constant 0 : index
    %get3A_238 = arith.constant 1 : index
    %get3A_239 = arith.constant 128 : index
    %get3A_240 = vector.load %arg2[%get3A_236, %get3A_237, %get3A_238, %get3A_239] : memref<1x17x17x260xf32, #tpu.memory_space<vmem>>, vector<1x16x16x64xf32>
    %get3A_241 = vector.shape_cast %get3A_240 : vector<1x16x16x64xf32> to vector<16x16x64xf32>
    %swap3A_242 = arith.constant 0 : index
    %swap3A_243 = arith.constant 0 : index
    %swap3A_244 = arith.constant 896 : index
    %swap3A_245 = vector.load %arg8[%swap3A_242, %swap3A_243, %swap3A_244] : memref<16x16x1728xf32, #tpu.memory_space<vmem>>, vector<16x16x64xf32>
    tpu.vector_store %arg8[%swap3A_242, %swap3A_243, %swap3A_244], %get3A_241 {strides = array<i32>} : memref<16x16x1728xf32, #tpu.memory_space<vmem>>, vector<16x16x64xf32>,
    %get3A_246 = arith.constant 0 : index
    %get3A_247 = arith.constant 0 : index
    %get3A_248 = arith.constant 1 : index
    %get3A_249 = arith.constant 258 : index
    %get3A_250 = vector.load %arg2[%get3A_246, %get3A_247, %get3A_248, %get3A_249] : memref<1x17x17x260xf32, #tpu.memory_space<vmem>>, vector<1x16x16x1xf32>
    %get3A_251 = vector.shape_cast %get3A_250 : vector<1x16x16x1xf32> to vector<16x16x1xf32>
    %add3A_252 = arith.addf %add3A_235, %get3A_251 : vector<16x16x1xf32>
    %get3A_253 = arith.constant 0 : index
    %get3A_254 = arith.constant 1 : index
    %get3A_255 = arith.constant 0 : index
    %get3A_256 = arith.constant 0 : index
    %get3A_257 = vector.load %arg2[%get3A_253, %get3A_254, %get3A_255, %get3A_256] : memref<1x17x17x260xf32, #tpu.memory_space<vmem>>, vector<1x16x16x64xf32>
    %get3A_258 = vector.shape_cast %get3A_257 : vector<1x16x16x64xf32> to vector<16x16x64xf32>
    %swap3A_259 = arith.constant 0 : index
    %swap3A_260 = arith.constant 0 : index
    %swap3A_261 = arith.constant 960 : index
    %swap3A_262 = vector.load %arg8[%swap3A_259, %swap3A_260, %swap3A_261] : memref<16x16x1728xf32, #tpu.memory_space<vmem>>, vector<16x16x64xf32>
    tpu.vector_store %arg8[%swap3A_259, %swap3A_260, %swap3A_261], %get3A_258 {strides = array<i32>} : memref<16x16x1728xf32, #tpu.memory_space<vmem>>, vector<16x16x64xf32>,
    %get3A_263 = arith.constant 0 : index
    %get3A_264 = arith.constant 1 : index
    %get3A_265 = arith.constant 0 : index
    %get3A_266 = arith.constant 256 : index
    %get3A_267 = vector.load %arg2[%get3A_263, %get3A_264, %get3A_265, %get3A_266] : memref<1x17x17x260xf32, #tpu.memory_space<vmem>>, vector<1x16x16x1xf32>
    %get3A_268 = vector.shape_cast %get3A_267 : vector<1x16x16x1xf32> to vector<16x16x1xf32>
    %add3A_269 = arith.addf %add3A_252, %get3A_268 : vector<16x16x1xf32>
    %get3A_270 = arith.constant 0 : index
    %get3A_271 = arith.constant 1 : index
    %get3A_272 = arith.constant 0 : index
    %get3A_273 = arith.constant 64 : index
    %get3A_274 = vector.load %arg2[%get3A_270, %get3A_271, %get3A_272, %get3A_273] : memref<1x17x17x260xf32, #tpu.memory_space<vmem>>, vector<1x16x16x64xf32>
    %get3A_275 = vector.shape_cast %get3A_274 : vector<1x16x16x64xf32> to vector<16x16x64xf32>
    %swap3A_276 = arith.constant 0 : index
    %swap3A_277 = arith.constant 0 : index
    %swap3A_278 = arith.constant 1024 : index
    %swap3A_279 = vector.load %arg8[%swap3A_276, %swap3A_277, %swap3A_278] : memref<16x16x1728xf32, #tpu.memory_space<vmem>>, vector<16x16x64xf32>
    tpu.vector_store %arg8[%swap3A_276, %swap3A_277, %swap3A_278], %get3A_275 {strides = array<i32>} : memref<16x16x1728xf32, #tpu.memory_space<vmem>>, vector<16x16x64xf32>,
    %get3A_280 = arith.constant 0 : index
    %get3A_281 = arith.constant 1 : index
    %get3A_282 = arith.constant 0 : index
    %get3A_283 = arith.constant 257 : index
    %get3A_284 = vector.load %arg2[%get3A_280, %get3A_281, %get3A_282, %get3A_283] : memref<1x17x17x260xf32, #tpu.memory_space<vmem>>, vector<1x16x16x1xf32>
    %get3A_285 = vector.shape_cast %get3A_284 : vector<1x16x16x1xf32> to vector<16x16x1xf32>
    %add3A_286 = arith.addf %add3A_269, %get3A_285 : vector<16x16x1xf32>
    %get3A_287 = arith.constant 0 : index
    %get3A_288 = arith.constant 1 : index
    %get3A_289 = arith.constant 1 : index
    %get3A_290 = arith.constant 0 : index
    %get3A_291 = vector.load %arg2[%get3A_287, %get3A_288, %get3A_289, %get3A_290] : memref<1x17x17x260xf32, #tpu.memory_space<vmem>>, vector<1x16x16x64xf32>
    %get3A_292 = vector.shape_cast %get3A_291 : vector<1x16x16x64xf32> to vector<16x16x64xf32>
    %swap3A_293 = arith.constant 0 : index
    %swap3A_294 = arith.constant 0 : index
    %swap3A_295 = arith.constant 1088 : index
    %swap3A_296 = vector.load %arg8[%swap3A_293, %swap3A_294, %swap3A_295] : memref<16x16x1728xf32, #tpu.memory_space<vmem>>, vector<16x16x64xf32>
    tpu.vector_store %arg8[%swap3A_293, %swap3A_294, %swap3A_295], %get3A_292 {strides = array<i32>} : memref<16x16x1728xf32, #tpu.memory_space<vmem>>, vector<16x16x64xf32>,
    %get3A_297 = arith.constant 0 : index
    %get3A_298 = arith.constant 1 : index
    %get3A_299 = arith.constant 1 : index
    %get3A_300 = arith.constant 256 : index
    %get3A_301 = vector.load %arg2[%get3A_297, %get3A_298, %get3A_299, %get3A_300] : memref<1x17x17x260xf32, #tpu.memory_space<vmem>>, vector<1x16x16x1xf32>
    %get3A_302 = vector.shape_cast %get3A_301 : vector<1x16x16x1xf32> to vector<16x16x1xf32>
    %add3A_303 = arith.addf %add3A_286, %get3A_302 : vector<16x16x1xf32>
    %get3A_304 = arith.constant 0 : index
    %get3A_305 = arith.constant 0 : index
    %get3A_306 = arith.constant 0 : index
    %get3A_307 = arith.constant 0 : index
    %get3A_308 = vector.load %arg3[%get3A_304, %get3A_305, %get3A_306, %get3A_307] : memref<1x17x17x260xf32, #tpu.memory_space<vmem>>, vector<1x16x16x64xf32>
    %get3A_309 = vector.shape_cast %get3A_308 : vector<1x16x16x64xf32> to vector<16x16x64xf32>
    %swap3A_310 = arith.constant 0 : index
    %swap3A_311 = arith.constant 0 : index
    %swap3A_312 = arith.constant 1152 : index
    %swap3A_313 = vector.load %arg8[%swap3A_310, %swap3A_311, %swap3A_312] : memref<16x16x1728xf32, #tpu.memory_space<vmem>>, vector<16x16x64xf32>
    tpu.vector_store %arg8[%swap3A_310, %swap3A_311, %swap3A_312], %get3A_309 {strides = array<i32>} : memref<16x16x1728xf32, #tpu.memory_space<vmem>>, vector<16x16x64xf32>,
    %get3A_314 = arith.constant 0 : index
    %get3A_315 = arith.constant 0 : index
    %get3A_316 = arith.constant 0 : index
    %get3A_317 = arith.constant 256 : index
    %get3A_318 = vector.load %arg3[%get3A_314, %get3A_315, %get3A_316, %get3A_317] : memref<1x17x17x260xf32, #tpu.memory_space<vmem>>, vector<1x16x16x1xf32>
    %get3A_319 = vector.shape_cast %get3A_318 : vector<1x16x16x1xf32> to vector<16x16x1xf32>
    %add3A_320 = arith.addf %add3A_303, %get3A_319 : vector<16x16x1xf32>
    %get3A_321 = arith.constant 0 : index
    %get3A_322 = arith.constant 0 : index
    %get3A_323 = arith.constant 0 : index
    %get3A_324 = arith.constant 64 : index
    %get3A_325 = vector.load %arg3[%get3A_321, %get3A_322, %get3A_323, %get3A_324] : memref<1x17x17x260xf32, #tpu.memory_space<vmem>>, vector<1x16x16x64xf32>
    %get3A_326 = vector.shape_cast %get3A_325 : vector<1x16x16x64xf32> to vector<16x16x64xf32>
    %swap3A_327 = arith.constant 0 : index
    %swap3A_328 = arith.constant 0 : index
    %swap3A_329 = arith.constant 1216 : index
    %swap3A_330 = vector.load %arg8[%swap3A_327, %swap3A_328, %swap3A_329] : memref<16x16x1728xf32, #tpu.memory_space<vmem>>, vector<16x16x64xf32>
    tpu.vector_store %arg8[%swap3A_327, %swap3A_328, %swap3A_329], %get3A_326 {strides = array<i32>} : memref<16x16x1728xf32, #tpu.memory_space<vmem>>, vector<16x16x64xf32>,
    %get3A_331 = arith.constant 0 : index
    %get3A_332 = arith.constant 0 : index
    %get3A_333 = arith.constant 0 : index
    %get3A_334 = arith.constant 257 : index
    %get3A_335 = vector.load %arg3[%get3A_331, %get3A_332, %get3A_333, %get3A_334] : memref<1x17x17x260xf32, #tpu.memory_space<vmem>>, vector<1x16x16x1xf32>
    %get3A_336 = vector.shape_cast %get3A_335 : vector<1x16x16x1xf32> to vector<16x16x1xf32>
    %add3A_337 = arith.addf %add3A_320, %get3A_336 : vector<16x16x1xf32>
    %get3A_338 = arith.constant 0 : index
    %get3A_339 = arith.constant 0 : index
    %get3A_340 = arith.constant 1 : index
    %get3A_341 = arith.constant 0 : index
    %get3A_342 = vector.load %arg3[%get3A_338, %get3A_339, %get3A_340, %get3A_341] : memref<1x17x17x260xf32, #tpu.memory_space<vmem>>, vector<1x16x16x64xf32>
    %get3A_343 = vector.shape_cast %get3A_342 : vector<1x16x16x64xf32> to vector<16x16x64xf32>
    %swap3A_344 = arith.constant 0 : index
    %swap3A_345 = arith.constant 0 : index
    %swap3A_346 = arith.constant 1280 : index
    %swap3A_347 = vector.load %arg8[%swap3A_344, %swap3A_345, %swap3A_346] : memref<16x16x1728xf32, #tpu.memory_space<vmem>>, vector<16x16x64xf32>
    tpu.vector_store %arg8[%swap3A_344, %swap3A_345, %swap3A_346], %get3A_343 {strides = array<i32>} : memref<16x16x1728xf32, #tpu.memory_space<vmem>>, vector<16x16x64xf32>,
    %get3A_348 = arith.constant 0 : index
    %get3A_349 = arith.constant 0 : index
    %get3A_350 = arith.constant 1 : index
    %get3A_351 = arith.constant 256 : index
    %get3A_352 = vector.load %arg3[%get3A_348, %get3A_349, %get3A_350, %get3A_351] : memref<1x17x17x260xf32, #tpu.memory_space<vmem>>, vector<1x16x16x1xf32>
    %get3A_353 = vector.shape_cast %get3A_352 : vector<1x16x16x1xf32> to vector<16x16x1xf32>
    %add3A_354 = arith.addf %add3A_337, %get3A_353 : vector<16x16x1xf32>
    %get3A_355 = arith.constant 0 : index
    %get3A_356 = arith.constant 0 : index
    %get3A_357 = arith.constant 0 : index
    %get3A_358 = arith.constant 128 : index
    %get3A_359 = vector.load %arg3[%get3A_355, %get3A_356, %get3A_357, %get3A_358] : memref<1x17x17x260xf32, #tpu.memory_space<vmem>>, vector<1x16x16x64xf32>
    %get3A_360 = vector.shape_cast %get3A_359 : vector<1x16x16x64xf32> to vector<16x16x64xf32>
    %swap3A_361 = arith.constant 0 : index
    %swap3A_362 = arith.constant 0 : index
    %swap3A_363 = arith.constant 1344 : index
    %swap3A_364 = vector.load %arg8[%swap3A_361, %swap3A_362, %swap3A_363] : memref<16x16x1728xf32, #tpu.memory_space<vmem>>, vector<16x16x64xf32>
    tpu.vector_store %arg8[%swap3A_361, %swap3A_362, %swap3A_363], %get3A_360 {strides = array<i32>} : memref<16x16x1728xf32, #tpu.memory_space<vmem>>, vector<16x16x64xf32>,
    %get3A_365 = arith.constant 0 : index
    %get3A_366 = arith.constant 0 : index
    %get3A_367 = arith.constant 0 : index
    %get3A_368 = arith.constant 258 : index
    %get3A_369 = vector.load %arg3[%get3A_365, %get3A_366, %get3A_367, %get3A_368] : memref<1x17x17x260xf32, #tpu.memory_space<vmem>>, vector<1x16x16x1xf32>
    %get3A_370 = vector.shape_cast %get3A_369 : vector<1x16x16x1xf32> to vector<16x16x1xf32>
    %add3A_371 = arith.addf %add3A_354, %get3A_370 : vector<16x16x1xf32>
    %get3A_372 = arith.constant 0 : index
    %get3A_373 = arith.constant 0 : index
    %get3A_374 = arith.constant 0 : index
    %get3A_375 = arith.constant 192 : index
    %get3A_376 = vector.load %arg3[%get3A_372, %get3A_373, %get3A_374, %get3A_375] : memref<1x17x17x260xf32, #tpu.memory_space<vmem>>, vector<1x16x16x64xf32>
    %get3A_377 = vector.shape_cast %get3A_376 : vector<1x16x16x64xf32> to vector<16x16x64xf32>
    %swap3A_378 = arith.constant 0 : index
    %swap3A_379 = arith.constant 0 : index
    %swap3A_380 = arith.constant 1408 : index
    %swap3A_381 = vector.load %arg8[%swap3A_378, %swap3A_379, %swap3A_380] : memref<16x16x1728xf32, #tpu.memory_space<vmem>>, vector<16x16x64xf32>
    tpu.vector_store %arg8[%swap3A_378, %swap3A_379, %swap3A_380], %get3A_377 {strides = array<i32>} : memref<16x16x1728xf32, #tpu.memory_space<vmem>>, vector<16x16x64xf32>,
    %get3A_382 = arith.constant 0 : index
    %get3A_383 = arith.constant 0 : index
    %get3A_384 = arith.constant 0 : index
    %get3A_385 = arith.constant 259 : index
    %get3A_386 = vector.load %arg3[%get3A_382, %get3A_383, %get3A_384, %get3A_385] : memref<1x17x17x260xf32, #tpu.memory_space<vmem>>, vector<1x16x16x1xf32>
    %get3A_387 = vector.shape_cast %get3A_386 : vector<1x16x16x1xf32> to vector<16x16x1xf32>
    %add3A_388 = arith.addf %add3A_371, %get3A_387 : vector<16x16x1xf32>
    %get3A_389 = arith.constant 0 : index
    %get3A_390 = arith.constant 0 : index
    %get3A_391 = arith.constant 1 : index
    %get3A_392 = arith.constant 128 : index
    %get3A_393 = vector.load %arg3[%get3A_389, %get3A_390, %get3A_391, %get3A_392] : memref<1x17x17x260xf32, #tpu.memory_space<vmem>>, vector<1x16x16x64xf32>
    %get3A_394 = vector.shape_cast %get3A_393 : vector<1x16x16x64xf32> to vector<16x16x64xf32>
    %swap3A_395 = arith.constant 0 : index
    %swap3A_396 = arith.constant 0 : index
    %swap3A_397 = arith.constant 1472 : index
    %swap3A_398 = vector.load %arg8[%swap3A_395, %swap3A_396, %swap3A_397] : memref<16x16x1728xf32, #tpu.memory_space<vmem>>, vector<16x16x64xf32>
    tpu.vector_store %arg8[%swap3A_395, %swap3A_396, %swap3A_397], %get3A_394 {strides = array<i32>} : memref<16x16x1728xf32, #tpu.memory_space<vmem>>, vector<16x16x64xf32>,
    %get3A_399 = arith.constant 0 : index
    %get3A_400 = arith.constant 0 : index
    %get3A_401 = arith.constant 1 : index
    %get3A_402 = arith.constant 258 : index
    %get3A_403 = vector.load %arg3[%get3A_399, %get3A_400, %get3A_401, %get3A_402] : memref<1x17x17x260xf32, #tpu.memory_space<vmem>>, vector<1x16x16x1xf32>
    %get3A_404 = vector.shape_cast %get3A_403 : vector<1x16x16x1xf32> to vector<16x16x1xf32>
    %add3A_405 = arith.addf %add3A_388, %get3A_404 : vector<16x16x1xf32>
    %get3A_406 = arith.constant 0 : index
    %get3A_407 = arith.constant 1 : index
    %get3A_408 = arith.constant 0 : index
    %get3A_409 = arith.constant 0 : index
    %get3A_410 = vector.load %arg3[%get3A_406, %get3A_407, %get3A_408, %get3A_409] : memref<1x17x17x260xf32, #tpu.memory_space<vmem>>, vector<1x16x16x64xf32>
    %get3A_411 = vector.shape_cast %get3A_410 : vector<1x16x16x64xf32> to vector<16x16x64xf32>
    %swap3A_412 = arith.constant 0 : index
    %swap3A_413 = arith.constant 0 : index
    %swap3A_414 = arith.constant 1536 : index
    %swap3A_415 = vector.load %arg8[%swap3A_412, %swap3A_413, %swap3A_414] : memref<16x16x1728xf32, #tpu.memory_space<vmem>>, vector<16x16x64xf32>
    tpu.vector_store %arg8[%swap3A_412, %swap3A_413, %swap3A_414], %get3A_411 {strides = array<i32>} : memref<16x16x1728xf32, #tpu.memory_space<vmem>>, vector<16x16x64xf32>,
    %get3A_416 = arith.constant 0 : index
    %get3A_417 = arith.constant 1 : index
    %get3A_418 = arith.constant 0 : index
    %get3A_419 = arith.constant 256 : index
    %get3A_420 = vector.load %arg3[%get3A_416, %get3A_417, %get3A_418, %get3A_419] : memref<1x17x17x260xf32, #tpu.memory_space<vmem>>, vector<1x16x16x1xf32>
    %get3A_421 = vector.shape_cast %get3A_420 : vector<1x16x16x1xf32> to vector<16x16x1xf32>
    %add3A_422 = arith.addf %add3A_405, %get3A_421 : vector<16x16x1xf32>
    %get3A_423 = arith.constant 0 : index
    %get3A_424 = arith.constant 1 : index
    %get3A_425 = arith.constant 0 : index
    %get3A_426 = arith.constant 64 : index
    %get3A_427 = vector.load %arg3[%get3A_423, %get3A_424, %get3A_425, %get3A_426] : memref<1x17x17x260xf32, #tpu.memory_space<vmem>>, vector<1x16x16x64xf32>
    %get3A_428 = vector.shape_cast %get3A_427 : vector<1x16x16x64xf32> to vector<16x16x64xf32>
    %swap3A_429 = arith.constant 0 : index
    %swap3A_430 = arith.constant 0 : index
    %swap3A_431 = arith.constant 1600 : index
    %swap3A_432 = vector.load %arg8[%swap3A_429, %swap3A_430, %swap3A_431] : memref<16x16x1728xf32, #tpu.memory_space<vmem>>, vector<16x16x64xf32>
    tpu.vector_store %arg8[%swap3A_429, %swap3A_430, %swap3A_431], %get3A_428 {strides = array<i32>} : memref<16x16x1728xf32, #tpu.memory_space<vmem>>, vector<16x16x64xf32>,
    %get3A_433 = arith.constant 0 : index
    %get3A_434 = arith.constant 1 : index
    %get3A_435 = arith.constant 0 : index
    %get3A_436 = arith.constant 257 : index
    %get3A_437 = vector.load %arg3[%get3A_433, %get3A_434, %get3A_435, %get3A_436] : memref<1x17x17x260xf32, #tpu.memory_space<vmem>>, vector<1x16x16x1xf32>
    %get3A_438 = vector.shape_cast %get3A_437 : vector<1x16x16x1xf32> to vector<16x16x1xf32>
    %add3A_439 = arith.addf %add3A_422, %get3A_438 : vector<16x16x1xf32>
    %get3A_440 = arith.constant 0 : index
    %get3A_441 = arith.constant 1 : index
    %get3A_442 = arith.constant 1 : index
    %get3A_443 = arith.constant 0 : index
    %get3A_444 = vector.load %arg3[%get3A_440, %get3A_441, %get3A_442, %get3A_443] : memref<1x17x17x260xf32, #tpu.memory_space<vmem>>, vector<1x16x16x64xf32>
    %get3A_445 = vector.shape_cast %get3A_444 : vector<1x16x16x64xf32> to vector<16x16x64xf32>
    %swap3A_446 = arith.constant 0 : index
    %swap3A_447 = arith.constant 0 : index
    %swap3A_448 = arith.constant 1664 : index
    %swap3A_449 = vector.load %arg8[%swap3A_446, %swap3A_447, %swap3A_448] : memref<16x16x1728xf32, #tpu.memory_space<vmem>>, vector<16x16x64xf32>
    tpu.vector_store %arg8[%swap3A_446, %swap3A_447, %swap3A_448], %get3A_445 {strides = array<i32>} : memref<16x16x1728xf32, #tpu.memory_space<vmem>>, vector<16x16x64xf32>,
    %get3A_450 = arith.constant 0 : index
    %get3A_451 = arith.constant 1 : index
    %get3A_452 = arith.constant 1 : index
    %get3A_453 = arith.constant 256 : index
    %get3A_454 = vector.load %arg3[%get3A_450, %get3A_451, %get3A_452, %get3A_453] : memref<1x17x17x260xf32, #tpu.memory_space<vmem>>, vector<1x16x16x1xf32>
    %get3A_455 = vector.shape_cast %get3A_454 : vector<1x16x16x1xf32> to vector<16x16x1xf32>
    %add3A_456 = arith.addf %add3A_439, %get3A_455 : vector<16x16x1xf32>
    %get3A_457 = arith.constant 0 : index
    %get3A_458 = arith.constant 0 : index
    %get3A_459 = arith.constant 0 : index
    %get3A_460 = vector.load %arg8[%get3A_457, %get3A_458, %get3A_459] : memref<16x16x1728xf32, #tpu.memory_space<vmem>>, vector<16x16x1728xf32>
    %reshape3A = vector.shape_cast %get3A_460 : vector<16x16x1728xf32> to vector<256x1728xf32>
    %gt3A = arith.constant 0.000000e+00 : f32
    %gt3A_461 = vector.broadcast %gt3A : f32 to vector<16x16x1xf32>
    %gt3A_462 = arith.cmpf ogt, %add3A_456, %gt3A_461 : vector<16x16x1xf32>
    %convert_element_type3A = arith.extui %gt3A_462 : vector<16x16x1xi1> to vector<16x16x1xi32>
    %convert_element_type3A_463 = arith.sitofp %convert_element_type3A : vector<16x16x1xi32> to vector<16x16x1xf32>
    %reshape3A_464 = vector.shape_cast %convert_element_type3A_463 : vector<16x16x1xf32> to vector<256x1xf32>
    %get3A_465 = arith.constant 0 : index
    %get3A_466 = arith.constant 0 : index
    %get3A_467 = vector.load %arg4[%get3A_465, %get3A_466] : memref<1728x64xf32, #tpu.memory_space<vmem>>, vector<1728x64xf32>
    %dot_general3A = arith.constant dense<0.000000e+00> : vector<256x64xf32>
    %dot_general3A_468 = tpu.matmul %reshape3A, %get3A_467, %dot_general3A {dimension_numbers = #tpu.dot_dimension_numbers<[1], [0], [0], [1], [0, 0, 1, 1], [], []>, precision = #tpu.contract_precision<fp32>, transpose_lhs_hint = false} : vector<256x1728xf32>, vector<1728x64xf32>, vector<256x64xf32> -> vector<256x64xf32>
    %get3A_469 = arith.constant 0 : index
    %get3A_470 = arith.constant 0 : index
    %get3A_471 = vector.load %arg5[%get3A_469, %get3A_470] : memref<1x64xf32, #tpu.memory_space<vmem>>, vector<1x64xf32>
    %add3A_472 = vector.broadcast %get3A_471 : vector<1x64xf32> to vector<256x64xf32>
    %add3A_473 = arith.addf %dot_general3A_468, %add3A_472 : vector<256x64xf32>
    %max3A = arith.constant 0.000000e+00 : f32
    %max3A_474 = vector.broadcast %max3A : f32 to vector<256x64xf32>
    %max3A_475 = arith.maximumf %add3A_473, %max3A_474 : vector<256x64xf32>
    %mul3A = vector.broadcast %reshape3A_464 : vector<256x1xf32> to vector<256x64xf32>
    %mul3A_476 = arith.mulf %max3A_475, %mul3A : vector<256x64xf32>
    %swap3A_477 = arith.constant 0 : index
    %swap3A_478 = arith.constant 0 : index
    %swap3A_479 = arith.constant 0 : index
    %swap3A_480 = vector.load %arg6[%swap3A_477, %swap3A_478, %swap3A_479] : memref<1x256x64xf32, #tpu.memory_space<vmem>>, vector<1x256x64xf32>
    %swap3A_481 = vector.shape_cast %swap3A_480 : vector<1x256x64xf32> to vector<256x64xf32>
    %swap3A_482 = vector.shape_cast %mul3A_476 : vector<256x64xf32> to vector<1x256x64xf32>
    tpu.vector_store %arg6[%swap3A_477, %swap3A_478, %swap3A_479], %swap3A_482 {strides = array<i32>} : memref<1x256x64xf32, #tpu.memory_space<vmem>>, vector<1x256x64xf32>,
    %swap3A_483 = arith.constant 0 : index
    %swap3A_484 = arith.constant 0 : index
    %swap3A_485 = arith.constant 0 : index
    %swap3A_486 = vector.load %arg7[%swap3A_483, %swap3A_484, %swap3A_485] : memref<1x256x1xf32, #tpu.memory_space<vmem>>, vector<1x256x1xf32>
    %swap3A_487 = vector.shape_cast %swap3A_486 : vector<1x256x1xf32> to vector<256x1xf32>
    %swap3A_488 = vector.shape_cast %reshape3A_464 : vector<256x1xf32> to vector<1x256x1xf32>
    tpu.vector_store %arg7[%swap3A_483, %swap3A_484, %swap3A_485], %swap3A_488 {strides = array<i32>} : memref<1x256x1xf32, #tpu.memory_space<vmem>>, vector<1x256x1xf32>,
    return
  }
  func.func @transform_0(%arg0: i32) -> (i32, i32, i32, i32) {
    %mul3A = arith.constant 2 : i32
    %mul3A_0 = arith.muli %mul3A, %arg0 : i32
    %add3A = arith.constant 0 : i32
    %add3A_1 = arith.addi %mul3A_0, %add3A : i32
    %c0_i32 = arith.constant 0 : i32
    %c0_i32_2 = arith.constant 0 : i32
    %c0_i32_3 = arith.constant 0 : i32
    %c0_i32_4 = arith.constant 0 : i32
    return %add3A_1, %c0_i32, %c0_i32_2, %c0_i32_3 : i32, i32, i32, i32
  }
  func.func @transform_1(%arg0: i32) -> (i32, i32, i32, i32) {
    %mul3A = arith.constant 2 : i32
    %mul3A_0 = arith.muli %mul3A, %arg0 : i32
    %add3A = arith.constant 1 : i32
    %add3A_1 = arith.addi %mul3A_0, %add3A : i32
    %c0_i32 = arith.constant 0 : i32
    %c0_i32_2 = arith.constant 0 : i32
    %c0_i32_3 = arith.constant 0 : i32
    %c0_i32_4 = arith.constant 0 : i32
    return %add3A_1, %c0_i32, %c0_i32_2, %c0_i32_3 : i32, i32, i32, i32
  }
  func.func @transform_2(%arg0: i32) -> (i32, i32, i32, i32) {
    %mul3A = arith.constant 2 : i32
    %mul3A_0 = arith.muli %mul3A, %arg0 : i32
    %add3A = arith.constant 2 : i32
    %add3A_1 = arith.addi %mul3A_0, %add3A : i32
    %c0_i32 = arith.constant 0 : i32
    %c0_i32_2 = arith.constant 0 : i32
    %c0_i32_3 = arith.constant 0 : i32
    %c0_i32_4 = arith.constant 0 : i32
    return %add3A_1, %c0_i32, %c0_i32_2, %c0_i32_3 : i32, i32, i32, i32
  }
  func.func @transform_3(%arg0: i32) -> (i32, i32) {
    %c0_i32 = arith.constant 0 : i32
    %c0_i32_0 = arith.constant 0 : i32
    %c0_i32_1 = arith.constant 0 : i32
    return %c0_i32, %c0_i32_0 : i32, i32
  }
  func.func @transform_4(%arg0: i32) -> (i32, i32) {
    %c0_i32 = arith.constant 0 : i32
    %c0_i32_0 = arith.constant 0 : i32
    %c0_i32_1 = arith.constant 0 : i32
    return %c0_i32, %c0_i32_0 : i32, i32
  }
  func.func @transform_5(%arg0: i32) -> (i32, i32, i32) {
    %c0_i32 = arith.constant 0 : i32
    %c0_i32_0 = arith.constant 0 : i32
    %c0_i32_1 = arith.constant 0 : i32
    return %arg0, %c0_i32, %c0_i32_0 : i32, i32, i32
  }
  func.func @transform_6(%arg0: i32) -> (i32, i32, i32) {
    %c0_i32 = arith.constant 0 : i32
    %c0_i32_0 = arith.constant 0 : i32
    %c0_i32_1 = arith.constant 0 : i32
    return %arg0, %c0_i32, %c0_i32_0 : i32, i32, i32
  }
}

module attributes {stable_mosaic.version = 14 : i64} {
  func.func @tc_subm9(%arg0: i32, %arg1: memref<1x18x18x64xf32, #tpu.memory_space<vmem>>, %arg2: memref<1x18x18x64xf32, #tpu.memory_space<vmem>>, %arg3: memref<1x18x18x64xf32, #tpu.memory_space<vmem>>, %arg4: memref<1x256x1xf32, #tpu.memory_space<vmem>>, %arg5: memref<1728x64xf32, #tpu.memory_space<vmem>>, %arg6: memref<1x64xf32, #tpu.memory_space<vmem>>, %arg7: memref<1x256x64xf32, #tpu.memory_space<vmem>>, %arg8: memref<16x16x1728xf32, #tpu.memory_space<vmem>>) attributes {dimension_semantics = [#tpu.dimension_semantics<arbitrary>], iteration_bounds = array<i64: 5>, scalar_prefetch = 0 : i64, scratch_operands = 1 : i64, tpu.core_type = #tpu.core_type<tc>, window_params = [{transform_indices = @transform_0, window_bounds = array<i64: 1, 18, 18, 64>}, {transform_indices = @transform_1, window_bounds = array<i64: 1, 18, 18, 64>}, {transform_indices = @transform_2, window_bounds = array<i64: 1, 18, 18, 64>}, {transform_indices = @transform_3, window_bounds = array<i64: 1, 256, 1>}, {pipeline_mode = #tpu.pipeline_mode<synchronous>, transform_indices = @transform_4, window_bounds = array<i64: 1728, 64>}, {pipeline_mode = #tpu.pipeline_mode<synchronous>, transform_indices = @transform_5, window_bounds = array<i64: 1, 64>}, {transform_indices = @transform_6, window_bounds = array<i64: 1, 256, 64>}]} {
    %get3A = arith.constant 0 : index
    %get3A_0 = arith.constant 0 : index
    %get3A_1 = arith.constant 0 : index
    %get3A_2 = arith.constant 0 : index
    %get3A_3 = vector.load %arg1[%get3A, %get3A_0, %get3A_1, %get3A_2] : memref<1x18x18x64xf32, #tpu.memory_space<vmem>>, vector<1x16x16x64xf32>
    %get3A_4 = vector.shape_cast %get3A_3 : vector<1x16x16x64xf32> to vector<16x16x64xf32>
    %swap3A = arith.constant 0 : index
    %swap3A_5 = arith.constant 0 : index
    %swap3A_6 = arith.constant 0 : index
    %swap3A_7 = vector.load %arg8[%swap3A, %swap3A_5, %swap3A_6] : memref<16x16x1728xf32, #tpu.memory_space<vmem>>, vector<16x16x64xf32>
    tpu.vector_store %arg8[%swap3A, %swap3A_5, %swap3A_6], %get3A_4 {strides = array<i32>} : memref<16x16x1728xf32, #tpu.memory_space<vmem>>, vector<16x16x64xf32>,
    %get3A_8 = arith.constant 0 : index
    %get3A_9 = arith.constant 0 : index
    %get3A_10 = arith.constant 1 : index
    %get3A_11 = arith.constant 0 : index
    %get3A_12 = vector.load %arg1[%get3A_8, %get3A_9, %get3A_10, %get3A_11] : memref<1x18x18x64xf32, #tpu.memory_space<vmem>>, vector<1x16x16x64xf32>
    %get3A_13 = vector.shape_cast %get3A_12 : vector<1x16x16x64xf32> to vector<16x16x64xf32>
    %swap3A_14 = arith.constant 0 : index
    %swap3A_15 = arith.constant 0 : index
    %swap3A_16 = arith.constant 64 : index
    %swap3A_17 = vector.load %arg8[%swap3A_14, %swap3A_15, %swap3A_16] : memref<16x16x1728xf32, #tpu.memory_space<vmem>>, vector<16x16x64xf32>
    tpu.vector_store %arg8[%swap3A_14, %swap3A_15, %swap3A_16], %get3A_13 {strides = array<i32>} : memref<16x16x1728xf32, #tpu.memory_space<vmem>>, vector<16x16x64xf32>,
    %get3A_18 = arith.constant 0 : index
    %get3A_19 = arith.constant 0 : index
    %get3A_20 = arith.constant 2 : index
    %get3A_21 = arith.constant 0 : index
    %get3A_22 = vector.load %arg1[%get3A_18, %get3A_19, %get3A_20, %get3A_21] : memref<1x18x18x64xf32, #tpu.memory_space<vmem>>, vector<1x16x16x64xf32>
    %get3A_23 = vector.shape_cast %get3A_22 : vector<1x16x16x64xf32> to vector<16x16x64xf32>
    %swap3A_24 = arith.constant 0 : index
    %swap3A_25 = arith.constant 0 : index
    %swap3A_26 = arith.constant 128 : index
    %swap3A_27 = vector.load %arg8[%swap3A_24, %swap3A_25, %swap3A_26] : memref<16x16x1728xf32, #tpu.memory_space<vmem>>, vector<16x16x64xf32>
    tpu.vector_store %arg8[%swap3A_24, %swap3A_25, %swap3A_26], %get3A_23 {strides = array<i32>} : memref<16x16x1728xf32, #tpu.memory_space<vmem>>, vector<16x16x64xf32>,
    %get3A_28 = arith.constant 0 : index
    %get3A_29 = arith.constant 1 : index
    %get3A_30 = arith.constant 0 : index
    %get3A_31 = arith.constant 0 : index
    %get3A_32 = vector.load %arg1[%get3A_28, %get3A_29, %get3A_30, %get3A_31] : memref<1x18x18x64xf32, #tpu.memory_space<vmem>>, vector<1x16x16x64xf32>
    %get3A_33 = vector.shape_cast %get3A_32 : vector<1x16x16x64xf32> to vector<16x16x64xf32>
    %swap3A_34 = arith.constant 0 : index
    %swap3A_35 = arith.constant 0 : index
    %swap3A_36 = arith.constant 192 : index
    %swap3A_37 = vector.load %arg8[%swap3A_34, %swap3A_35, %swap3A_36] : memref<16x16x1728xf32, #tpu.memory_space<vmem>>, vector<16x16x64xf32>
    tpu.vector_store %arg8[%swap3A_34, %swap3A_35, %swap3A_36], %get3A_33 {strides = array<i32>} : memref<16x16x1728xf32, #tpu.memory_space<vmem>>, vector<16x16x64xf32>,
    %get3A_38 = arith.constant 0 : index
    %get3A_39 = arith.constant 1 : index
    %get3A_40 = arith.constant 1 : index
    %get3A_41 = arith.constant 0 : index
    %get3A_42 = vector.load %arg1[%get3A_38, %get3A_39, %get3A_40, %get3A_41] : memref<1x18x18x64xf32, #tpu.memory_space<vmem>>, vector<1x16x16x64xf32>
    %get3A_43 = vector.shape_cast %get3A_42 : vector<1x16x16x64xf32> to vector<16x16x64xf32>
    %swap3A_44 = arith.constant 0 : index
    %swap3A_45 = arith.constant 0 : index
    %swap3A_46 = arith.constant 256 : index
    %swap3A_47 = vector.load %arg8[%swap3A_44, %swap3A_45, %swap3A_46] : memref<16x16x1728xf32, #tpu.memory_space<vmem>>, vector<16x16x64xf32>
    tpu.vector_store %arg8[%swap3A_44, %swap3A_45, %swap3A_46], %get3A_43 {strides = array<i32>} : memref<16x16x1728xf32, #tpu.memory_space<vmem>>, vector<16x16x64xf32>,
    %get3A_48 = arith.constant 0 : index
    %get3A_49 = arith.constant 1 : index
    %get3A_50 = arith.constant 2 : index
    %get3A_51 = arith.constant 0 : index
    %get3A_52 = vector.load %arg1[%get3A_48, %get3A_49, %get3A_50, %get3A_51] : memref<1x18x18x64xf32, #tpu.memory_space<vmem>>, vector<1x16x16x64xf32>
    %get3A_53 = vector.shape_cast %get3A_52 : vector<1x16x16x64xf32> to vector<16x16x64xf32>
    %swap3A_54 = arith.constant 0 : index
    %swap3A_55 = arith.constant 0 : index
    %swap3A_56 = arith.constant 320 : index
    %swap3A_57 = vector.load %arg8[%swap3A_54, %swap3A_55, %swap3A_56] : memref<16x16x1728xf32, #tpu.memory_space<vmem>>, vector<16x16x64xf32>
    tpu.vector_store %arg8[%swap3A_54, %swap3A_55, %swap3A_56], %get3A_53 {strides = array<i32>} : memref<16x16x1728xf32, #tpu.memory_space<vmem>>, vector<16x16x64xf32>,
    %get3A_58 = arith.constant 0 : index
    %get3A_59 = arith.constant 2 : index
    %get3A_60 = arith.constant 0 : index
    %get3A_61 = arith.constant 0 : index
    %get3A_62 = vector.load %arg1[%get3A_58, %get3A_59, %get3A_60, %get3A_61] : memref<1x18x18x64xf32, #tpu.memory_space<vmem>>, vector<1x16x16x64xf32>
    %get3A_63 = vector.shape_cast %get3A_62 : vector<1x16x16x64xf32> to vector<16x16x64xf32>
    %swap3A_64 = arith.constant 0 : index
    %swap3A_65 = arith.constant 0 : index
    %swap3A_66 = arith.constant 384 : index
    %swap3A_67 = vector.load %arg8[%swap3A_64, %swap3A_65, %swap3A_66] : memref<16x16x1728xf32, #tpu.memory_space<vmem>>, vector<16x16x64xf32>
    tpu.vector_store %arg8[%swap3A_64, %swap3A_65, %swap3A_66], %get3A_63 {strides = array<i32>} : memref<16x16x1728xf32, #tpu.memory_space<vmem>>, vector<16x16x64xf32>,
    %get3A_68 = arith.constant 0 : index
    %get3A_69 = arith.constant 2 : index
    %get3A_70 = arith.constant 1 : index
    %get3A_71 = arith.constant 0 : index
    %get3A_72 = vector.load %arg1[%get3A_68, %get3A_69, %get3A_70, %get3A_71] : memref<1x18x18x64xf32, #tpu.memory_space<vmem>>, vector<1x16x16x64xf32>
    %get3A_73 = vector.shape_cast %get3A_72 : vector<1x16x16x64xf32> to vector<16x16x64xf32>
    %swap3A_74 = arith.constant 0 : index
    %swap3A_75 = arith.constant 0 : index
    %swap3A_76 = arith.constant 448 : index
    %swap3A_77 = vector.load %arg8[%swap3A_74, %swap3A_75, %swap3A_76] : memref<16x16x1728xf32, #tpu.memory_space<vmem>>, vector<16x16x64xf32>
    tpu.vector_store %arg8[%swap3A_74, %swap3A_75, %swap3A_76], %get3A_73 {strides = array<i32>} : memref<16x16x1728xf32, #tpu.memory_space<vmem>>, vector<16x16x64xf32>,
    %get3A_78 = arith.constant 0 : index
    %get3A_79 = arith.constant 2 : index
    %get3A_80 = arith.constant 2 : index
    %get3A_81 = arith.constant 0 : index
    %get3A_82 = vector.load %arg1[%get3A_78, %get3A_79, %get3A_80, %get3A_81] : memref<1x18x18x64xf32, #tpu.memory_space<vmem>>, vector<1x16x16x64xf32>
    %get3A_83 = vector.shape_cast %get3A_82 : vector<1x16x16x64xf32> to vector<16x16x64xf32>
    %swap3A_84 = arith.constant 0 : index
    %swap3A_85 = arith.constant 0 : index
    %swap3A_86 = arith.constant 512 : index
    %swap3A_87 = vector.load %arg8[%swap3A_84, %swap3A_85, %swap3A_86] : memref<16x16x1728xf32, #tpu.memory_space<vmem>>, vector<16x16x64xf32>
    tpu.vector_store %arg8[%swap3A_84, %swap3A_85, %swap3A_86], %get3A_83 {strides = array<i32>} : memref<16x16x1728xf32, #tpu.memory_space<vmem>>, vector<16x16x64xf32>,
    %get3A_88 = arith.constant 0 : index
    %get3A_89 = arith.constant 0 : index
    %get3A_90 = arith.constant 0 : index
    %get3A_91 = arith.constant 0 : index
    %get3A_92 = vector.load %arg2[%get3A_88, %get3A_89, %get3A_90, %get3A_91] : memref<1x18x18x64xf32, #tpu.memory_space<vmem>>, vector<1x16x16x64xf32>
    %get3A_93 = vector.shape_cast %get3A_92 : vector<1x16x16x64xf32> to vector<16x16x64xf32>
    %swap3A_94 = arith.constant 0 : index
    %swap3A_95 = arith.constant 0 : index
    %swap3A_96 = arith.constant 576 : index
    %swap3A_97 = vector.load %arg8[%swap3A_94, %swap3A_95, %swap3A_96] : memref<16x16x1728xf32, #tpu.memory_space<vmem>>, vector<16x16x64xf32>
    tpu.vector_store %arg8[%swap3A_94, %swap3A_95, %swap3A_96], %get3A_93 {strides = array<i32>} : memref<16x16x1728xf32, #tpu.memory_space<vmem>>, vector<16x16x64xf32>,
    %get3A_98 = arith.constant 0 : index
    %get3A_99 = arith.constant 0 : index
    %get3A_100 = arith.constant 1 : index
    %get3A_101 = arith.constant 0 : index
    %get3A_102 = vector.load %arg2[%get3A_98, %get3A_99, %get3A_100, %get3A_101] : memref<1x18x18x64xf32, #tpu.memory_space<vmem>>, vector<1x16x16x64xf32>
    %get3A_103 = vector.shape_cast %get3A_102 : vector<1x16x16x64xf32> to vector<16x16x64xf32>
    %swap3A_104 = arith.constant 0 : index
    %swap3A_105 = arith.constant 0 : index
    %swap3A_106 = arith.constant 640 : index
    %swap3A_107 = vector.load %arg8[%swap3A_104, %swap3A_105, %swap3A_106] : memref<16x16x1728xf32, #tpu.memory_space<vmem>>, vector<16x16x64xf32>
    tpu.vector_store %arg8[%swap3A_104, %swap3A_105, %swap3A_106], %get3A_103 {strides = array<i32>} : memref<16x16x1728xf32, #tpu.memory_space<vmem>>, vector<16x16x64xf32>,
    %get3A_108 = arith.constant 0 : index
    %get3A_109 = arith.constant 0 : index
    %get3A_110 = arith.constant 2 : index
    %get3A_111 = arith.constant 0 : index
    %get3A_112 = vector.load %arg2[%get3A_108, %get3A_109, %get3A_110, %get3A_111] : memref<1x18x18x64xf32, #tpu.memory_space<vmem>>, vector<1x16x16x64xf32>
    %get3A_113 = vector.shape_cast %get3A_112 : vector<1x16x16x64xf32> to vector<16x16x64xf32>
    %swap3A_114 = arith.constant 0 : index
    %swap3A_115 = arith.constant 0 : index
    %swap3A_116 = arith.constant 704 : index
    %swap3A_117 = vector.load %arg8[%swap3A_114, %swap3A_115, %swap3A_116] : memref<16x16x1728xf32, #tpu.memory_space<vmem>>, vector<16x16x64xf32>
    tpu.vector_store %arg8[%swap3A_114, %swap3A_115, %swap3A_116], %get3A_113 {strides = array<i32>} : memref<16x16x1728xf32, #tpu.memory_space<vmem>>, vector<16x16x64xf32>,
    %get3A_118 = arith.constant 0 : index
    %get3A_119 = arith.constant 1 : index
    %get3A_120 = arith.constant 0 : index
    %get3A_121 = arith.constant 0 : index
    %get3A_122 = vector.load %arg2[%get3A_118, %get3A_119, %get3A_120, %get3A_121] : memref<1x18x18x64xf32, #tpu.memory_space<vmem>>, vector<1x16x16x64xf32>
    %get3A_123 = vector.shape_cast %get3A_122 : vector<1x16x16x64xf32> to vector<16x16x64xf32>
    %swap3A_124 = arith.constant 0 : index
    %swap3A_125 = arith.constant 0 : index
    %swap3A_126 = arith.constant 768 : index
    %swap3A_127 = vector.load %arg8[%swap3A_124, %swap3A_125, %swap3A_126] : memref<16x16x1728xf32, #tpu.memory_space<vmem>>, vector<16x16x64xf32>
    tpu.vector_store %arg8[%swap3A_124, %swap3A_125, %swap3A_126], %get3A_123 {strides = array<i32>} : memref<16x16x1728xf32, #tpu.memory_space<vmem>>, vector<16x16x64xf32>,
    %get3A_128 = arith.constant 0 : index
    %get3A_129 = arith.constant 1 : index
    %get3A_130 = arith.constant 1 : index
    %get3A_131 = arith.constant 0 : index
    %get3A_132 = vector.load %arg2[%get3A_128, %get3A_129, %get3A_130, %get3A_131] : memref<1x18x18x64xf32, #tpu.memory_space<vmem>>, vector<1x16x16x64xf32>
    %get3A_133 = vector.shape_cast %get3A_132 : vector<1x16x16x64xf32> to vector<16x16x64xf32>
    %swap3A_134 = arith.constant 0 : index
    %swap3A_135 = arith.constant 0 : index
    %swap3A_136 = arith.constant 832 : index
    %swap3A_137 = vector.load %arg8[%swap3A_134, %swap3A_135, %swap3A_136] : memref<16x16x1728xf32, #tpu.memory_space<vmem>>, vector<16x16x64xf32>
    tpu.vector_store %arg8[%swap3A_134, %swap3A_135, %swap3A_136], %get3A_133 {strides = array<i32>} : memref<16x16x1728xf32, #tpu.memory_space<vmem>>, vector<16x16x64xf32>,
    %get3A_138 = arith.constant 0 : index
    %get3A_139 = arith.constant 1 : index
    %get3A_140 = arith.constant 2 : index
    %get3A_141 = arith.constant 0 : index
    %get3A_142 = vector.load %arg2[%get3A_138, %get3A_139, %get3A_140, %get3A_141] : memref<1x18x18x64xf32, #tpu.memory_space<vmem>>, vector<1x16x16x64xf32>
    %get3A_143 = vector.shape_cast %get3A_142 : vector<1x16x16x64xf32> to vector<16x16x64xf32>
    %swap3A_144 = arith.constant 0 : index
    %swap3A_145 = arith.constant 0 : index
    %swap3A_146 = arith.constant 896 : index
    %swap3A_147 = vector.load %arg8[%swap3A_144, %swap3A_145, %swap3A_146] : memref<16x16x1728xf32, #tpu.memory_space<vmem>>, vector<16x16x64xf32>
    tpu.vector_store %arg8[%swap3A_144, %swap3A_145, %swap3A_146], %get3A_143 {strides = array<i32>} : memref<16x16x1728xf32, #tpu.memory_space<vmem>>, vector<16x16x64xf32>,
    %get3A_148 = arith.constant 0 : index
    %get3A_149 = arith.constant 2 : index
    %get3A_150 = arith.constant 0 : index
    %get3A_151 = arith.constant 0 : index
    %get3A_152 = vector.load %arg2[%get3A_148, %get3A_149, %get3A_150, %get3A_151] : memref<1x18x18x64xf32, #tpu.memory_space<vmem>>, vector<1x16x16x64xf32>
    %get3A_153 = vector.shape_cast %get3A_152 : vector<1x16x16x64xf32> to vector<16x16x64xf32>
    %swap3A_154 = arith.constant 0 : index
    %swap3A_155 = arith.constant 0 : index
    %swap3A_156 = arith.constant 960 : index
    %swap3A_157 = vector.load %arg8[%swap3A_154, %swap3A_155, %swap3A_156] : memref<16x16x1728xf32, #tpu.memory_space<vmem>>, vector<16x16x64xf32>
    tpu.vector_store %arg8[%swap3A_154, %swap3A_155, %swap3A_156], %get3A_153 {strides = array<i32>} : memref<16x16x1728xf32, #tpu.memory_space<vmem>>, vector<16x16x64xf32>,
    %get3A_158 = arith.constant 0 : index
    %get3A_159 = arith.constant 2 : index
    %get3A_160 = arith.constant 1 : index
    %get3A_161 = arith.constant 0 : index
    %get3A_162 = vector.load %arg2[%get3A_158, %get3A_159, %get3A_160, %get3A_161] : memref<1x18x18x64xf32, #tpu.memory_space<vmem>>, vector<1x16x16x64xf32>
    %get3A_163 = vector.shape_cast %get3A_162 : vector<1x16x16x64xf32> to vector<16x16x64xf32>
    %swap3A_164 = arith.constant 0 : index
    %swap3A_165 = arith.constant 0 : index
    %swap3A_166 = arith.constant 1024 : index
    %swap3A_167 = vector.load %arg8[%swap3A_164, %swap3A_165, %swap3A_166] : memref<16x16x1728xf32, #tpu.memory_space<vmem>>, vector<16x16x64xf32>
    tpu.vector_store %arg8[%swap3A_164, %swap3A_165, %swap3A_166], %get3A_163 {strides = array<i32>} : memref<16x16x1728xf32, #tpu.memory_space<vmem>>, vector<16x16x64xf32>,
    %get3A_168 = arith.constant 0 : index
    %get3A_169 = arith.constant 2 : index
    %get3A_170 = arith.constant 2 : index
    %get3A_171 = arith.constant 0 : index
    %get3A_172 = vector.load %arg2[%get3A_168, %get3A_169, %get3A_170, %get3A_171] : memref<1x18x18x64xf32, #tpu.memory_space<vmem>>, vector<1x16x16x64xf32>
    %get3A_173 = vector.shape_cast %get3A_172 : vector<1x16x16x64xf32> to vector<16x16x64xf32>
    %swap3A_174 = arith.constant 0 : index
    %swap3A_175 = arith.constant 0 : index
    %swap3A_176 = arith.constant 1088 : index
    %swap3A_177 = vector.load %arg8[%swap3A_174, %swap3A_175, %swap3A_176] : memref<16x16x1728xf32, #tpu.memory_space<vmem>>, vector<16x16x64xf32>
    tpu.vector_store %arg8[%swap3A_174, %swap3A_175, %swap3A_176], %get3A_173 {strides = array<i32>} : memref<16x16x1728xf32, #tpu.memory_space<vmem>>, vector<16x16x64xf32>,
    %get3A_178 = arith.constant 0 : index
    %get3A_179 = arith.constant 0 : index
    %get3A_180 = arith.constant 0 : index
    %get3A_181 = arith.constant 0 : index
    %get3A_182 = vector.load %arg3[%get3A_178, %get3A_179, %get3A_180, %get3A_181] : memref<1x18x18x64xf32, #tpu.memory_space<vmem>>, vector<1x16x16x64xf32>
    %get3A_183 = vector.shape_cast %get3A_182 : vector<1x16x16x64xf32> to vector<16x16x64xf32>
    %swap3A_184 = arith.constant 0 : index
    %swap3A_185 = arith.constant 0 : index
    %swap3A_186 = arith.constant 1152 : index
    %swap3A_187 = vector.load %arg8[%swap3A_184, %swap3A_185, %swap3A_186] : memref<16x16x1728xf32, #tpu.memory_space<vmem>>, vector<16x16x64xf32>
    tpu.vector_store %arg8[%swap3A_184, %swap3A_185, %swap3A_186], %get3A_183 {strides = array<i32>} : memref<16x16x1728xf32, #tpu.memory_space<vmem>>, vector<16x16x64xf32>,
    %get3A_188 = arith.constant 0 : index
    %get3A_189 = arith.constant 0 : index
    %get3A_190 = arith.constant 1 : index
    %get3A_191 = arith.constant 0 : index
    %get3A_192 = vector.load %arg3[%get3A_188, %get3A_189, %get3A_190, %get3A_191] : memref<1x18x18x64xf32, #tpu.memory_space<vmem>>, vector<1x16x16x64xf32>
    %get3A_193 = vector.shape_cast %get3A_192 : vector<1x16x16x64xf32> to vector<16x16x64xf32>
    %swap3A_194 = arith.constant 0 : index
    %swap3A_195 = arith.constant 0 : index
    %swap3A_196 = arith.constant 1216 : index
    %swap3A_197 = vector.load %arg8[%swap3A_194, %swap3A_195, %swap3A_196] : memref<16x16x1728xf32, #tpu.memory_space<vmem>>, vector<16x16x64xf32>
    tpu.vector_store %arg8[%swap3A_194, %swap3A_195, %swap3A_196], %get3A_193 {strides = array<i32>} : memref<16x16x1728xf32, #tpu.memory_space<vmem>>, vector<16x16x64xf32>,
    %get3A_198 = arith.constant 0 : index
    %get3A_199 = arith.constant 0 : index
    %get3A_200 = arith.constant 2 : index
    %get3A_201 = arith.constant 0 : index
    %get3A_202 = vector.load %arg3[%get3A_198, %get3A_199, %get3A_200, %get3A_201] : memref<1x18x18x64xf32, #tpu.memory_space<vmem>>, vector<1x16x16x64xf32>
    %get3A_203 = vector.shape_cast %get3A_202 : vector<1x16x16x64xf32> to vector<16x16x64xf32>
    %swap3A_204 = arith.constant 0 : index
    %swap3A_205 = arith.constant 0 : index
    %swap3A_206 = arith.constant 1280 : index
    %swap3A_207 = vector.load %arg8[%swap3A_204, %swap3A_205, %swap3A_206] : memref<16x16x1728xf32, #tpu.memory_space<vmem>>, vector<16x16x64xf32>
    tpu.vector_store %arg8[%swap3A_204, %swap3A_205, %swap3A_206], %get3A_203 {strides = array<i32>} : memref<16x16x1728xf32, #tpu.memory_space<vmem>>, vector<16x16x64xf32>,
    %get3A_208 = arith.constant 0 : index
    %get3A_209 = arith.constant 1 : index
    %get3A_210 = arith.constant 0 : index
    %get3A_211 = arith.constant 0 : index
    %get3A_212 = vector.load %arg3[%get3A_208, %get3A_209, %get3A_210, %get3A_211] : memref<1x18x18x64xf32, #tpu.memory_space<vmem>>, vector<1x16x16x64xf32>
    %get3A_213 = vector.shape_cast %get3A_212 : vector<1x16x16x64xf32> to vector<16x16x64xf32>
    %swap3A_214 = arith.constant 0 : index
    %swap3A_215 = arith.constant 0 : index
    %swap3A_216 = arith.constant 1344 : index
    %swap3A_217 = vector.load %arg8[%swap3A_214, %swap3A_215, %swap3A_216] : memref<16x16x1728xf32, #tpu.memory_space<vmem>>, vector<16x16x64xf32>
    tpu.vector_store %arg8[%swap3A_214, %swap3A_215, %swap3A_216], %get3A_213 {strides = array<i32>} : memref<16x16x1728xf32, #tpu.memory_space<vmem>>, vector<16x16x64xf32>,
    %get3A_218 = arith.constant 0 : index
    %get3A_219 = arith.constant 1 : index
    %get3A_220 = arith.constant 1 : index
    %get3A_221 = arith.constant 0 : index
    %get3A_222 = vector.load %arg3[%get3A_218, %get3A_219, %get3A_220, %get3A_221] : memref<1x18x18x64xf32, #tpu.memory_space<vmem>>, vector<1x16x16x64xf32>
    %get3A_223 = vector.shape_cast %get3A_222 : vector<1x16x16x64xf32> to vector<16x16x64xf32>
    %swap3A_224 = arith.constant 0 : index
    %swap3A_225 = arith.constant 0 : index
    %swap3A_226 = arith.constant 1408 : index
    %swap3A_227 = vector.load %arg8[%swap3A_224, %swap3A_225, %swap3A_226] : memref<16x16x1728xf32, #tpu.memory_space<vmem>>, vector<16x16x64xf32>
    tpu.vector_store %arg8[%swap3A_224, %swap3A_225, %swap3A_226], %get3A_223 {strides = array<i32>} : memref<16x16x1728xf32, #tpu.memory_space<vmem>>, vector<16x16x64xf32>,
    %get3A_228 = arith.constant 0 : index
    %get3A_229 = arith.constant 1 : index
    %get3A_230 = arith.constant 2 : index
    %get3A_231 = arith.constant 0 : index
    %get3A_232 = vector.load %arg3[%get3A_228, %get3A_229, %get3A_230, %get3A_231] : memref<1x18x18x64xf32, #tpu.memory_space<vmem>>, vector<1x16x16x64xf32>
    %get3A_233 = vector.shape_cast %get3A_232 : vector<1x16x16x64xf32> to vector<16x16x64xf32>
    %swap3A_234 = arith.constant 0 : index
    %swap3A_235 = arith.constant 0 : index
    %swap3A_236 = arith.constant 1472 : index
    %swap3A_237 = vector.load %arg8[%swap3A_234, %swap3A_235, %swap3A_236] : memref<16x16x1728xf32, #tpu.memory_space<vmem>>, vector<16x16x64xf32>
    tpu.vector_store %arg8[%swap3A_234, %swap3A_235, %swap3A_236], %get3A_233 {strides = array<i32>} : memref<16x16x1728xf32, #tpu.memory_space<vmem>>, vector<16x16x64xf32>,
    %get3A_238 = arith.constant 0 : index
    %get3A_239 = arith.constant 2 : index
    %get3A_240 = arith.constant 0 : index
    %get3A_241 = arith.constant 0 : index
    %get3A_242 = vector.load %arg3[%get3A_238, %get3A_239, %get3A_240, %get3A_241] : memref<1x18x18x64xf32, #tpu.memory_space<vmem>>, vector<1x16x16x64xf32>
    %get3A_243 = vector.shape_cast %get3A_242 : vector<1x16x16x64xf32> to vector<16x16x64xf32>
    %swap3A_244 = arith.constant 0 : index
    %swap3A_245 = arith.constant 0 : index
    %swap3A_246 = arith.constant 1536 : index
    %swap3A_247 = vector.load %arg8[%swap3A_244, %swap3A_245, %swap3A_246] : memref<16x16x1728xf32, #tpu.memory_space<vmem>>, vector<16x16x64xf32>
    tpu.vector_store %arg8[%swap3A_244, %swap3A_245, %swap3A_246], %get3A_243 {strides = array<i32>} : memref<16x16x1728xf32, #tpu.memory_space<vmem>>, vector<16x16x64xf32>,
    %get3A_248 = arith.constant 0 : index
    %get3A_249 = arith.constant 2 : index
    %get3A_250 = arith.constant 1 : index
    %get3A_251 = arith.constant 0 : index
    %get3A_252 = vector.load %arg3[%get3A_248, %get3A_249, %get3A_250, %get3A_251] : memref<1x18x18x64xf32, #tpu.memory_space<vmem>>, vector<1x16x16x64xf32>
    %get3A_253 = vector.shape_cast %get3A_252 : vector<1x16x16x64xf32> to vector<16x16x64xf32>
    %swap3A_254 = arith.constant 0 : index
    %swap3A_255 = arith.constant 0 : index
    %swap3A_256 = arith.constant 1600 : index
    %swap3A_257 = vector.load %arg8[%swap3A_254, %swap3A_255, %swap3A_256] : memref<16x16x1728xf32, #tpu.memory_space<vmem>>, vector<16x16x64xf32>
    tpu.vector_store %arg8[%swap3A_254, %swap3A_255, %swap3A_256], %get3A_253 {strides = array<i32>} : memref<16x16x1728xf32, #tpu.memory_space<vmem>>, vector<16x16x64xf32>,
    %get3A_258 = arith.constant 0 : index
    %get3A_259 = arith.constant 2 : index
    %get3A_260 = arith.constant 2 : index
    %get3A_261 = arith.constant 0 : index
    %get3A_262 = vector.load %arg3[%get3A_258, %get3A_259, %get3A_260, %get3A_261] : memref<1x18x18x64xf32, #tpu.memory_space<vmem>>, vector<1x16x16x64xf32>
    %get3A_263 = vector.shape_cast %get3A_262 : vector<1x16x16x64xf32> to vector<16x16x64xf32>
    %swap3A_264 = arith.constant 0 : index
    %swap3A_265 = arith.constant 0 : index
    %swap3A_266 = arith.constant 1664 : index
    %swap3A_267 = vector.load %arg8[%swap3A_264, %swap3A_265, %swap3A_266] : memref<16x16x1728xf32, #tpu.memory_space<vmem>>, vector<16x16x64xf32>
    tpu.vector_store %arg8[%swap3A_264, %swap3A_265, %swap3A_266], %get3A_263 {strides = array<i32>} : memref<16x16x1728xf32, #tpu.memory_space<vmem>>, vector<16x16x64xf32>,
    %get3A_268 = arith.constant 0 : index
    %get3A_269 = arith.constant 0 : index
    %get3A_270 = arith.constant 0 : index
    %get3A_271 = vector.load %arg8[%get3A_268, %get3A_269, %get3A_270] : memref<16x16x1728xf32, #tpu.memory_space<vmem>>, vector<16x16x1728xf32>
    %reshape3A = vector.shape_cast %get3A_271 : vector<16x16x1728xf32> to vector<256x1728xf32>
    %get3A_272 = arith.constant 0 : index
    %get3A_273 = arith.constant 0 : index
    %get3A_274 = vector.load %arg5[%get3A_272, %get3A_273] : memref<1728x64xf32, #tpu.memory_space<vmem>>, vector<1728x64xf32>
    %dot_general3A = arith.constant dense<0.000000e+00> : vector<256x64xf32>
    %dot_general3A_275 = tpu.matmul %reshape3A, %get3A_274, %dot_general3A {dimension_numbers = #tpu.dot_dimension_numbers<[1], [0], [0], [1], [0, 0, 1, 1], [], []>, precision = #tpu.contract_precision<fp32>, transpose_lhs_hint = false} : vector<256x1728xf32>, vector<1728x64xf32>, vector<256x64xf32> -> vector<256x64xf32>
    %get3A_276 = arith.constant 0 : index
    %get3A_277 = arith.constant 0 : index
    %get3A_278 = vector.load %arg6[%get3A_276, %get3A_277] : memref<1x64xf32, #tpu.memory_space<vmem>>, vector<1x64xf32>
    %add3A = vector.broadcast %get3A_278 : vector<1x64xf32> to vector<256x64xf32>
    %add3A_279 = arith.addf %dot_general3A_275, %add3A : vector<256x64xf32>
    %max3A = arith.constant 0.000000e+00 : f32
    %max3A_280 = vector.broadcast %max3A : f32 to vector<256x64xf32>
    %max3A_281 = arith.maximumf %add3A_279, %max3A_280 : vector<256x64xf32>
    %get3A_282 = arith.constant 0 : index
    %get3A_283 = arith.constant 0 : index
    %get3A_284 = arith.constant 0 : index
    %get3A_285 = vector.load %arg4[%get3A_282, %get3A_283, %get3A_284] : memref<1x256x1xf32, #tpu.memory_space<vmem>>, vector<1x256x1xf32>
    %get3A_286 = vector.shape_cast %get3A_285 : vector<1x256x1xf32> to vector<256x1xf32>
    %mul3A = vector.broadcast %get3A_286 : vector<256x1xf32> to vector<256x64xf32>
    %mul3A_287 = arith.mulf %max3A_281, %mul3A : vector<256x64xf32>
    %swap3A_288 = arith.constant 0 : index
    %swap3A_289 = arith.constant 0 : index
    %swap3A_290 = arith.constant 0 : index
    %swap3A_291 = vector.load %arg7[%swap3A_288, %swap3A_289, %swap3A_290] : memref<1x256x64xf32, #tpu.memory_space<vmem>>, vector<1x256x64xf32>
    %swap3A_292 = vector.shape_cast %swap3A_291 : vector<1x256x64xf32> to vector<256x64xf32>
    %swap3A_293 = vector.shape_cast %mul3A_287 : vector<256x64xf32> to vector<1x256x64xf32>
    tpu.vector_store %arg7[%swap3A_288, %swap3A_289, %swap3A_290], %swap3A_293 {strides = array<i32>} : memref<1x256x64xf32, #tpu.memory_space<vmem>>, vector<1x256x64xf32>,
    return
  }
  func.func @transform_0(%arg0: i32) -> (i32, i32, i32, i32) {
    %add3A = arith.constant 0 : i32
    %add3A_0 = arith.addi %arg0, %add3A : i32
    %c0_i32 = arith.constant 0 : i32
    %c0_i32_1 = arith.constant 0 : i32
    %c0_i32_2 = arith.constant 0 : i32
    %c0_i32_3 = arith.constant 0 : i32
    return %add3A_0, %c0_i32, %c0_i32_1, %c0_i32_2 : i32, i32, i32, i32
  }
  func.func @transform_1(%arg0: i32) -> (i32, i32, i32, i32) {
    %add3A = arith.constant 1 : i32
    %add3A_0 = arith.addi %arg0, %add3A : i32
    %c0_i32 = arith.constant 0 : i32
    %c0_i32_1 = arith.constant 0 : i32
    %c0_i32_2 = arith.constant 0 : i32
    %c0_i32_3 = arith.constant 0 : i32
    return %add3A_0, %c0_i32, %c0_i32_1, %c0_i32_2 : i32, i32, i32, i32
  }
  func.func @transform_2(%arg0: i32) -> (i32, i32, i32, i32) {
    %add3A = arith.constant 2 : i32
    %add3A_0 = arith.addi %arg0, %add3A : i32
    %c0_i32 = arith.constant 0 : i32
    %c0_i32_1 = arith.constant 0 : i32
    %c0_i32_2 = arith.constant 0 : i32
    %c0_i32_3 = arith.constant 0 : i32
    return %add3A_0, %c0_i32, %c0_i32_1, %c0_i32_2 : i32, i32, i32, i32
  }
  func.func @transform_3(%arg0: i32) -> (i32, i32, i32) {
    %c0_i32 = arith.constant 0 : i32
    %c0_i32_0 = arith.constant 0 : i32
    %c0_i32_1 = arith.constant 0 : i32
    return %arg0, %c0_i32, %c0_i32_0 : i32, i32, i32
  }
  func.func @transform_4(%arg0: i32) -> (i32, i32) {
    %c0_i32 = arith.constant 0 : i32
    %c0_i32_0 = arith.constant 0 : i32
    %c0_i32_1 = arith.constant 0 : i32
    return %c0_i32, %c0_i32_0 : i32, i32
  }
  func.func @transform_5(%arg0: i32) -> (i32, i32) {
    %c0_i32 = arith.constant 0 : i32
    %c0_i32_0 = arith.constant 0 : i32
    %c0_i32_1 = arith.constant 0 : i32
    return %c0_i32, %c0_i32_0 : i32, i32
  }
  func.func @transform_6(%arg0: i32) -> (i32, i32, i32) {
    %c0_i32 = arith.constant 0 : i32
    %c0_i32_0 = arith.constant 0 : i32
    %c0_i32_1 = arith.constant 0 : i32
    return %arg0, %c0_i32, %c0_i32_0 : i32, i32, i32
  }
}

module attributes {stable_mosaic.version = 14 : i64} {
  func.func @tc_subm10(%arg0: i32, %arg1: memref<1x18x18x64xf32, #tpu.memory_space<vmem>>, %arg2: memref<1x18x18x64xf32, #tpu.memory_space<vmem>>, %arg3: memref<1x18x18x64xf32, #tpu.memory_space<vmem>>, %arg4: memref<1x256x1xf32, #tpu.memory_space<vmem>>, %arg5: memref<1728x64xf32, #tpu.memory_space<vmem>>, %arg6: memref<1x64xf32, #tpu.memory_space<vmem>>, %arg7: memref<1x256x64xf32, #tpu.memory_space<vmem>>, %arg8: memref<16x16x1728xf32, #tpu.memory_space<vmem>>) attributes {dimension_semantics = [#tpu.dimension_semantics<arbitrary>], iteration_bounds = array<i64: 5>, scalar_prefetch = 0 : i64, scratch_operands = 1 : i64, tpu.core_type = #tpu.core_type<tc>, window_params = [{transform_indices = @transform_0, window_bounds = array<i64: 1, 18, 18, 64>}, {transform_indices = @transform_1, window_bounds = array<i64: 1, 18, 18, 64>}, {transform_indices = @transform_2, window_bounds = array<i64: 1, 18, 18, 64>}, {transform_indices = @transform_3, window_bounds = array<i64: 1, 256, 1>}, {pipeline_mode = #tpu.pipeline_mode<synchronous>, transform_indices = @transform_4, window_bounds = array<i64: 1728, 64>}, {pipeline_mode = #tpu.pipeline_mode<synchronous>, transform_indices = @transform_5, window_bounds = array<i64: 1, 64>}, {transform_indices = @transform_6, window_bounds = array<i64: 1, 256, 64>}]} {
    %get3A = arith.constant 0 : index
    %get3A_0 = arith.constant 0 : index
    %get3A_1 = arith.constant 0 : index
    %get3A_2 = arith.constant 0 : index
    %get3A_3 = vector.load %arg1[%get3A, %get3A_0, %get3A_1, %get3A_2] : memref<1x18x18x64xf32, #tpu.memory_space<vmem>>, vector<1x16x16x64xf32>
    %get3A_4 = vector.shape_cast %get3A_3 : vector<1x16x16x64xf32> to vector<16x16x64xf32>
    %swap3A = arith.constant 0 : index
    %swap3A_5 = arith.constant 0 : index
    %swap3A_6 = arith.constant 0 : index
    %swap3A_7 = vector.load %arg8[%swap3A, %swap3A_5, %swap3A_6] : memref<16x16x1728xf32, #tpu.memory_space<vmem>>, vector<16x16x64xf32>
    tpu.vector_store %arg8[%swap3A, %swap3A_5, %swap3A_6], %get3A_4 {strides = array<i32>} : memref<16x16x1728xf32, #tpu.memory_space<vmem>>, vector<16x16x64xf32>,
    %get3A_8 = arith.constant 0 : index
    %get3A_9 = arith.constant 0 : index
    %get3A_10 = arith.constant 1 : index
    %get3A_11 = arith.constant 0 : index
    %get3A_12 = vector.load %arg1[%get3A_8, %get3A_9, %get3A_10, %get3A_11] : memref<1x18x18x64xf32, #tpu.memory_space<vmem>>, vector<1x16x16x64xf32>
    %get3A_13 = vector.shape_cast %get3A_12 : vector<1x16x16x64xf32> to vector<16x16x64xf32>
    %swap3A_14 = arith.constant 0 : index
    %swap3A_15 = arith.constant 0 : index
    %swap3A_16 = arith.constant 64 : index
    %swap3A_17 = vector.load %arg8[%swap3A_14, %swap3A_15, %swap3A_16] : memref<16x16x1728xf32, #tpu.memory_space<vmem>>, vector<16x16x64xf32>
    tpu.vector_store %arg8[%swap3A_14, %swap3A_15, %swap3A_16], %get3A_13 {strides = array<i32>} : memref<16x16x1728xf32, #tpu.memory_space<vmem>>, vector<16x16x64xf32>,
    %get3A_18 = arith.constant 0 : index
    %get3A_19 = arith.constant 0 : index
    %get3A_20 = arith.constant 2 : index
    %get3A_21 = arith.constant 0 : index
    %get3A_22 = vector.load %arg1[%get3A_18, %get3A_19, %get3A_20, %get3A_21] : memref<1x18x18x64xf32, #tpu.memory_space<vmem>>, vector<1x16x16x64xf32>
    %get3A_23 = vector.shape_cast %get3A_22 : vector<1x16x16x64xf32> to vector<16x16x64xf32>
    %swap3A_24 = arith.constant 0 : index
    %swap3A_25 = arith.constant 0 : index
    %swap3A_26 = arith.constant 128 : index
    %swap3A_27 = vector.load %arg8[%swap3A_24, %swap3A_25, %swap3A_26] : memref<16x16x1728xf32, #tpu.memory_space<vmem>>, vector<16x16x64xf32>
    tpu.vector_store %arg8[%swap3A_24, %swap3A_25, %swap3A_26], %get3A_23 {strides = array<i32>} : memref<16x16x1728xf32, #tpu.memory_space<vmem>>, vector<16x16x64xf32>,
    %get3A_28 = arith.constant 0 : index
    %get3A_29 = arith.constant 1 : index
    %get3A_30 = arith.constant 0 : index
    %get3A_31 = arith.constant 0 : index
    %get3A_32 = vector.load %arg1[%get3A_28, %get3A_29, %get3A_30, %get3A_31] : memref<1x18x18x64xf32, #tpu.memory_space<vmem>>, vector<1x16x16x64xf32>
    %get3A_33 = vector.shape_cast %get3A_32 : vector<1x16x16x64xf32> to vector<16x16x64xf32>
    %swap3A_34 = arith.constant 0 : index
    %swap3A_35 = arith.constant 0 : index
    %swap3A_36 = arith.constant 192 : index
    %swap3A_37 = vector.load %arg8[%swap3A_34, %swap3A_35, %swap3A_36] : memref<16x16x1728xf32, #tpu.memory_space<vmem>>, vector<16x16x64xf32>
    tpu.vector_store %arg8[%swap3A_34, %swap3A_35, %swap3A_36], %get3A_33 {strides = array<i32>} : memref<16x16x1728xf32, #tpu.memory_space<vmem>>, vector<16x16x64xf32>,
    %get3A_38 = arith.constant 0 : index
    %get3A_39 = arith.constant 1 : index
    %get3A_40 = arith.constant 1 : index
    %get3A_41 = arith.constant 0 : index
    %get3A_42 = vector.load %arg1[%get3A_38, %get3A_39, %get3A_40, %get3A_41] : memref<1x18x18x64xf32, #tpu.memory_space<vmem>>, vector<1x16x16x64xf32>
    %get3A_43 = vector.shape_cast %get3A_42 : vector<1x16x16x64xf32> to vector<16x16x64xf32>
    %swap3A_44 = arith.constant 0 : index
    %swap3A_45 = arith.constant 0 : index
    %swap3A_46 = arith.constant 256 : index
    %swap3A_47 = vector.load %arg8[%swap3A_44, %swap3A_45, %swap3A_46] : memref<16x16x1728xf32, #tpu.memory_space<vmem>>, vector<16x16x64xf32>
    tpu.vector_store %arg8[%swap3A_44, %swap3A_45, %swap3A_46], %get3A_43 {strides = array<i32>} : memref<16x16x1728xf32, #tpu.memory_space<vmem>>, vector<16x16x64xf32>,
    %get3A_48 = arith.constant 0 : index
    %get3A_49 = arith.constant 1 : index
    %get3A_50 = arith.constant 2 : index
    %get3A_51 = arith.constant 0 : index
    %get3A_52 = vector.load %arg1[%get3A_48, %get3A_49, %get3A_50, %get3A_51] : memref<1x18x18x64xf32, #tpu.memory_space<vmem>>, vector<1x16x16x64xf32>
    %get3A_53 = vector.shape_cast %get3A_52 : vector<1x16x16x64xf32> to vector<16x16x64xf32>
    %swap3A_54 = arith.constant 0 : index
    %swap3A_55 = arith.constant 0 : index
    %swap3A_56 = arith.constant 320 : index
    %swap3A_57 = vector.load %arg8[%swap3A_54, %swap3A_55, %swap3A_56] : memref<16x16x1728xf32, #tpu.memory_space<vmem>>, vector<16x16x64xf32>
    tpu.vector_store %arg8[%swap3A_54, %swap3A_55, %swap3A_56], %get3A_53 {strides = array<i32>} : memref<16x16x1728xf32, #tpu.memory_space<vmem>>, vector<16x16x64xf32>,
    %get3A_58 = arith.constant 0 : index
    %get3A_59 = arith.constant 2 : index
    %get3A_60 = arith.constant 0 : index
    %get3A_61 = arith.constant 0 : index
    %get3A_62 = vector.load %arg1[%get3A_58, %get3A_59, %get3A_60, %get3A_61] : memref<1x18x18x64xf32, #tpu.memory_space<vmem>>, vector<1x16x16x64xf32>
    %get3A_63 = vector.shape_cast %get3A_62 : vector<1x16x16x64xf32> to vector<16x16x64xf32>
    %swap3A_64 = arith.constant 0 : index
    %swap3A_65 = arith.constant 0 : index
    %swap3A_66 = arith.constant 384 : index
    %swap3A_67 = vector.load %arg8[%swap3A_64, %swap3A_65, %swap3A_66] : memref<16x16x1728xf32, #tpu.memory_space<vmem>>, vector<16x16x64xf32>
    tpu.vector_store %arg8[%swap3A_64, %swap3A_65, %swap3A_66], %get3A_63 {strides = array<i32>} : memref<16x16x1728xf32, #tpu.memory_space<vmem>>, vector<16x16x64xf32>,
    %get3A_68 = arith.constant 0 : index
    %get3A_69 = arith.constant 2 : index
    %get3A_70 = arith.constant 1 : index
    %get3A_71 = arith.constant 0 : index
    %get3A_72 = vector.load %arg1[%get3A_68, %get3A_69, %get3A_70, %get3A_71] : memref<1x18x18x64xf32, #tpu.memory_space<vmem>>, vector<1x16x16x64xf32>
    %get3A_73 = vector.shape_cast %get3A_72 : vector<1x16x16x64xf32> to vector<16x16x64xf32>
    %swap3A_74 = arith.constant 0 : index
    %swap3A_75 = arith.constant 0 : index
    %swap3A_76 = arith.constant 448 : index
    %swap3A_77 = vector.load %arg8[%swap3A_74, %swap3A_75, %swap3A_76] : memref<16x16x1728xf32, #tpu.memory_space<vmem>>, vector<16x16x64xf32>
    tpu.vector_store %arg8[%swap3A_74, %swap3A_75, %swap3A_76], %get3A_73 {strides = array<i32>} : memref<16x16x1728xf32, #tpu.memory_space<vmem>>, vector<16x16x64xf32>,
    %get3A_78 = arith.constant 0 : index
    %get3A_79 = arith.constant 2 : index
    %get3A_80 = arith.constant 2 : index
    %get3A_81 = arith.constant 0 : index
    %get3A_82 = vector.load %arg1[%get3A_78, %get3A_79, %get3A_80, %get3A_81] : memref<1x18x18x64xf32, #tpu.memory_space<vmem>>, vector<1x16x16x64xf32>
    %get3A_83 = vector.shape_cast %get3A_82 : vector<1x16x16x64xf32> to vector<16x16x64xf32>
    %swap3A_84 = arith.constant 0 : index
    %swap3A_85 = arith.constant 0 : index
    %swap3A_86 = arith.constant 512 : index
    %swap3A_87 = vector.load %arg8[%swap3A_84, %swap3A_85, %swap3A_86] : memref<16x16x1728xf32, #tpu.memory_space<vmem>>, vector<16x16x64xf32>
    tpu.vector_store %arg8[%swap3A_84, %swap3A_85, %swap3A_86], %get3A_83 {strides = array<i32>} : memref<16x16x1728xf32, #tpu.memory_space<vmem>>, vector<16x16x64xf32>,
    %get3A_88 = arith.constant 0 : index
    %get3A_89 = arith.constant 0 : index
    %get3A_90 = arith.constant 0 : index
    %get3A_91 = arith.constant 0 : index
    %get3A_92 = vector.load %arg2[%get3A_88, %get3A_89, %get3A_90, %get3A_91] : memref<1x18x18x64xf32, #tpu.memory_space<vmem>>, vector<1x16x16x64xf32>
    %get3A_93 = vector.shape_cast %get3A_92 : vector<1x16x16x64xf32> to vector<16x16x64xf32>
    %swap3A_94 = arith.constant 0 : index
    %swap3A_95 = arith.constant 0 : index
    %swap3A_96 = arith.constant 576 : index
    %swap3A_97 = vector.load %arg8[%swap3A_94, %swap3A_95, %swap3A_96] : memref<16x16x1728xf32, #tpu.memory_space<vmem>>, vector<16x16x64xf32>
    tpu.vector_store %arg8[%swap3A_94, %swap3A_95, %swap3A_96], %get3A_93 {strides = array<i32>} : memref<16x16x1728xf32, #tpu.memory_space<vmem>>, vector<16x16x64xf32>,
    %get3A_98 = arith.constant 0 : index
    %get3A_99 = arith.constant 0 : index
    %get3A_100 = arith.constant 1 : index
    %get3A_101 = arith.constant 0 : index
    %get3A_102 = vector.load %arg2[%get3A_98, %get3A_99, %get3A_100, %get3A_101] : memref<1x18x18x64xf32, #tpu.memory_space<vmem>>, vector<1x16x16x64xf32>
    %get3A_103 = vector.shape_cast %get3A_102 : vector<1x16x16x64xf32> to vector<16x16x64xf32>
    %swap3A_104 = arith.constant 0 : index
    %swap3A_105 = arith.constant 0 : index
    %swap3A_106 = arith.constant 640 : index
    %swap3A_107 = vector.load %arg8[%swap3A_104, %swap3A_105, %swap3A_106] : memref<16x16x1728xf32, #tpu.memory_space<vmem>>, vector<16x16x64xf32>
    tpu.vector_store %arg8[%swap3A_104, %swap3A_105, %swap3A_106], %get3A_103 {strides = array<i32>} : memref<16x16x1728xf32, #tpu.memory_space<vmem>>, vector<16x16x64xf32>,
    %get3A_108 = arith.constant 0 : index
    %get3A_109 = arith.constant 0 : index
    %get3A_110 = arith.constant 2 : index
    %get3A_111 = arith.constant 0 : index
    %get3A_112 = vector.load %arg2[%get3A_108, %get3A_109, %get3A_110, %get3A_111] : memref<1x18x18x64xf32, #tpu.memory_space<vmem>>, vector<1x16x16x64xf32>
    %get3A_113 = vector.shape_cast %get3A_112 : vector<1x16x16x64xf32> to vector<16x16x64xf32>
    %swap3A_114 = arith.constant 0 : index
    %swap3A_115 = arith.constant 0 : index
    %swap3A_116 = arith.constant 704 : index
    %swap3A_117 = vector.load %arg8[%swap3A_114, %swap3A_115, %swap3A_116] : memref<16x16x1728xf32, #tpu.memory_space<vmem>>, vector<16x16x64xf32>
    tpu.vector_store %arg8[%swap3A_114, %swap3A_115, %swap3A_116], %get3A_113 {strides = array<i32>} : memref<16x16x1728xf32, #tpu.memory_space<vmem>>, vector<16x16x64xf32>,
    %get3A_118 = arith.constant 0 : index
    %get3A_119 = arith.constant 1 : index
    %get3A_120 = arith.constant 0 : index
    %get3A_121 = arith.constant 0 : index
    %get3A_122 = vector.load %arg2[%get3A_118, %get3A_119, %get3A_120, %get3A_121] : memref<1x18x18x64xf32, #tpu.memory_space<vmem>>, vector<1x16x16x64xf32>
    %get3A_123 = vector.shape_cast %get3A_122 : vector<1x16x16x64xf32> to vector<16x16x64xf32>
    %swap3A_124 = arith.constant 0 : index
    %swap3A_125 = arith.constant 0 : index
    %swap3A_126 = arith.constant 768 : index
    %swap3A_127 = vector.load %arg8[%swap3A_124, %swap3A_125, %swap3A_126] : memref<16x16x1728xf32, #tpu.memory_space<vmem>>, vector<16x16x64xf32>
    tpu.vector_store %arg8[%swap3A_124, %swap3A_125, %swap3A_126], %get3A_123 {strides = array<i32>} : memref<16x16x1728xf32, #tpu.memory_space<vmem>>, vector<16x16x64xf32>,
    %get3A_128 = arith.constant 0 : index
    %get3A_129 = arith.constant 1 : index
    %get3A_130 = arith.constant 1 : index
    %get3A_131 = arith.constant 0 : index
    %get3A_132 = vector.load %arg2[%get3A_128, %get3A_129, %get3A_130, %get3A_131] : memref<1x18x18x64xf32, #tpu.memory_space<vmem>>, vector<1x16x16x64xf32>
    %get3A_133 = vector.shape_cast %get3A_132 : vector<1x16x16x64xf32> to vector<16x16x64xf32>
    %swap3A_134 = arith.constant 0 : index
    %swap3A_135 = arith.constant 0 : index
    %swap3A_136 = arith.constant 832 : index
    %swap3A_137 = vector.load %arg8[%swap3A_134, %swap3A_135, %swap3A_136] : memref<16x16x1728xf32, #tpu.memory_space<vmem>>, vector<16x16x64xf32>
    tpu.vector_store %arg8[%swap3A_134, %swap3A_135, %swap3A_136], %get3A_133 {strides = array<i32>} : memref<16x16x1728xf32, #tpu.memory_space<vmem>>, vector<16x16x64xf32>,
    %get3A_138 = arith.constant 0 : index
    %get3A_139 = arith.constant 1 : index
    %get3A_140 = arith.constant 2 : index
    %get3A_141 = arith.constant 0 : index
    %get3A_142 = vector.load %arg2[%get3A_138, %get3A_139, %get3A_140, %get3A_141] : memref<1x18x18x64xf32, #tpu.memory_space<vmem>>, vector<1x16x16x64xf32>
    %get3A_143 = vector.shape_cast %get3A_142 : vector<1x16x16x64xf32> to vector<16x16x64xf32>
    %swap3A_144 = arith.constant 0 : index
    %swap3A_145 = arith.constant 0 : index
    %swap3A_146 = arith.constant 896 : index
    %swap3A_147 = vector.load %arg8[%swap3A_144, %swap3A_145, %swap3A_146] : memref<16x16x1728xf32, #tpu.memory_space<vmem>>, vector<16x16x64xf32>
    tpu.vector_store %arg8[%swap3A_144, %swap3A_145, %swap3A_146], %get3A_143 {strides = array<i32>} : memref<16x16x1728xf32, #tpu.memory_space<vmem>>, vector<16x16x64xf32>,
    %get3A_148 = arith.constant 0 : index
    %get3A_149 = arith.constant 2 : index
    %get3A_150 = arith.constant 0 : index
    %get3A_151 = arith.constant 0 : index
    %get3A_152 = vector.load %arg2[%get3A_148, %get3A_149, %get3A_150, %get3A_151] : memref<1x18x18x64xf32, #tpu.memory_space<vmem>>, vector<1x16x16x64xf32>
    %get3A_153 = vector.shape_cast %get3A_152 : vector<1x16x16x64xf32> to vector<16x16x64xf32>
    %swap3A_154 = arith.constant 0 : index
    %swap3A_155 = arith.constant 0 : index
    %swap3A_156 = arith.constant 960 : index
    %swap3A_157 = vector.load %arg8[%swap3A_154, %swap3A_155, %swap3A_156] : memref<16x16x1728xf32, #tpu.memory_space<vmem>>, vector<16x16x64xf32>
    tpu.vector_store %arg8[%swap3A_154, %swap3A_155, %swap3A_156], %get3A_153 {strides = array<i32>} : memref<16x16x1728xf32, #tpu.memory_space<vmem>>, vector<16x16x64xf32>,
    %get3A_158 = arith.constant 0 : index
    %get3A_159 = arith.constant 2 : index
    %get3A_160 = arith.constant 1 : index
    %get3A_161 = arith.constant 0 : index
    %get3A_162 = vector.load %arg2[%get3A_158, %get3A_159, %get3A_160, %get3A_161] : memref<1x18x18x64xf32, #tpu.memory_space<vmem>>, vector<1x16x16x64xf32>
    %get3A_163 = vector.shape_cast %get3A_162 : vector<1x16x16x64xf32> to vector<16x16x64xf32>
    %swap3A_164 = arith.constant 0 : index
    %swap3A_165 = arith.constant 0 : index
    %swap3A_166 = arith.constant 1024 : index
    %swap3A_167 = vector.load %arg8[%swap3A_164, %swap3A_165, %swap3A_166] : memref<16x16x1728xf32, #tpu.memory_space<vmem>>, vector<16x16x64xf32>
    tpu.vector_store %arg8[%swap3A_164, %swap3A_165, %swap3A_166], %get3A_163 {strides = array<i32>} : memref<16x16x1728xf32, #tpu.memory_space<vmem>>, vector<16x16x64xf32>,
    %get3A_168 = arith.constant 0 : index
    %get3A_169 = arith.constant 2 : index
    %get3A_170 = arith.constant 2 : index
    %get3A_171 = arith.constant 0 : index
    %get3A_172 = vector.load %arg2[%get3A_168, %get3A_169, %get3A_170, %get3A_171] : memref<1x18x18x64xf32, #tpu.memory_space<vmem>>, vector<1x16x16x64xf32>
    %get3A_173 = vector.shape_cast %get3A_172 : vector<1x16x16x64xf32> to vector<16x16x64xf32>
    %swap3A_174 = arith.constant 0 : index
    %swap3A_175 = arith.constant 0 : index
    %swap3A_176 = arith.constant 1088 : index
    %swap3A_177 = vector.load %arg8[%swap3A_174, %swap3A_175, %swap3A_176] : memref<16x16x1728xf32, #tpu.memory_space<vmem>>, vector<16x16x64xf32>
    tpu.vector_store %arg8[%swap3A_174, %swap3A_175, %swap3A_176], %get3A_173 {strides = array<i32>} : memref<16x16x1728xf32, #tpu.memory_space<vmem>>, vector<16x16x64xf32>,
    %get3A_178 = arith.constant 0 : index
    %get3A_179 = arith.constant 0 : index
    %get3A_180 = arith.constant 0 : index
    %get3A_181 = arith.constant 0 : index
    %get3A_182 = vector.load %arg3[%get3A_178, %get3A_179, %get3A_180, %get3A_181] : memref<1x18x18x64xf32, #tpu.memory_space<vmem>>, vector<1x16x16x64xf32>
    %get3A_183 = vector.shape_cast %get3A_182 : vector<1x16x16x64xf32> to vector<16x16x64xf32>
    %swap3A_184 = arith.constant 0 : index
    %swap3A_185 = arith.constant 0 : index
    %swap3A_186 = arith.constant 1152 : index
    %swap3A_187 = vector.load %arg8[%swap3A_184, %swap3A_185, %swap3A_186] : memref<16x16x1728xf32, #tpu.memory_space<vmem>>, vector<16x16x64xf32>
    tpu.vector_store %arg8[%swap3A_184, %swap3A_185, %swap3A_186], %get3A_183 {strides = array<i32>} : memref<16x16x1728xf32, #tpu.memory_space<vmem>>, vector<16x16x64xf32>,
    %get3A_188 = arith.constant 0 : index
    %get3A_189 = arith.constant 0 : index
    %get3A_190 = arith.constant 1 : index
    %get3A_191 = arith.constant 0 : index
    %get3A_192 = vector.load %arg3[%get3A_188, %get3A_189, %get3A_190, %get3A_191] : memref<1x18x18x64xf32, #tpu.memory_space<vmem>>, vector<1x16x16x64xf32>
    %get3A_193 = vector.shape_cast %get3A_192 : vector<1x16x16x64xf32> to vector<16x16x64xf32>
    %swap3A_194 = arith.constant 0 : index
    %swap3A_195 = arith.constant 0 : index
    %swap3A_196 = arith.constant 1216 : index
    %swap3A_197 = vector.load %arg8[%swap3A_194, %swap3A_195, %swap3A_196] : memref<16x16x1728xf32, #tpu.memory_space<vmem>>, vector<16x16x64xf32>
    tpu.vector_store %arg8[%swap3A_194, %swap3A_195, %swap3A_196], %get3A_193 {strides = array<i32>} : memref<16x16x1728xf32, #tpu.memory_space<vmem>>, vector<16x16x64xf32>,
    %get3A_198 = arith.constant 0 : index
    %get3A_199 = arith.constant 0 : index
    %get3A_200 = arith.constant 2 : index
    %get3A_201 = arith.constant 0 : index
    %get3A_202 = vector.load %arg3[%get3A_198, %get3A_199, %get3A_200, %get3A_201] : memref<1x18x18x64xf32, #tpu.memory_space<vmem>>, vector<1x16x16x64xf32>
    %get3A_203 = vector.shape_cast %get3A_202 : vector<1x16x16x64xf32> to vector<16x16x64xf32>
    %swap3A_204 = arith.constant 0 : index
    %swap3A_205 = arith.constant 0 : index
    %swap3A_206 = arith.constant 1280 : index
    %swap3A_207 = vector.load %arg8[%swap3A_204, %swap3A_205, %swap3A_206] : memref<16x16x1728xf32, #tpu.memory_space<vmem>>, vector<16x16x64xf32>
    tpu.vector_store %arg8[%swap3A_204, %swap3A_205, %swap3A_206], %get3A_203 {strides = array<i32>} : memref<16x16x1728xf32, #tpu.memory_space<vmem>>, vector<16x16x64xf32>,
    %get3A_208 = arith.constant 0 : index
    %get3A_209 = arith.constant 1 : index
    %get3A_210 = arith.constant 0 : index
    %get3A_211 = arith.constant 0 : index
    %get3A_212 = vector.load %arg3[%get3A_208, %get3A_209, %get3A_210, %get3A_211] : memref<1x18x18x64xf32, #tpu.memory_space<vmem>>, vector<1x16x16x64xf32>
    %get3A_213 = vector.shape_cast %get3A_212 : vector<1x16x16x64xf32> to vector<16x16x64xf32>
    %swap3A_214 = arith.constant 0 : index
    %swap3A_215 = arith.constant 0 : index
    %swap3A_216 = arith.constant 1344 : index
    %swap3A_217 = vector.load %arg8[%swap3A_214, %swap3A_215, %swap3A_216] : memref<16x16x1728xf32, #tpu.memory_space<vmem>>, vector<16x16x64xf32>
    tpu.vector_store %arg8[%swap3A_214, %swap3A_215, %swap3A_216], %get3A_213 {strides = array<i32>} : memref<16x16x1728xf32, #tpu.memory_space<vmem>>, vector<16x16x64xf32>,
    %get3A_218 = arith.constant 0 : index
    %get3A_219 = arith.constant 1 : index
    %get3A_220 = arith.constant 1 : index
    %get3A_221 = arith.constant 0 : index
    %get3A_222 = vector.load %arg3[%get3A_218, %get3A_219, %get3A_220, %get3A_221] : memref<1x18x18x64xf32, #tpu.memory_space<vmem>>, vector<1x16x16x64xf32>
    %get3A_223 = vector.shape_cast %get3A_222 : vector<1x16x16x64xf32> to vector<16x16x64xf32>
    %swap3A_224 = arith.constant 0 : index
    %swap3A_225 = arith.constant 0 : index
    %swap3A_226 = arith.constant 1408 : index
    %swap3A_227 = vector.load %arg8[%swap3A_224, %swap3A_225, %swap3A_226] : memref<16x16x1728xf32, #tpu.memory_space<vmem>>, vector<16x16x64xf32>
    tpu.vector_store %arg8[%swap3A_224, %swap3A_225, %swap3A_226], %get3A_223 {strides = array<i32>} : memref<16x16x1728xf32, #tpu.memory_space<vmem>>, vector<16x16x64xf32>,
    %get3A_228 = arith.constant 0 : index
    %get3A_229 = arith.constant 1 : index
    %get3A_230 = arith.constant 2 : index
    %get3A_231 = arith.constant 0 : index
    %get3A_232 = vector.load %arg3[%get3A_228, %get3A_229, %get3A_230, %get3A_231] : memref<1x18x18x64xf32, #tpu.memory_space<vmem>>, vector<1x16x16x64xf32>
    %get3A_233 = vector.shape_cast %get3A_232 : vector<1x16x16x64xf32> to vector<16x16x64xf32>
    %swap3A_234 = arith.constant 0 : index
    %swap3A_235 = arith.constant 0 : index
    %swap3A_236 = arith.constant 1472 : index
    %swap3A_237 = vector.load %arg8[%swap3A_234, %swap3A_235, %swap3A_236] : memref<16x16x1728xf32, #tpu.memory_space<vmem>>, vector<16x16x64xf32>
    tpu.vector_store %arg8[%swap3A_234, %swap3A_235, %swap3A_236], %get3A_233 {strides = array<i32>} : memref<16x16x1728xf32, #tpu.memory_space<vmem>>, vector<16x16x64xf32>,
    %get3A_238 = arith.constant 0 : index
    %get3A_239 = arith.constant 2 : index
    %get3A_240 = arith.constant 0 : index
    %get3A_241 = arith.constant 0 : index
    %get3A_242 = vector.load %arg3[%get3A_238, %get3A_239, %get3A_240, %get3A_241] : memref<1x18x18x64xf32, #tpu.memory_space<vmem>>, vector<1x16x16x64xf32>
    %get3A_243 = vector.shape_cast %get3A_242 : vector<1x16x16x64xf32> to vector<16x16x64xf32>
    %swap3A_244 = arith.constant 0 : index
    %swap3A_245 = arith.constant 0 : index
    %swap3A_246 = arith.constant 1536 : index
    %swap3A_247 = vector.load %arg8[%swap3A_244, %swap3A_245, %swap3A_246] : memref<16x16x1728xf32, #tpu.memory_space<vmem>>, vector<16x16x64xf32>
    tpu.vector_store %arg8[%swap3A_244, %swap3A_245, %swap3A_246], %get3A_243 {strides = array<i32>} : memref<16x16x1728xf32, #tpu.memory_space<vmem>>, vector<16x16x64xf32>,
    %get3A_248 = arith.constant 0 : index
    %get3A_249 = arith.constant 2 : index
    %get3A_250 = arith.constant 1 : index
    %get3A_251 = arith.constant 0 : index
    %get3A_252 = vector.load %arg3[%get3A_248, %get3A_249, %get3A_250, %get3A_251] : memref<1x18x18x64xf32, #tpu.memory_space<vmem>>, vector<1x16x16x64xf32>
    %get3A_253 = vector.shape_cast %get3A_252 : vector<1x16x16x64xf32> to vector<16x16x64xf32>
    %swap3A_254 = arith.constant 0 : index
    %swap3A_255 = arith.constant 0 : index
    %swap3A_256 = arith.constant 1600 : index
    %swap3A_257 = vector.load %arg8[%swap3A_254, %swap3A_255, %swap3A_256] : memref<16x16x1728xf32, #tpu.memory_space<vmem>>, vector<16x16x64xf32>
    tpu.vector_store %arg8[%swap3A_254, %swap3A_255, %swap3A_256], %get3A_253 {strides = array<i32>} : memref<16x16x1728xf32, #tpu.memory_space<vmem>>, vector<16x16x64xf32>,
    %get3A_258 = arith.constant 0 : index
    %get3A_259 = arith.constant 2 : index
    %get3A_260 = arith.constant 2 : index
    %get3A_261 = arith.constant 0 : index
    %get3A_262 = vector.load %arg3[%get3A_258, %get3A_259, %get3A_260, %get3A_261] : memref<1x18x18x64xf32, #tpu.memory_space<vmem>>, vector<1x16x16x64xf32>
    %get3A_263 = vector.shape_cast %get3A_262 : vector<1x16x16x64xf32> to vector<16x16x64xf32>
    %swap3A_264 = arith.constant 0 : index
    %swap3A_265 = arith.constant 0 : index
    %swap3A_266 = arith.constant 1664 : index
    %swap3A_267 = vector.load %arg8[%swap3A_264, %swap3A_265, %swap3A_266] : memref<16x16x1728xf32, #tpu.memory_space<vmem>>, vector<16x16x64xf32>
    tpu.vector_store %arg8[%swap3A_264, %swap3A_265, %swap3A_266], %get3A_263 {strides = array<i32>} : memref<16x16x1728xf32, #tpu.memory_space<vmem>>, vector<16x16x64xf32>,
    %get3A_268 = arith.constant 0 : index
    %get3A_269 = arith.constant 0 : index
    %get3A_270 = arith.constant 0 : index
    %get3A_271 = vector.load %arg8[%get3A_268, %get3A_269, %get3A_270] : memref<16x16x1728xf32, #tpu.memory_space<vmem>>, vector<16x16x1728xf32>
    %reshape3A = vector.shape_cast %get3A_271 : vector<16x16x1728xf32> to vector<256x1728xf32>
    %get3A_272 = arith.constant 0 : index
    %get3A_273 = arith.constant 0 : index
    %get3A_274 = vector.load %arg5[%get3A_272, %get3A_273] : memref<1728x64xf32, #tpu.memory_space<vmem>>, vector<1728x64xf32>
    %dot_general3A = arith.constant dense<0.000000e+00> : vector<256x64xf32>
    %dot_general3A_275 = tpu.matmul %reshape3A, %get3A_274, %dot_general3A {dimension_numbers = #tpu.dot_dimension_numbers<[1], [0], [0], [1], [0, 0, 1, 1], [], []>, precision = #tpu.contract_precision<fp32>, transpose_lhs_hint = false} : vector<256x1728xf32>, vector<1728x64xf32>, vector<256x64xf32> -> vector<256x64xf32>
    %get3A_276 = arith.constant 0 : index
    %get3A_277 = arith.constant 0 : index
    %get3A_278 = vector.load %arg6[%get3A_276, %get3A_277] : memref<1x64xf32, #tpu.memory_space<vmem>>, vector<1x64xf32>
    %add3A = vector.broadcast %get3A_278 : vector<1x64xf32> to vector<256x64xf32>
    %add3A_279 = arith.addf %dot_general3A_275, %add3A : vector<256x64xf32>
    %max3A = arith.constant 0.000000e+00 : f32
    %max3A_280 = vector.broadcast %max3A : f32 to vector<256x64xf32>
    %max3A_281 = arith.maximumf %add3A_279, %max3A_280 : vector<256x64xf32>
    %get3A_282 = arith.constant 0 : index
    %get3A_283 = arith.constant 0 : index
    %get3A_284 = arith.constant 0 : index
    %get3A_285 = vector.load %arg4[%get3A_282, %get3A_283, %get3A_284] : memref<1x256x1xf32, #tpu.memory_space<vmem>>, vector<1x256x1xf32>
    %get3A_286 = vector.shape_cast %get3A_285 : vector<1x256x1xf32> to vector<256x1xf32>
    %mul3A = vector.broadcast %get3A_286 : vector<256x1xf32> to vector<256x64xf32>
    %mul3A_287 = arith.mulf %max3A_281, %mul3A : vector<256x64xf32>
    %swap3A_288 = arith.constant 0 : index
    %swap3A_289 = arith.constant 0 : index
    %swap3A_290 = arith.constant 0 : index
    %swap3A_291 = vector.load %arg7[%swap3A_288, %swap3A_289, %swap3A_290] : memref<1x256x64xf32, #tpu.memory_space<vmem>>, vector<1x256x64xf32>
    %swap3A_292 = vector.shape_cast %swap3A_291 : vector<1x256x64xf32> to vector<256x64xf32>
    %swap3A_293 = vector.shape_cast %mul3A_287 : vector<256x64xf32> to vector<1x256x64xf32>
    tpu.vector_store %arg7[%swap3A_288, %swap3A_289, %swap3A_290], %swap3A_293 {strides = array<i32>} : memref<1x256x64xf32, #tpu.memory_space<vmem>>, vector<1x256x64xf32>,
    return
  }
  func.func @transform_0(%arg0: i32) -> (i32, i32, i32, i32) {
    %add3A = arith.constant 0 : i32
    %add3A_0 = arith.addi %arg0, %add3A : i32
    %c0_i32 = arith.constant 0 : i32
    %c0_i32_1 = arith.constant 0 : i32
    %c0_i32_2 = arith.constant 0 : i32
    %c0_i32_3 = arith.constant 0 : i32
    return %add3A_0, %c0_i32, %c0_i32_1, %c0_i32_2 : i32, i32, i32, i32
  }
  func.func @transform_1(%arg0: i32) -> (i32, i32, i32, i32) {
    %add3A = arith.constant 1 : i32
    %add3A_0 = arith.addi %arg0, %add3A : i32
    %c0_i32 = arith.constant 0 : i32
    %c0_i32_1 = arith.constant 0 : i32
    %c0_i32_2 = arith.constant 0 : i32
    %c0_i32_3 = arith.constant 0 : i32
    return %add3A_0, %c0_i32, %c0_i32_1, %c0_i32_2 : i32, i32, i32, i32
  }
  func.func @transform_2(%arg0: i32) -> (i32, i32, i32, i32) {
    %add3A = arith.constant 2 : i32
    %add3A_0 = arith.addi %arg0, %add3A : i32
    %c0_i32 = arith.constant 0 : i32
    %c0_i32_1 = arith.constant 0 : i32
    %c0_i32_2 = arith.constant 0 : i32
    %c0_i32_3 = arith.constant 0 : i32
    return %add3A_0, %c0_i32, %c0_i32_1, %c0_i32_2 : i32, i32, i32, i32
  }
  func.func @transform_3(%arg0: i32) -> (i32, i32, i32) {
    %c0_i32 = arith.constant 0 : i32
    %c0_i32_0 = arith.constant 0 : i32
    %c0_i32_1 = arith.constant 0 : i32
    return %arg0, %c0_i32, %c0_i32_0 : i32, i32, i32
  }
  func.func @transform_4(%arg0: i32) -> (i32, i32) {
    %c0_i32 = arith.constant 0 : i32
    %c0_i32_0 = arith.constant 0 : i32
    %c0_i32_1 = arith.constant 0 : i32
    return %c0_i32, %c0_i32_0 : i32, i32
  }
  func.func @transform_5(%arg0: i32) -> (i32, i32) {
    %c0_i32 = arith.constant 0 : i32
    %c0_i32_0 = arith.constant 0 : i32
    %c0_i32_1 = arith.constant 0 : i32
    return %c0_i32, %c0_i32_0 : i32, i32
  }
  func.func @transform_6(%arg0: i32) -> (i32, i32, i32) {
    %c0_i32 = arith.constant 0 : i32
    %c0_i32_0 = arith.constant 0 : i32
    %c0_i32_1 = arith.constant 0 : i32
    return %arg0, %c0_i32, %c0_i32_0 : i32, i32, i32
  }
}

module attributes {stable_mosaic.version = 14 : i64} {
  func.func @tc_conv_out(%arg0: i32, %arg1: memref<1x256x64xf32, #tpu.memory_space<vmem>>, %arg2: memref<1x256x64xf32, #tpu.memory_space<vmem>>, %arg3: memref<1x256x64xf32, #tpu.memory_space<vmem>>, %arg4: memref<1x256x1xf32, #tpu.memory_space<vmem>>, %arg5: memref<1x256x1xf32, #tpu.memory_space<vmem>>, %arg6: memref<1x256x1xf32, #tpu.memory_space<vmem>>, %arg7: memref<192x128xf32, #tpu.memory_space<vmem>>, %arg8: memref<1x128xf32, #tpu.memory_space<vmem>>, %arg9: memref<1x256x128xf32, #tpu.memory_space<vmem>>, %arg10: memref<256x192xf32, #tpu.memory_space<vmem>>) attributes {dimension_semantics = [#tpu.dimension_semantics<arbitrary>], iteration_bounds = array<i64: 2>, scalar_prefetch = 0 : i64, scratch_operands = 1 : i64, tpu.core_type = #tpu.core_type<tc>, window_params = [{transform_indices = @transform_0, window_bounds = array<i64: 1, 256, 64>}, {transform_indices = @transform_1, window_bounds = array<i64: 1, 256, 64>}, {transform_indices = @transform_2, window_bounds = array<i64: 1, 256, 64>}, {transform_indices = @transform_3, window_bounds = array<i64: 1, 256, 1>}, {transform_indices = @transform_4, window_bounds = array<i64: 1, 256, 1>}, {transform_indices = @transform_5, window_bounds = array<i64: 1, 256, 1>}, {pipeline_mode = #tpu.pipeline_mode<synchronous>, transform_indices = @transform_6, window_bounds = array<i64: 192, 128>}, {pipeline_mode = #tpu.pipeline_mode<synchronous>, transform_indices = @transform_7, window_bounds = array<i64: 1, 128>}, {transform_indices = @transform_8, window_bounds = array<i64: 1, 256, 128>}]} {
    %broadcast_in_dim3A = arith.constant 0.000000e+00 : f32
    %broadcast_in_dim3A_0 = vector.broadcast %broadcast_in_dim3A : f32 to vector<256x1xf32>
    %get3A = arith.constant 0 : index
    %get3A_1 = arith.constant 0 : index
    %get3A_2 = arith.constant 0 : index
    %get3A_3 = vector.load %arg1[%get3A, %get3A_1, %get3A_2] : memref<1x256x64xf32, #tpu.memory_space<vmem>>, vector<1x256x64xf32>
    %get3A_4 = vector.shape_cast %get3A_3 : vector<1x256x64xf32> to vector<256x64xf32>
    %swap3A = arith.constant 0 : index
    %swap3A_5 = arith.constant 0 : index
    %swap3A_6 = vector.load %arg10[%swap3A, %swap3A_5] : memref<256x192xf32, #tpu.memory_space<vmem>>, vector<256x64xf32>
    tpu.vector_store %arg10[%swap3A, %swap3A_5], %get3A_4 {strides = array<i32>} : memref<256x192xf32, #tpu.memory_space<vmem>>, vector<256x64xf32>,
    %get3A_7 = arith.constant 0 : index
    %get3A_8 = arith.constant 0 : index
    %get3A_9 = arith.constant 0 : index
    %get3A_10 = vector.load %arg4[%get3A_7, %get3A_8, %get3A_9] : memref<1x256x1xf32, #tpu.memory_space<vmem>>, vector<1x256x1xf32>
    %get3A_11 = vector.shape_cast %get3A_10 : vector<1x256x1xf32> to vector<256x1xf32>
    %add3A = arith.addf %broadcast_in_dim3A_0, %get3A_11 : vector<256x1xf32>
    %get3A_12 = arith.constant 0 : index
    %get3A_13 = arith.constant 0 : index
    %get3A_14 = arith.constant 0 : index
    %get3A_15 = vector.load %arg2[%get3A_12, %get3A_13, %get3A_14] : memref<1x256x64xf32, #tpu.memory_space<vmem>>, vector<1x256x64xf32>
    %get3A_16 = vector.shape_cast %get3A_15 : vector<1x256x64xf32> to vector<256x64xf32>
    %swap3A_17 = arith.constant 0 : index
    %swap3A_18 = arith.constant 64 : index
    %swap3A_19 = vector.load %arg10[%swap3A_17, %swap3A_18] : memref<256x192xf32, #tpu.memory_space<vmem>>, vector<256x64xf32>
    tpu.vector_store %arg10[%swap3A_17, %swap3A_18], %get3A_16 {strides = array<i32>} : memref<256x192xf32, #tpu.memory_space<vmem>>, vector<256x64xf32>,
    %get3A_20 = arith.constant 0 : index
    %get3A_21 = arith.constant 0 : index
    %get3A_22 = arith.constant 0 : index
    %get3A_23 = vector.load %arg5[%get3A_20, %get3A_21, %get3A_22] : memref<1x256x1xf32, #tpu.memory_space<vmem>>, vector<1x256x1xf32>
    %get3A_24 = vector.shape_cast %get3A_23 : vector<1x256x1xf32> to vector<256x1xf32>
    %add3A_25 = arith.addf %add3A, %get3A_24 : vector<256x1xf32>
    %get3A_26 = arith.constant 0 : index
    %get3A_27 = arith.constant 0 : index
    %get3A_28 = arith.constant 0 : index
    %get3A_29 = vector.load %arg3[%get3A_26, %get3A_27, %get3A_28] : memref<1x256x64xf32, #tpu.memory_space<vmem>>, vector<1x256x64xf32>
    %get3A_30 = vector.shape_cast %get3A_29 : vector<1x256x64xf32> to vector<256x64xf32>
    %swap3A_31 = arith.constant 0 : index
    %swap3A_32 = arith.constant 128 : index
    %swap3A_33 = vector.load %arg10[%swap3A_31, %swap3A_32] : memref<256x192xf32, #tpu.memory_space<vmem>>, vector<256x64xf32>
    tpu.vector_store %arg10[%swap3A_31, %swap3A_32], %get3A_30 {strides = array<i32>} : memref<256x192xf32, #tpu.memory_space<vmem>>, vector<256x64xf32>,
    %get3A_34 = arith.constant 0 : index
    %get3A_35 = arith.constant 0 : index
    %get3A_36 = arith.constant 0 : index
    %get3A_37 = vector.load %arg6[%get3A_34, %get3A_35, %get3A_36] : memref<1x256x1xf32, #tpu.memory_space<vmem>>, vector<1x256x1xf32>
    %get3A_38 = vector.shape_cast %get3A_37 : vector<1x256x1xf32> to vector<256x1xf32>
    %add3A_39 = arith.addf %add3A_25, %get3A_38 : vector<256x1xf32>
    %get3A_40 = arith.constant 0 : index
    %get3A_41 = arith.constant 0 : index
    %get3A_42 = vector.load %arg10[%get3A_40, %get3A_41] : memref<256x192xf32, #tpu.memory_space<vmem>>, vector<256x192xf32>
    %get3A_43 = arith.constant 0 : index
    %get3A_44 = arith.constant 0 : index
    %get3A_45 = vector.load %arg7[%get3A_43, %get3A_44] : memref<192x128xf32, #tpu.memory_space<vmem>>, vector<192x128xf32>
    %dot_general3A = arith.constant dense<0.000000e+00> : vector<256x128xf32>
    %dot_general3A_46 = tpu.matmul %get3A_42, %get3A_45, %dot_general3A {dimension_numbers = #tpu.dot_dimension_numbers<[1], [0], [0], [1], [0, 0, 1, 1], [], []>, precision = #tpu.contract_precision<fp32>, transpose_lhs_hint = false} : vector<256x192xf32>, vector<192x128xf32>, vector<256x128xf32> -> vector<256x128xf32>
    %gt3A = arith.constant 0.000000e+00 : f32
    %gt3A_47 = vector.broadcast %gt3A : f32 to vector<256x1xf32>
    %gt3A_48 = arith.cmpf ogt, %add3A_39, %gt3A_47 : vector<256x1xf32>
    %convert_element_type3A = arith.extui %gt3A_48 : vector<256x1xi1> to vector<256x1xi32>
    %convert_element_type3A_49 = arith.sitofp %convert_element_type3A : vector<256x1xi32> to vector<256x1xf32>
    %get3A_50 = arith.constant 0 : index
    %get3A_51 = arith.constant 0 : index
    %get3A_52 = vector.load %arg8[%get3A_50, %get3A_51] : memref<1x128xf32, #tpu.memory_space<vmem>>, vector<1x128xf32>
    %add3A_53 = vector.broadcast %get3A_52 : vector<1x128xf32> to vector<256x128xf32>
    %add3A_54 = arith.addf %dot_general3A_46, %add3A_53 : vector<256x128xf32>
    %max3A = arith.constant 0.000000e+00 : f32
    %max3A_55 = vector.broadcast %max3A : f32 to vector<256x128xf32>
    %max3A_56 = arith.maximumf %add3A_54, %max3A_55 : vector<256x128xf32>
    %mul3A = vector.broadcast %convert_element_type3A_49 : vector<256x1xf32> to vector<256x128xf32>
    %mul3A_57 = arith.mulf %max3A_56, %mul3A : vector<256x128xf32>
    %swap3A_58 = arith.constant 0 : index
    %swap3A_59 = arith.constant 0 : index
    %swap3A_60 = arith.constant 0 : index
    %swap3A_61 = vector.load %arg9[%swap3A_58, %swap3A_59, %swap3A_60] : memref<1x256x128xf32, #tpu.memory_space<vmem>>, vector<1x256x128xf32>
    %swap3A_62 = vector.shape_cast %swap3A_61 : vector<1x256x128xf32> to vector<256x128xf32>
    %swap3A_63 = vector.shape_cast %mul3A_57 : vector<256x128xf32> to vector<1x256x128xf32>
    tpu.vector_store %arg9[%swap3A_58, %swap3A_59, %swap3A_60], %swap3A_63 {strides = array<i32>} : memref<1x256x128xf32, #tpu.memory_space<vmem>>, vector<1x256x128xf32>,
    return
  }
  func.func @transform_0(%arg0: i32) -> (i32, i32, i32) {
    %mul3A = arith.constant 2 : i32
    %mul3A_0 = arith.muli %mul3A, %arg0 : i32
    %add3A = arith.constant 0 : i32
    %add3A_1 = arith.addi %mul3A_0, %add3A : i32
    %c0_i32 = arith.constant 0 : i32
    %c0_i32_2 = arith.constant 0 : i32
    %c0_i32_3 = arith.constant 0 : i32
    return %add3A_1, %c0_i32, %c0_i32_2 : i32, i32, i32
  }
  func.func @transform_1(%arg0: i32) -> (i32, i32, i32) {
    %mul3A = arith.constant 2 : i32
    %mul3A_0 = arith.muli %mul3A, %arg0 : i32
    %add3A = arith.constant 1 : i32
    %add3A_1 = arith.addi %mul3A_0, %add3A : i32
    %c0_i32 = arith.constant 0 : i32
    %c0_i32_2 = arith.constant 0 : i32
    %c0_i32_3 = arith.constant 0 : i32
    return %add3A_1, %c0_i32, %c0_i32_2 : i32, i32, i32
  }
  func.func @transform_2(%arg0: i32) -> (i32, i32, i32) {
    %mul3A = arith.constant 2 : i32
    %mul3A_0 = arith.muli %mul3A, %arg0 : i32
    %add3A = arith.constant 2 : i32
    %add3A_1 = arith.addi %mul3A_0, %add3A : i32
    %c0_i32 = arith.constant 0 : i32
    %c0_i32_2 = arith.constant 0 : i32
    %c0_i32_3 = arith.constant 0 : i32
    return %add3A_1, %c0_i32, %c0_i32_2 : i32, i32, i32
  }
  func.func @transform_3(%arg0: i32) -> (i32, i32, i32) {
    %mul3A = arith.constant 2 : i32
    %mul3A_0 = arith.muli %mul3A, %arg0 : i32
    %add3A = arith.constant 0 : i32
    %add3A_1 = arith.addi %mul3A_0, %add3A : i32
    %c0_i32 = arith.constant 0 : i32
    %c0_i32_2 = arith.constant 0 : i32
    %c0_i32_3 = arith.constant 0 : i32
    return %add3A_1, %c0_i32, %c0_i32_2 : i32, i32, i32
  }
  func.func @transform_4(%arg0: i32) -> (i32, i32, i32) {
    %mul3A = arith.constant 2 : i32
    %mul3A_0 = arith.muli %mul3A, %arg0 : i32
    %add3A = arith.constant 1 : i32
    %add3A_1 = arith.addi %mul3A_0, %add3A : i32
    %c0_i32 = arith.constant 0 : i32
    %c0_i32_2 = arith.constant 0 : i32
    %c0_i32_3 = arith.constant 0 : i32
    return %add3A_1, %c0_i32, %c0_i32_2 : i32, i32, i32
  }
  func.func @transform_5(%arg0: i32) -> (i32, i32, i32) {
    %mul3A = arith.constant 2 : i32
    %mul3A_0 = arith.muli %mul3A, %arg0 : i32
    %add3A = arith.constant 2 : i32
    %add3A_1 = arith.addi %mul3A_0, %add3A : i32
    %c0_i32 = arith.constant 0 : i32
    %c0_i32_2 = arith.constant 0 : i32
    %c0_i32_3 = arith.constant 0 : i32
    return %add3A_1, %c0_i32, %c0_i32_2 : i32, i32, i32
  }
  func.func @transform_6(%arg0: i32) -> (i32, i32) {
    %c0_i32 = arith.constant 0 : i32
    %c0_i32_0 = arith.constant 0 : i32
    %c0_i32_1 = arith.constant 0 : i32
    return %c0_i32, %c0_i32_0 : i32, i32
  }
  func.func @transform_7(%arg0: i32) -> (i32, i32) {
    %c0_i32 = arith.constant 0 : i32
    %c0_i32_0 = arith.constant 0 : i32
    %c0_i32_1 = arith.constant 0 : i32
    return %c0_i32, %c0_i32_0 : i32, i32
  }
  func.func @transform_8(%arg0: i32) -> (i32, i32, i32) {
    %c0_i32 = arith.constant 0 : i32
    %c0_i32_0 = arith.constant 0 : i32
    %c0_i32_1 = arith.constant 0 : i32
    return %arg0, %c0_i32, %c0_i32_0 : i32, i32, i32
  }
}

</mosaic_0001>

<sc_bundles>
// kernel: gather_offload_async_start.1
scs
__scs_entry_jumppad:
0x0: {  	(pc) =	sbr.rel $0x88, $3  }
0x1: {  	(tag) =	ssettag $0x0;
	lr =	simm.s32 $0x1  }
0x2: {  	[smem:$0x3F7B] =	sst lr;
	_ =	strace $0xD0000000  }
0x3: {  	_ = 	snop  }
0x4: {  	_ = 	snop  }
0x5: {  	_ = 	snop  }
0x6: {  	_ = 	snop  }
0x7: {  	_ = 	snop  }
__scs_overlays_trampoline_lowered:
0x8: {  	[smem:$0x3F8A] =	sst s0  }
0x9: {  	[smem:$0x3F8B] =	sst s1  }
0xa: {  	[smem:$0x3F8C] =	sst s2  }
0xb: {  	[smem:$0x3F8D] =	sst s3  }
0xc: {  	[smem:$0x3F8E] =	sst s4  }
0xd: {  	[smem:$0x3F8F] =	sst s5  }
0xe: {  	[smem:$0x3F90] =	sst s6  }
0xf: {  	[smem:$0x3F91] =	sst s7  }
0x10: {  	[smem:$0x3F92] =	sst s8  }
0x11: {  	[smem:$0x3F93] =	sst s9;
	s0 =	simm.s32 @!p0 $0x0  }
0x12: {  	s1 =	sld [smem:$0x3F79];
	s0 =	simm.s32 @p0 $0x1  }
0x13: {  	[smem:$0x3F94] =	sst s0;
	s0 =	simm.s32 @!p1 $0x0  }
0x14: {  	s2 =	sld [smem:$0x3F78];
	s0 =	simm.s32 @p1 $0x1  }
0x15: {  	[smem:$0x3F95] =	sst s0;
	s0 =	simm.s32 @!p2 $0x0  }
0x16: {  	s3 =	sld [smem:$0x3FDB];
	s0 =	simm.s32 @p2 $0x1  }
0x17: {  	s4 =	simm.s32 $0x1BF5;
	[smem:$0x3F97] =	sst s0  }
0x18: {  	s0 =	sld [smem:$0x3F7A];
	_ =	swait.ge [sflag:s4], $0x0  }
0x19: {  	s7 =	sld [smem:$0x3F7B]  }
0x1a: {  	s8 =	sadd.s32 $0xFFFFE003, lr  }
0x1b: {  	s9 =	sadd.s32 $0xFFFFFEF7, lr;
	s5 =	simm.s32 $0xFFFFFFFF;
	p2 =	slt.u32 s8, $0xFFFFF086  }
0x1c: {  	p1 =	slt.u32 s9, $0xF7A;
	s5 =	simm.s32 @!p2 $0x0  }
0x1d: {  	s5 =	simm.s32 @p1 $0x1;
	p0 =	seq.s32 s7, s2  }
0x1e: {  	s7 =	smul.u32 @!p0 $0xF7A, s2;
	p2 =	seq.s32 @!p0 s5, $0x0  }
0x1f: {  	s9 =	smul.u32 $0xF7A, s1;
	s8 =	simm.s32 @!p0 $0x1BF5;
	p2 =	por !p2, p0  }
0x20: {  	[sflag:s8] =	ssyncset.s32 @!p0 $0xFFFFF086;
	s6 =	sadd.s32 @!p0 s3, s7;
	s7 =	simm.s32 @!p0 $0x108  }
0x21: {  	s3 =	sadd.s32 s3, s9;
	s6 =	sadd.s32 @!p0 $0x88, s6;
	s7 =	simm.s32 @p2 $0x1082  }
0x22: {  	[simem:s7], [sflag:s8] =	dma.local @!p0 [hbm:s6], $0xF7A  }
0x23: {  	s9 =	sor.u32 $0xD0000000, s2;
	s6 =	simm.s32 $0x108;
	_ =	swait.ge @!p0 [sflag:s8], $0x0  }
0x24: {  	s3 =	sadd.s32 $0x88, s3;
	s6 =	simm.s32 @!p1 $0x1082;
	[sflag:s4] =	ssyncset.s32 $0xFFFFF086  }
0x25: {  	[simem:s6], [sflag:s4] =	dma.local [hbm:s3], $0xF7A  }
0x26: {  	[smem:$0x3F7B] =	sst s1;
	(tag) =	ssettag s2;
	_ =	strace s9  }
0x27: {  	s1 =	sld [smem:$0x3F8B]  }
0x28: {  	s2 =	sld [smem:$0x3F8C]  }
0x29: {  	s4 =	sld [smem:$0x3F8E]  }
0x2a: {  	p0 =	seq.s32 s5, $0x0;
	s5 =	sld [smem:$0x3F8F]  }
0x2b: {  	s6 =	sld [smem:$0x3F90]  }
0x2c: {  	s7 =	sld [smem:$0x3F91]  }
0x2d: {  	s3 =	simm.s32 $0x108;
	s8 =	sld [smem:$0x3F92]  }
0x2e: {  	s3 =	simm.s32 @!p0 $0x1082;
	s9 =	sld [smem:$0x3F93]  }
0x2f: {  	lr =	sadd.s32 s0, s3;
	s0 =	sld [smem:$0x3F8A]  }
0x30: {  	s3 =	sld [smem:$0x3F8D]  }
0x31: {  	[smem:$0x3F96] =	sst s10  }
0x32: {  	s10 =	sld [smem:$0x3F94];
	_ =	sdelay $0x3  }
0x33: {  	p0 =	seq.s32 s10, $0x1;
	s10 =	sld [smem:$0x3F96];
	_ =	sdelay $0x3  }
0x34: {  	[smem:$0x3F96] =	sst s10  }
0x35: {  	s10 =	sld [smem:$0x3F95];
	_ =	sdelay $0x3  }
0x36: {  	p1 =	seq.s32 s10, $0x1;
	s10 =	sld [smem:$0x3F96];
	_ =	sdelay $0x3  }
0x37: {  	[smem:$0x3F96] =	sst s10  }
0x38: {  	s10 =	sld [smem:$0x3F97]  }
0x39: {  	_ = 	snop;
	(pc) =	sbr.ind lr, $3  }
0x3a: {  	_ = 	snop  }
0x3b: {  	_ = 	snop  }
0x3c: {  	p2 =	seq.s32 s10, $0x1;
	s10 =	sld [smem:$0x3F96]  }
0x3d: {  	_ =	shalt  }
0x3e: {  	_ =	shalt  }
0x3f: {  	_ =	shalt  }
0x40: {  	_ =	shalt  }
0x41: {  	_ =	shalt  }
0x42: {  	_ =	shalt  }
0x43: {  	_ =	shalt  }
0x44: {  	_ =	shalt  }
0x45: {  	_ =	shalt  }
0x46: {  	_ =	shalt  }
0x47: {  	_ =	shalt  }
0x48: {  	_ =	shalt  }
0x49: {  	_ =	shalt  }
0x4a: {  	_ =	shalt  }
0x4b: {  	_ =	shalt  }
0x4c: {  	_ =	shalt  }
0x4d: {  	_ =	shalt  }
0x4e: {  	_ =	shalt  }
0x4f: {  	_ =	shalt  }
0x50: {  	_ =	shalt  }
0x51: {  	_ =	shalt  }
0x52: {  	_ =	shalt  }
0x53: {  	_ =	shalt  }
0x54: {  	_ =	shalt  }
0x55: {  	_ =	shalt  }
0x56: {  	_ =	shalt  }
0x57: {  	_ =	shalt  }
0x58: {  	_ =	shalt  }
0x59: {  	_ =	shalt  }
0x5a: {  	_ =	shalt  }
0x5b: {  	_ =	shalt  }
0x5c: {  	_ =	shalt  }
0x5d: {  	_ =	shalt  }
0x5e: {  	_ =	shalt  }
0x5f: {  	_ =	shalt  }
0x60: {  	_ =	shalt  }
0x61: {  	_ =	shalt  }
0x62: {  	_ =	shalt  }
0x63: {  	_ =	shalt  }
0x64: {  	_ =	shalt  }
0x65: {  	_ =	shalt  }
0x66: {  	_ =	shalt  }
0x67: {  	_ =	shalt  }
0x68: {  	_ =	shalt  }
0x69: {  	_ =	shalt  }
0x6a: {  	_ =	shalt  }
0x6b: {  	_ =	shalt  }
0x6c: {  	_ =	shalt  }
0x6d: {  	_ =	shalt  }
0x6e: {  	_ =	shalt  }
0x6f: {  	_ =	shalt  }
0x70: {  	_ =	shalt  }
0x71: {  	_ =	shalt  }
0x72: {  	_ =	shalt  }
0x73: {  	_ =	shalt  }
0x74: {  	_ =	shalt  }
0x75: {  	_ =	shalt  }
0x76: {  	_ =	shalt  }
0x77: {  	_ =	shalt  }
0x78: {  	_ =	shalt  }
0x79: {  	_ =	shalt  }
0x7a: {  	_ =	shalt  }
0x7b: {  	_ =	shalt  }
0x7c: {  	_ =	shalt  }
0x7d: {  	_ =	shalt  }
0x7e: {  	_ =	shalt  }
0x7f: {  	_ =	shalt  }
0x80: {  	_ =	shalt  }
0x81: {  	_ =	shalt  }
0x82: {  	_ =	shalt  }
0x83: {  	_ =	shalt  }
0x84: {  	_ =	shalt  }
0x85: {  	_ =	shalt  }
0x86: {  	_ =	shalt  }
0x87: {  	_ =	shalt  }
.Lfunc_end0:
.L_simem_size_0:
called_computation.1_lowered:
.L_overlay_start_0:
0x88: {  	s2 =	sld [smem:$0x3FD9]  }
0x89: {  	s3 =	sld [smem:$0x3FFE];
	_ =	sdelay $0x1  }
0x8a: {  	s1 =	srdreg.scid  }
0x8b: {  	s0 =	sand.u32 $0x1, s1  }
0x8c: {  	s16 =	sshll.u32 s0, $0xA;
	s2 =	sadd.s32 s3, s2  }
0x8d: {  	s2 =	sadd.s32 s2, s16  }
0x8e: {  	[smem:$0x3FA2] =	sst s2  }
0x8f: {  	_ = 	snop  }
0x90: {  	(tm) =	ssettm $0x1  }
0x91: {  	s17 =	sld [smem:$0x3FFB];
	_ =	sdelay $0x3  }
0x92: {  	_ =	strace s17  }
0x93: {  	s2 =	sld [smem:$0x3FFC];
	_ =	sdelay $0x3  }
0x94: {  	_ =	strace s2  }
0x95: {  	s2 =	sld [smem:$0x3FFD];
	_ =	sdelay $0x3  }
0x96: {  	_ =	strace s2  }
0x97: {  	_ =	strace $0x8FFFFFFF  }
0x98: {  	s18 =	sld [smem:$0x3FDB];
	_ =	sdelay $0x1  }
0x99: {  	s19 =	simm.s32 $_scs_section_size  }
0x9a: {  	s4 =	simm.s32 $_size__tile_overlayer_lowered;
	s5 =	simm.s32 $_tile_overlayer_lowered  }
0x9b: {  	s22 =	simm.s32 $0x1BFF;
	s21 =	sshll.u32 s5, $0x1;
	s2 =	sadd.s32 s19, s18  }
0x9c: {  	s6 =	simm.s32 $0x0;
	s20 =	sshll.u32 s4, $0x1;
	s4 =	sadd.s32 s21, s2  }
0x9d: {  	[timem:s6], [sflag:s22] =	dma.local [hbm:s4], s20  }
0x9e: {  	_ =	swait.ge [sflag:s22], s20  }
0x9f: {  	s3 =	ssub.s32 $0x0, s20;
	[sflag:s22] =	ssyncset.done $0x0  }
0xa0: {  	[sflag:s22] =	ssyncadd.s32 s3;
	_ =	sdelay $0x1  }
0xa1: {  	s23 =	simm.s32 $0x1B8B  }
0xa2: {  	_ =	swait.ge [sflag:s23], $0x1  }
0xa3: {  	[sflag:s23] =	ssyncset.done $0x0  }
0xa4: {  	s25 =	simm.s32 $0x1B8E;
	s24 =	sld [smem:$0x3FFE];
	[sflag:s23] =	ssyncadd.s32 $0xFFFFFFFF  }
0xa5: {  	s26 =	simm.s32 $execute0_lowered;
	[smem:$0x3FD2] =	sst s25  }
0xa6: {  	s4 =	sshll.u32 s26, $0x1;
	_ =	strace $0x80000049;
	[dreg:$0x1] =	wrdreg $0xFFFFFFFF  }
0xa7: {  	s28 =	simm.s32 $_size_execute0_lowered;
	s2 =	sadd.s32 s2, s4;
	[dreg:$0x0] =	wrdreg $0x0  }
0xa8: {  	s4 =	sshll.u32 s28, $0x1;
	[dreg:$0x2] =	wrdreg s2  }
0xa9: {  	[dreg:$0x3] =	wrdreg s4  }
0xaa: {  	[dreg:$0x4] =	wrdreg $0xC0  }
0xab: {  	_ =	task [dreg:s6], $0x5FFFF  }
0xac: {  	[dreg:$0x1] =	wrdreg $0xFFFFFFFF  }
0xad: {  	[dreg:$0x0] =	wrdreg $0x60  }
0xae: {  	[dreg:$0x2] =	wrdreg s24  }
0xaf: {  	[dreg:$0x3] =	wrdreg $0x9  }
0xb0: {  	_ =	task.clear_ibuf [dreg:s6], $0x4FFFF;
	_ =	strace $0x90000049  }
0xb1: {  	s29 =	simm.s32 $0x9;
	_ =	strace $0x8000004B  }
0xb2: {  	_ =	swait.ge [sflag:s29], $0x1  }
0xb3: {  	[sflag:s29] =	ssyncadd.s32 $0xFFFFFFFF  }
0xb4: {  	_ =	strace $0x9000004B  }
0xb5: {  	_ =	sfence  }
0xb6: {  	s30 =	sld [smem:$0x0];
	_ =	sdelay $0x2  }
0xb7: {  	s31 =	sshll.u32 s1, $0xD;
	s1 =	sshrl.u32 s1, $0x2  }
0xb8: {  	s3 =	sand.u32 $0x4000, s31;
	s1 =	sadd.s32 s1, s30  }
0xb9: {  	s0 =	sor.u32 s3, s0;
	s1 =	sshll.u32 s1, $0x11  }
0xba: {  	s0 =	sor.u32 s1, s0  }
0xbb: {  	s0 =	sadd.s32 $0x8F2B, s0  }
0xbc: {  	[sflag:s0] =	ssyncadd.remote.s32 $0x1  }
0xbd: {  	_ =	sfence.sel $0xFFFF  }
0xbe: {  	[dreg:$0x0] =	wrdreg $0xFFFFFFFF;
	(pc) =	sbr.abs _section_cstart, $3  }
0xbf: {  	[dreg:$0x1] =	wrdreg $0xFFFFFFFF  }
0xc0: {  	_ =	task.clear_ibuf [dreg:s6], $0x2FFFF;
	_ =	strace $0x9FFFFFFF  }
0xc1: {  	(tm) =	ssettm $0x7FFFFFFF  }
tec
execute0_lowered:
.L_overlay_start_1:
0x0: {  	(tag) =	ssettag $0x1  }
0x1: {  	s0 =	srdreg.scid  }
0x2: {  	s1 =	sshll.u32 s0, $0x4  }
0x3: {  	s0 =	stileid.u32;
	s1 =	sand.u32 $0x10, s1  }
0x4: {  	s2 =	sor.u32 s0, s1  }
0x5: {  	s1 =	smin.u32 s2, $0x12  }
0x6: {  	s1 =	sadd.s32 s2, s1  }
0x7: {  	p0 =	slt.u32 s2, $0x12;
	s2 =	simm.s32 $0x320;
	s1 =	smul.u32 $0x190, s1  }
0x8: {  	s2 =	simm.s32 @!p0 $0x190  }
0x9: {  	s2 =	sadd.s32 s2, s1  }
0xa: {  	s3 =	smin.u32 s2, $0x4E20  }
0xb: {  	s7 =	ssub.s32 s3, s1  }
0xc: {  	p0 =	sgt.s32 s7, $0x0  }
0xd: {  	s7 =	simm.s32 @!p0 $0x0  }
0xe: {  	s31 =	sand.u32 $0xFFF0, s7  }
0xf: {  	s2 =	sshrl.u32 s31, $0x4  }
0x10: {  	s2 =	smul.u32 $0xA3E, s2  }
0x11: {  	s9 =	rddreg [dreg:$0x0];
	s6 =	simm.s32 $0x1;
	s11 =	simm.s32 $0x3  }
0x12: {  	s13 =	simm.s32 $0x0;
	s12 =	simm.s32 $0x0;
	s8 =	sshrl.u32 s2, $0x10  }
0x13: {  	s4 =	sadd.s32 $0x5000, s9;
	s5 =	sadd.s32 $0x4600, s9;
	s10 =	smul.u32 $0x190, s8  }
.Ltmp0:
0x14: {  	s9 =	sadd.s32 $0x105400, s9;
	s2 =	rddreg [dreg:$0x1];
	(pc) =	sbr.rel .LBB2_1-.Ltmp0, $4  }
0x15: {  	_ =	strace $0x8000004A;
	p0 =	sne.s32 s7, s10;
	s10 =	simm.s32 $0x1  }
0x16: {  	[sflag:s6] =	ssyncpa.u1 $0x0;
	s7 =	simm.s32 $0x2;
	s10 =	simm.s32 @!p0 $0x0  }
0x17: {  	[sflag:s7] =	ssyncpa.u1 $0x0;
	p0 =	por $0x0, $0x0;
	s8 =	sadd.s32 s8, s10  }
0x18: {  	vm0 =	vmmov $0xff;
	vm1 =	vcmask $0x3F20;
	[sflag:s11] =	ssyncpa.u1 $0x0;
	s11 =	smov.u32 s1;
	s10 =	sadd.s32 $0x1, s8  }
.LBB2_6:
0x19: {  	[hbm:s17] =	stream.linear.scatter [tilespmem:s14], [sflag:$0x3], $0x400, $0x38;
	[tilespmem:$0x19320] =	vst v63  }
.LBB2_7:
0x1a: {  	s13 =	sadd.s32 $0x190, s11  }
0x1b: {  	s15 =	smov.u32 s1;
	p2 =	slt.s32 s13, s3  }
0x1c: {  	s15 =	smov.u32 @p2 s13;
	p2 =	sne.s32 s12, s10  }
.Ltmp1:
0x1d: {  	p1 =	slt.u32 s12, $0x2;
	(pc) =	sbr.rel @!p2 .LBB2_8-.Ltmp1, $4  }
0x1e: {  	s14 =	simm.s32 @!p1 $0x3  }
0x1f: {  	s16 =	sadd.s32 $0x1, s12;
	_ =	swait.ge @!p1 [sflag:s14], $0xC800  }
0x20: {  	p0 =	por !p0, !p0;
	s13 =	smov.u32 s11;
	[sflag:s14] =	ssyncset.done @!p1 $0x0  }
0x21: {  	s12 =	smov.u32 s16;
	s11 =	smov.u32 s15;
	[sflag:s14] =	ssyncadd.s32 @!p1 $0xFFFF3800  }
.LBB2_1:
0x22: {  	p1 =	sge.u32 s12, s8  }
0x23: {  	s14 =	sxor.u32 @!p1 $0xFFFFFFFF, s12  }
0x24: {  	s14 =	sand.u32 @!p1 $0x1, s14  }
0x25: {  	s14 =	smul.u32 @!p1 $0x640, s14  }
0x26: {  	s31 =	sadd.s32 $0xFFFFFFFF, s12;
	s15 =	sshrl.u32 @!p1 s11, $0x3  }
0x27: {  	s16 =	sand.u32 @!p1 $0x7, s11;
	s15 =	sadd.s32 @!p1 s5, s15;
	s14 =	sshrl.u32 @!p1 s14, $0x2  }
0x28: {  	[tilespmem:s14], [sflag:$0x2] =	stream.linear.gather @!p1 [hbm4b:s15+s16], $0x190, $0x38;
	[tilespmem:$0x19320] =	vst v63  }
0x29: {  	p1 =	sge.u32 s31, s8  }
.Ltmp2:
0x2a: {  	_ = 	snop;
	(pc) =	sbr.rel @p1 .LBB2_7-.Ltmp2, $1  }
0x2b: {  	_ =	sdelay $0x3  }
0x2c: {  	s14 =	simm.s32 $0x1  }
0x2d: {  	s14 =	simm.s32 @!p0 $0x0  }
0x2e: {  	s15 =	smul.u32 $0x640, s14  }
0x2f: {  	_ =	swait.ge [sflag:s7], $0x190  }
0x30: {  	[sflag:s7] =	ssyncset.done $0x0;
	s16 =	sshrl.u32 s15, $0x2  }
0x31: {  	[sflag:s7] =	ssyncadd.s32 $0xFFFFFE70;
	s15 =	sadd.s32 $0x0, s16  }
0x32: {  	v0 =	vld.msk [tilespmem:s15+$0x0 ss:$0x1], $0xffff;
	_ =	sdelay $0x4  }
0x33: {  	vm2 =	vgt.s32 v0, $0x0  }
0x34: {  	v0 =	vnsel vm2, $0x0, v0  }
0x35: {  	v0 =	vmin.u32 v0, $0x4E1F  }
0x36: {  	v0 =	vshll.u32 v0, $0x4  }
0x37: {  	s14 =	smul.u32 $0x32000, s14;
	_ =	sdelay $0x1  }
0x38: {  	s14 =	sshrl.u32 s14, $0x2  }
0x39: {  	s14 =	sor.u32 $0x320, s14  }
0x3a: {  	[tilespmem:s14], [sflag:$0x1] =	stream.indirect_vreg.gather [hbm:s4], $0x80, v0, vm0, $0x38;
	[tilespmem:$0x19320] =	vst v63  }
0x3b: {  	s17 =	sadd.s32 $0x10, s16;
	s15 =	sadd.s32 $0x400, s14  }
0x3c: {  	[tilespmem:s15], [sflag:$0x1] =	stream.indirect_vreg.gather [hbm:s4], $0x80, v0, vm1, $0x38;
	[tilespmem:$0x19320] =	vst v63  }
0x3d: {  	s18 =	simm.s32 $0x80;
	v0 =	vld.msk [tilespmem:s17+$0x0 ss:$0x1], $0xffff;
	s17 =	smov.u32 s14  }
.LBB2_3:
0x3e: {  	p1 =	sne.s32 s18, $0x600;
	_ =	sdelay $0x4  }
0x3f: {  	vm2 =	vgt.s32 v0, $0x0  }
0x40: {  	v0 =	vnsel vm2, $0x0, v0  }
0x41: {  	v0 =	vmin.u32 v0, $0x4E1F  }
0x42: {  	v0 =	vshll.u32 v0, $0x4;
	_ =	sdelay $0x3  }
.Ltmp3:
0x43: {  	s19 =	sshra.s32 s18, $0x2;
	s17 =	sadd.s32 $0x800, s17;
	(pc) =	sbr.rel @p1 .LBB2_3-.Ltmp3, $4  }
0x44: {  	[tilespmem:s17], [sflag:$0x1] =	stream.indirect_vreg.gather [hbm:s4], $0x80, v0, vm0, $0x38;
	[tilespmem:$0x19320] =	vst v63  }
0x45: {  	s19 =	sadd.s32 s19, s16;
	s20 =	sadd.s32 $0x400, s17  }
0x46: {  	[tilespmem:s20], [sflag:$0x1] =	stream.indirect_vreg.gather [hbm:s4], $0x80, v0, vm1, $0x38;
	[tilespmem:$0x19320] =	vst v63  }
0x47: {  	s18 =	sadd.s32 $0x40, s18;
	v0 =	vld.msk [tilespmem:s19+$0x0 ss:$0x1], $0xffff  }
0x48: {  	_ =	sdelay $0x3  }
0x49: {  	vm2 =	vgt.s32 v0, $0x0  }
0x4a: {  	v0 =	vnsel vm2, $0x0, v0  }
0x4b: {  	v0 =	vmin.u32 v0, $0x4E1F  }
0x4c: {  	v0 =	vshll.u32 v0, $0x4;
	_ =	sdelay $0x3  }
0x4d: {  	s16 =	sadd.s32 $0x800, s17  }
0x4e: {  	[tilespmem:s16], [sflag:$0x1] =	stream.indirect_vreg.gather [hbm:s4], $0x80, v0, vm0, $0x38;
	[tilespmem:$0x19320] =	vst v63  }
0x4f: {  	s16 =	sadd.s32 $0x400, s16  }
0x50: {  	[tilespmem:s16], [sflag:$0x1] =	stream.indirect_vreg.gather [hbm:s4], $0x80, v0, vm1, $0x38;
	[tilespmem:$0x19320] =	vst v63  }
0x51: {  	s13 =	sshll.u32 s13, $0x4;
	_ =	swait.ge [sflag:s6], $0xC800  }
0x52: {  	s13 =	sadd.s32 s13, s9;
	[sflag:s6] =	ssyncset.done $0x0  }
0x53: {  	s17 =	sadd.s32 $0x0, s13;
	s16 =	simm.s32 $0x80;
	[sflag:s6] =	ssyncadd.s32 $0xFFFF3800  }
.LBB2_5:
0x54: {  	[hbm:s17] =	stream.linear.scatter [tilespmem:s14], [sflag:$0x3], $0x400, $0x38;
	[tilespmem:$0x19320] =	vst v63  }
0x55: {  	s17 =	smov.u32 s16;
	s14 =	smov.u32 s15;
	p1 =	sne.s32 s16, $0x1880  }
.Ltmp4:
0x56: {  	s16 =	sadd.s32 $0x80, s16;
	(pc) =	sbr.rel @p1 .LBB2_5-.Ltmp4, $2  }
0x57: {  	_ =	sdelay $0x2  }
0x58: {  	s15 =	sadd.s32 $0x400, s15;
	s17 =	sadd.s32 s17, s13  }
.Ltmp5:
0x59: {  	_ = 	snop;
	(pc) =	sbr.rel .LBB2_6-.Ltmp5, $1  }
0x5a: {  	_ =	sdelay $0x3  }
.LBB2_8:
0x5b: {  	_ =	sfence.sel $0x180000  }
0x5c: {  	s1 =	simm.s32 $0x2;
	[bflag:$0x0] =	sbarrier.arrive $0xFFFF  }
0x5d: {  	s30 =	simm.s32 $0x3;
	[sflag:s1] =	ssyncpa.u1 $0x1  }
0x5e: {  	s31 =	simm.s32 $0x1;
	[sflag:s30] =	ssyncpa.u1 $0x1  }
0x5f: {  	[sflag:s31] =	ssyncpa.u1 $0x1  }
0x60: {  	p0 =	sne.s32 s0, $0x0;
	_ =	strace $0x9000004A  }
0x61: {  	s0 =	sadd.s32 @!p0 $0x100000, s2;
	[bflag:$0x2] =	sbarrier.arrive $0xFFFF  }
0x62: {  	[sflag:s0] =	ssyncadd.tile.s32 @!p0 $0x1;
	_ =	shalt  }
.Lfunc_end2:
_tile_overlayer_lowered:
.L_overlay_start_2:
0x63: {  	(tag) =	ssettag $0x2  }
0x64: {  	s0 =	rddreg [dreg:$0x0];
	s2 =	stileid.u32  }
0x65: {  	s1 =	rddreg [dreg:$0x1];
	p0 =	sne.s32 s2, $0x0  }
0x66: {  	s3 =	rddreg [dreg:$0x2];
	[bflag:$0x3] =	sbarrier.arrive $0xFFFF;
	s2 =	simm.s32 @!p0 $0x1C01  }
0x67: {  	[timem:s3], [sflag:s2] =	dma.local @!p0 [hbm:s0], s1  }
0x68: {  	s0 =	simm.s32 @!p0 $0x1  }
0x69: {  	_ =	swait.ge @!p0 [sflag:s0], s1  }
0x6a: {  	s1 =	ssub.s32 @!p0 $0x0, s1;
	[sflag:s0] =	ssyncset.done @!p0 $0x0  }
0x6b: {  	[sflag:s0] =	ssyncadd.s32 @!p0 s1  }
0x6c: {  	[bflag:$0x3] =	sbarrier.arrive $0xFFFF  }
0x6d: {  	_ =	shalt  }

// kernel: gather_offload_async_start
scs
__scs_entry_jumppad:
0x0: {  	(pc) =	sbr.rel $0x88, $3  }
0x1: {  	(tag) =	ssettag $0x0;
	lr =	simm.s32 $0x1  }
0x2: {  	[smem:$0x3F7B] =	sst lr;
	_ =	strace $0xD0000000  }
0x3: {  	_ = 	snop  }
0x4: {  	_ = 	snop  }
0x5: {  	_ = 	snop  }
0x6: {  	_ = 	snop  }
0x7: {  	_ = 	snop  }
__scs_overlays_trampoline_lowered:
0x8: {  	[smem:$0x3F8A] =	sst s0  }
0x9: {  	[smem:$0x3F8B] =	sst s1  }
0xa: {  	[smem:$0x3F8C] =	sst s2  }
0xb: {  	[smem:$0x3F8D] =	sst s3  }
0xc: {  	[smem:$0x3F8E] =	sst s4  }
0xd: {  	[smem:$0x3F8F] =	sst s5  }
0xe: {  	[smem:$0x3F90] =	sst s6  }
0xf: {  	[smem:$0x3F91] =	sst s7  }
0x10: {  	[smem:$0x3F92] =	sst s8  }
0x11: {  	[smem:$0x3F93] =	sst s9;
	s0 =	simm.s32 @!p0 $0x0  }
0x12: {  	s1 =	sld [smem:$0x3F79];
	s0 =	simm.s32 @p0 $0x1  }
0x13: {  	[smem:$0x3F94] =	sst s0;
	s0 =	simm.s32 @!p1 $0x0  }
0x14: {  	s2 =	sld [smem:$0x3F78];
	s0 =	simm.s32 @p1 $0x1  }
0x15: {  	[smem:$0x3F95] =	sst s0;
	s0 =	simm.s32 @!p2 $0x0  }
0x16: {  	s3 =	sld [smem:$0x3FDB];
	s0 =	simm.s32 @p2 $0x1  }
0x17: {  	s4 =	simm.s32 $0x1BF5;
	[smem:$0x3F97] =	sst s0  }
0x18: {  	s0 =	sld [smem:$0x3F7A];
	_ =	swait.ge [sflag:s4], $0x0  }
0x19: {  	s7 =	sld [smem:$0x3F7B]  }
0x1a: {  	s8 =	sadd.s32 $0xFFFFE003, lr  }
0x1b: {  	s9 =	sadd.s32 $0xFFFFFEF7, lr;
	s5 =	simm.s32 $0xFFFFFFFF;
	p2 =	slt.u32 s8, $0xFFFFF086  }
0x1c: {  	p1 =	slt.u32 s9, $0xF7A;
	s5 =	simm.s32 @!p2 $0x0  }
0x1d: {  	s5 =	simm.s32 @p1 $0x1;
	p0 =	seq.s32 s7, s2  }
0x1e: {  	s7 =	smul.u32 @!p0 $0xF7A, s2;
	p2 =	seq.s32 @!p0 s5, $0x0  }
0x1f: {  	s9 =	smul.u32 $0xF7A, s1;
	s8 =	simm.s32 @!p0 $0x1BF5;
	p2 =	por !p2, p0  }
0x20: {  	[sflag:s8] =	ssyncset.s32 @!p0 $0xFFFFF086;
	s6 =	sadd.s32 @!p0 s3, s7;
	s7 =	simm.s32 @!p0 $0x108  }
0x21: {  	s3 =	sadd.s32 s3, s9;
	s6 =	sadd.s32 @!p0 $0x88, s6;
	s7 =	simm.s32 @p2 $0x1082  }
0x22: {  	[simem:s7], [sflag:s8] =	dma.local @!p0 [hbm:s6], $0xF7A  }
0x23: {  	s9 =	sor.u32 $0xD0000000, s2;
	s6 =	simm.s32 $0x108;
	_ =	swait.ge @!p0 [sflag:s8], $0x0  }
0x24: {  	s3 =	sadd.s32 $0x88, s3;
	s6 =	simm.s32 @!p1 $0x1082;
	[sflag:s4] =	ssyncset.s32 $0xFFFFF086  }
0x25: {  	[simem:s6], [sflag:s4] =	dma.local [hbm:s3], $0xF7A  }
0x26: {  	[smem:$0x3F7B] =	sst s1;
	(tag) =	ssettag s2;
	_ =	strace s9  }
0x27: {  	s1 =	sld [smem:$0x3F8B]  }
0x28: {  	s2 =	sld [smem:$0x3F8C]  }
0x29: {  	s4 =	sld [smem:$0x3F8E]  }
0x2a: {  	p0 =	seq.s32 s5, $0x0;
	s5 =	sld [smem:$0x3F8F]  }
0x2b: {  	s6 =	sld [smem:$0x3F90]  }
0x2c: {  	s7 =	sld [smem:$0x3F91]  }
0x2d: {  	s3 =	simm.s32 $0x108;
	s8 =	sld [smem:$0x3F92]  }
0x2e: {  	s3 =	simm.s32 @!p0 $0x1082;
	s9 =	sld [smem:$0x3F93]  }
0x2f: {  	lr =	sadd.s32 s0, s3;
	s0 =	sld [smem:$0x3F8A]  }
0x30: {  	s3 =	sld [smem:$0x3F8D]  }
0x31: {  	[smem:$0x3F96] =	sst s10  }
0x32: {  	s10 =	sld [smem:$0x3F94];
	_ =	sdelay $0x3  }
0x33: {  	p0 =	seq.s32 s10, $0x1;
	s10 =	sld [smem:$0x3F96];
	_ =	sdelay $0x3  }
0x34: {  	[smem:$0x3F96] =	sst s10  }
0x35: {  	s10 =	sld [smem:$0x3F95];
	_ =	sdelay $0x3  }
0x36: {  	p1 =	seq.s32 s10, $0x1;
	s10 =	sld [smem:$0x3F96];
	_ =	sdelay $0x3  }
0x37: {  	[smem:$0x3F96] =	sst s10  }
0x38: {  	s10 =	sld [smem:$0x3F97]  }
0x39: {  	_ = 	snop;
	(pc) =	sbr.ind lr, $3  }
0x3a: {  	_ = 	snop  }
0x3b: {  	_ = 	snop  }
0x3c: {  	p2 =	seq.s32 s10, $0x1;
	s10 =	sld [smem:$0x3F96]  }
0x3d: {  	_ =	shalt  }
0x3e: {  	_ =	shalt  }
0x3f: {  	_ =	shalt  }
0x40: {  	_ =	shalt  }
0x41: {  	_ =	shalt  }
0x42: {  	_ =	shalt  }
0x43: {  	_ =	shalt  }
0x44: {  	_ =	shalt  }
0x45: {  	_ =	shalt  }
0x46: {  	_ =	shalt  }
0x47: {  	_ =	shalt  }
0x48: {  	_ =	shalt  }
0x49: {  	_ =	shalt  }
0x4a: {  	_ =	shalt  }
0x4b: {  	_ =	shalt  }
0x4c: {  	_ =	shalt  }
0x4d: {  	_ =	shalt  }
0x4e: {  	_ =	shalt  }
0x4f: {  	_ =	shalt  }
0x50: {  	_ =	shalt  }
0x51: {  	_ =	shalt  }
0x52: {  	_ =	shalt  }
0x53: {  	_ =	shalt  }
0x54: {  	_ =	shalt  }
0x55: {  	_ =	shalt  }
0x56: {  	_ =	shalt  }
0x57: {  	_ =	shalt  }
0x58: {  	_ =	shalt  }
0x59: {  	_ =	shalt  }
0x5a: {  	_ =	shalt  }
0x5b: {  	_ =	shalt  }
0x5c: {  	_ =	shalt  }
0x5d: {  	_ =	shalt  }
0x5e: {  	_ =	shalt  }
0x5f: {  	_ =	shalt  }
0x60: {  	_ =	shalt  }
0x61: {  	_ =	shalt  }
0x62: {  	_ =	shalt  }
0x63: {  	_ =	shalt  }
0x64: {  	_ =	shalt  }
0x65: {  	_ =	shalt  }
0x66: {  	_ =	shalt  }
0x67: {  	_ =	shalt  }
0x68: {  	_ =	shalt  }
0x69: {  	_ =	shalt  }
0x6a: {  	_ =	shalt  }
0x6b: {  	_ =	shalt  }
0x6c: {  	_ =	shalt  }
0x6d: {  	_ =	shalt  }
0x6e: {  	_ =	shalt  }
0x6f: {  	_ =	shalt  }
0x70: {  	_ =	shalt  }
0x71: {  	_ =	shalt  }
0x72: {  	_ =	shalt  }
0x73: {  	_ =	shalt  }
0x74: {  	_ =	shalt  }
0x75: {  	_ =	shalt  }
0x76: {  	_ =	shalt  }
0x77: {  	_ =	shalt  }
0x78: {  	_ =	shalt  }
0x79: {  	_ =	shalt  }
0x7a: {  	_ =	shalt  }
0x7b: {  	_ =	shalt  }
0x7c: {  	_ =	shalt  }
0x7d: {  	_ =	shalt  }
0x7e: {  	_ =	shalt  }
0x7f: {  	_ =	shalt  }
0x80: {  	_ =	shalt  }
0x81: {  	_ =	shalt  }
0x82: {  	_ =	shalt  }
0x83: {  	_ =	shalt  }
0x84: {  	_ =	shalt  }
0x85: {  	_ =	shalt  }
0x86: {  	_ =	shalt  }
0x87: {  	_ =	shalt  }
.Lfunc_end0:
.L_simem_size_0:
called_computation_lowered:
.L_overlay_start_0:
0x88: {  	s2 =	sld [smem:$0x3FD9]  }
0x89: {  	s3 =	sld [smem:$0x3FFE];
	_ =	sdelay $0x1  }
0x8a: {  	s1 =	srdreg.scid  }
0x8b: {  	s0 =	sand.u32 $0x1, s1  }
0x8c: {  	s16 =	sshll.u32 s0, $0xA;
	s2 =	sadd.s32 s3, s2  }
0x8d: {  	s2 =	sadd.s32 s2, s16  }
0x8e: {  	[smem:$0x3FA2] =	sst s2  }
0x8f: {  	_ = 	snop  }
0x90: {  	(tm) =	ssettm $0x1  }
0x91: {  	s17 =	sld [smem:$0x3FFB];
	_ =	sdelay $0x3  }
0x92: {  	_ =	strace s17  }
0x93: {  	s2 =	sld [smem:$0x3FFC];
	_ =	sdelay $0x3  }
0x94: {  	_ =	strace s2  }
0x95: {  	s2 =	sld [smem:$0x3FFD];
	_ =	sdelay $0x3  }
0x96: {  	_ =	strace s2  }
0x97: {  	_ =	strace $0x8FFFFFFF  }
0x98: {  	s18 =	sld [smem:$0x3FDB];
	_ =	sdelay $0x1  }
0x99: {  	s19 =	simm.s32 $_scs_section_size  }
0x9a: {  	s4 =	simm.s32 $_size__tile_overlayer_lowered;
	s5 =	simm.s32 $_tile_overlayer_lowered  }
0x9b: {  	s22 =	simm.s32 $0x1BFF;
	s21 =	sshll.u32 s5, $0x1;
	s2 =	sadd.s32 s19, s18  }
0x9c: {  	s6 =	simm.s32 $0x0;
	s20 =	sshll.u32 s4, $0x1;
	s4 =	sadd.s32 s21, s2  }
0x9d: {  	[timem:s6], [sflag:s22] =	dma.local [hbm:s4], s20  }
0x9e: {  	_ =	swait.ge [sflag:s22], s20  }
0x9f: {  	s3 =	ssub.s32 $0x0, s20;
	[sflag:s22] =	ssyncset.done $0x0  }
0xa0: {  	[sflag:s22] =	ssyncadd.s32 s3;
	_ =	sdelay $0x1  }
0xa1: {  	s23 =	simm.s32 $0x1B8B  }
0xa2: {  	_ =	swait.ge [sflag:s23], $0x1  }
0xa3: {  	[sflag:s23] =	ssyncset.done $0x0  }
0xa4: {  	s25 =	simm.s32 $0x1B8E;
	s24 =	sld [smem:$0x3FFE];
	[sflag:s23] =	ssyncadd.s32 $0xFFFFFFFF  }
0xa5: {  	s26 =	simm.s32 $execute0_lowered;
	[smem:$0x3FD2] =	sst s25  }
0xa6: {  	s4 =	sshll.u32 s26, $0x1;
	_ =	strace $0x80000046;
	[dreg:$0x1] =	wrdreg $0xFFFFFFFF  }
0xa7: {  	s28 =	simm.s32 $_size_execute0_lowered;
	s2 =	sadd.s32 s2, s4;
	[dreg:$0x0] =	wrdreg $0x0  }
0xa8: {  	s4 =	sshll.u32 s28, $0x1;
	[dreg:$0x2] =	wrdreg s2  }
0xa9: {  	[dreg:$0x3] =	wrdreg s4  }
0xaa: {  	[dreg:$0x4] =	wrdreg $0xC0  }
0xab: {  	_ =	task [dreg:s6], $0x5FFFF  }
0xac: {  	[dreg:$0x1] =	wrdreg $0xFFFFFFFF  }
0xad: {  	[dreg:$0x0] =	wrdreg $0x60  }
0xae: {  	[dreg:$0x2] =	wrdreg s24  }
0xaf: {  	[dreg:$0x3] =	wrdreg $0x9  }
0xb0: {  	_ =	task.clear_ibuf [dreg:s6], $0x4FFFF;
	_ =	strace $0x90000046  }
0xb1: {  	s29 =	simm.s32 $0x9;
	_ =	strace $0x80000048  }
0xb2: {  	_ =	swait.ge [sflag:s29], $0x1  }
0xb3: {  	[sflag:s29] =	ssyncadd.s32 $0xFFFFFFFF  }
0xb4: {  	_ =	strace $0x90000048  }
0xb5: {  	_ =	sfence  }
0xb6: {  	s30 =	sld [smem:$0x0];
	_ =	sdelay $0x2  }
0xb7: {  	s31 =	sshll.u32 s1, $0xD;
	s1 =	sshrl.u32 s1, $0x2  }
0xb8: {  	s3 =	sand.u32 $0x4000, s31;
	s1 =	sadd.s32 s1, s30  }
0xb9: {  	s0 =	sor.u32 s3, s0;
	s1 =	sshll.u32 s1, $0x11  }
0xba: {  	s0 =	sor.u32 s1, s0  }
0xbb: {  	s0 =	sadd.s32 $0x8F2B, s0  }
0xbc: {  	[sflag:s0] =	ssyncadd.remote.s32 $0x1  }
0xbd: {  	_ =	sfence.sel $0xFFFF  }
0xbe: {  	[dreg:$0x0] =	wrdreg $0xFFFFFFFF;
	(pc) =	sbr.abs _section_cstart, $3  }
0xbf: {  	[dreg:$0x1] =	wrdreg $0xFFFFFFFF  }
0xc0: {  	_ =	task.clear_ibuf [dreg:s6], $0x2FFFF;
	_ =	strace $0x9FFFFFFF  }
0xc1: {  	(tm) =	ssettm $0x7FFFFFFF  }
tec
execute0_lowered:
.L_overlay_start_1:
0x0: {  	(tag) =	ssettag $0x1  }
0x1: {  	s8 =	rddreg [dreg:$0x0]  }
0x2: {  	s0 =	rddreg [dreg:$0x1];
	_ =	strace $0x80000047;
	s1 =	stileid.u32  }
0x3: {  	s3 =	srdreg.scid;
	s4 =	simm.s32 $0x1;
	s7 =	simm.s32 $0x1  }
0x4: {  	s9 =	simm.s32 $0x1;
	s10 =	simm.s32 $0x3;
	s13 =	simm.s32 $0x0  }
0x5: {  	s12 =	simm.s32 $0x0;
	s5 =	sand.u32 $0x1, s3;
	s6 =	sshll.u32 s1, $0x1  }
0x6: {  	s2 =	sadd.s32 $0x3C00, s8;
	s3 =	sadd.s32 $0x4600, s8;
	s5 =	sor.u32 s6, s5  }
.Ltmp0:
0x7: {  	[sflag:s4] =	ssyncpa.u1 $0x0;
	p0 =	slt.u32 s5, $0x13;
	(pc) =	sbr.rel .LBB2_1-.Ltmp0, $4  }
0x8: {  	s6 =	simm.s32 $0x2;
	s7 =	simm.s32 @!p0 $0x0;
	p0 =	sne.s32 s5, $0x12  }
0x9: {  	[sflag:s6] =	ssyncpa.u1 $0x0;
	s5 =	smul.u32 $0x190, s5;
	s9 =	simm.s32 @!p0 $0x0  }
0xa: {  	s8 =	sadd.s32 $0x53200, s8;
	[sflag:s10] =	ssyncpa.u1 $0x0;
	s7 =	sadd.s32 s9, s7  }
0xb: {  	vm0 =	vmmov $0xffff;
	s10 =	simm.s32 $0x0;
	s11 =	smov.u32 s5;
	s9 =	sadd.s32 $0x1, s7  }
.LBB2_4:
0xc: {  	v2 =	vnsel vm1, $0x0, v2  }
0xd: {  	vm1 =	vgt.s32 v0, $0x0;
	v2 =	vmin.u32 v2, $0x4E1F  }
0xe: {  	v0 =	vnsel vm1, $0x0, v0  }
0xf: {  	v0 =	vmin.u32 v0, $0x4E1F  }
0x10: {  	[tilespmem:s18], [sflag:$0x1] =	stream.indirect_vreg.gather [hbm4b:s2+s10], $0x1, v1, vm0, $0x4038;
	[tilespmem:$0x640] =	vst v63  }
0x11: {  	(ifvalue) =	ssetifvalue $0x7FFFFFFF  }
0x12: {  	[tilespmem:s15], [sflag:$0x1] =	stream.indirect_vreg.gather [hbm4b:s2+s10], $0x1, v2, vm0, $0x4038;
	[tilespmem:$0x640] =	vst v63  }
0x13: {  	s29 =	sadd.s32 $0x10, s15;
	(ifvalue) =	ssetifvalue $0x7FFFFFFF  }
0x14: {  	[tilespmem:s29], [sflag:$0x1] =	stream.indirect_vreg.gather [hbm4b:s2+s10], $0x1, v0, vm0, $0x4038;
	[tilespmem:$0x640] =	vst v63  }
0x15: {  	_ =	swait.ge [sflag:s4], $0x190  }
0x16: {  	s30 =	sshrl.u32 s13, $0x3;
	[sflag:s4] =	ssyncset.done $0x0  }
0x17: {  	s31 =	sand.u32 $0x7, s13;
	s15 =	sadd.s32 s8, s30;
	[sflag:s4] =	ssyncadd.s32 $0xFFFFFE70  }
0x18: {  	[hbm4b:s15+s31] =	stream.linear.scatter [tilespmem:s14], [sflag:$0x3], $0x190, $0x38;
	[tilespmem:$0x640] =	vst v63  }
.LBB2_5:
0x19: {  	s15 =	sadd.s32 $0x3200, s11  }
0x1a: {  	p1 =	sgt.s32 s15, $0x4E1F  }
0x1b: {  	s15 =	smov.u32 @p1 s5;
	p1 =	sne.s32 s12, s9  }
.Ltmp1:
0x1c: {  	p0 =	slt.u32 s12, $0x2;
	(pc) =	sbr.rel @!p1 .LBB2_6-.Ltmp1, $4  }
0x1d: {  	s14 =	simm.s32 @!p0 $0x3  }
0x1e: {  	_ =	swait.ge @!p0 [sflag:s14], $0x190  }
0x1f: {  	s16 =	sadd.s32 $0x1, s12;
	s13 =	smov.u32 s11;
	[sflag:s14] =	ssyncset.done @!p0 $0x0  }
0x20: {  	s12 =	smov.u32 s16;
	s11 =	smov.u32 s15;
	[sflag:s14] =	ssyncadd.s32 @!p0 $0xFFFFFE70  }
.LBB2_1:
0x21: {  	p0 =	sge.u32 s12, s7  }
0x22: {  	s14 =	sxor.u32 @!p0 $0x1, s12  }
0x23: {  	s14 =	smul.u32 @!p0 $0x640, s14  }
0x24: {  	s31 =	sadd.s32 $0xFFFFFFFF, s12;
	s15 =	sshrl.u32 @!p0 s11, $0x3  }
0x25: {  	s16 =	sand.u32 @!p0 $0x7, s11;
	s15 =	sadd.s32 @!p0 s3, s15;
	s14 =	sshra.s32 @!p0 s14, $0x2  }
0x26: {  	[tilespmem:s14], [sflag:$0x2] =	stream.linear.gather @!p0 [hbm4b:s15+s16], $0x190, $0x38;
	[tilespmem:$0x640] =	vst v63  }
0x27: {  	p0 =	sge.u32 s31, s7  }
.Ltmp2:
0x28: {  	_ = 	snop;
	(pc) =	sbr.rel @p0 .LBB2_5-.Ltmp2, $1  }
0x29: {  	_ =	sdelay $0x3  }
0x2a: {  	s14 =	sand.u32 $0x1, s12  }
0x2b: {  	_ =	swait.ge [sflag:s6], $0x190;
	p0 =	seq.s32 s14, $0x1;
	s14 =	simm.s32 $0x190  }
0x2c: {  	[sflag:s6] =	ssyncset.done $0x0;
	s14 =	simm.s32 @!p0 $0x0  }
0x2d: {  	[sflag:s6] =	ssyncadd.s32 $0xFFFFFE70;
	(ifvalue) =	ssetifvalue $0x7FFFFFFF;
	v0 =	vld.msk [tilespmem:s14+$0x0 ss:$0x1], $0xffff;
	_ =	sdelay $0x4  }
0x2e: {  	s15 =	sadd.s32 $0x10, s14;
	vm1 =	vgt.s32 v0, $0x0  }
0x2f: {  	v2 =	vld.msk [tilespmem:s15+$0x0 ss:$0x1], $0xffff;
	v1 =	vnsel vm1, $0x0, v0  }
0x30: {  	v1 =	vmin.u32 v1, $0x4E1F;
	_ =	sdelay $0x2  }
0x31: {  	s17 =	simm.s32 $0x20;
	s14 =	sadd.s32 $0x320, s14;
	s16 =	sadd.s32 $0x10, s15  }
0x32: {  	s15 =	sadd.s32 $0x10, s14;
	s18 =	smov.u32 s14;
	v0 =	vld.msk [tilespmem:s16+$0x0 ss:$0x1], $0xffff;
	vm1 =	vgt.s32 v2, $0x0;
	(ifvalue) =	ssetifvalue $0x7FFFFFFF  }
.LBB2_3:
0x33: {  	[tilespmem:s18], [sflag:$0x1] =	stream.indirect_vreg.gather [hbm4b:s2+s10], $0x1, v1, vm0, $0x4038;
	[tilespmem:$0x640] =	vst v63  }
0x34: {  	s17 =	sadd.s32 $0x10, s17  }
0x35: {  	v2 =	vnsel vm1, $0x0, v2;
	p0 =	slt.u32 s17, $0x180  }
.Ltmp3:
0x36: {  	s18 =	smov.u32 s15;
	v1 =	vmin.u32 v2, $0x4E1F;
	(pc) =	sbr.rel @p0 .LBB2_3-.Ltmp3, $3  }
0x37: {  	_ =	sdelay $0x1  }
0x38: {  	s16 =	sadd.s32 $0x10, s16  }
0x39: {  	vm1 =	vgt.s32 v0, $0x0;
	s15 =	sadd.s32 $0x10, s15;
	v2 =	vmov v0;
	(ifvalue) =	ssetifvalue $0x7FFFFFFF;
	v0 =	vld.msk [tilespmem:s16+$0x0 ss:$0x1], $0xffff  }
.Ltmp4:
0x3a: {  	_ = 	snop;
	(pc) =	sbr.rel .LBB2_4-.Ltmp4, $1  }
0x3b: {  	_ =	sdelay $0x3  }
.LBB2_6:
0x3c: {  	_ =	sfence.sel $0x180000  }
0x3d: {  	s2 =	simm.s32 $0x2;
	[bflag:$0x0] =	sbarrier.arrive $0xFFFF  }
0x3e: {  	s30 =	simm.s32 $0x3;
	[sflag:s2] =	ssyncpa.u1 $0x1  }
0x3f: {  	s31 =	simm.s32 $0x1;
	[sflag:s30] =	ssyncpa.u1 $0x1  }
0x40: {  	[sflag:s31] =	ssyncpa.u1 $0x1  }
0x41: {  	p0 =	sne.s32 s1, $0x0;
	_ =	strace $0x90000047  }
0x42: {  	s0 =	sadd.s32 @!p0 $0x100000, s0;
	[bflag:$0x2] =	sbarrier.arrive $0xFFFF  }
0x43: {  	[sflag:s0] =	ssyncadd.tile.s32 @!p0 $0x1;
	_ =	shalt  }
.Lfunc_end2:
_tile_overlayer_lowered:
.L_overlay_start_2:
0x44: {  	(tag) =	ssettag $0x2  }
0x45: {  	s0 =	rddreg [dreg:$0x0];
	s2 =	stileid.u32  }
0x46: {  	s1 =	rddreg [dreg:$0x1];
	p0 =	sne.s32 s2, $0x0  }
0x47: {  	s3 =	rddreg [dreg:$0x2];
	[bflag:$0x3] =	sbarrier.arrive $0xFFFF;
	s2 =	simm.s32 @!p0 $0x1C01  }
0x48: {  	[timem:s3], [sflag:s2] =	dma.local @!p0 [hbm:s0], s1  }
0x49: {  	s0 =	simm.s32 @!p0 $0x1  }
0x4a: {  	_ =	swait.ge @!p0 [sflag:s0], s1  }
0x4b: {  	s1 =	ssub.s32 @!p0 $0x0, s1;
	[sflag:s0] =	ssyncset.done @!p0 $0x0  }
0x4c: {  	[sflag:s0] =	ssyncadd.s32 @!p0 s1  }
0x4d: {  	[bflag:$0x3] =	sbarrier.arrive $0xFFFF  }
0x4e: {  	_ =	shalt  }

// kernel: sc_gather_l0.3.cloned.1.call-start
scs
__scs_entry_jumppad:
0x0: {  	(pc) =	sbr.rel $0x88, $3  }
0x1: {  	(tag) =	ssettag $0x0;
	lr =	simm.s32 $0x1  }
0x2: {  	[smem:$0x3F7B] =	sst lr;
	_ =	strace $0xD0000000  }
0x3: {  	_ = 	snop  }
0x4: {  	_ = 	snop  }
0x5: {  	_ = 	snop  }
0x6: {  	_ = 	snop  }
0x7: {  	_ = 	snop  }
__scs_overlays_trampoline_lowered:
0x8: {  	[smem:$0x3F8A] =	sst s0  }
0x9: {  	[smem:$0x3F8B] =	sst s1  }
0xa: {  	[smem:$0x3F8C] =	sst s2  }
0xb: {  	[smem:$0x3F8D] =	sst s3  }
0xc: {  	[smem:$0x3F8E] =	sst s4  }
0xd: {  	[smem:$0x3F8F] =	sst s5  }
0xe: {  	[smem:$0x3F90] =	sst s6  }
0xf: {  	[smem:$0x3F91] =	sst s7  }
0x10: {  	[smem:$0x3F92] =	sst s8  }
0x11: {  	[smem:$0x3F93] =	sst s9;
	s0 =	simm.s32 @!p0 $0x0  }
0x12: {  	s1 =	sld [smem:$0x3F79];
	s0 =	simm.s32 @p0 $0x1  }
0x13: {  	[smem:$0x3F94] =	sst s0;
	s0 =	simm.s32 @!p1 $0x0  }
0x14: {  	s2 =	sld [smem:$0x3F78];
	s0 =	simm.s32 @p1 $0x1  }
0x15: {  	[smem:$0x3F95] =	sst s0;
	s0 =	simm.s32 @!p2 $0x0  }
0x16: {  	s3 =	sld [smem:$0x3FDB];
	s0 =	simm.s32 @p2 $0x1  }
0x17: {  	s4 =	simm.s32 $0x1BF5;
	[smem:$0x3F97] =	sst s0  }
0x18: {  	s0 =	sld [smem:$0x3F7A];
	_ =	swait.ge [sflag:s4], $0x0  }
0x19: {  	s7 =	sld [smem:$0x3F7B]  }
0x1a: {  	s8 =	sadd.s32 $0xFFFFE003, lr  }
0x1b: {  	s9 =	sadd.s32 $0xFFFFFEF7, lr;
	s5 =	simm.s32 $0xFFFFFFFF;
	p2 =	slt.u32 s8, $0xFFFFF086  }
0x1c: {  	p1 =	slt.u32 s9, $0xF7A;
	s5 =	simm.s32 @!p2 $0x0  }
0x1d: {  	s5 =	simm.s32 @p1 $0x1;
	p0 =	seq.s32 s7, s2  }
0x1e: {  	s7 =	smul.u32 @!p0 $0xF7A, s2;
	p2 =	seq.s32 @!p0 s5, $0x0  }
0x1f: {  	s9 =	smul.u32 $0xF7A, s1;
	s8 =	simm.s32 @!p0 $0x1BF5;
	p2 =	por !p2, p0  }
0x20: {  	[sflag:s8] =	ssyncset.s32 @!p0 $0xFFFFF086;
	s6 =	sadd.s32 @!p0 s3, s7;
	s7 =	simm.s32 @!p0 $0x108  }
0x21: {  	s3 =	sadd.s32 s3, s9;
	s6 =	sadd.s32 @!p0 $0x88, s6;
	s7 =	simm.s32 @p2 $0x1082  }
0x22: {  	[simem:s7], [sflag:s8] =	dma.local @!p0 [hbm:s6], $0xF7A  }
0x23: {  	s9 =	sor.u32 $0xD0000000, s2;
	s6 =	simm.s32 $0x108;
	_ =	swait.ge @!p0 [sflag:s8], $0x0  }
0x24: {  	s3 =	sadd.s32 $0x88, s3;
	s6 =	simm.s32 @!p1 $0x1082;
	[sflag:s4] =	ssyncset.s32 $0xFFFFF086  }
0x25: {  	[simem:s6], [sflag:s4] =	dma.local [hbm:s3], $0xF7A  }
0x26: {  	[smem:$0x3F7B] =	sst s1;
	(tag) =	ssettag s2;
	_ =	strace s9  }
0x27: {  	s1 =	sld [smem:$0x3F8B]  }
0x28: {  	s2 =	sld [smem:$0x3F8C]  }
0x29: {  	s4 =	sld [smem:$0x3F8E]  }
0x2a: {  	p0 =	seq.s32 s5, $0x0;
	s5 =	sld [smem:$0x3F8F]  }
0x2b: {  	s6 =	sld [smem:$0x3F90]  }
0x2c: {  	s7 =	sld [smem:$0x3F91]  }
0x2d: {  	s3 =	simm.s32 $0x108;
	s8 =	sld [smem:$0x3F92]  }
0x2e: {  	s3 =	simm.s32 @!p0 $0x1082;
	s9 =	sld [smem:$0x3F93]  }
0x2f: {  	lr =	sadd.s32 s0, s3;
	s0 =	sld [smem:$0x3F8A]  }
0x30: {  	s3 =	sld [smem:$0x3F8D]  }
0x31: {  	[smem:$0x3F96] =	sst s10  }
0x32: {  	s10 =	sld [smem:$0x3F94];
	_ =	sdelay $0x3  }
0x33: {  	p0 =	seq.s32 s10, $0x1;
	s10 =	sld [smem:$0x3F96];
	_ =	sdelay $0x3  }
0x34: {  	[smem:$0x3F96] =	sst s10  }
0x35: {  	s10 =	sld [smem:$0x3F95];
	_ =	sdelay $0x3  }
0x36: {  	p1 =	seq.s32 s10, $0x1;
	s10 =	sld [smem:$0x3F96];
	_ =	sdelay $0x3  }
0x37: {  	[smem:$0x3F96] =	sst s10  }
0x38: {  	s10 =	sld [smem:$0x3F97]  }
0x39: {  	_ = 	snop;
	(pc) =	sbr.ind lr, $3  }
0x3a: {  	_ = 	snop  }
0x3b: {  	_ = 	snop  }
0x3c: {  	p2 =	seq.s32 s10, $0x1;
	s10 =	sld [smem:$0x3F96]  }
0x3d: {  	_ =	shalt  }
0x3e: {  	_ =	shalt  }
0x3f: {  	_ =	shalt  }
0x40: {  	_ =	shalt  }
0x41: {  	_ =	shalt  }
0x42: {  	_ =	shalt  }
0x43: {  	_ =	shalt  }
0x44: {  	_ =	shalt  }
0x45: {  	_ =	shalt  }
0x46: {  	_ =	shalt  }
0x47: {  	_ =	shalt  }
0x48: {  	_ =	shalt  }
0x49: {  	_ =	shalt  }
0x4a: {  	_ =	shalt  }
0x4b: {  	_ =	shalt  }
0x4c: {  	_ =	shalt  }
0x4d: {  	_ =	shalt  }
0x4e: {  	_ =	shalt  }
0x4f: {  	_ =	shalt  }
0x50: {  	_ =	shalt  }
0x51: {  	_ =	shalt  }
0x52: {  	_ =	shalt  }
0x53: {  	_ =	shalt  }
0x54: {  	_ =	shalt  }
0x55: {  	_ =	shalt  }
0x56: {  	_ =	shalt  }
0x57: {  	_ =	shalt  }
0x58: {  	_ =	shalt  }
0x59: {  	_ =	shalt  }
0x5a: {  	_ =	shalt  }
0x5b: {  	_ =	shalt  }
0x5c: {  	_ =	shalt  }
0x5d: {  	_ =	shalt  }
0x5e: {  	_ =	shalt  }
0x5f: {  	_ =	shalt  }
0x60: {  	_ =	shalt  }
0x61: {  	_ =	shalt  }
0x62: {  	_ =	shalt  }
0x63: {  	_ =	shalt  }
0x64: {  	_ =	shalt  }
0x65: {  	_ =	shalt  }
0x66: {  	_ =	shalt  }
0x67: {  	_ =	shalt  }
0x68: {  	_ =	shalt  }
0x69: {  	_ =	shalt  }
0x6a: {  	_ =	shalt  }
0x6b: {  	_ =	shalt  }
0x6c: {  	_ =	shalt  }
0x6d: {  	_ =	shalt  }
0x6e: {  	_ =	shalt  }
0x6f: {  	_ =	shalt  }
0x70: {  	_ =	shalt  }
0x71: {  	_ =	shalt  }
0x72: {  	_ =	shalt  }
0x73: {  	_ =	shalt  }
0x74: {  	_ =	shalt  }
0x75: {  	_ =	shalt  }
0x76: {  	_ =	shalt  }
0x77: {  	_ =	shalt  }
0x78: {  	_ =	shalt  }
0x79: {  	_ =	shalt  }
0x7a: {  	_ =	shalt  }
0x7b: {  	_ =	shalt  }
0x7c: {  	_ =	shalt  }
0x7d: {  	_ =	shalt  }
0x7e: {  	_ =	shalt  }
0x7f: {  	_ =	shalt  }
0x80: {  	_ =	shalt  }
0x81: {  	_ =	shalt  }
0x82: {  	_ =	shalt  }
0x83: {  	_ =	shalt  }
0x84: {  	_ =	shalt  }
0x85: {  	_ =	shalt  }
0x86: {  	_ =	shalt  }
0x87: {  	_ =	shalt  }
.Lfunc_end0:
.L_simem_size_0:
called_computation.3_lowered:
.L_overlay_start_0:
0x88: {  	s2 =	sld [smem:$0x3FD9]  }
0x89: {  	s3 =	sld [smem:$0x3FFE];
	_ =	sdelay $0x1  }
0x8a: {  	s1 =	srdreg.scid  }
0x8b: {  	s0 =	sand.u32 $0x1, s1  }
0x8c: {  	s16 =	sshll.u32 s0, $0xA;
	s2 =	sadd.s32 s3, s2  }
0x8d: {  	s2 =	sadd.s32 s2, s16  }
0x8e: {  	[smem:$0x3FA2] =	sst s2  }
0x8f: {  	_ = 	snop  }
0x90: {  	(tm) =	ssettm $0x1  }
0x91: {  	s17 =	sld [smem:$0x3FFB];
	_ =	sdelay $0x3  }
0x92: {  	_ =	strace s17  }
0x93: {  	s2 =	sld [smem:$0x3FFC];
	_ =	sdelay $0x3  }
0x94: {  	_ =	strace s2  }
0x95: {  	s2 =	sld [smem:$0x3FFD];
	_ =	sdelay $0x3  }
0x96: {  	_ =	strace s2  }
0x97: {  	_ =	strace $0x8FFFFFFF  }
0x98: {  	s18 =	sld [smem:$0x3FDB];
	_ =	sdelay $0x1  }
0x99: {  	s19 =	simm.s32 $_scs_section_size  }
0x9a: {  	s4 =	simm.s32 $_size__tile_overlayer_lowered;
	s5 =	simm.s32 $_tile_overlayer_lowered  }
0x9b: {  	s22 =	simm.s32 $0x1BFF;
	s21 =	sshll.u32 s5, $0x1;
	s2 =	sadd.s32 s19, s18  }
0x9c: {  	s6 =	simm.s32 $0x0;
	s20 =	sshll.u32 s4, $0x1;
	s4 =	sadd.s32 s21, s2  }
0x9d: {  	[timem:s6], [sflag:s22] =	dma.local [hbm:s4], s20  }
0x9e: {  	_ =	swait.ge [sflag:s22], s20  }
0x9f: {  	s3 =	ssub.s32 $0x0, s20;
	[sflag:s22] =	ssyncset.done $0x0  }
0xa0: {  	[sflag:s22] =	ssyncadd.s32 s3;
	_ =	sdelay $0x1  }
0xa1: {  	s23 =	simm.s32 $0x1B8B  }
0xa2: {  	_ =	swait.ge [sflag:s23], $0x1  }
0xa3: {  	[sflag:s23] =	ssyncset.done $0x0  }
0xa4: {  	s25 =	simm.s32 $0x1B8E;
	s24 =	sld [smem:$0x3FFE];
	[sflag:s23] =	ssyncadd.s32 $0xFFFFFFFF  }
0xa5: {  	s26 =	simm.s32 $execute0_lowered;
	[smem:$0x3FD2] =	sst s25  }
0xa6: {  	s4 =	sshll.u32 s26, $0x1;
	_ =	strace $0x8000004F;
	[dreg:$0x1] =	wrdreg $0xFFFFFFFF  }
0xa7: {  	s28 =	simm.s32 $_size_execute0_lowered;
	s2 =	sadd.s32 s2, s4;
	[dreg:$0x0] =	wrdreg $0x0  }
0xa8: {  	s4 =	sshll.u32 s28, $0x1;
	[dreg:$0x2] =	wrdreg s2  }
0xa9: {  	[dreg:$0x3] =	wrdreg s4  }
0xaa: {  	[dreg:$0x4] =	wrdreg $0xC0  }
0xab: {  	_ =	task [dreg:s6], $0x5FFFF  }
0xac: {  	[dreg:$0x1] =	wrdreg $0xFFFFFFFF  }
0xad: {  	[dreg:$0x0] =	wrdreg $0x60  }
0xae: {  	[dreg:$0x2] =	wrdreg s24  }
0xaf: {  	[dreg:$0x3] =	wrdreg $0x9  }
0xb0: {  	_ =	task.clear_ibuf [dreg:s6], $0x4FFFF;
	_ =	strace $0x9000004F  }
0xb1: {  	s29 =	simm.s32 $0x9;
	_ =	strace $0x80000051  }
0xb2: {  	_ =	swait.ge [sflag:s29], $0x1  }
0xb3: {  	[sflag:s29] =	ssyncadd.s32 $0xFFFFFFFF  }
0xb4: {  	_ =	strace $0x90000051  }
0xb5: {  	_ =	sfence  }
0xb6: {  	s30 =	sld [smem:$0x0];
	_ =	sdelay $0x2  }
0xb7: {  	s31 =	sshll.u32 s1, $0xD;
	s1 =	sshrl.u32 s1, $0x2  }
0xb8: {  	s3 =	sand.u32 $0x4000, s31;
	s1 =	sadd.s32 s1, s30  }
0xb9: {  	s0 =	sor.u32 s3, s0;
	s1 =	sshll.u32 s1, $0x11  }
0xba: {  	s0 =	sor.u32 s1, s0  }
0xbb: {  	s0 =	sadd.s32 $0x8F2B, s0  }
0xbc: {  	[sflag:s0] =	ssyncadd.remote.s32 $0x1  }
0xbd: {  	_ =	sfence.sel $0xFFFF  }
0xbe: {  	[dreg:$0x0] =	wrdreg $0xFFFFFFFF;
	(pc) =	sbr.abs _section_cstart, $3  }
0xbf: {  	[dreg:$0x1] =	wrdreg $0xFFFFFFFF  }
0xc0: {  	_ =	task.clear_ibuf [dreg:s6], $0x2FFFF;
	_ =	strace $0x9FFFFFFF  }
0xc1: {  	(tm) =	ssettm $0x7FFFFFFF  }
tec
execute0_lowered:
.L_overlay_start_1:
0x0: {  	(tag) =	ssettag $0x1  }
0x1: {  	s1 =	srdreg.scid;
	s0 =	stileid.u32  }
0x2: {  	s16 =	sand.u32 $0x1, s1;
	s29 =	sshll.u32 s0, $0x1  }
0x3: {  	s1 =	sor.u32 s16, s29  }
0x4: {  	s8 =	rddreg [dreg:$0x0];
	s2 =	simm.s32 $0x0;
	s17 =	smul.u32 $0x4380, s1  }
0x5: {  	[smem:$0x7FF] =	sst s2  }
0x6: {  	s15 =	sadd.s32 $0x9600, s8;
	s1 =	rddreg [dreg:$0x1];
	s3 =	sshrl.u32 s17, $0x3  }
0x7: {  	_ =	strace $0x80000050;
	s4 =	sadd.s32 s15, s3;
	s3 =	simm.s32 $0x2  }
0x8: {  	[tilespmem:s2], [sflag:$0x2] =	stream.linear.gather [hbm4b:s4+s2], $0xD80, $0x38;
	[tilespmem:$0x7980] =	vst v63  }
0x9: {  	_ =	swait.ge [sflag:s3], $0xD80  }
0xa: {  	s6 =	simm.s32 $0xD80;
	[sflag:s3] =	ssyncset.done $0x0  }
0xb: {  	s7 =	simm.s32 $0x1;
	s5 =	sadd.s32 $0x53C00, s8;
	[sflag:s3] =	ssyncadd.s32 $0xFFFFF280  }
0xc: {  	[tilespmem:s6], [sflag:$0x1] =	stream.indirect.gather [hbm4b:s5+s6], $0x8, s2, s6, $0xb8;
	[tilespmem:$0x7980] =	vst v63  }
0xd: {  	_ =	swait.ge [sflag:s7], $0x6C00  }
0xe: {  	s18 =	sadd.s32 $0x105400, s8;
	[sflag:s7] =	ssyncset.done $0x0  }
0xf: {  	s8 =	sadd.s32 s18, s17;
	[sflag:s7] =	ssyncadd.s32 $0xFFFF9400  }
0x10: {  	[hbm4b:s8+s2] =	stream.linear.scatter [tilespmem:s6], [sflag:$0x2], $0x6C00, $0x38;
	[tilespmem:$0x7980] =	vst v63  }
0x11: {  	s10 =	sadd.s32 $0xD80, s17;
	_ =	swait.ge [sflag:s3], $0x6C00  }
0x12: {  	s9 =	sshrl.u32 s10, $0x3;
	[sflag:s3] =	ssyncset.done $0x0  }
0x13: {  	s9 =	sadd.s32 s15, s9;
	[sflag:s3] =	ssyncadd.s32 $0xFFFF9400  }
0x14: {  	[tilespmem:s2], [sflag:$0x2] =	stream.linear.gather [hbm4b:s9+s2], $0xD80, $0x38;
	[tilespmem:$0x7980] =	vst v63  }
0x15: {  	_ =	swait.ge [sflag:s3], $0xD80  }
0x16: {  	[sflag:s3] =	ssyncset.done $0x0  }
0x17: {  	[sflag:s3] =	ssyncadd.s32 $0xFFFFF280  }
0x18: {  	[tilespmem:s6], [sflag:$0x1] =	stream.indirect.gather [hbm4b:s5+s6], $0x8, s2, s6, $0xb8;
	[tilespmem:$0x7980] =	vst v63  }
0x19: {  	_ =	swait.ge [sflag:s7], $0x6C00  }
0x1a: {  	[sflag:s7] =	ssyncset.done $0x0  }
0x1b: {  	s10 =	sadd.s32 s18, s10;
	[sflag:s7] =	ssyncadd.s32 $0xFFFF9400  }
0x1c: {  	[hbm4b:s10+s2] =	stream.linear.scatter [tilespmem:s6], [sflag:$0x2], $0x6C00, $0x38;
	[tilespmem:$0x7980] =	vst v63  }
0x1d: {  	s12 =	sadd.s32 $0x1B00, s17;
	_ =	swait.ge [sflag:s3], $0x6C00  }
0x1e: {  	s11 =	sshrl.u32 s12, $0x3;
	[sflag:s3] =	ssyncset.done $0x0  }
0x1f: {  	s11 =	sadd.s32 s15, s11;
	[sflag:s3] =	ssyncadd.s32 $0xFFFF9400  }
0x20: {  	[tilespmem:s2], [sflag:$0x2] =	stream.linear.gather [hbm4b:s11+s2], $0xD80, $0x38;
	[tilespmem:$0x7980] =	vst v63  }
0x21: {  	_ =	swait.ge [sflag:s3], $0xD80  }
0x22: {  	[sflag:s3] =	ssyncset.done $0x0  }
0x23: {  	[sflag:s3] =	ssyncadd.s32 $0xFFFFF280  }
0x24: {  	[tilespmem:s6], [sflag:$0x1] =	stream.indirect.gather [hbm4b:s5+s6], $0x8, s2, s6, $0xb8;
	[tilespmem:$0x7980] =	vst v63  }
0x25: {  	_ =	swait.ge [sflag:s7], $0x6C00  }
0x26: {  	[sflag:s7] =	ssyncset.done $0x0  }
0x27: {  	s12 =	sadd.s32 s18, s12;
	[sflag:s7] =	ssyncadd.s32 $0xFFFF9400  }
0x28: {  	[hbm4b:s12+s2] =	stream.linear.scatter [tilespmem:s6], [sflag:$0x2], $0x6C00, $0x38;
	[tilespmem:$0x7980] =	vst v63  }
0x29: {  	s14 =	sadd.s32 $0x2880, s17;
	_ =	swait.ge [sflag:s3], $0x6C00  }
0x2a: {  	s13 =	sshrl.u32 s14, $0x3;
	[sflag:s3] =	ssyncset.done $0x0  }
0x2b: {  	s13 =	sadd.s32 s15, s13;
	[sflag:s3] =	ssyncadd.s32 $0xFFFF9400  }
0x2c: {  	[tilespmem:s2], [sflag:$0x2] =	stream.linear.gather [hbm4b:s13+s2], $0xD80, $0x38;
	[tilespmem:$0x7980] =	vst v63  }
0x2d: {  	_ =	swait.ge [sflag:s3], $0xD80  }
0x2e: {  	[sflag:s3] =	ssyncset.done $0x0  }
0x2f: {  	[sflag:s3] =	ssyncadd.s32 $0xFFFFF280  }
0x30: {  	[tilespmem:s6], [sflag:$0x1] =	stream.indirect.gather [hbm4b:s5+s6], $0x8, s2, s6, $0xb8;
	[tilespmem:$0x7980] =	vst v63  }
0x31: {  	_ =	swait.ge [sflag:s7], $0x6C00  }
0x32: {  	[sflag:s7] =	ssyncset.done $0x0  }
0x33: {  	s14 =	sadd.s32 s18, s14;
	[sflag:s7] =	ssyncadd.s32 $0xFFFF9400  }
0x34: {  	[hbm4b:s14+s2] =	stream.linear.scatter [tilespmem:s6], [sflag:$0x2], $0x6C00, $0x38;
	[tilespmem:$0x7980] =	vst v63  }
0x35: {  	s17 =	sadd.s32 $0x3600, s17;
	_ =	swait.ge [sflag:s3], $0x6C00  }
0x36: {  	s19 =	sshrl.u32 s17, $0x3;
	[sflag:s3] =	ssyncset.done $0x0  }
0x37: {  	s16 =	ssub.s32 $0x2, s16;
	s15 =	sadd.s32 s15, s19;
	[sflag:s3] =	ssyncadd.s32 $0xFFFF9400  }
0x38: {  	[tilespmem:s2], [sflag:$0x2] =	stream.linear.gather [hbm4b:s15+s2], $0xD80, $0x38;
	[tilespmem:$0x7980] =	vst v63  }
0x39: {  	s30 =	sshrl.u32 s16, $0x1;
	_ =	swait.ge [sflag:s3], $0xD80  }
0x3a: {  	s19 =	ssub.s32 s16, s30;
	[sflag:s3] =	ssyncset.done $0x0  }
0x3b: {  	s31 =	smax.u32 s19, $0x1;
	[sflag:s3] =	ssyncadd.s32 $0xFFFFF280  }
0x3c: {  	[tilespmem:s6], [sflag:$0x1] =	stream.indirect.gather [hbm4b:s5+s6], $0x8, s2, s6, $0xb8;
	[tilespmem:$0x7980] =	vst v63  }
0x3d: {  	p0 =	sne.s32 s31, $0x1;
	_ =	swait.ge [sflag:s7], $0x6C00  }
.Ltmp0:
0x3e: {  	[sflag:s7] =	ssyncset.done $0x0;
	(pc) =	sbr.rel @!p0 .LBB2_2-.Ltmp0, $4  }
0x3f: {  	s16 =	sadd.s32 s18, s17;
	[sflag:s7] =	ssyncadd.s32 $0xFFFF9400  }
0x40: {  	[hbm4b:s16+s2] =	stream.linear.scatter [tilespmem:s6], [sflag:$0x2], $0x6C00, $0x38;
	[tilespmem:$0x7980] =	vst v63  }
0x41: {  	_ =	swait.ge [sflag:s3], $0x6C00  }
0x42: {  	s17 =	sadd.s32 $0xFFFFFFFF, s31;
	[sflag:s3] =	ssyncset.done $0x0  }
.LBB2_1:
0x43: {  	p0 =	sne.s32 s17, $0x1;
	s17 =	sadd.s32 $0xFFFFFFFF, s17;
	[sflag:s3] =	ssyncadd.s32 $0xFFFF9400  }
0x44: {  	[tilespmem:s2], [sflag:$0x2] =	stream.linear.gather [hbm4b:s4+s2], $0xD80, $0x38;
	[tilespmem:$0x7980] =	vst v63  }
0x45: {  	_ =	swait.ge [sflag:s3], $0xD80  }
0x46: {  	[sflag:s3] =	ssyncset.done $0x0  }
0x47: {  	[sflag:s3] =	ssyncadd.s32 $0xFFFFF280  }
0x48: {  	[tilespmem:s6], [sflag:$0x1] =	stream.indirect.gather [hbm4b:s5+s6], $0x8, s2, s6, $0xb8;
	[tilespmem:$0x7980] =	vst v63  }
0x49: {  	_ =	swait.ge [sflag:s7], $0x6C00  }
0x4a: {  	[sflag:s7] =	ssyncset.done $0x0  }
0x4b: {  	[sflag:s7] =	ssyncadd.s32 $0xFFFF9400  }
0x4c: {  	[hbm4b:s8+s2] =	stream.linear.scatter [tilespmem:s6], [sflag:$0x2], $0x6C00, $0x38;
	[tilespmem:$0x7980] =	vst v63  }
0x4d: {  	_ =	swait.ge [sflag:s3], $0x6C00  }
0x4e: {  	[sflag:s3] =	ssyncset.done $0x0  }
0x4f: {  	[sflag:s3] =	ssyncadd.s32 $0xFFFF9400  }
0x50: {  	[tilespmem:s2], [sflag:$0x2] =	stream.linear.gather [hbm4b:s9+s2], $0xD80, $0x38;
	[tilespmem:$0x7980] =	vst v63  }
0x51: {  	_ =	swait.ge [sflag:s3], $0xD80  }
0x52: {  	[sflag:s3] =	ssyncset.done $0x0  }
0x53: {  	[sflag:s3] =	ssyncadd.s32 $0xFFFFF280  }
0x54: {  	[tilespmem:s6], [sflag:$0x1] =	stream.indirect.gather [hbm4b:s5+s6], $0x8, s2, s6, $0xb8;
	[tilespmem:$0x7980] =	vst v63  }
0x55: {  	_ =	swait.ge [sflag:s7], $0x6C00  }
0x56: {  	[sflag:s7] =	ssyncset.done $0x0  }
0x57: {  	[sflag:s7] =	ssyncadd.s32 $0xFFFF9400  }
0x58: {  	[hbm4b:s10+s2] =	stream.linear.scatter [tilespmem:s6], [sflag:$0x2], $0x6C00, $0x38;
	[tilespmem:$0x7980] =	vst v63  }
0x59: {  	_ =	swait.ge [sflag:s3], $0x6C00  }
0x5a: {  	[sflag:s3] =	ssyncset.done $0x0  }
0x5b: {  	[sflag:s3] =	ssyncadd.s32 $0xFFFF9400  }
0x5c: {  	[tilespmem:s2], [sflag:$0x2] =	stream.linear.gather [hbm4b:s11+s2], $0xD80, $0x38;
	[tilespmem:$0x7980] =	vst v63  }
0x5d: {  	_ =	swait.ge [sflag:s3], $0xD80  }
0x5e: {  	[sflag:s3] =	ssyncset.done $0x0  }
0x5f: {  	[sflag:s3] =	ssyncadd.s32 $0xFFFFF280  }
0x60: {  	[tilespmem:s6], [sflag:$0x1] =	stream.indirect.gather [hbm4b:s5+s6], $0x8, s2, s6, $0xb8;
	[tilespmem:$0x7980] =	vst v63  }
0x61: {  	_ =	swait.ge [sflag:s7], $0x6C00  }
0x62: {  	[sflag:s7] =	ssyncset.done $0x0  }
0x63: {  	[sflag:s7] =	ssyncadd.s32 $0xFFFF9400  }
0x64: {  	[hbm4b:s12+s2] =	stream.linear.scatter [tilespmem:s6], [sflag:$0x2], $0x6C00, $0x38;
	[tilespmem:$0x7980] =	vst v63  }
0x65: {  	_ =	swait.ge [sflag:s3], $0x6C00  }
0x66: {  	[sflag:s3] =	ssyncset.done $0x0  }
0x67: {  	[sflag:s3] =	ssyncadd.s32 $0xFFFF9400  }
0x68: {  	[tilespmem:s2], [sflag:$0x2] =	stream.linear.gather [hbm4b:s13+s2], $0xD80, $0x38;
	[tilespmem:$0x7980] =	vst v63  }
0x69: {  	_ =	swait.ge [sflag:s3], $0xD80  }
0x6a: {  	[sflag:s3] =	ssyncset.done $0x0  }
0x6b: {  	[sflag:s3] =	ssyncadd.s32 $0xFFFFF280  }
0x6c: {  	[tilespmem:s6], [sflag:$0x1] =	stream.indirect.gather [hbm4b:s5+s6], $0x8, s2, s6, $0xb8;
	[tilespmem:$0x7980] =	vst v63  }
0x6d: {  	_ =	swait.ge [sflag:s7], $0x6C00  }
0x6e: {  	[sflag:s7] =	ssyncset.done $0x0  }
0x6f: {  	[sflag:s7] =	ssyncadd.s32 $0xFFFF9400  }
0x70: {  	[hbm4b:s14+s2] =	stream.linear.scatter [tilespmem:s6], [sflag:$0x2], $0x6C00, $0x38;
	[tilespmem:$0x7980] =	vst v63  }
0x71: {  	_ =	swait.ge [sflag:s3], $0x6C00  }
0x72: {  	[sflag:s3] =	ssyncset.done $0x0  }
0x73: {  	[sflag:s3] =	ssyncadd.s32 $0xFFFF9400  }
0x74: {  	[tilespmem:s2], [sflag:$0x2] =	stream.linear.gather [hbm4b:s15+s2], $0xD80, $0x38;
	[tilespmem:$0x7980] =	vst v63  }
0x75: {  	_ =	swait.ge [sflag:s3], $0xD80  }
0x76: {  	[sflag:s3] =	ssyncset.done $0x0  }
0x77: {  	[sflag:s3] =	ssyncadd.s32 $0xFFFFF280  }
0x78: {  	[tilespmem:s6], [sflag:$0x1] =	stream.indirect.gather [hbm4b:s5+s6], $0x8, s2, s6, $0xb8;
	[tilespmem:$0x7980] =	vst v63  }
0x79: {  	_ =	swait.ge [sflag:s7], $0x6C00  }
.Ltmp1:
0x7a: {  	[sflag:s7] =	ssyncset.done $0x0;
	(pc) =	sbr.rel @p0 .LBB2_1-.Ltmp1, $4  }
0x7b: {  	[sflag:s7] =	ssyncadd.s32 $0xFFFF9400  }
0x7c: {  	[hbm4b:s16+s2] =	stream.linear.scatter [tilespmem:s6], [sflag:$0x2], $0x6C00, $0x38;
	[tilespmem:$0x7980] =	vst v63  }
0x7d: {  	_ =	swait.ge [sflag:s3], $0x6C00  }
0x7e: {  	[sflag:s3] =	ssyncset.done $0x0  }
.LBB2_2:
0x7f: {  	[sflag:s3] =	ssyncadd.s32 $0xFFFF9400  }
0x80: {  	_ =	sfence.sel $0x180000  }
0x81: {  	[bflag:$0x0] =	sbarrier.arrive $0xFFFF  }
0x82: {  	p0 =	sne.s32 s0, $0x0;
	_ =	strace $0x90000050  }
0x83: {  	s0 =	sadd.s32 @!p0 $0x100000, s1;
	[bflag:$0x2] =	sbarrier.arrive $0xFFFF  }
0x84: {  	[sflag:s0] =	ssyncadd.tile.s32 @!p0 $0x1;
	_ =	shalt  }
.Lfunc_end2:
_tile_overlayer_lowered:
.L_overlay_start_2:
0x85: {  	(tag) =	ssettag $0x2  }
0x86: {  	s0 =	rddreg [dreg:$0x0];
	s2 =	stileid.u32  }
0x87: {  	s1 =	rddreg [dreg:$0x1];
	p0 =	sne.s32 s2, $0x0  }
0x88: {  	s3 =	rddreg [dreg:$0x2];
	[bflag:$0x3] =	sbarrier.arrive $0xFFFF;
	s2 =	simm.s32 @!p0 $0x1C02  }
0x89: {  	[timem:s3], [sflag:s2] =	dma.local @!p0 [hbm:s0], s1  }
0x8a: {  	s0 =	simm.s32 @!p0 $0x2  }
0x8b: {  	_ =	swait.ge @!p0 [sflag:s0], s1  }
0x8c: {  	s1 =	ssub.s32 @!p0 $0x0, s1;
	[sflag:s0] =	ssyncset.done @!p0 $0x0  }
0x8d: {  	[sflag:s0] =	ssyncadd.s32 @!p0 s1  }
0x8e: {  	[bflag:$0x3] =	sbarrier.arrive $0xFFFF  }
0x8f: {  	_ =	shalt  }

// kernel: sc_gather_l1.3.cloned.1.call-start
scs
__scs_entry_jumppad:
0x0: {  	(pc) =	sbr.rel $0x88, $3  }
0x1: {  	(tag) =	ssettag $0x0;
	lr =	simm.s32 $0x1  }
0x2: {  	[smem:$0x3F7B] =	sst lr;
	_ =	strace $0xD0000000  }
0x3: {  	_ = 	snop  }
0x4: {  	_ = 	snop  }
0x5: {  	_ = 	snop  }
0x6: {  	_ = 	snop  }
0x7: {  	_ = 	snop  }
__scs_overlays_trampoline_lowered:
0x8: {  	[smem:$0x3F8A] =	sst s0  }
0x9: {  	[smem:$0x3F8B] =	sst s1  }
0xa: {  	[smem:$0x3F8C] =	sst s2  }
0xb: {  	[smem:$0x3F8D] =	sst s3  }
0xc: {  	[smem:$0x3F8E] =	sst s4  }
0xd: {  	[smem:$0x3F8F] =	sst s5  }
0xe: {  	[smem:$0x3F90] =	sst s6  }
0xf: {  	[smem:$0x3F91] =	sst s7  }
0x10: {  	[smem:$0x3F92] =	sst s8  }
0x11: {  	[smem:$0x3F93] =	sst s9;
	s0 =	simm.s32 @!p0 $0x0  }
0x12: {  	s1 =	sld [smem:$0x3F79];
	s0 =	simm.s32 @p0 $0x1  }
0x13: {  	[smem:$0x3F94] =	sst s0;
	s0 =	simm.s32 @!p1 $0x0  }
0x14: {  	s2 =	sld [smem:$0x3F78];
	s0 =	simm.s32 @p1 $0x1  }
0x15: {  	[smem:$0x3F95] =	sst s0;
	s0 =	simm.s32 @!p2 $0x0  }
0x16: {  	s3 =	sld [smem:$0x3FDB];
	s0 =	simm.s32 @p2 $0x1  }
0x17: {  	s4 =	simm.s32 $0x1BF5;
	[smem:$0x3F97] =	sst s0  }
0x18: {  	s0 =	sld [smem:$0x3F7A];
	_ =	swait.ge [sflag:s4], $0x0  }
0x19: {  	s7 =	sld [smem:$0x3F7B]  }
0x1a: {  	s8 =	sadd.s32 $0xFFFFE003, lr  }
0x1b: {  	s9 =	sadd.s32 $0xFFFFFEF7, lr;
	s5 =	simm.s32 $0xFFFFFFFF;
	p2 =	slt.u32 s8, $0xFFFFF086  }
0x1c: {  	p1 =	slt.u32 s9, $0xF7A;
	s5 =	simm.s32 @!p2 $0x0  }
0x1d: {  	s5 =	simm.s32 @p1 $0x1;
	p0 =	seq.s32 s7, s2  }
0x1e: {  	s7 =	smul.u32 @!p0 $0xF7A, s2;
	p2 =	seq.s32 @!p0 s5, $0x0  }
0x1f: {  	s9 =	smul.u32 $0xF7A, s1;
	s8 =	simm.s32 @!p0 $0x1BF5;
	p2 =	por !p2, p0  }
0x20: {  	[sflag:s8] =	ssyncset.s32 @!p0 $0xFFFFF086;
	s6 =	sadd.s32 @!p0 s3, s7;
	s7 =	simm.s32 @!p0 $0x108  }
0x21: {  	s3 =	sadd.s32 s3, s9;
	s6 =	sadd.s32 @!p0 $0x88, s6;
	s7 =	simm.s32 @p2 $0x1082  }
0x22: {  	[simem:s7], [sflag:s8] =	dma.local @!p0 [hbm:s6], $0xF7A  }
0x23: {  	s9 =	sor.u32 $0xD0000000, s2;
	s6 =	simm.s32 $0x108;
	_ =	swait.ge @!p0 [sflag:s8], $0x0  }
0x24: {  	s3 =	sadd.s32 $0x88, s3;
	s6 =	simm.s32 @!p1 $0x1082;
	[sflag:s4] =	ssyncset.s32 $0xFFFFF086  }
0x25: {  	[simem:s6], [sflag:s4] =	dma.local [hbm:s3], $0xF7A  }
0x26: {  	[smem:$0x3F7B] =	sst s1;
	(tag) =	ssettag s2;
	_ =	strace s9  }
0x27: {  	s1 =	sld [smem:$0x3F8B]  }
0x28: {  	s2 =	sld [smem:$0x3F8C]  }
0x29: {  	s4 =	sld [smem:$0x3F8E]  }
0x2a: {  	p0 =	seq.s32 s5, $0x0;
	s5 =	sld [smem:$0x3F8F]  }
0x2b: {  	s6 =	sld [smem:$0x3F90]  }
0x2c: {  	s7 =	sld [smem:$0x3F91]  }
0x2d: {  	s3 =	simm.s32 $0x108;
	s8 =	sld [smem:$0x3F92]  }
0x2e: {  	s3 =	simm.s32 @!p0 $0x1082;
	s9 =	sld [smem:$0x3F93]  }
0x2f: {  	lr =	sadd.s32 s0, s3;
	s0 =	sld [smem:$0x3F8A]  }
0x30: {  	s3 =	sld [smem:$0x3F8D]  }
0x31: {  	[smem:$0x3F96] =	sst s10  }
0x32: {  	s10 =	sld [smem:$0x3F94];
	_ =	sdelay $0x3  }
0x33: {  	p0 =	seq.s32 s10, $0x1;
	s10 =	sld [smem:$0x3F96];
	_ =	sdelay $0x3  }
0x34: {  	[smem:$0x3F96] =	sst s10  }
0x35: {  	s10 =	sld [smem:$0x3F95];
	_ =	sdelay $0x3  }
0x36: {  	p1 =	seq.s32 s10, $0x1;
	s10 =	sld [smem:$0x3F96];
	_ =	sdelay $0x3  }
0x37: {  	[smem:$0x3F96] =	sst s10  }
0x38: {  	s10 =	sld [smem:$0x3F97]  }
0x39: {  	_ = 	snop;
	(pc) =	sbr.ind lr, $3  }
0x3a: {  	_ = 	snop  }
0x3b: {  	_ = 	snop  }
0x3c: {  	p2 =	seq.s32 s10, $0x1;
	s10 =	sld [smem:$0x3F96]  }
0x3d: {  	_ =	shalt  }
0x3e: {  	_ =	shalt  }
0x3f: {  	_ =	shalt  }
0x40: {  	_ =	shalt  }
0x41: {  	_ =	shalt  }
0x42: {  	_ =	shalt  }
0x43: {  	_ =	shalt  }
0x44: {  	_ =	shalt  }
0x45: {  	_ =	shalt  }
0x46: {  	_ =	shalt  }
0x47: {  	_ =	shalt  }
0x48: {  	_ =	shalt  }
0x49: {  	_ =	shalt  }
0x4a: {  	_ =	shalt  }
0x4b: {  	_ =	shalt  }
0x4c: {  	_ =	shalt  }
0x4d: {  	_ =	shalt  }
0x4e: {  	_ =	shalt  }
0x4f: {  	_ =	shalt  }
0x50: {  	_ =	shalt  }
0x51: {  	_ =	shalt  }
0x52: {  	_ =	shalt  }
0x53: {  	_ =	shalt  }
0x54: {  	_ =	shalt  }
0x55: {  	_ =	shalt  }
0x56: {  	_ =	shalt  }
0x57: {  	_ =	shalt  }
0x58: {  	_ =	shalt  }
0x59: {  	_ =	shalt  }
0x5a: {  	_ =	shalt  }
0x5b: {  	_ =	shalt  }
0x5c: {  	_ =	shalt  }
0x5d: {  	_ =	shalt  }
0x5e: {  	_ =	shalt  }
0x5f: {  	_ =	shalt  }
0x60: {  	_ =	shalt  }
0x61: {  	_ =	shalt  }
0x62: {  	_ =	shalt  }
0x63: {  	_ =	shalt  }
0x64: {  	_ =	shalt  }
0x65: {  	_ =	shalt  }
0x66: {  	_ =	shalt  }
0x67: {  	_ =	shalt  }
0x68: {  	_ =	shalt  }
0x69: {  	_ =	shalt  }
0x6a: {  	_ =	shalt  }
0x6b: {  	_ =	shalt  }
0x6c: {  	_ =	shalt  }
0x6d: {  	_ =	shalt  }
0x6e: {  	_ =	shalt  }
0x6f: {  	_ =	shalt  }
0x70: {  	_ =	shalt  }
0x71: {  	_ =	shalt  }
0x72: {  	_ =	shalt  }
0x73: {  	_ =	shalt  }
0x74: {  	_ =	shalt  }
0x75: {  	_ =	shalt  }
0x76: {  	_ =	shalt  }
0x77: {  	_ =	shalt  }
0x78: {  	_ =	shalt  }
0x79: {  	_ =	shalt  }
0x7a: {  	_ =	shalt  }
0x7b: {  	_ =	shalt  }
0x7c: {  	_ =	shalt  }
0x7d: {  	_ =	shalt  }
0x7e: {  	_ =	shalt  }
0x7f: {  	_ =	shalt  }
0x80: {  	_ =	shalt  }
0x81: {  	_ =	shalt  }
0x82: {  	_ =	shalt  }
0x83: {  	_ =	shalt  }
0x84: {  	_ =	shalt  }
0x85: {  	_ =	shalt  }
0x86: {  	_ =	shalt  }
0x87: {  	_ =	shalt  }
.Lfunc_end0:
.L_simem_size_0:
called_computation.4_lowered:
.L_overlay_start_0:
0x88: {  	s2 =	sld [smem:$0x3FD9]  }
0x89: {  	s3 =	sld [smem:$0x3FFE];
	_ =	sdelay $0x1  }
0x8a: {  	s1 =	srdreg.scid  }
0x8b: {  	s0 =	sand.u32 $0x1, s1  }
0x8c: {  	s16 =	sshll.u32 s0, $0xA;
	s2 =	sadd.s32 s3, s2  }
0x8d: {  	s2 =	sadd.s32 s2, s16  }
0x8e: {  	[smem:$0x3FA2] =	sst s2  }
0x8f: {  	_ = 	snop  }
0x90: {  	(tm) =	ssettm $0x1  }
0x91: {  	s17 =	sld [smem:$0x3FFB];
	_ =	sdelay $0x3  }
0x92: {  	_ =	strace s17  }
0x93: {  	s2 =	sld [smem:$0x3FFC];
	_ =	sdelay $0x3  }
0x94: {  	_ =	strace s2  }
0x95: {  	s2 =	sld [smem:$0x3FFD];
	_ =	sdelay $0x3  }
0x96: {  	_ =	strace s2  }
0x97: {  	_ =	strace $0x8FFFFFFF  }
0x98: {  	s18 =	sld [smem:$0x3FDB];
	_ =	sdelay $0x1  }
0x99: {  	s19 =	simm.s32 $_scs_section_size  }
0x9a: {  	s4 =	simm.s32 $_size__tile_overlayer_lowered;
	s5 =	simm.s32 $_tile_overlayer_lowered  }
0x9b: {  	s22 =	simm.s32 $0x1BFF;
	s21 =	sshll.u32 s5, $0x1;
	s2 =	sadd.s32 s19, s18  }
0x9c: {  	s6 =	simm.s32 $0x0;
	s20 =	sshll.u32 s4, $0x1;
	s4 =	sadd.s32 s21, s2  }
0x9d: {  	[timem:s6], [sflag:s22] =	dma.local [hbm:s4], s20  }
0x9e: {  	_ =	swait.ge [sflag:s22], s20  }
0x9f: {  	s3 =	ssub.s32 $0x0, s20;
	[sflag:s22] =	ssyncset.done $0x0  }
0xa0: {  	[sflag:s22] =	ssyncadd.s32 s3;
	_ =	sdelay $0x1  }
0xa1: {  	s23 =	simm.s32 $0x1B8B  }
0xa2: {  	_ =	swait.ge [sflag:s23], $0x1  }
0xa3: {  	[sflag:s23] =	ssyncset.done $0x0  }
0xa4: {  	s25 =	simm.s32 $0x1B8E;
	s24 =	sld [smem:$0x3FFE];
	[sflag:s23] =	ssyncadd.s32 $0xFFFFFFFF  }
0xa5: {  	s26 =	simm.s32 $execute0_lowered;
	[smem:$0x3FD2] =	sst s25  }
0xa6: {  	s4 =	sshll.u32 s26, $0x1;
	_ =	strace $0x80000052;
	[dreg:$0x1] =	wrdreg $0xFFFFFFFF  }
0xa7: {  	s28 =	simm.s32 $_size_execute0_lowered;
	s2 =	sadd.s32 s2, s4;
	[dreg:$0x0] =	wrdreg $0x0  }
0xa8: {  	s4 =	sshll.u32 s28, $0x1;
	[dreg:$0x2] =	wrdreg s2  }
0xa9: {  	[dreg:$0x3] =	wrdreg s4  }
0xaa: {  	[dreg:$0x4] =	wrdreg $0xC0  }
0xab: {  	_ =	task [dreg:s6], $0x5FFFF  }
0xac: {  	[dreg:$0x1] =	wrdreg $0xFFFFFFFF  }
0xad: {  	[dreg:$0x0] =	wrdreg $0x60  }
0xae: {  	[dreg:$0x2] =	wrdreg s24  }
0xaf: {  	[dreg:$0x3] =	wrdreg $0x9  }
0xb0: {  	_ =	task.clear_ibuf [dreg:s6], $0x4FFFF;
	_ =	strace $0x90000052  }
0xb1: {  	s29 =	simm.s32 $0x9;
	_ =	strace $0x80000054  }
0xb2: {  	_ =	swait.ge [sflag:s29], $0x1  }
0xb3: {  	[sflag:s29] =	ssyncadd.s32 $0xFFFFFFFF  }
0xb4: {  	_ =	strace $0x90000054  }
0xb5: {  	_ =	sfence  }
0xb6: {  	s30 =	sld [smem:$0x0];
	_ =	sdelay $0x2  }
0xb7: {  	s31 =	sshll.u32 s1, $0xD;
	s1 =	sshrl.u32 s1, $0x2  }
0xb8: {  	s3 =	sand.u32 $0x4000, s31;
	s1 =	sadd.s32 s1, s30  }
0xb9: {  	s0 =	sor.u32 s3, s0;
	s1 =	sshll.u32 s1, $0x11  }
0xba: {  	s0 =	sor.u32 s1, s0  }
0xbb: {  	s0 =	sadd.s32 $0x8F2B, s0  }
0xbc: {  	[sflag:s0] =	ssyncadd.remote.s32 $0x1  }
0xbd: {  	_ =	sfence.sel $0xFFFF  }
0xbe: {  	[dreg:$0x0] =	wrdreg $0xFFFFFFFF;
	(pc) =	sbr.abs _section_cstart, $3  }
0xbf: {  	[dreg:$0x1] =	wrdreg $0xFFFFFFFF  }
0xc0: {  	_ =	task.clear_ibuf [dreg:s6], $0x2FFFF;
	_ =	strace $0x9FFFFFFF  }
0xc1: {  	(tm) =	ssettm $0x7FFFFFFF  }
tec
execute0_lowered:
.L_overlay_start_1:
0x0: {  	(tag) =	ssettag $0x1  }
0x1: {  	s1 =	srdreg.scid;
	s0 =	stileid.u32  }
0x2: {  	s16 =	sand.u32 $0x1, s1;
	s28 =	sshll.u32 s0, $0x1  }
0x3: {  	s8 =	rddreg [dreg:$0x0];
	s11 =	sor.u32 s16, s28  }
0x4: {  	s2 =	simm.s32 $0x0;
	s1 =	rddreg [dreg:$0x1];
	s3 =	smul.u32 $0x870, s11  }
0x5: {  	[smem:$0x7FF] =	sst s2;
	s15 =	sadd.s32 $0x3A00, s8  }
0x6: {  	_ =	strace $0x80000053;
	s4 =	sadd.s32 s15, s3;
	s3 =	simm.s32 $0x2  }
0x7: {  	[tilespmem:s2], [sflag:$0x2] =	stream.linear.gather [hbm4b:s4+s2], $0xD80, $0x38;
	[tilespmem:$0xE580] =	vst v63  }
0x8: {  	_ =	swait.ge [sflag:s3], $0xD80  }
0x9: {  	s6 =	simm.s32 $0xD80;
	s7 =	simm.s32 $0x1;
	[sflag:s3] =	ssyncset.done $0x0  }
0xa: {  	s5 =	sadd.s32 $0x105400, s8;
	s9 =	smul.u32 $0x280, s11;
	[sflag:s3] =	ssyncadd.s32 $0xFFFFF280  }
0xb: {  	[tilespmem:s6], [sflag:$0x1] =	stream.indirect.gather [hbm4b:s5+s6], $0x10, s2, s6, $0xb8;
	[tilespmem:$0xE580] =	vst v63  }
0xc: {  	s10 =	smul.u32 $0x8700, s11;
	_ =	swait.ge [sflag:s7], $0xD800  }
0xd: {  	s12 =	sadd.s32 $0x113400, s8;
	s13 =	sadd.s32 $0x80, s9;
	[sflag:s7] =	ssyncset.done $0x0  }
0xe: {  	s8 =	sadd.s32 s12, s10;
	s9 =	smul.u32 $0x1B, s13;
	[sflag:s7] =	ssyncadd.s32 $0xFFFF2800  }
0xf: {  	[hbm4b:s8+s2] =	stream.linear.scatter [tilespmem:s6], [sflag:$0x2], $0xD800, $0x38;
	[tilespmem:$0xE580] =	vst v63  }
0x10: {  	_ =	swait.ge [sflag:s3], $0xD800  }
0x11: {  	s9 =	sshrl.u32 s9, $0x3;
	[sflag:s3] =	ssyncset.done $0x0  }
0x12: {  	s9 =	sadd.s32 s15, s9;
	[sflag:s3] =	ssyncadd.s32 $0xFFFF2800  }
0x13: {  	[tilespmem:s2], [sflag:$0x2] =	stream.linear.gather [hbm4b:s9+s2], $0xD80, $0x38;
	[tilespmem:$0xE580] =	vst v63  }
0x14: {  	_ =	swait.ge [sflag:s3], $0xD80  }
0x15: {  	[sflag:s3] =	ssyncset.done $0x0  }
0x16: {  	[sflag:s3] =	ssyncadd.s32 $0xFFFFF280  }
0x17: {  	[tilespmem:s6], [sflag:$0x1] =	stream.indirect.gather [hbm4b:s5+s6], $0x10, s2, s6, $0xb8;
	[tilespmem:$0xE580] =	vst v63  }
0x18: {  	s29 =	smul.u32 $0x36, s13;
	_ =	swait.ge [sflag:s7], $0xD800  }
0x19: {  	[sflag:s7] =	ssyncset.done $0x0  }
0x1a: {  	s17 =	smul.u32 $0x4380, s11;
	s10 =	sadd.s32 s12, s29;
	[sflag:s7] =	ssyncadd.s32 $0xFFFF2800  }
0x1b: {  	[hbm4b:s10+s2] =	stream.linear.scatter [tilespmem:s6], [sflag:$0x2], $0xD800, $0x38;
	[tilespmem:$0xE580] =	vst v63  }
0x1c: {  	s11 =	sadd.s32 $0x1B00, s17;
	_ =	swait.ge [sflag:s3], $0xD800  }
0x1d: {  	s11 =	sshrl.u32 s11, $0x3;
	[sflag:s3] =	ssyncset.done $0x0  }
0x1e: {  	s11 =	sadd.s32 s15, s11;
	[sflag:s3] =	ssyncadd.s32 $0xFFFF2800  }
0x1f: {  	[tilespmem:s2], [sflag:$0x2] =	stream.linear.gather [hbm4b:s11+s2], $0xD80, $0x38;
	[tilespmem:$0xE580] =	vst v63  }
0x20: {  	_ =	swait.ge [sflag:s3], $0xD80  }
0x21: {  	[sflag:s3] =	ssyncset.done $0x0  }
0x22: {  	[sflag:s3] =	ssyncadd.s32 $0xFFFFF280  }
0x23: {  	[tilespmem:s6], [sflag:$0x1] =	stream.indirect.gather [hbm4b:s5+s6], $0x10, s2, s6, $0xb8;
	[tilespmem:$0xE580] =	vst v63  }
0x24: {  	_ =	swait.ge [sflag:s7], $0xD800  }
0x25: {  	[sflag:s7] =	ssyncset.done $0x0  }
0x26: {  	s12 =	sadd.s32 $0x3600, s8;
	[sflag:s7] =	ssyncadd.s32 $0xFFFF2800  }
0x27: {  	[hbm4b:s12+s2] =	stream.linear.scatter [tilespmem:s6], [sflag:$0x2], $0xD800, $0x38;
	[tilespmem:$0xE580] =	vst v63  }
0x28: {  	s30 =	sadd.s32 $0x2880, s17;
	_ =	swait.ge [sflag:s3], $0xD800  }
0x29: {  	s13 =	sshrl.u32 s30, $0x3;
	[sflag:s3] =	ssyncset.done $0x0  }
0x2a: {  	s13 =	sadd.s32 s15, s13;
	[sflag:s3] =	ssyncadd.s32 $0xFFFF2800  }
0x2b: {  	[tilespmem:s2], [sflag:$0x2] =	stream.linear.gather [hbm4b:s13+s2], $0xD80, $0x38;
	[tilespmem:$0xE580] =	vst v63  }
0x2c: {  	_ =	swait.ge [sflag:s3], $0xD80  }
0x2d: {  	[sflag:s3] =	ssyncset.done $0x0  }
0x2e: {  	[sflag:s3] =	ssyncadd.s32 $0xFFFFF280  }
0x2f: {  	[tilespmem:s6], [sflag:$0x1] =	stream.indirect.gather [hbm4b:s5+s6], $0x10, s2, s6, $0xb8;
	[tilespmem:$0xE580] =	vst v63  }
0x30: {  	_ =	swait.ge [sflag:s7], $0xD800  }
0x31: {  	[sflag:s7] =	ssyncset.done $0x0  }
0x32: {  	s14 =	sadd.s32 $0x5100, s8;
	[sflag:s7] =	ssyncadd.s32 $0xFFFF2800  }
0x33: {  	[hbm4b:s14+s2] =	stream.linear.scatter [tilespmem:s6], [sflag:$0x2], $0xD800, $0x38;
	[tilespmem:$0xE580] =	vst v63  }
0x34: {  	s17 =	sadd.s32 $0x3600, s17;
	_ =	swait.ge [sflag:s3], $0xD800  }
0x35: {  	s17 =	sshrl.u32 s17, $0x3;
	[sflag:s3] =	ssyncset.done $0x0  }
0x36: {  	s16 =	ssub.s32 $0x2, s16;
	s15 =	sadd.s32 s15, s17;
	[sflag:s3] =	ssyncadd.s32 $0xFFFF2800  }
0x37: {  	[tilespmem:s2], [sflag:$0x2] =	stream.linear.gather [hbm4b:s15+s2], $0xD80, $0x38;
	[tilespmem:$0xE580] =	vst v63  }
0x38: {  	s31 =	sshrl.u32 s16, $0x1;
	_ =	swait.ge [sflag:s3], $0xD80  }
0x39: {  	s16 =	ssub.s32 s16, s31;
	[sflag:s3] =	ssyncset.done $0x0  }
0x3a: {  	s17 =	smax.u32 s16, $0x1;
	[sflag:s3] =	ssyncadd.s32 $0xFFFFF280  }
0x3b: {  	[tilespmem:s6], [sflag:$0x1] =	stream.indirect.gather [hbm4b:s5+s6], $0x10, s2, s6, $0xb8;
	[tilespmem:$0xE580] =	vst v63  }
0x3c: {  	p0 =	sne.s32 s17, $0x1;
	_ =	swait.ge [sflag:s7], $0xD800  }
.Ltmp0:
0x3d: {  	[sflag:s7] =	ssyncset.done $0x0;
	(pc) =	sbr.rel @!p0 .LBB2_2-.Ltmp0, $4  }
0x3e: {  	s16 =	sadd.s32 $0x6C00, s8;
	[sflag:s7] =	ssyncadd.s32 $0xFFFF2800  }
0x3f: {  	[hbm4b:s16+s2] =	stream.linear.scatter [tilespmem:s6], [sflag:$0x2], $0xD800, $0x38;
	[tilespmem:$0xE580] =	vst v63  }
0x40: {  	_ =	swait.ge [sflag:s3], $0xD800  }
0x41: {  	s17 =	sadd.s32 $0xFFFFFFFF, s17;
	[sflag:s3] =	ssyncset.done $0x0  }
.LBB2_1:
0x42: {  	p0 =	sne.s32 s17, $0x1;
	s17 =	sadd.s32 $0xFFFFFFFF, s17;
	[sflag:s3] =	ssyncadd.s32 $0xFFFF2800  }
0x43: {  	[tilespmem:s2], [sflag:$0x2] =	stream.linear.gather [hbm4b:s4+s2], $0xD80, $0x38;
	[tilespmem:$0xE580] =	vst v63  }
0x44: {  	_ =	swait.ge [sflag:s3], $0xD80  }
0x45: {  	[sflag:s3] =	ssyncset.done $0x0  }
0x46: {  	[sflag:s3] =	ssyncadd.s32 $0xFFFFF280  }
0x47: {  	[tilespmem:s6], [sflag:$0x1] =	stream.indirect.gather [hbm4b:s5+s6], $0x10, s2, s6, $0xb8;
	[tilespmem:$0xE580] =	vst v63  }
0x48: {  	_ =	swait.ge [sflag:s7], $0xD800  }
0x49: {  	[sflag:s7] =	ssyncset.done $0x0  }
0x4a: {  	[sflag:s7] =	ssyncadd.s32 $0xFFFF2800  }
0x4b: {  	[hbm4b:s8+s2] =	stream.linear.scatter [tilespmem:s6], [sflag:$0x2], $0xD800, $0x38;
	[tilespmem:$0xE580] =	vst v63  }
0x4c: {  	_ =	swait.ge [sflag:s3], $0xD800  }
0x4d: {  	[sflag:s3] =	ssyncset.done $0x0  }
0x4e: {  	[sflag:s3] =	ssyncadd.s32 $0xFFFF2800  }
0x4f: {  	[tilespmem:s2], [sflag:$0x2] =	stream.linear.gather [hbm4b:s9+s2], $0xD80, $0x38;
	[tilespmem:$0xE580] =	vst v63  }
0x50: {  	_ =	swait.ge [sflag:s3], $0xD80  }
0x51: {  	[sflag:s3] =	ssyncset.done $0x0  }
0x52: {  	[sflag:s3] =	ssyncadd.s32 $0xFFFFF280  }
0x53: {  	[tilespmem:s6], [sflag:$0x1] =	stream.indirect.gather [hbm4b:s5+s6], $0x10, s2, s6, $0xb8;
	[tilespmem:$0xE580] =	vst v63  }
0x54: {  	_ =	swait.ge [sflag:s7], $0xD800  }
0x55: {  	[sflag:s7] =	ssyncset.done $0x0  }
0x56: {  	[sflag:s7] =	ssyncadd.s32 $0xFFFF2800  }
0x57: {  	[hbm4b:s10+s2] =	stream.linear.scatter [tilespmem:s6], [sflag:$0x2], $0xD800, $0x38;
	[tilespmem:$0xE580] =	vst v63  }
0x58: {  	_ =	swait.ge [sflag:s3], $0xD800  }
0x59: {  	[sflag:s3] =	ssyncset.done $0x0  }
0x5a: {  	[sflag:s3] =	ssyncadd.s32 $0xFFFF2800  }
0x5b: {  	[tilespmem:s2], [sflag:$0x2] =	stream.linear.gather [hbm4b:s11+s2], $0xD80, $0x38;
	[tilespmem:$0xE580] =	vst v63  }
0x5c: {  	_ =	swait.ge [sflag:s3], $0xD80  }
0x5d: {  	[sflag:s3] =	ssyncset.done $0x0  }
0x5e: {  	[sflag:s3] =	ssyncadd.s32 $0xFFFFF280  }
0x5f: {  	[tilespmem:s6], [sflag:$0x1] =	stream.indirect.gather [hbm4b:s5+s6], $0x10, s2, s6, $0xb8;
	[tilespmem:$0xE580] =	vst v63  }
0x60: {  	_ =	swait.ge [sflag:s7], $0xD800  }
0x61: {  	[sflag:s7] =	ssyncset.done $0x0  }
0x62: {  	[sflag:s7] =	ssyncadd.s32 $0xFFFF2800  }
0x63: {  	[hbm4b:s12+s2] =	stream.linear.scatter [tilespmem:s6], [sflag:$0x2], $0xD800, $0x38;
	[tilespmem:$0xE580] =	vst v63  }
0x64: {  	_ =	swait.ge [sflag:s3], $0xD800  }
0x65: {  	[sflag:s3] =	ssyncset.done $0x0  }
0x66: {  	[sflag:s3] =	ssyncadd.s32 $0xFFFF2800  }
0x67: {  	[tilespmem:s2], [sflag:$0x2] =	stream.linear.gather [hbm4b:s13+s2], $0xD80, $0x38;
	[tilespmem:$0xE580] =	vst v63  }
0x68: {  	_ =	swait.ge [sflag:s3], $0xD80  }
0x69: {  	[sflag:s3] =	ssyncset.done $0x0  }
0x6a: {  	[sflag:s3] =	ssyncadd.s32 $0xFFFFF280  }
0x6b: {  	[tilespmem:s6], [sflag:$0x1] =	stream.indirect.gather [hbm4b:s5+s6], $0x10, s2, s6, $0xb8;
	[tilespmem:$0xE580] =	vst v63  }
0x6c: {  	_ =	swait.ge [sflag:s7], $0xD800  }
0x6d: {  	[sflag:s7] =	ssyncset.done $0x0  }
0x6e: {  	[sflag:s7] =	ssyncadd.s32 $0xFFFF2800  }
0x6f: {  	[hbm4b:s14+s2] =	stream.linear.scatter [tilespmem:s6], [sflag:$0x2], $0xD800, $0x38;
	[tilespmem:$0xE580] =	vst v63  }
0x70: {  	_ =	swait.ge [sflag:s3], $0xD800  }
0x71: {  	[sflag:s3] =	ssyncset.done $0x0  }
0x72: {  	[sflag:s3] =	ssyncadd.s32 $0xFFFF2800  }
0x73: {  	[tilespmem:s2], [sflag:$0x2] =	stream.linear.gather [hbm4b:s15+s2], $0xD80, $0x38;
	[tilespmem:$0xE580] =	vst v63  }
0x74: {  	_ =	swait.ge [sflag:s3], $0xD80  }
0x75: {  	[sflag:s3] =	ssyncset.done $0x0  }
0x76: {  	[sflag:s3] =	ssyncadd.s32 $0xFFFFF280  }
0x77: {  	[tilespmem:s6], [sflag:$0x1] =	stream.indirect.gather [hbm4b:s5+s6], $0x10, s2, s6, $0xb8;
	[tilespmem:$0xE580] =	vst v63  }
0x78: {  	_ =	swait.ge [sflag:s7], $0xD800  }
.Ltmp1:
0x79: {  	[sflag:s7] =	ssyncset.done $0x0;
	(pc) =	sbr.rel @p0 .LBB2_1-.Ltmp1, $4  }
0x7a: {  	[sflag:s7] =	ssyncadd.s32 $0xFFFF2800  }
0x7b: {  	[hbm4b:s16+s2] =	stream.linear.scatter [tilespmem:s6], [sflag:$0x2], $0xD800, $0x38;
	[tilespmem:$0xE580] =	vst v63  }
0x7c: {  	_ =	swait.ge [sflag:s3], $0xD800  }
0x7d: {  	[sflag:s3] =	ssyncset.done $0x0  }
.LBB2_2:
0x7e: {  	[sflag:s3] =	ssyncadd.s32 $0xFFFF2800  }
0x7f: {  	_ =	sfence.sel $0x180000  }
0x80: {  	[bflag:$0x0] =	sbarrier.arrive $0xFFFF  }
0x81: {  	p0 =	sne.s32 s0, $0x0;
	_ =	strace $0x90000053  }
0x82: {  	s0 =	sadd.s32 @!p0 $0x100000, s1;
	[bflag:$0x2] =	sbarrier.arrive $0xFFFF  }
0x83: {  	[sflag:s0] =	ssyncadd.tile.s32 @!p0 $0x1;
	_ =	shalt  }
.Lfunc_end2:
_tile_overlayer_lowered:
.L_overlay_start_2:
0x84: {  	(tag) =	ssettag $0x2  }
0x85: {  	s0 =	rddreg [dreg:$0x0];
	s2 =	stileid.u32  }
0x86: {  	s1 =	rddreg [dreg:$0x1];
	p0 =	sne.s32 s2, $0x0  }
0x87: {  	s3 =	rddreg [dreg:$0x2];
	[bflag:$0x3] =	sbarrier.arrive $0xFFFF;
	s2 =	simm.s32 @!p0 $0x1C02  }
0x88: {  	[timem:s3], [sflag:s2] =	dma.local @!p0 [hbm:s0], s1  }
0x89: {  	s0 =	simm.s32 @!p0 $0x2  }
0x8a: {  	_ =	swait.ge @!p0 [sflag:s0], s1  }
0x8b: {  	s1 =	ssub.s32 @!p0 $0x0, s1;
	[sflag:s0] =	ssyncset.done @!p0 $0x0  }
0x8c: {  	[sflag:s0] =	ssyncadd.s32 @!p0 s1  }
0x8d: {  	[bflag:$0x3] =	sbarrier.arrive $0xFFFF  }
0x8e: {  	_ =	shalt  }

// kernel: sc_scatter16.3.cloned.1.call-start
scs
__scs_entry_jumppad:
0x0: {  	(pc) =	sbr.rel $0x88, $3  }
0x1: {  	(tag) =	ssettag $0x0;
	lr =	simm.s32 $0x1  }
0x2: {  	[smem:$0x3F7B] =	sst lr;
	_ =	strace $0xD0000000  }
0x3: {  	_ = 	snop  }
0x4: {  	_ = 	snop  }
0x5: {  	_ = 	snop  }
0x6: {  	_ = 	snop  }
0x7: {  	_ = 	snop  }
__scs_overlays_trampoline_lowered:
0x8: {  	[smem:$0x3F8A] =	sst s0  }
0x9: {  	[smem:$0x3F8B] =	sst s1  }
0xa: {  	[smem:$0x3F8C] =	sst s2  }
0xb: {  	[smem:$0x3F8D] =	sst s3  }
0xc: {  	[smem:$0x3F8E] =	sst s4  }
0xd: {  	[smem:$0x3F8F] =	sst s5  }
0xe: {  	[smem:$0x3F90] =	sst s6  }
0xf: {  	[smem:$0x3F91] =	sst s7  }
0x10: {  	[smem:$0x3F92] =	sst s8  }
0x11: {  	[smem:$0x3F93] =	sst s9;
	s0 =	simm.s32 @!p0 $0x0  }
0x12: {  	s1 =	sld [smem:$0x3F79];
	s0 =	simm.s32 @p0 $0x1  }
0x13: {  	[smem:$0x3F94] =	sst s0;
	s0 =	simm.s32 @!p1 $0x0  }
0x14: {  	s2 =	sld [smem:$0x3F78];
	s0 =	simm.s32 @p1 $0x1  }
0x15: {  	[smem:$0x3F95] =	sst s0;
	s0 =	simm.s32 @!p2 $0x0  }
0x16: {  	s3 =	sld [smem:$0x3FDB];
	s0 =	simm.s32 @p2 $0x1  }
0x17: {  	s4 =	simm.s32 $0x1BF5;
	[smem:$0x3F97] =	sst s0  }
0x18: {  	s0 =	sld [smem:$0x3F7A];
	_ =	swait.ge [sflag:s4], $0x0  }
0x19: {  	s7 =	sld [smem:$0x3F7B]  }
0x1a: {  	s8 =	sadd.s32 $0xFFFFE003, lr  }
0x1b: {  	s9 =	sadd.s32 $0xFFFFFEF7, lr;
	s5 =	simm.s32 $0xFFFFFFFF;
	p2 =	slt.u32 s8, $0xFFFFF086  }
0x1c: {  	p1 =	slt.u32 s9, $0xF7A;
	s5 =	simm.s32 @!p2 $0x0  }
0x1d: {  	s5 =	simm.s32 @p1 $0x1;
	p0 =	seq.s32 s7, s2  }
0x1e: {  	s7 =	smul.u32 @!p0 $0xF7A, s2;
	p2 =	seq.s32 @!p0 s5, $0x0  }
0x1f: {  	s9 =	smul.u32 $0xF7A, s1;
	s8 =	simm.s32 @!p0 $0x1BF5;
	p2 =	por !p2, p0  }
0x20: {  	[sflag:s8] =	ssyncset.s32 @!p0 $0xFFFFF086;
	s6 =	sadd.s32 @!p0 s3, s7;
	s7 =	simm.s32 @!p0 $0x108  }
0x21: {  	s3 =	sadd.s32 s3, s9;
	s6 =	sadd.s32 @!p0 $0x88, s6;
	s7 =	simm.s32 @p2 $0x1082  }
0x22: {  	[simem:s7], [sflag:s8] =	dma.local @!p0 [hbm:s6], $0xF7A  }
0x23: {  	s9 =	sor.u32 $0xD0000000, s2;
	s6 =	simm.s32 $0x108;
	_ =	swait.ge @!p0 [sflag:s8], $0x0  }
0x24: {  	s3 =	sadd.s32 $0x88, s3;
	s6 =	simm.s32 @!p1 $0x1082;
	[sflag:s4] =	ssyncset.s32 $0xFFFFF086  }
0x25: {  	[simem:s6], [sflag:s4] =	dma.local [hbm:s3], $0xF7A  }
0x26: {  	[smem:$0x3F7B] =	sst s1;
	(tag) =	ssettag s2;
	_ =	strace s9  }
0x27: {  	s1 =	sld [smem:$0x3F8B]  }
0x28: {  	s2 =	sld [smem:$0x3F8C]  }
0x29: {  	s4 =	sld [smem:$0x3F8E]  }
0x2a: {  	p0 =	seq.s32 s5, $0x0;
	s5 =	sld [smem:$0x3F8F]  }
0x2b: {  	s6 =	sld [smem:$0x3F90]  }
0x2c: {  	s7 =	sld [smem:$0x3F91]  }
0x2d: {  	s3 =	simm.s32 $0x108;
	s8 =	sld [smem:$0x3F92]  }
0x2e: {  	s3 =	simm.s32 @!p0 $0x1082;
	s9 =	sld [smem:$0x3F93]  }
0x2f: {  	lr =	sadd.s32 s0, s3;
	s0 =	sld [smem:$0x3F8A]  }
0x30: {  	s3 =	sld [smem:$0x3F8D]  }
0x31: {  	[smem:$0x3F96] =	sst s10  }
0x32: {  	s10 =	sld [smem:$0x3F94];
	_ =	sdelay $0x3  }
0x33: {  	p0 =	seq.s32 s10, $0x1;
	s10 =	sld [smem:$0x3F96];
	_ =	sdelay $0x3  }
0x34: {  	[smem:$0x3F96] =	sst s10  }
0x35: {  	s10 =	sld [smem:$0x3F95];
	_ =	sdelay $0x3  }
0x36: {  	p1 =	seq.s32 s10, $0x1;
	s10 =	sld [smem:$0x3F96];
	_ =	sdelay $0x3  }
0x37: {  	[smem:$0x3F96] =	sst s10  }
0x38: {  	s10 =	sld [smem:$0x3F97]  }
0x39: {  	_ = 	snop;
	(pc) =	sbr.ind lr, $3  }
0x3a: {  	_ = 	snop  }
0x3b: {  	_ = 	snop  }
0x3c: {  	p2 =	seq.s32 s10, $0x1;
	s10 =	sld [smem:$0x3F96]  }
0x3d: {  	_ =	shalt  }
0x3e: {  	_ =	shalt  }
0x3f: {  	_ =	shalt  }
0x40: {  	_ =	shalt  }
0x41: {  	_ =	shalt  }
0x42: {  	_ =	shalt  }
0x43: {  	_ =	shalt  }
0x44: {  	_ =	shalt  }
0x45: {  	_ =	shalt  }
0x46: {  	_ =	shalt  }
0x47: {  	_ =	shalt  }
0x48: {  	_ =	shalt  }
0x49: {  	_ =	shalt  }
0x4a: {  	_ =	shalt  }
0x4b: {  	_ =	shalt  }
0x4c: {  	_ =	shalt  }
0x4d: {  	_ =	shalt  }
0x4e: {  	_ =	shalt  }
0x4f: {  	_ =	shalt  }
0x50: {  	_ =	shalt  }
0x51: {  	_ =	shalt  }
0x52: {  	_ =	shalt  }
0x53: {  	_ =	shalt  }
0x54: {  	_ =	shalt  }
0x55: {  	_ =	shalt  }
0x56: {  	_ =	shalt  }
0x57: {  	_ =	shalt  }
0x58: {  	_ =	shalt  }
0x59: {  	_ =	shalt  }
0x5a: {  	_ =	shalt  }
0x5b: {  	_ =	shalt  }
0x5c: {  	_ =	shalt  }
0x5d: {  	_ =	shalt  }
0x5e: {  	_ =	shalt  }
0x5f: {  	_ =	shalt  }
0x60: {  	_ =	shalt  }
0x61: {  	_ =	shalt  }
0x62: {  	_ =	shalt  }
0x63: {  	_ =	shalt  }
0x64: {  	_ =	shalt  }
0x65: {  	_ =	shalt  }
0x66: {  	_ =	shalt  }
0x67: {  	_ =	shalt  }
0x68: {  	_ =	shalt  }
0x69: {  	_ =	shalt  }
0x6a: {  	_ =	shalt  }
0x6b: {  	_ =	shalt  }
0x6c: {  	_ =	shalt  }
0x6d: {  	_ =	shalt  }
0x6e: {  	_ =	shalt  }
0x6f: {  	_ =	shalt  }
0x70: {  	_ =	shalt  }
0x71: {  	_ =	shalt  }
0x72: {  	_ =	shalt  }
0x73: {  	_ =	shalt  }
0x74: {  	_ =	shalt  }
0x75: {  	_ =	shalt  }
0x76: {  	_ =	shalt  }
0x77: {  	_ =	shalt  }
0x78: {  	_ =	shalt  }
0x79: {  	_ =	shalt  }
0x7a: {  	_ =	shalt  }
0x7b: {  	_ =	shalt  }
0x7c: {  	_ =	shalt  }
0x7d: {  	_ =	shalt  }
0x7e: {  	_ =	shalt  }
0x7f: {  	_ =	shalt  }
0x80: {  	_ =	shalt  }
0x81: {  	_ =	shalt  }
0x82: {  	_ =	shalt  }
0x83: {  	_ =	shalt  }
0x84: {  	_ =	shalt  }
0x85: {  	_ =	shalt  }
0x86: {  	_ =	shalt  }
0x87: {  	_ =	shalt  }
.Lfunc_end0:
.L_simem_size_0:
called_computation.5_lowered:
.L_overlay_start_0:
0x88: {  	s2 =	sld [smem:$0x3FD9]  }
0x89: {  	s3 =	sld [smem:$0x3FFE];
	_ =	sdelay $0x1  }
0x8a: {  	s1 =	srdreg.scid  }
0x8b: {  	s0 =	sand.u32 $0x1, s1  }
0x8c: {  	s16 =	sshll.u32 s0, $0xA;
	s2 =	sadd.s32 s3, s2  }
0x8d: {  	s2 =	sadd.s32 s2, s16  }
0x8e: {  	[smem:$0x3FA2] =	sst s2  }
0x8f: {  	_ = 	snop  }
0x90: {  	(tm) =	ssettm $0x1  }
0x91: {  	s17 =	sld [smem:$0x3FFB];
	_ =	sdelay $0x3  }
0x92: {  	_ =	strace s17  }
0x93: {  	s2 =	sld [smem:$0x3FFC];
	_ =	sdelay $0x3  }
0x94: {  	_ =	strace s2  }
0x95: {  	s2 =	sld [smem:$0x3FFD];
	_ =	sdelay $0x3  }
0x96: {  	_ =	strace s2  }
0x97: {  	_ =	strace $0x8FFFFFFF  }
0x98: {  	s18 =	sld [smem:$0x3FDB];
	_ =	sdelay $0x1  }
0x99: {  	s19 =	simm.s32 $_scs_section_size  }
0x9a: {  	s4 =	simm.s32 $_size__tile_overlayer_lowered;
	s5 =	simm.s32 $_tile_overlayer_lowered  }
0x9b: {  	s22 =	simm.s32 $0x1BFF;
	s21 =	sshll.u32 s5, $0x1;
	s2 =	sadd.s32 s19, s18  }
0x9c: {  	s6 =	simm.s32 $0x0;
	s20 =	sshll.u32 s4, $0x1;
	s4 =	sadd.s32 s21, s2  }
0x9d: {  	[timem:s6], [sflag:s22] =	dma.local [hbm:s4], s20  }
0x9e: {  	_ =	swait.ge [sflag:s22], s20  }
0x9f: {  	s3 =	ssub.s32 $0x0, s20;
	[sflag:s22] =	ssyncset.done $0x0  }
0xa0: {  	[sflag:s22] =	ssyncadd.s32 s3;
	_ =	sdelay $0x1  }
0xa1: {  	s23 =	simm.s32 $0x1B8B  }
0xa2: {  	_ =	swait.ge [sflag:s23], $0x1  }
0xa3: {  	[sflag:s23] =	ssyncset.done $0x0  }
0xa4: {  	s25 =	simm.s32 $0x1B8E;
	s24 =	sld [smem:$0x3FFE];
	[sflag:s23] =	ssyncadd.s32 $0xFFFFFFFF  }
0xa5: {  	s26 =	simm.s32 $execute0_lowered;
	[smem:$0x3FD2] =	sst s25  }
0xa6: {  	s4 =	sshll.u32 s26, $0x1;
	_ =	strace $0x80000055;
	[dreg:$0x1] =	wrdreg $0xFFFFFFFF  }
0xa7: {  	s28 =	simm.s32 $_size_execute0_lowered;
	s2 =	sadd.s32 s2, s4;
	[dreg:$0x0] =	wrdreg $0x0  }
0xa8: {  	s4 =	sshll.u32 s28, $0x1;
	[dreg:$0x2] =	wrdreg s2  }
0xa9: {  	[dreg:$0x3] =	wrdreg s4  }
0xaa: {  	[dreg:$0x4] =	wrdreg $0xC0  }
0xab: {  	_ =	task [dreg:s6], $0x5FFFF  }
0xac: {  	[dreg:$0x1] =	wrdreg $0xFFFFFFFF  }
0xad: {  	[dreg:$0x0] =	wrdreg $0x60  }
0xae: {  	[dreg:$0x2] =	wrdreg s24  }
0xaf: {  	[dreg:$0x3] =	wrdreg $0x9  }
0xb0: {  	_ =	task.clear_ibuf [dreg:s6], $0x4FFFF;
	_ =	strace $0x90000055  }
0xb1: {  	s29 =	simm.s32 $0x9;
	_ =	strace $0x80000057  }
0xb2: {  	_ =	swait.ge [sflag:s29], $0x1  }
0xb3: {  	[sflag:s29] =	ssyncadd.s32 $0xFFFFFFFF  }
0xb4: {  	_ =	strace $0x90000057  }
0xb5: {  	_ =	sfence  }
0xb6: {  	s30 =	sld [smem:$0x0];
	_ =	sdelay $0x2  }
0xb7: {  	s31 =	sshll.u32 s1, $0xD;
	s1 =	sshrl.u32 s1, $0x2  }
0xb8: {  	s3 =	sand.u32 $0x4000, s31;
	s1 =	sadd.s32 s1, s30  }
0xb9: {  	s0 =	sor.u32 s3, s0;
	s1 =	sshll.u32 s1, $0x11  }
0xba: {  	s0 =	sor.u32 s1, s0  }
0xbb: {  	s0 =	sadd.s32 $0x8F2B, s0  }
0xbc: {  	[sflag:s0] =	ssyncadd.remote.s32 $0x1  }
0xbd: {  	_ =	sfence.sel $0xFFFF  }
0xbe: {  	[dreg:$0x0] =	wrdreg $0xFFFFFFFF;
	(pc) =	sbr.abs _section_cstart, $3  }
0xbf: {  	[dreg:$0x1] =	wrdreg $0xFFFFFFFF  }
0xc0: {  	_ =	task.clear_ibuf [dreg:s6], $0x2FFFF;
	_ =	strace $0x9FFFFFFF  }
0xc1: {  	(tm) =	ssettm $0x7FFFFFFF  }
tec
execute0_lowered:
.L_overlay_start_1:
0x0: {  	(tag) =	ssettag $0x1  }
0x1: {  	s1 =	srdreg.scid;
	s0 =	stileid.u32  }
0x2: {  	s5 =	sand.u32 $0x1, s1;
	s31 =	sshll.u32 s0, $0x1  }
0x3: {  	s7 =	rddreg [dreg:$0x0];
	s2 =	simm.s32 $0x0;
	s3 =	sor.u32 s5, s31  }
0x4: {  	[smem:$0x7FF] =	sst s2;
	s4 =	smul.u32 $0x50, s3  }
0x5: {  	s1 =	rddreg [dreg:$0x1];
	_ =	strace $0x80000056  }
0x6: {  	s8 =	ssub.s32 $0x2, s5;
	s6 =	smul.u32 $0x500, s3;
	s4 =	sadd.s32 s4, s7  }
0x7: {  	s9 =	sshrl.u32 s8, $0x1;
	s3 =	sadd.s32 $0x14800, s4;
	s4 =	simm.s32 $0x2  }
0x8: {  	[tilespmem:s2], [sflag:$0x2] =	stream.linear.gather [hbm4b:s3+s2], $0x280, $0x38;
	[tilespmem:$0x2A80] =	vst v63  }
0x9: {  	s8 =	ssub.s32 s8, s9;
	_ =	swait.ge [sflag:s4], $0x280  }
0xa: {  	s6 =	sadd.s32 s6, s7;
	s9 =	smax.u32 s8, $0x1;
	[sflag:s4] =	ssyncset.done $0x0  }
0xb: {  	s5 =	sadd.s32 $0x3A00, s6;
	s6 =	simm.s32 $0x280;
	[sflag:s4] =	ssyncadd.s32 $0xFFFFFD80  }
0xc: {  	[tilespmem:s6], [sflag:$0x2] =	stream.linear.gather [hbm4b:s5+s2], $0x2800, $0x38;
	[tilespmem:$0x2A80] =	vst v63  }
0xd: {  	p0 =	sne.s32 s9, $0x1;
	_ =	swait.ge [sflag:s4], $0x2800  }
.Ltmp0:
0xe: {  	[sflag:s4] =	ssyncset.done $0x0;
	(pc) =	sbr.rel @!p0 .LBB2_2-.Ltmp0, $4  }
0xf: {  	s7 =	sadd.s32 $0x105400, s7;
	s8 =	simm.s32 $0x1;
	[sflag:s4] =	ssyncadd.s32 $0xFFFFD800  }
0x10: {  	[hbm4b:s7+s6] =	stream.indirect.scatter [tilespmem:s6], [sflag:$0x1], $0x10, s2, s6, $0xb8;
	[tilespmem:$0x2A80] =	vst v63  }
0x11: {  	_ =	swait.ge [sflag:s8], $0x2800  }
0x12: {  	s9 =	sadd.s32 $0xFFFFFFFF, s9;
	[sflag:s8] =	ssyncset.done $0x0  }
.LBB2_1:
0x13: {  	p0 =	sne.s32 s9, $0x1;
	s9 =	sadd.s32 $0xFFFFFFFF, s9;
	[sflag:s8] =	ssyncadd.s32 $0xFFFFD800  }
0x14: {  	[tilespmem:s2], [sflag:$0x2] =	stream.linear.gather [hbm4b:s3+s2], $0x280, $0x38;
	[tilespmem:$0x2A80] =	vst v63  }
0x15: {  	_ =	swait.ge [sflag:s4], $0x280  }
0x16: {  	[sflag:s4] =	ssyncset.done $0x0  }
0x17: {  	[sflag:s4] =	ssyncadd.s32 $0xFFFFFD80  }
0x18: {  	[tilespmem:s6], [sflag:$0x2] =	stream.linear.gather [hbm4b:s5+s2], $0x2800, $0x38;
	[tilespmem:$0x2A80] =	vst v63  }
0x19: {  	_ =	swait.ge [sflag:s4], $0x2800  }
.Ltmp1:
0x1a: {  	[sflag:s4] =	ssyncset.done $0x0;
	(pc) =	sbr.rel @p0 .LBB2_1-.Ltmp1, $4  }
0x1b: {  	[sflag:s4] =	ssyncadd.s32 $0xFFFFD800  }
0x1c: {  	[hbm4b:s7+s6] =	stream.indirect.scatter [tilespmem:s6], [sflag:$0x1], $0x10, s2, s6, $0xb8;
	[tilespmem:$0x2A80] =	vst v63  }
0x1d: {  	_ =	swait.ge [sflag:s8], $0x2800  }
0x1e: {  	[sflag:s8] =	ssyncset.done $0x0  }
.LBB2_2:
0x1f: {  	[sflag:s8] =	ssyncadd.s32 $0xFFFFD800  }
0x20: {  	_ =	sfence.sel $0x180000  }
0x21: {  	[bflag:$0x0] =	sbarrier.arrive $0xFFFF  }
0x22: {  	p0 =	sne.s32 s0, $0x0;
	_ =	strace $0x90000056  }
0x23: {  	s0 =	sadd.s32 @!p0 $0x100000, s1;
	[bflag:$0x2] =	sbarrier.arrive $0xFFFF  }
0x24: {  	[sflag:s0] =	ssyncadd.tile.s32 @!p0 $0x1;
	_ =	shalt  }
.Lfunc_end2:
_tile_overlayer_lowered:
.L_overlay_start_2:
0x25: {  	(tag) =	ssettag $0x2  }
0x26: {  	s0 =	rddreg [dreg:$0x0];
	s2 =	stileid.u32  }
0x27: {  	s1 =	rddreg [dreg:$0x1];
	p0 =	sne.s32 s2, $0x0  }
0x28: {  	s3 =	rddreg [dreg:$0x2];
	[bflag:$0x3] =	sbarrier.arrive $0xFFFF;
	s2 =	simm.s32 @!p0 $0x1C02  }
0x29: {  	[timem:s3], [sflag:s2] =	dma.local @!p0 [hbm:s0], s1  }
0x2a: {  	s0 =	simm.s32 @!p0 $0x2  }
0x2b: {  	_ =	swait.ge @!p0 [sflag:s0], s1  }
0x2c: {  	s1 =	ssub.s32 @!p0 $0x0, s1;
	[sflag:s0] =	ssyncset.done @!p0 $0x0  }
0x2d: {  	[sflag:s0] =	ssyncadd.s32 @!p0 s1  }
0x2e: {  	[bflag:$0x3] =	sbarrier.arrive $0xFFFF  }
0x2f: {  	_ =	shalt  }

// kernel: sc_scatter8.3.cloned.1.call-start
scs
__scs_entry_jumppad:
0x0: {  	(pc) =	sbr.rel $0x88, $3  }
0x1: {  	(tag) =	ssettag $0x0;
	lr =	simm.s32 $0x1  }
0x2: {  	[smem:$0x3F7B] =	sst lr;
	_ =	strace $0xD0000000  }
0x3: {  	_ = 	snop  }
0x4: {  	_ = 	snop  }
0x5: {  	_ = 	snop  }
0x6: {  	_ = 	snop  }
0x7: {  	_ = 	snop  }
__scs_overlays_trampoline_lowered:
0x8: {  	[smem:$0x3F8A] =	sst s0  }
0x9: {  	[smem:$0x3F8B] =	sst s1  }
0xa: {  	[smem:$0x3F8C] =	sst s2  }
0xb: {  	[smem:$0x3F8D] =	sst s3  }
0xc: {  	[smem:$0x3F8E] =	sst s4  }
0xd: {  	[smem:$0x3F8F] =	sst s5  }
0xe: {  	[smem:$0x3F90] =	sst s6  }
0xf: {  	[smem:$0x3F91] =	sst s7  }
0x10: {  	[smem:$0x3F92] =	sst s8  }
0x11: {  	[smem:$0x3F93] =	sst s9;
	s0 =	simm.s32 @!p0 $0x0  }
0x12: {  	s1 =	sld [smem:$0x3F79];
	s0 =	simm.s32 @p0 $0x1  }
0x13: {  	[smem:$0x3F94] =	sst s0;
	s0 =	simm.s32 @!p1 $0x0  }
0x14: {  	s2 =	sld [smem:$0x3F78];
	s0 =	simm.s32 @p1 $0x1  }
0x15: {  	[smem:$0x3F95] =	sst s0;
	s0 =	simm.s32 @!p2 $0x0  }
0x16: {  	s3 =	sld [smem:$0x3FDB];
	s0 =	simm.s32 @p2 $0x1  }
0x17: {  	s4 =	simm.s32 $0x1BF5;
	[smem:$0x3F97] =	sst s0  }
0x18: {  	s0 =	sld [smem:$0x3F7A];
	_ =	swait.ge [sflag:s4], $0x0  }
0x19: {  	s7 =	sld [smem:$0x3F7B]  }
0x1a: {  	s8 =	sadd.s32 $0xFFFFE003, lr  }
0x1b: {  	s9 =	sadd.s32 $0xFFFFFEF7, lr;
	s5 =	simm.s32 $0xFFFFFFFF;
	p2 =	slt.u32 s8, $0xFFFFF086  }
0x1c: {  	p1 =	slt.u32 s9, $0xF7A;
	s5 =	simm.s32 @!p2 $0x0  }
0x1d: {  	s5 =	simm.s32 @p1 $0x1;
	p0 =	seq.s32 s7, s2  }
0x1e: {  	s7 =	smul.u32 @!p0 $0xF7A, s2;
	p2 =	seq.s32 @!p0 s5, $0x0  }
0x1f: {  	s9 =	smul.u32 $0xF7A, s1;
	s8 =	simm.s32 @!p0 $0x1BF5;
	p2 =	por !p2, p0  }
0x20: {  	[sflag:s8] =	ssyncset.s32 @!p0 $0xFFFFF086;
	s6 =	sadd.s32 @!p0 s3, s7;
	s7 =	simm.s32 @!p0 $0x108  }
0x21: {  	s3 =	sadd.s32 s3, s9;
	s6 =	sadd.s32 @!p0 $0x88, s6;
	s7 =	simm.s32 @p2 $0x1082  }
0x22: {  	[simem:s7], [sflag:s8] =	dma.local @!p0 [hbm:s6], $0xF7A  }
0x23: {  	s9 =	sor.u32 $0xD0000000, s2;
	s6 =	simm.s32 $0x108;
	_ =	swait.ge @!p0 [sflag:s8], $0x0  }
0x24: {  	s3 =	sadd.s32 $0x88, s3;
	s6 =	simm.s32 @!p1 $0x1082;
	[sflag:s4] =	ssyncset.s32 $0xFFFFF086  }
0x25: {  	[simem:s6], [sflag:s4] =	dma.local [hbm:s3], $0xF7A  }
0x26: {  	[smem:$0x3F7B] =	sst s1;
	(tag) =	ssettag s2;
	_ =	strace s9  }
0x27: {  	s1 =	sld [smem:$0x3F8B]  }
0x28: {  	s2 =	sld [smem:$0x3F8C]  }
0x29: {  	s4 =	sld [smem:$0x3F8E]  }
0x2a: {  	p0 =	seq.s32 s5, $0x0;
	s5 =	sld [smem:$0x3F8F]  }
0x2b: {  	s6 =	sld [smem:$0x3F90]  }
0x2c: {  	s7 =	sld [smem:$0x3F91]  }
0x2d: {  	s3 =	simm.s32 $0x108;
	s8 =	sld [smem:$0x3F92]  }
0x2e: {  	s3 =	simm.s32 @!p0 $0x1082;
	s9 =	sld [smem:$0x3F93]  }
0x2f: {  	lr =	sadd.s32 s0, s3;
	s0 =	sld [smem:$0x3F8A]  }
0x30: {  	s3 =	sld [smem:$0x3F8D]  }
0x31: {  	[smem:$0x3F96] =	sst s10  }
0x32: {  	s10 =	sld [smem:$0x3F94];
	_ =	sdelay $0x3  }
0x33: {  	p0 =	seq.s32 s10, $0x1;
	s10 =	sld [smem:$0x3F96];
	_ =	sdelay $0x3  }
0x34: {  	[smem:$0x3F96] =	sst s10  }
0x35: {  	s10 =	sld [smem:$0x3F95];
	_ =	sdelay $0x3  }
0x36: {  	p1 =	seq.s32 s10, $0x1;
	s10 =	sld [smem:$0x3F96];
	_ =	sdelay $0x3  }
0x37: {  	[smem:$0x3F96] =	sst s10  }
0x38: {  	s10 =	sld [smem:$0x3F97]  }
0x39: {  	_ = 	snop;
	(pc) =	sbr.ind lr, $3  }
0x3a: {  	_ = 	snop  }
0x3b: {  	_ = 	snop  }
0x3c: {  	p2 =	seq.s32 s10, $0x1;
	s10 =	sld [smem:$0x3F96]  }
0x3d: {  	_ =	shalt  }
0x3e: {  	_ =	shalt  }
0x3f: {  	_ =	shalt  }
0x40: {  	_ =	shalt  }
0x41: {  	_ =	shalt  }
0x42: {  	_ =	shalt  }
0x43: {  	_ =	shalt  }
0x44: {  	_ =	shalt  }
0x45: {  	_ =	shalt  }
0x46: {  	_ =	shalt  }
0x47: {  	_ =	shalt  }
0x48: {  	_ =	shalt  }
0x49: {  	_ =	shalt  }
0x4a: {  	_ =	shalt  }
0x4b: {  	_ =	shalt  }
0x4c: {  	_ =	shalt  }
0x4d: {  	_ =	shalt  }
0x4e: {  	_ =	shalt  }
0x4f: {  	_ =	shalt  }
0x50: {  	_ =	shalt  }
0x51: {  	_ =	shalt  }
0x52: {  	_ =	shalt  }
0x53: {  	_ =	shalt  }
0x54: {  	_ =	shalt  }
0x55: {  	_ =	shalt  }
0x56: {  	_ =	shalt  }
0x57: {  	_ =	shalt  }
0x58: {  	_ =	shalt  }
0x59: {  	_ =	shalt  }
0x5a: {  	_ =	shalt  }
0x5b: {  	_ =	shalt  }
0x5c: {  	_ =	shalt  }
0x5d: {  	_ =	shalt  }
0x5e: {  	_ =	shalt  }
0x5f: {  	_ =	shalt  }
0x60: {  	_ =	shalt  }
0x61: {  	_ =	shalt  }
0x62: {  	_ =	shalt  }
0x63: {  	_ =	shalt  }
0x64: {  	_ =	shalt  }
0x65: {  	_ =	shalt  }
0x66: {  	_ =	shalt  }
0x67: {  	_ =	shalt  }
0x68: {  	_ =	shalt  }
0x69: {  	_ =	shalt  }
0x6a: {  	_ =	shalt  }
0x6b: {  	_ =	shalt  }
0x6c: {  	_ =	shalt  }
0x6d: {  	_ =	shalt  }
0x6e: {  	_ =	shalt  }
0x6f: {  	_ =	shalt  }
0x70: {  	_ =	shalt  }
0x71: {  	_ =	shalt  }
0x72: {  	_ =	shalt  }
0x73: {  	_ =	shalt  }
0x74: {  	_ =	shalt  }
0x75: {  	_ =	shalt  }
0x76: {  	_ =	shalt  }
0x77: {  	_ =	shalt  }
0x78: {  	_ =	shalt  }
0x79: {  	_ =	shalt  }
0x7a: {  	_ =	shalt  }
0x7b: {  	_ =	shalt  }
0x7c: {  	_ =	shalt  }
0x7d: {  	_ =	shalt  }
0x7e: {  	_ =	shalt  }
0x7f: {  	_ =	shalt  }
0x80: {  	_ =	shalt  }
0x81: {  	_ =	shalt  }
0x82: {  	_ =	shalt  }
0x83: {  	_ =	shalt  }
0x84: {  	_ =	shalt  }
0x85: {  	_ =	shalt  }
0x86: {  	_ =	shalt  }
0x87: {  	_ =	shalt  }
.Lfunc_end0:
.L_simem_size_0:
called_computation.2_lowered:
.L_overlay_start_0:
0x88: {  	s2 =	sld [smem:$0x3FD9]  }
0x89: {  	s3 =	sld [smem:$0x3FFE];
	_ =	sdelay $0x1  }
0x8a: {  	s1 =	srdreg.scid  }
0x8b: {  	s0 =	sand.u32 $0x1, s1  }
0x8c: {  	s16 =	sshll.u32 s0, $0xA;
	s2 =	sadd.s32 s3, s2  }
0x8d: {  	s2 =	sadd.s32 s2, s16  }
0x8e: {  	[smem:$0x3FA2] =	sst s2  }
0x8f: {  	_ = 	snop  }
0x90: {  	(tm) =	ssettm $0x1  }
0x91: {  	s17 =	sld [smem:$0x3FFB];
	_ =	sdelay $0x3  }
0x92: {  	_ =	strace s17  }
0x93: {  	s2 =	sld [smem:$0x3FFC];
	_ =	sdelay $0x3  }
0x94: {  	_ =	strace s2  }
0x95: {  	s2 =	sld [smem:$0x3FFD];
	_ =	sdelay $0x3  }
0x96: {  	_ =	strace s2  }
0x97: {  	_ =	strace $0x8FFFFFFF  }
0x98: {  	s18 =	sld [smem:$0x3FDB];
	_ =	sdelay $0x1  }
0x99: {  	s19 =	simm.s32 $_scs_section_size  }
0x9a: {  	s4 =	simm.s32 $_size__tile_overlayer_lowered;
	s5 =	simm.s32 $_tile_overlayer_lowered  }
0x9b: {  	s22 =	simm.s32 $0x1BFF;
	s21 =	sshll.u32 s5, $0x1;
	s2 =	sadd.s32 s19, s18  }
0x9c: {  	s6 =	simm.s32 $0x0;
	s20 =	sshll.u32 s4, $0x1;
	s4 =	sadd.s32 s21, s2  }
0x9d: {  	[timem:s6], [sflag:s22] =	dma.local [hbm:s4], s20  }
0x9e: {  	_ =	swait.ge [sflag:s22], s20  }
0x9f: {  	s3 =	ssub.s32 $0x0, s20;
	[sflag:s22] =	ssyncset.done $0x0  }
0xa0: {  	[sflag:s22] =	ssyncadd.s32 s3;
	_ =	sdelay $0x1  }
0xa1: {  	s23 =	simm.s32 $0x1B8B  }
0xa2: {  	_ =	swait.ge [sflag:s23], $0x1  }
0xa3: {  	[sflag:s23] =	ssyncset.done $0x0  }
0xa4: {  	s25 =	simm.s32 $0x1B8E;
	s24 =	sld [smem:$0x3FFE];
	[sflag:s23] =	ssyncadd.s32 $0xFFFFFFFF  }
0xa5: {  	s26 =	simm.s32 $execute0_lowered;
	[smem:$0x3FD2] =	sst s25  }
0xa6: {  	s4 =	sshll.u32 s26, $0x1;
	_ =	strace $0x8000004C;
	[dreg:$0x1] =	wrdreg $0xFFFFFFFF  }
0xa7: {  	s28 =	simm.s32 $_size_execute0_lowered;
	s2 =	sadd.s32 s2, s4;
	[dreg:$0x0] =	wrdreg $0x0  }
0xa8: {  	s4 =	sshll.u32 s28, $0x1;
	[dreg:$0x2] =	wrdreg s2  }
0xa9: {  	[dreg:$0x3] =	wrdreg s4  }
0xaa: {  	[dreg:$0x4] =	wrdreg $0xC0  }
0xab: {  	_ =	task [dreg:s6], $0x5FFFF  }
0xac: {  	[dreg:$0x1] =	wrdreg $0xFFFFFFFF  }
0xad: {  	[dreg:$0x0] =	wrdreg $0x60  }
0xae: {  	[dreg:$0x2] =	wrdreg s24  }
0xaf: {  	[dreg:$0x3] =	wrdreg $0x9  }
0xb0: {  	_ =	task.clear_ibuf [dreg:s6], $0x4FFFF;
	_ =	strace $0x9000004C  }
0xb1: {  	s29 =	simm.s32 $0x9;
	_ =	strace $0x8000004E  }
0xb2: {  	_ =	swait.ge [sflag:s29], $0x1  }
0xb3: {  	[sflag:s29] =	ssyncadd.s32 $0xFFFFFFFF  }
0xb4: {  	_ =	strace $0x9000004E  }
0xb5: {  	_ =	sfence  }
0xb6: {  	s30 =	sld [smem:$0x0];
	_ =	sdelay $0x2  }
0xb7: {  	s31 =	sshll.u32 s1, $0xD;
	s1 =	sshrl.u32 s1, $0x2  }
0xb8: {  	s3 =	sand.u32 $0x4000, s31;
	s1 =	sadd.s32 s1, s30  }
0xb9: {  	s0 =	sor.u32 s3, s0;
	s1 =	sshll.u32 s1, $0x11  }
0xba: {  	s0 =	sor.u32 s1, s0  }
0xbb: {  	s0 =	sadd.s32 $0x8F2B, s0  }
0xbc: {  	[sflag:s0] =	ssyncadd.remote.s32 $0x1  }
0xbd: {  	_ =	sfence.sel $0xFFFF  }
0xbe: {  	[dreg:$0x0] =	wrdreg $0xFFFFFFFF;
	(pc) =	sbr.abs _section_cstart, $3  }
0xbf: {  	[dreg:$0x1] =	wrdreg $0xFFFFFFFF  }
0xc0: {  	_ =	task.clear_ibuf [dreg:s6], $0x2FFFF;
	_ =	strace $0x9FFFFFFF  }
0xc1: {  	(tm) =	ssettm $0x7FFFFFFF  }
tec
execute0_lowered:
.L_overlay_start_1:
0x0: {  	(tag) =	ssettag $0x1  }
0x1: {  	s1 =	srdreg.scid;
	s0 =	stileid.u32  }
0x2: {  	s5 =	sand.u32 $0x1, s1;
	s31 =	sshll.u32 s0, $0x1  }
0x3: {  	s7 =	rddreg [dreg:$0x0];
	s2 =	simm.s32 $0x0;
	s3 =	sor.u32 s5, s31  }
0x4: {  	[smem:$0x7FF] =	sst s2;
	s4 =	smul.u32 $0x50, s3  }
0x5: {  	s1 =	rddreg [dreg:$0x1];
	_ =	strace $0x8000004D  }
0x6: {  	s8 =	ssub.s32 $0x2, s5;
	s6 =	smul.u32 $0x280, s3;
	s4 =	sadd.s32 s4, s7  }
0x7: {  	s9 =	sshrl.u32 s8, $0x1;
	s3 =	sadd.s32 $0x53200, s4;
	s4 =	simm.s32 $0x2  }
0x8: {  	[tilespmem:s2], [sflag:$0x2] =	stream.linear.gather [hbm4b:s3+s2], $0x280, $0x38;
	[tilespmem:$0x1680] =	vst v63  }
0x9: {  	s8 =	ssub.s32 s8, s9;
	_ =	swait.ge [sflag:s4], $0x280  }
0xa: {  	s6 =	sadd.s32 s6, s7;
	s9 =	smax.u32 s8, $0x1;
	[sflag:s4] =	ssyncset.done $0x0  }
0xb: {  	s5 =	sadd.s32 $0x4600, s6;
	s6 =	simm.s32 $0x280;
	[sflag:s4] =	ssyncadd.s32 $0xFFFFFD80  }
0xc: {  	[tilespmem:s6], [sflag:$0x2] =	stream.linear.gather [hbm4b:s5+s2], $0x1400, $0x38;
	[tilespmem:$0x1680] =	vst v63  }
0xd: {  	p0 =	sne.s32 s9, $0x1;
	_ =	swait.ge [sflag:s4], $0x1400  }
.Ltmp0:
0xe: {  	[sflag:s4] =	ssyncset.done $0x0;
	(pc) =	sbr.rel @!p0 .LBB2_2-.Ltmp0, $4  }
0xf: {  	s7 =	sadd.s32 $0x53C00, s7;
	s8 =	simm.s32 $0x1;
	[sflag:s4] =	ssyncadd.s32 $0xFFFFEC00  }
0x10: {  	[hbm4b:s7+s6] =	stream.indirect.scatter [tilespmem:s6], [sflag:$0x1], $0x8, s2, s6, $0xb8;
	[tilespmem:$0x1680] =	vst v63  }
0x11: {  	_ =	swait.ge [sflag:s8], $0x1400  }
0x12: {  	s9 =	sadd.s32 $0xFFFFFFFF, s9;
	[sflag:s8] =	ssyncset.done $0x0  }
.LBB2_1:
0x13: {  	p0 =	sne.s32 s9, $0x1;
	s9 =	sadd.s32 $0xFFFFFFFF, s9;
	[sflag:s8] =	ssyncadd.s32 $0xFFFFEC00  }
0x14: {  	[tilespmem:s2], [sflag:$0x2] =	stream.linear.gather [hbm4b:s3+s2], $0x280, $0x38;
	[tilespmem:$0x1680] =	vst v63  }
0x15: {  	_ =	swait.ge [sflag:s4], $0x280  }
0x16: {  	[sflag:s4] =	ssyncset.done $0x0  }
0x17: {  	[sflag:s4] =	ssyncadd.s32 $0xFFFFFD80  }
0x18: {  	[tilespmem:s6], [sflag:$0x2] =	stream.linear.gather [hbm4b:s5+s2], $0x1400, $0x38;
	[tilespmem:$0x1680] =	vst v63  }
0x19: {  	_ =	swait.ge [sflag:s4], $0x1400  }
.Ltmp1:
0x1a: {  	[sflag:s4] =	ssyncset.done $0x0;
	(pc) =	sbr.rel @p0 .LBB2_1-.Ltmp1, $4  }
0x1b: {  	[sflag:s4] =	ssyncadd.s32 $0xFFFFEC00  }
0x1c: {  	[hbm4b:s7+s6] =	stream.indirect.scatter [tilespmem:s6], [sflag:$0x1], $0x8, s2, s6, $0xb8;
	[tilespmem:$0x1680] =	vst v63  }
0x1d: {  	_ =	swait.ge [sflag:s8], $0x1400  }
0x1e: {  	[sflag:s8] =	ssyncset.done $0x0  }
.LBB2_2:
0x1f: {  	[sflag:s8] =	ssyncadd.s32 $0xFFFFEC00  }
0x20: {  	_ =	sfence.sel $0x180000  }
0x21: {  	[bflag:$0x0] =	sbarrier.arrive $0xFFFF  }
0x22: {  	p0 =	sne.s32 s0, $0x0;
	_ =	strace $0x9000004D  }
0x23: {  	s0 =	sadd.s32 @!p0 $0x100000, s1;
	[bflag:$0x2] =	sbarrier.arrive $0xFFFF  }
0x24: {  	[sflag:s0] =	ssyncadd.tile.s32 @!p0 $0x1;
	_ =	shalt  }
.Lfunc_end2:
_tile_overlayer_lowered:
.L_overlay_start_2:
0x25: {  	(tag) =	ssettag $0x2  }
0x26: {  	s0 =	rddreg [dreg:$0x0];
	s2 =	stileid.u32  }
0x27: {  	s1 =	rddreg [dreg:$0x1];
	p0 =	sne.s32 s2, $0x0  }
0x28: {  	s3 =	rddreg [dreg:$0x2];
	[bflag:$0x3] =	sbarrier.arrive $0xFFFF;
	s2 =	simm.s32 @!p0 $0x1C02  }
0x29: {  	[timem:s3], [sflag:s2] =	dma.local @!p0 [hbm:s0], s1  }
0x2a: {  	s0 =	simm.s32 @!p0 $0x2  }
0x2b: {  	_ =	swait.ge @!p0 [sflag:s0], s1  }
0x2c: {  	s1 =	ssub.s32 @!p0 $0x0, s1;
	[sflag:s0] =	ssyncset.done @!p0 $0x0  }
0x2d: {  	[sflag:s0] =	ssyncadd.s32 @!p0 s1  }
0x2e: {  	[bflag:$0x3] =	sbarrier.arrive $0xFFFF  }
0x2f: {  	_ =	shalt  }

</sc_bundles>
